<compile_context>
chip_gen: v7x
topology: tpu7x:2x2x1
jax: 0.10.2.dev20260603
libtpu: 0.0.44.dev20260713+nightly
codegen_flags: <defaults>
</compile_context>

<pallas_src>
import jax
import jax.numpy as jnp
from jax import lax
from jax.experimental import pallas as pl
from jax.experimental.pallas import tpu as pltpu
from jax.experimental.pallas import tpu_sc as plsc

N = 10000
E = 160000
D = 256
NC = 2
NS = 16
L = 16
NW = NC * NS
EPT = E // NW
CH = 64
EB = 4096
WSL = 128


def _leaky(x):
    return jnp.where(x > 0, x, 0.3 * x)



def _mm1_body(x_ref, a_ref, o_ref):
    o_ref[...] = _leaky(
        jnp.dot(x_ref[...], a_ref[...], preferred_element_type=jnp.float32)
    )


def _stage1(h_src, Q):
    BR = 512
    return pl.pallas_call(
        _mm1_body,
        grid=(pl.cdiv(N, BR),),
        in_specs=[
            pl.BlockSpec((BR, D), lambda i: (i, 0)),
            pl.BlockSpec((D, D), lambda i: (0, 0)),
        ],
        out_specs=pl.BlockSpec((BR, D), lambda i: (i, 0)),
        out_shape=jax.ShapeDtypeStruct((N, D), jnp.float32),
    )(h_src, Q)


def _mm2_body(n_ref, ws_ref, h_ref, w1_ref, w2_ref, o_ref):
    r = n_ref[...] / jnp.maximum(ws_ref[...], 1.0)
    y = jnp.dot(r, w1_ref[...], preferred_element_type=jnp.float32)
    y = y + jnp.dot(h_ref[...], w2_ref[...], preferred_element_type=jnp.float32)
    o_ref[...] = _leaky(y)


def _stage3(n, ws256, h_dst, W1, W2):
    BR = 512
    return pl.pallas_call(
        _mm2_body,
        grid=(pl.cdiv(N, BR),),
        in_specs=[
            pl.BlockSpec((BR, D), lambda i: (i, 0)),
            pl.BlockSpec((BR, D), lambda i: (i, 0)),
            pl.BlockSpec((BR, D), lambda i: (i, 0)),
            pl.BlockSpec((D, D), lambda i: (0, 0)),
            pl.BlockSpec((D, D), lambda i: (0, 0)),
        ],
        out_specs=pl.BlockSpec((BR, D), lambda i: (i, 0)),
        out_shape=jax.ShapeDtypeStruct((N, D), jnp.float32),
    )(n, ws256, h_dst, W1, W2)



def _sc_body(nsrc, srce, we, m_out,
             ed_src, ed_w, grow, growb, grow16, wrow, sem, semb):
    cid = lax.axis_index("c")
    sid = lax.axis_index("s")
    wid = sid * NC + cid
    z116f = jnp.zeros((1, L), jnp.float32)
    ebase = wid * EPT

    ed_src[pl.ds(EPT - 8, L)] = jnp.zeros((L,), jnp.int32)
    ed_w[pl.ds(EPT - 8, L)] = jnp.zeros((L,), jnp.float32)
    pltpu.sync_copy(srce.at[pl.ds(ebase, EPT)], ed_src.at[pl.ds(0, EPT)])
    pltpu.sync_copy(we.at[pl.ds(ebase, EPT)], ed_w.at[pl.ds(0, EPT)])

    def do_block(goff, gbuf, rows):
        for j in range(rows // L):
            w16 = ed_w[pl.ds(goff + j * L, L)]
            for r in range(L):
                wrow[pl.ds(j * L + r, 1), pl.ds(0, L)] = z116f + w16[r]

        def scale(r2, _):
            wv = wrow[pl.ds(r2, 1), pl.ds(0, L)]
            for c in range(D // L):
                sl = (pl.ds(r2, 1), pl.ds(c * L, L))
                gbuf[sl] = gbuf[sl] * wv
            return 0
        lax.fori_loop(0, rows, scale, 0)

    nch = EPT // CH

    def issue(i, gbuf, s):
        pltpu.async_copy(nsrc.at[ed_src.at[pl.ds(i * CH, CH)]], gbuf, s)

    issue(0, grow, sem)
    issue(1, growb, semb)

    def consume(i, gbuf, s):
        pltpu.make_async_copy(
            nsrc.at[ed_src.at[pl.ds(i * CH, CH)]], gbuf, s
        ).wait()
        do_block(i * CH, gbuf, CH)
        pltpu.sync_copy(gbuf, m_out.at[pl.ds(ebase + i * CH, CH)])

    def chunk2(i2, _):
        ia = 2 * i2
        consume(ia, grow, sem)

        @pl.when(ia + 2 < nch)
        def _pf_a():
            issue(ia + 2, grow, sem)

        consume(ia + 1, growb, semb)

        @pl.when(ia + 3 < nch)
        def _pf_b():
            issue(ia + 3, growb, semb)
        return 0

    lax.fori_loop(0, nch // 2, chunk2, 0)

    toff = (EPT // CH) * CH
    pltpu.async_copy(nsrc.at[ed_src.at[pl.ds(toff, L)]], grow16, sem).wait()
    do_block(toff, grow16, L)
    pltpu.sync_copy(grow16.at[pl.ds(0, 8)], m_out.at[pl.ds(ebase + toff, 8)])


_sc_gather_scale = pl.kernel(
    _sc_body,
    out_type=jax.ShapeDtypeStruct((E, D), jnp.float32),
    mesh=plsc.VectorSubcoreMesh(
        core_axis_name="c", subcore_axis_name="s", num_cores=NC, num_subcores=NS
    ),
    scratch_types=[
        pltpu.VMEM((EPT + L,), jnp.int32),
        pltpu.VMEM((EPT + L,), jnp.float32),
        pltpu.VMEM((CH, D), jnp.float32),
        pltpu.VMEM((CH, D), jnp.float32),
        pltpu.VMEM((L, D), jnp.float32),
        pltpu.VMEM((CH, L), jnp.float32),
        pltpu.SemaphoreType.DMA,
        pltpu.SemaphoreType.DMA,
    ],
)



def _scatter_body(dst_ref, w_ref, m_ref, n_ref, ws_ref):
    pid = pl.program_id(0)

    @pl.when(pid == 0)
    def _init():
        n_ref[...] = jnp.zeros_like(n_ref)
        ws_ref[...] = jnp.zeros_like(ws_ref)

    def body(e, _):
        idx = dst_ref[e]
        wv = w_ref[e]
        n_ref[pl.ds(idx, 1), :] += m_ref[pl.ds(e, 1), :]
        ws_ref[pl.ds(idx, 1), :] += wv
        return 0

    nfull = E // EB

    @pl.when(pid < nfull)
    def _full():
        lax.fori_loop(0, EB, body, 0, unroll=8)

    if E % EB:
        @pl.when(pid == nfull)
        def _tail():
            lax.fori_loop(0, E % EB, body, 0, unroll=8)


def _scatter_sum(dst, w, m):
    return pl.pallas_call(
        _scatter_body,
        grid=(pl.cdiv(E, EB),),
        in_specs=[
            pl.BlockSpec((EB,), lambda i: (i,), memory_space=pltpu.SMEM),
            pl.BlockSpec((EB,), lambda i: (i,), memory_space=pltpu.SMEM),
            pl.BlockSpec((EB, D), lambda i: (i, 0)),
        ],
        out_specs=[
            pl.BlockSpec((N, D), lambda i: (0, 0)),
            pl.BlockSpec((N, WSL), lambda i: (0, 0)),
        ],
        out_shape=[
            jax.ShapeDtypeStruct((N, D), jnp.float32),
            jax.ShapeDtypeStruct((N, WSL), jnp.float32),
        ],
    )(dst, w, m)


def kernel(h_src, h_dst, edge_index, weights, Q, W):
    src = edge_index[0].astype(jnp.int32)
    dst = edge_index[1].astype(jnp.int32)
    w = weights.astype(jnp.float32)
    n_src = _stage1(h_src, Q)
    m = _sc_gather_scale(n_src, src, w)
    n, ws = _scatter_sum(dst, w, m)
    ws256 = jnp.tile(ws[:, :1], (1, D))
    z = _stage3(n, ws256, h_dst, W[:D], W[D:])
    return z

# --- scband reference (transcript-rebuilt; emitter-appended) ---
"""Pipeline reference for scband-convolve-net-16492674417201 (READ-ONLY COPY).

The authoritative reference and input builder live on the scoring server;
editing this copy changes nothing except your own understanding.
"""

import jax, jax.numpy as jnp
import numpy as np

N_NODES = 10000
N_EDGES = 160000
D_IN = 256
D_HID = 256
D_OUT = 256

def _leaky(x):
    # keras LeakyReLU default alpha = 0.3
    return jnp.where(x > 0, x, 0.3 * x)

def setup_inputs(seed: int = 0) -> dict:
    key = jax.random.key(seed)
    k1, k2, k3, k4, k5, k6 = jax.random.split(key, 6)
    h_src = jax.random.normal(k1, (N_NODES, D_IN), dtype=jnp.float32)
    h_dst = jax.random.normal(k2, (N_NODES, D_IN), dtype=jnp.float32)
    edge_index = jax.random.randint(k3, (2, N_EDGES), 0, N_NODES, dtype=jnp.int64)
    weights = jax.random.uniform(k4, (N_EDGES,), dtype=jnp.float32)
    # GlorotUniform-style init for dense kernels (no bias)
    limQ = np.sqrt(6.0 / (D_IN + D_HID))
    Q = jax.random.uniform(k5, (D_IN, D_HID), minval=-limQ, maxval=limQ, dtype=jnp.float32)
    limW = np.sqrt(6.0 / (D_HID + D_IN + D_OUT))
    W = jax.random.uniform(k6, (D_HID + D_IN, D_OUT), minval=-limW, maxval=limW, dtype=jnp.float32)
    return {"h_src": h_src, "h_dst": h_dst, "edge_index": edge_index, "weights": weights, "Q": Q, "W": W}

def reference(h_src, h_dst, edge_index, weights, Q, W):
    # dropout rate = 0.0 -> identity
    n_src = _leaky(h_src @ Q)                      # Q(dropout(h_src))
    src = edge_index[0]
    dst = edge_index[1]
    w = weights.astype(jnp.float32)
    # u_mul_e('n','w','m') then sum over incoming edges per dst node
    m = n_src[src] * w[:, None]                    # gather + edge-weight multiply
    n = jax.ops.segment_sum(m, dst, num_segments=h_dst.shape[0])
    # copy_e('w','m') then sum -> per-dst weight sum
    ws = jax.ops.segment_sum(w, dst, num_segments=h_dst.shape[0])
    ws = jnp.clip(ws[:, None], 1.0, np.inf)
    z = _leaky(jnp.concatenate([n / ws, h_dst], axis=1) @ W)
    # original code computes z_norm then overwrites every entry with 1.0,
    # so the normalization is effectively a divide-by-ones (faithful translation)
    z_norm = jnp.ones((z.shape[0], 1), dtype=z.dtype)
    z = z / z_norm
    return z

if False:  # reference __main__ guard neutralized (emitter)
    out = reference(**setup_inputs())
    print(out.shape, out.dtype)

if __name__ == "__main__":
    import jax
    _d = setup_inputs()
    print(jax.jit(kernel)(*tuple(_d.values())))

</pallas_src>

<mosaic_0001>
#map = affine_map<(d0, d1) -> (0, 0)>
#map1 = affine_map<(d0, d1) -> (0)>
module attributes {stable_mosaic.version = 14 : i64} {
  func.func @_sc_body(%arg0: i32, %arg1: i32, %arg2: memref<10000x256xf32, #tpu.memory_space<hbm>>, %arg3: memref<160000xi32, #tpu.memory_space<hbm>>, %arg4: memref<160000xf32, #tpu.memory_space<hbm>>, %arg5: memref<160000x256xf32, #tpu.memory_space<hbm>>, %arg6: memref<5016xi32, #tpu.memory_space<vmem>>, %arg7: memref<5016xf32, #tpu.memory_space<vmem>>, %arg8: memref<64x256xf32, #tpu.memory_space<vmem>>, %arg9: memref<64x256xf32, #tpu.memory_space<vmem>>, %arg10: memref<16x256xf32, #tpu.memory_space<vmem>>, %arg11: memref<64x16xf32, #tpu.memory_space<vmem>>, %arg12: memref<!tpu.dma_semaphore, #tpu.memory_space<semaphore_mem>>, %arg13: memref<!tpu.dma_semaphore, #tpu.memory_space<semaphore_mem>>) attributes {dimension_semantics = [#tpu.dimension_semantics<core_parallel>, #tpu.dimension_semantics<subcore_parallel>], iteration_bounds = array<i64: 2, 16>, scalar_prefetch = 0 : i64, scratch_operands = 8 : i64, tpu.core_type = #tpu.core_type<sc_vector_subcore>, window_params = [{transform_indices = #map}, {transform_indices = #map1}, {transform_indices = #map1}, {transform_indices = #map}]} {
    %mul3A = arith.constant 2 : i32
    %mul3A_0 = arith.muli %arg1, %mul3A : i32
    %add3A = arith.addi %mul3A_0, %arg0 : i32
    %broadcast_in_dim3A = arith.constant 0.000000e+00 : f32
    %broadcast_in_dim3A_1 = vector.broadcast %broadcast_in_dim3A : f32 to vector<1x16xf32>
    %mul3A_2 = arith.constant 5000 : i32
    %mul3A_3 = arith.muli %add3A, %mul3A_2 : i32
    %broadcast_in_dim3A_4 = arith.constant 0 : i32
    %broadcast_in_dim3A_5 = vector.broadcast %broadcast_in_dim3A_4 : i32 to vector<16xi32>
    %swap3A = arith.constant 4992 : index
    %swap3A_6 = tpu.vector_load %arg6[%swap3A] {strides = array<i32>} : memref<5016xi32, #tpu.memory_space<vmem>>, vector<16xi32>,
    %swap3A_7 = vector.shape_cast %swap3A_6 : vector<16xi32> to vector<16xi32>
    %swap3A_8 = vector.shape_cast %broadcast_in_dim3A_5 : vector<16xi32> to vector<16xi32>
    tpu.vector_store %arg6[%swap3A], %swap3A_8 {strides = array<i32>} : memref<5016xi32, #tpu.memory_space<vmem>>, vector<16xi32>,
    %broadcast_in_dim3A_9 = arith.constant 0.000000e+00 : f32
    %broadcast_in_dim3A_10 = vector.broadcast %broadcast_in_dim3A_9 : f32 to vector<16xf32>
    %swap3A_11 = arith.constant 4992 : index
    %swap3A_12 = tpu.vector_load %arg7[%swap3A_11] {strides = array<i32>} : memref<5016xf32, #tpu.memory_space<vmem>>, vector<16xf32>,
    %swap3A_13 = vector.shape_cast %swap3A_12 : vector<16xf32> to vector<16xf32>
    %swap3A_14 = vector.shape_cast %broadcast_in_dim3A_10 : vector<16xf32> to vector<16xf32>
    tpu.vector_store %arg7[%swap3A_11], %swap3A_14 {strides = array<i32>} : memref<5016xf32, #tpu.memory_space<vmem>>, vector<16xf32>,
    "tpu.region"() ({
      %run_scoped3A = tpu.sem_alloc : memref<!tpu.dma_semaphore, #tpu.memory_space<semaphore_mem>>
      %dma_start3A_192 = arith.constant 0 : i32
      %dma_start3A_193 = tpu.memref_slice %arg6[%dma_start3A_192] : memref<5016xi32, #tpu.memory_space<vmem>> -> memref<5000xi32, #tpu.memory_space<vmem>>
      %dma_start3A_194 = tpu.memref_slice %arg3[%mul3A_3] : memref<160000xi32, #tpu.memory_space<hbm>> -> memref<5000xi32, #tpu.memory_space<hbm>>
      %dma_start3A_195 = arith.constant 0 : i32
      %dma_start3A_196 = tpu.memref_slice %arg6[%dma_start3A_195] : memref<5016xi32, #tpu.memory_space<vmem>> -> memref<5000xi32, #tpu.memory_space<vmem>>
      %dma_start3A_197 = tpu.memref_slice %arg3[%mul3A_3] : memref<160000xi32, #tpu.memory_space<hbm>> -> memref<5000xi32, #tpu.memory_space<hbm>>
      tpu.enqueue_dma source(%dma_start3A_197 : memref<5000xi32, #tpu.memory_space<hbm>>) target(%dma_start3A_196 : memref<5000xi32, #tpu.memory_space<vmem>>) target_semaphore(%run_scoped3A : memref<!tpu.dma_semaphore, #tpu.memory_space<semaphore_mem>>)
      %dma_wait3A_198 = arith.constant 0 : i32
      %dma_wait3A_199 = tpu.memref_slice %arg6[%dma_wait3A_198] : memref<5016xi32, #tpu.memory_space<vmem>> -> memref<5000xi32, #tpu.memory_space<vmem>>
      %dma_wait3A_200 = tpu.memref_slice %arg3[%mul3A_3] : memref<160000xi32, #tpu.memory_space<hbm>> -> memref<5000xi32, #tpu.memory_space<hbm>>
      %dma_wait3A_201 = arith.constant 0 : i32
      %dma_wait3A_202 = tpu.memref_slice %arg6[%dma_wait3A_201] : memref<5016xi32, #tpu.memory_space<vmem>> -> memref<5000xi32, #tpu.memory_space<vmem>>
      %dma_wait3A_203 = tpu.memref_slice %arg3[%mul3A_3] : memref<160000xi32, #tpu.memory_space<hbm>> -> memref<5000xi32, #tpu.memory_space<hbm>>
      tpu.wait_dma2 semaphore(%run_scoped3A : memref<!tpu.dma_semaphore, #tpu.memory_space<semaphore_mem>>) src(%dma_wait3A_203 : memref<5000xi32, #tpu.memory_space<hbm>>) dst(%dma_wait3A_202 : memref<5000xi32, #tpu.memory_space<vmem>>)
      tpu.yield
    }) : () -> ()
    "tpu.region"() ({
      %run_scoped3A = tpu.sem_alloc : memref<!tpu.dma_semaphore, #tpu.memory_space<semaphore_mem>>
      %dma_start3A_192 = arith.constant 0 : i32
      %dma_start3A_193 = tpu.memref_slice %arg7[%dma_start3A_192] : memref<5016xf32, #tpu.memory_space<vmem>> -> memref<5000xf32, #tpu.memory_space<vmem>>
      %dma_start3A_194 = tpu.memref_slice %arg4[%mul3A_3] : memref<160000xf32, #tpu.memory_space<hbm>> -> memref<5000xf32, #tpu.memory_space<hbm>>
      %dma_start3A_195 = arith.constant 0 : i32
      %dma_start3A_196 = tpu.memref_slice %arg7[%dma_start3A_195] : memref<5016xf32, #tpu.memory_space<vmem>> -> memref<5000xf32, #tpu.memory_space<vmem>>
      %dma_start3A_197 = tpu.memref_slice %arg4[%mul3A_3] : memref<160000xf32, #tpu.memory_space<hbm>> -> memref<5000xf32, #tpu.memory_space<hbm>>
      tpu.enqueue_dma source(%dma_start3A_197 : memref<5000xf32, #tpu.memory_space<hbm>>) target(%dma_start3A_196 : memref<5000xf32, #tpu.memory_space<vmem>>) target_semaphore(%run_scoped3A : memref<!tpu.dma_semaphore, #tpu.memory_space<semaphore_mem>>)
      %dma_wait3A_198 = arith.constant 0 : i32
      %dma_wait3A_199 = tpu.memref_slice %arg7[%dma_wait3A_198] : memref<5016xf32, #tpu.memory_space<vmem>> -> memref<5000xf32, #tpu.memory_space<vmem>>
      %dma_wait3A_200 = tpu.memref_slice %arg4[%mul3A_3] : memref<160000xf32, #tpu.memory_space<hbm>> -> memref<5000xf32, #tpu.memory_space<hbm>>
      %dma_wait3A_201 = arith.constant 0 : i32
      %dma_wait3A_202 = tpu.memref_slice %arg7[%dma_wait3A_201] : memref<5016xf32, #tpu.memory_space<vmem>> -> memref<5000xf32, #tpu.memory_space<vmem>>
      %dma_wait3A_203 = tpu.memref_slice %arg4[%mul3A_3] : memref<160000xf32, #tpu.memory_space<hbm>> -> memref<5000xf32, #tpu.memory_space<hbm>>
      tpu.wait_dma2 semaphore(%run_scoped3A : memref<!tpu.dma_semaphore, #tpu.memory_space<semaphore_mem>>) src(%dma_wait3A_203 : memref<5000xf32, #tpu.memory_space<hbm>>) dst(%dma_wait3A_202 : memref<5000xf32, #tpu.memory_space<vmem>>)
      tpu.yield
    }) : () -> ()
    %dma_start3A = arith.constant 0 : i32
    %dma_start3A_15 = tpu.memref_slice %arg6[%dma_start3A] : memref<5016xi32, #tpu.memory_space<vmem>> -> memref<64xi32, #tpu.memory_space<vmem>>
    %dma_start3A_16 = arith.constant 0 : i32
    %dma_start3A_17 = arith.constant 0 : i32
    %dma_start3A_18 = tpu.memref_slice %arg2[%dma_start3A_16, %dma_start3A_17] : memref<10000x256xf32, #tpu.memory_space<hbm>> -> memref<10000x256xf32, #tpu.memory_space<hbm>>
    tpu.enqueue_indirect_dma source(%dma_start3A_18 : memref<10000x256xf32, #tpu.memory_space<hbm>>) target(%arg8 : memref<64x256xf32, #tpu.memory_space<vmem>>) offsets(%dma_start3A_15 : memref<64xi32, #tpu.memory_space<vmem>>) semaphore(%arg12 : memref<!tpu.dma_semaphore, #tpu.memory_space<semaphore_mem>>)
    %dma_start3A_19 = arith.constant 64 : i32
    %dma_start3A_20 = tpu.memref_slice %arg6[%dma_start3A_19] : memref<5016xi32, #tpu.memory_space<vmem>> -> memref<64xi32, #tpu.memory_space<vmem>>
    %dma_start3A_21 = arith.constant 0 : i32
    %dma_start3A_22 = arith.constant 0 : i32
    %dma_start3A_23 = tpu.memref_slice %arg2[%dma_start3A_21, %dma_start3A_22] : memref<10000x256xf32, #tpu.memory_space<hbm>> -> memref<10000x256xf32, #tpu.memory_space<hbm>>
    tpu.enqueue_indirect_dma source(%dma_start3A_23 : memref<10000x256xf32, #tpu.memory_space<hbm>>) target(%arg9 : memref<64x256xf32, #tpu.memory_space<vmem>>) offsets(%dma_start3A_20 : memref<64xi32, #tpu.memory_space<vmem>>) semaphore(%arg13 : memref<!tpu.dma_semaphore, #tpu.memory_space<semaphore_mem>>)
    %scan3A = arith.constant 0 : i32
    %scan3A_24 = arith.constant 0 : i32
    %scan3A_25 = arith.constant 39 : i32
    %scan3A_26 = arith.addi %scan3A_24, %scan3A_25 : i32
    %scan3A_27 = arith.constant 1 : i32
    %scan3A_28 = scf.for %scan3A_192 = %scan3A_24 to %scan3A_26 step %scan3A_27 iter_args(%scan3A_193 = %scan3A) -> (i32)  : i32 {
      %mul3A_194 = arith.constant 2 : i32
      %mul3A_195 = arith.muli %mul3A_194, %scan3A_192 : i32
      %mul3A_196 = arith.constant 64 : i32
      %mul3A_197 = arith.muli %mul3A_195, %mul3A_196 : i32
      %dma_wait3A_198 = tpu.memref_slice %arg6[%mul3A_197] : memref<5016xi32, #tpu.memory_space<vmem>> -> memref<64xi32, #tpu.memory_space<vmem>>
      %dma_wait3A_199 = arith.constant 0 : i32
      %dma_wait3A_200 = arith.constant 0 : i32
      %dma_wait3A_201 = tpu.memref_slice %arg2[%dma_wait3A_199, %dma_wait3A_200] : memref<10000x256xf32, #tpu.memory_space<hbm>> -> memref<10000x256xf32, #tpu.memory_space<hbm>>
      tpu.wait_indirect_dma semaphore(%arg12 : memref<!tpu.dma_semaphore, #tpu.memory_space<semaphore_mem>>) src(%dma_wait3A_201 : memref<10000x256xf32, #tpu.memory_space<hbm>>) dst(%arg8 : memref<64x256xf32, #tpu.memory_space<vmem>>)
      %mul3A_202 = arith.constant 64 : i32
      %mul3A_203 = arith.muli %mul3A_195, %mul3A_202 : i32
      %add3A_204 = arith.constant 0 : i32
      %add3A_205 = arith.addi %mul3A_203, %add3A_204 : i32
      %get3A_206 = arith.index_cast %add3A_205 : i32 to index
      %get3A_207 = tpu.vector_load %arg7[%get3A_206] {strides = array<i32>} : memref<5016xf32, #tpu.memory_space<vmem>>, vector<16xf32>,
      %get3A_208 = vector.shape_cast %get3A_207 : vector<16xf32> to vector<16xf32>
      %slice3A_209 = vector.extract_strided_slice %get3A_208 {offsets = [0], sizes = [1], strides = [1]} : vector<16xf32> to vector<1xf32>
      %squeeze3A_210 = vector.extract %slice3A_209[0] : f32 from vector<1xf32>
      %add3A_211 = vector.broadcast %squeeze3A_210 : f32 to vector<1x16xf32>
      %add3A_212 = arith.addf %broadcast_in_dim3A_1, %add3A_211 : vector<1x16xf32>
      %swap3A_213 = arith.constant 0 : index
      %swap3A_214 = arith.constant 0 : index
      %swap3A_215 = tpu.vector_load %arg11[%swap3A_213, %swap3A_214] {strides = array<i32>} : memref<64x16xf32, #tpu.memory_space<vmem>>, vector<1x16xf32>,
      %swap3A_216 = vector.shape_cast %swap3A_215 : vector<1x16xf32> to vector<1x16xf32>
      %swap3A_217 = vector.shape_cast %add3A_212 : vector<1x16xf32> to vector<1x16xf32>
      tpu.vector_store %arg11[%swap3A_213, %swap3A_214], %swap3A_217 {strides = array<i32>} : memref<64x16xf32, #tpu.memory_space<vmem>>, vector<1x16xf32>,
      %slice3A_218 = vector.extract_strided_slice %get3A_208 {offsets = [1], sizes = [1], strides = [1]} : vector<16xf32> to vector<1xf32>
      %squeeze3A_219 = vector.extract %slice3A_218[0] : f32 from vector<1xf32>
      %add3A_220 = vector.broadcast %squeeze3A_219 : f32 to vector<1x16xf32>
      %add3A_221 = arith.addf %broadcast_in_dim3A_1, %add3A_220 : vector<1x16xf32>
      %swap3A_222 = arith.constant 1 : index
      %swap3A_223 = arith.constant 0 : index
      %swap3A_224 = tpu.vector_load %arg11[%swap3A_222, %swap3A_223] {strides = array<i32>} : memref<64x16xf32, #tpu.memory_space<vmem>>, vector<1x16xf32>,
      %swap3A_225 = vector.shape_cast %swap3A_224 : vector<1x16xf32> to vector<1x16xf32>
      %swap3A_226 = vector.shape_cast %add3A_221 : vector<1x16xf32> to vector<1x16xf32>
      tpu.vector_store %arg11[%swap3A_222, %swap3A_223], %swap3A_226 {strides = array<i32>} : memref<64x16xf32, #tpu.memory_space<vmem>>, vector<1x16xf32>,
      %slice3A_227 = vector.extract_strided_slice %get3A_208 {offsets = [2], sizes = [1], strides = [1]} : vector<16xf32> to vector<1xf32>
      %squeeze3A_228 = vector.extract %slice3A_227[0] : f32 from vector<1xf32>
      %add3A_229 = vector.broadcast %squeeze3A_228 : f32 to vector<1x16xf32>
      %add3A_230 = arith.addf %broadcast_in_dim3A_1, %add3A_229 : vector<1x16xf32>
      %swap3A_231 = arith.constant 2 : index
      %swap3A_232 = arith.constant 0 : index
      %swap3A_233 = tpu.vector_load %arg11[%swap3A_231, %swap3A_232] {strides = array<i32>} : memref<64x16xf32, #tpu.memory_space<vmem>>, vector<1x16xf32>,
      %swap3A_234 = vector.shape_cast %swap3A_233 : vector<1x16xf32> to vector<1x16xf32>
      %swap3A_235 = vector.shape_cast %add3A_230 : vector<1x16xf32> to vector<1x16xf32>
      tpu.vector_store %arg11[%swap3A_231, %swap3A_232], %swap3A_235 {strides = array<i32>} : memref<64x16xf32, #tpu.memory_space<vmem>>, vector<1x16xf32>,
      %slice3A_236 = vector.extract_strided_slice %get3A_208 {offsets = [3], sizes = [1], strides = [1]} : vector<16xf32> to vector<1xf32>
      %squeeze3A_237 = vector.extract %slice3A_236[0] : f32 from vector<1xf32>
      %add3A_238 = vector.broadcast %squeeze3A_237 : f32 to vector<1x16xf32>
      %add3A_239 = arith.addf %broadcast_in_dim3A_1, %add3A_238 : vector<1x16xf32>
      %swap3A_240 = arith.constant 3 : index
      %swap3A_241 = arith.constant 0 : index
      %swap3A_242 = tpu.vector_load %arg11[%swap3A_240, %swap3A_241] {strides = array<i32>} : memref<64x16xf32, #tpu.memory_space<vmem>>, vector<1x16xf32>,
      %swap3A_243 = vector.shape_cast %swap3A_242 : vector<1x16xf32> to vector<1x16xf32>
      %swap3A_244 = vector.shape_cast %add3A_239 : vector<1x16xf32> to vector<1x16xf32>
      tpu.vector_store %arg11[%swap3A_240, %swap3A_241], %swap3A_244 {strides = array<i32>} : memref<64x16xf32, #tpu.memory_space<vmem>>, vector<1x16xf32>,
      %slice3A_245 = vector.extract_strided_slice %get3A_208 {offsets = [4], sizes = [1], strides = [1]} : vector<16xf32> to vector<1xf32>
      %squeeze3A_246 = vector.extract %slice3A_245[0] : f32 from vector<1xf32>
      %add3A_247 = vector.broadcast %squeeze3A_246 : f32 to vector<1x16xf32>
      %add3A_248 = arith.addf %broadcast_in_dim3A_1, %add3A_247 : vector<1x16xf32>
      %swap3A_249 = arith.constant 4 : index
      %swap3A_250 = arith.constant 0 : index
      %swap3A_251 = tpu.vector_load %arg11[%swap3A_249, %swap3A_250] {strides = array<i32>} : memref<64x16xf32, #tpu.memory_space<vmem>>, vector<1x16xf32>,
      %swap3A_252 = vector.shape_cast %swap3A_251 : vector<1x16xf32> to vector<1x16xf32>
      %swap3A_253 = vector.shape_cast %add3A_248 : vector<1x16xf32> to vector<1x16xf32>
      tpu.vector_store %arg11[%swap3A_249, %swap3A_250], %swap3A_253 {strides = array<i32>} : memref<64x16xf32, #tpu.memory_space<vmem>>, vector<1x16xf32>,
      %slice3A_254 = vector.extract_strided_slice %get3A_208 {offsets = [5], sizes = [1], strides = [1]} : vector<16xf32> to vector<1xf32>
      %squeeze3A_255 = vector.extract %slice3A_254[0] : f32 from vector<1xf32>
      %add3A_256 = vector.broadcast %squeeze3A_255 : f32 to vector<1x16xf32>
      %add3A_257 = arith.addf %broadcast_in_dim3A_1, %add3A_256 : vector<1x16xf32>
      %swap3A_258 = arith.constant 5 : index
      %swap3A_259 = arith.constant 0 : index
      %swap3A_260 = tpu.vector_load %arg11[%swap3A_258, %swap3A_259] {strides = array<i32>} : memref<64x16xf32, #tpu.memory_space<vmem>>, vector<1x16xf32>,
      %swap3A_261 = vector.shape_cast %swap3A_260 : vector<1x16xf32> to vector<1x16xf32>
      %swap3A_262 = vector.shape_cast %add3A_257 : vector<1x16xf32> to vector<1x16xf32>
      tpu.vector_store %arg11[%swap3A_258, %swap3A_259], %swap3A_262 {strides = array<i32>} : memref<64x16xf32, #tpu.memory_space<vmem>>, vector<1x16xf32>,
      %slice3A_263 = vector.extract_strided_slice %get3A_208 {offsets = [6], sizes = [1], strides = [1]} : vector<16xf32> to vector<1xf32>
      %squeeze3A_264 = vector.extract %slice3A_263[0] : f32 from vector<1xf32>
      %add3A_265 = vector.broadcast %squeeze3A_264 : f32 to vector<1x16xf32>
      %add3A_266 = arith.addf %broadcast_in_dim3A_1, %add3A_265 : vector<1x16xf32>
      %swap3A_267 = arith.constant 6 : index
      %swap3A_268 = arith.constant 0 : index
      %swap3A_269 = tpu.vector_load %arg11[%swap3A_267, %swap3A_268] {strides = array<i32>} : memref<64x16xf32, #tpu.memory_space<vmem>>, vector<1x16xf32>,
      %swap3A_270 = vector.shape_cast %swap3A_269 : vector<1x16xf32> to vector<1x16xf32>
      %swap3A_271 = vector.shape_cast %add3A_266 : vector<1x16xf32> to vector<1x16xf32>
      tpu.vector_store %arg11[%swap3A_267, %swap3A_268], %swap3A_271 {strides = array<i32>} : memref<64x16xf32, #tpu.memory_space<vmem>>, vector<1x16xf32>,
      %slice3A_272 = vector.extract_strided_slice %get3A_208 {offsets = [7], sizes = [1], strides = [1]} : vector<16xf32> to vector<1xf32>
      %squeeze3A_273 = vector.extract %slice3A_272[0] : f32 from vector<1xf32>
      %add3A_274 = vector.broadcast %squeeze3A_273 : f32 to vector<1x16xf32>
      %add3A_275 = arith.addf %broadcast_in_dim3A_1, %add3A_274 : vector<1x16xf32>
      %swap3A_276 = arith.constant 7 : index
      %swap3A_277 = arith.constant 0 : index
      %swap3A_278 = tpu.vector_load %arg11[%swap3A_276, %swap3A_277] {strides = array<i32>} : memref<64x16xf32, #tpu.memory_space<vmem>>, vector<1x16xf32>,
      %swap3A_279 = vector.shape_cast %swap3A_278 : vector<1x16xf32> to vector<1x16xf32>
      %swap3A_280 = vector.shape_cast %add3A_275 : vector<1x16xf32> to vector<1x16xf32>
      tpu.vector_store %arg11[%swap3A_276, %swap3A_277], %swap3A_280 {strides = array<i32>} : memref<64x16xf32, #tpu.memory_space<vmem>>, vector<1x16xf32>,
      %slice3A_281 = vector.extract_strided_slice %get3A_208 {offsets = [8], sizes = [1], strides = [1]} : vector<16xf32> to vector<1xf32>
      %squeeze3A_282 = vector.extract %slice3A_281[0] : f32 from vector<1xf32>
      %add3A_283 = vector.broadcast %squeeze3A_282 : f32 to vector<1x16xf32>
      %add3A_284 = arith.addf %broadcast_in_dim3A_1, %add3A_283 : vector<1x16xf32>
      %swap3A_285 = arith.constant 8 : index
      %swap3A_286 = arith.constant 0 : index
      %swap3A_287 = tpu.vector_load %arg11[%swap3A_285, %swap3A_286] {strides = array<i32>} : memref<64x16xf32, #tpu.memory_space<vmem>>, vector<1x16xf32>,
      %swap3A_288 = vector.shape_cast %swap3A_287 : vector<1x16xf32> to vector<1x16xf32>
      %swap3A_289 = vector.shape_cast %add3A_284 : vector<1x16xf32> to vector<1x16xf32>
      tpu.vector_store %arg11[%swap3A_285, %swap3A_286], %swap3A_289 {strides = array<i32>} : memref<64x16xf32, #tpu.memory_space<vmem>>, vector<1x16xf32>,
      %slice3A_290 = vector.extract_strided_slice %get3A_208 {offsets = [9], sizes = [1], strides = [1]} : vector<16xf32> to vector<1xf32>
      %squeeze3A_291 = vector.extract %slice3A_290[0] : f32 from vector<1xf32>
      %add3A_292 = vector.broadcast %squeeze3A_291 : f32 to vector<1x16xf32>
      %add3A_293 = arith.addf %broadcast_in_dim3A_1, %add3A_292 : vector<1x16xf32>
      %swap3A_294 = arith.constant 9 : index
      %swap3A_295 = arith.constant 0 : index
      %swap3A_296 = tpu.vector_load %arg11[%swap3A_294, %swap3A_295] {strides = array<i32>} : memref<64x16xf32, #tpu.memory_space<vmem>>, vector<1x16xf32>,
      %swap3A_297 = vector.shape_cast %swap3A_296 : vector<1x16xf32> to vector<1x16xf32>
      %swap3A_298 = vector.shape_cast %add3A_293 : vector<1x16xf32> to vector<1x16xf32>
      tpu.vector_store %arg11[%swap3A_294, %swap3A_295], %swap3A_298 {strides = array<i32>} : memref<64x16xf32, #tpu.memory_space<vmem>>, vector<1x16xf32>,
      %slice3A_299 = vector.extract_strided_slice %get3A_208 {offsets = [10], sizes = [1], strides = [1]} : vector<16xf32> to vector<1xf32>
      %squeeze3A_300 = vector.extract %slice3A_299[0] : f32 from vector<1xf32>
      %add3A_301 = vector.broadcast %squeeze3A_300 : f32 to vector<1x16xf32>
      %add3A_302 = arith.addf %broadcast_in_dim3A_1, %add3A_301 : vector<1x16xf32>
      %swap3A_303 = arith.constant 10 : index
      %swap3A_304 = arith.constant 0 : index
      %swap3A_305 = tpu.vector_load %arg11[%swap3A_303, %swap3A_304] {strides = array<i32>} : memref<64x16xf32, #tpu.memory_space<vmem>>, vector<1x16xf32>,
      %swap3A_306 = vector.shape_cast %swap3A_305 : vector<1x16xf32> to vector<1x16xf32>
      %swap3A_307 = vector.shape_cast %add3A_302 : vector<1x16xf32> to vector<1x16xf32>
      tpu.vector_store %arg11[%swap3A_303, %swap3A_304], %swap3A_307 {strides = array<i32>} : memref<64x16xf32, #tpu.memory_space<vmem>>, vector<1x16xf32>,
      %slice3A_308 = vector.extract_strided_slice %get3A_208 {offsets = [11], sizes = [1], strides = [1]} : vector<16xf32> to vector<1xf32>
      %squeeze3A_309 = vector.extract %slice3A_308[0] : f32 from vector<1xf32>
      %add3A_310 = vector.broadcast %squeeze3A_309 : f32 to vector<1x16xf32>
      %add3A_311 = arith.addf %broadcast_in_dim3A_1, %add3A_310 : vector<1x16xf32>
      %swap3A_312 = arith.constant 11 : index
      %swap3A_313 = arith.constant 0 : index
      %swap3A_314 = tpu.vector_load %arg11[%swap3A_312, %swap3A_313] {strides = array<i32>} : memref<64x16xf32, #tpu.memory_space<vmem>>, vector<1x16xf32>,
      %swap3A_315 = vector.shape_cast %swap3A_314 : vector<1x16xf32> to vector<1x16xf32>
      %swap3A_316 = vector.shape_cast %add3A_311 : vector<1x16xf32> to vector<1x16xf32>
      tpu.vector_store %arg11[%swap3A_312, %swap3A_313], %swap3A_316 {strides = array<i32>} : memref<64x16xf32, #tpu.memory_space<vmem>>, vector<1x16xf32>,
      %slice3A_317 = vector.extract_strided_slice %get3A_208 {offsets = [12], sizes = [1], strides = [1]} : vector<16xf32> to vector<1xf32>
      %squeeze3A_318 = vector.extract %slice3A_317[0] : f32 from vector<1xf32>
      %add3A_319 = vector.broadcast %squeeze3A_318 : f32 to vector<1x16xf32>
      %add3A_320 = arith.addf %broadcast_in_dim3A_1, %add3A_319 : vector<1x16xf32>
      %swap3A_321 = arith.constant 12 : index
      %swap3A_322 = arith.constant 0 : index
      %swap3A_323 = tpu.vector_load %arg11[%swap3A_321, %swap3A_322] {strides = array<i32>} : memref<64x16xf32, #tpu.memory_space<vmem>>, vector<1x16xf32>,
      %swap3A_324 = vector.shape_cast %swap3A_323 : vector<1x16xf32> to vector<1x16xf32>
      %swap3A_325 = vector.shape_cast %add3A_320 : vector<1x16xf32> to vector<1x16xf32>
      tpu.vector_store %arg11[%swap3A_321, %swap3A_322], %swap3A_325 {strides = array<i32>} : memref<64x16xf32, #tpu.memory_space<vmem>>, vector<1x16xf32>,
      %slice3A_326 = vector.extract_strided_slice %get3A_208 {offsets = [13], sizes = [1], strides = [1]} : vector<16xf32> to vector<1xf32>
      %squeeze3A_327 = vector.extract %slice3A_326[0] : f32 from vector<1xf32>
      %add3A_328 = vector.broadcast %squeeze3A_327 : f32 to vector<1x16xf32>
      %add3A_329 = arith.addf %broadcast_in_dim3A_1, %add3A_328 : vector<1x16xf32>
      %swap3A_330 = arith.constant 13 : index
      %swap3A_331 = arith.constant 0 : index
      %swap3A_332 = tpu.vector_load %arg11[%swap3A_330, %swap3A_331] {strides = array<i32>} : memref<64x16xf32, #tpu.memory_space<vmem>>, vector<1x16xf32>,
      %swap3A_333 = vector.shape_cast %swap3A_332 : vector<1x16xf32> to vector<1x16xf32>
      %swap3A_334 = vector.shape_cast %add3A_329 : vector<1x16xf32> to vector<1x16xf32>
      tpu.vector_store %arg11[%swap3A_330, %swap3A_331], %swap3A_334 {strides = array<i32>} : memref<64x16xf32, #tpu.memory_space<vmem>>, vector<1x16xf32>,
      %slice3A_335 = vector.extract_strided_slice %get3A_208 {offsets = [14], sizes = [1], strides = [1]} : vector<16xf32> to vector<1xf32>
      %squeeze3A_336 = vector.extract %slice3A_335[0] : f32 from vector<1xf32>
      %add3A_337 = vector.broadcast %squeeze3A_336 : f32 to vector<1x16xf32>
      %add3A_338 = arith.addf %broadcast_in_dim3A_1, %add3A_337 : vector<1x16xf32>
      %swap3A_339 = arith.constant 14 : index
      %swap3A_340 = arith.constant 0 : index
      %swap3A_341 = tpu.vector_load %arg11[%swap3A_339, %swap3A_340] {strides = array<i32>} : memref<64x16xf32, #tpu.memory_space<vmem>>, vector<1x16xf32>,
      %swap3A_342 = vector.shape_cast %swap3A_341 : vector<1x16xf32> to vector<1x16xf32>
      %swap3A_343 = vector.shape_cast %add3A_338 : vector<1x16xf32> to vector<1x16xf32>
      tpu.vector_store %arg11[%swap3A_339, %swap3A_340], %swap3A_343 {strides = array<i32>} : memref<64x16xf32, #tpu.memory_space<vmem>>, vector<1x16xf32>,
      %slice3A_344 = vector.extract_strided_slice %get3A_208 {offsets = [15], sizes = [1], strides = [1]} : vector<16xf32> to vector<1xf32>
      %squeeze3A_345 = vector.extract %slice3A_344[0] : f32 from vector<1xf32>
      %add3A_346 = vector.broadcast %squeeze3A_345 : f32 to vector<1x16xf32>
      %add3A_347 = arith.addf %broadcast_in_dim3A_1, %add3A_346 : vector<1x16xf32>
      %swap3A_348 = arith.constant 15 : index
      %swap3A_349 = arith.constant 0 : index
      %swap3A_350 = tpu.vector_load %arg11[%swap3A_348, %swap3A_349] {strides = array<i32>} : memref<64x16xf32, #tpu.memory_space<vmem>>, vector<1x16xf32>,
      %swap3A_351 = vector.shape_cast %swap3A_350 : vector<1x16xf32> to vector<1x16xf32>
      %swap3A_352 = vector.shape_cast %add3A_347 : vector<1x16xf32> to vector<1x16xf32>
      tpu.vector_store %arg11[%swap3A_348, %swap3A_349], %swap3A_352 {strides = array<i32>} : memref<64x16xf32, #tpu.memory_space<vmem>>, vector<1x16xf32>,
      %add3A_353 = arith.constant 16 : i32
      %add3A_354 = arith.addi %mul3A_203, %add3A_353 : i32
      %get3A_355 = arith.index_cast %add3A_354 : i32 to index
      %get3A_356 = tpu.vector_load %arg7[%get3A_355] {strides = array<i32>} : memref<5016xf32, #tpu.memory_space<vmem>>, vector<16xf32>,
      %get3A_357 = vector.shape_cast %get3A_356 : vector<16xf32> to vector<16xf32>
      %slice3A_358 = vector.extract_strided_slice %get3A_357 {offsets = [0], sizes = [1], strides = [1]} : vector<16xf32> to vector<1xf32>
      %squeeze3A_359 = vector.extract %slice3A_358[0] : f32 from vector<1xf32>
      %add3A_360 = vector.broadcast %squeeze3A_359 : f32 to vector<1x16xf32>
      %add3A_361 = arith.addf %broadcast_in_dim3A_1, %add3A_360 : vector<1x16xf32>
      %swap3A_362 = arith.constant 16 : index
      %swap3A_363 = arith.constant 0 : index
      %swap3A_364 = tpu.vector_load %arg11[%swap3A_362, %swap3A_363] {strides = array<i32>} : memref<64x16xf32, #tpu.memory_space<vmem>>, vector<1x16xf32>,
      %swap3A_365 = vector.shape_cast %swap3A_364 : vector<1x16xf32> to vector<1x16xf32>
      %swap3A_366 = vector.shape_cast %add3A_361 : vector<1x16xf32> to vector<1x16xf32>
      tpu.vector_store %arg11[%swap3A_362, %swap3A_363], %swap3A_366 {strides = array<i32>} : memref<64x16xf32, #tpu.memory_space<vmem>>, vector<1x16xf32>,
      %slice3A_367 = vector.extract_strided_slice %get3A_357 {offsets = [1], sizes = [1], strides = [1]} : vector<16xf32> to vector<1xf32>
      %squeeze3A_368 = vector.extract %slice3A_367[0] : f32 from vector<1xf32>
      %add3A_369 = vector.broadcast %squeeze3A_368 : f32 to vector<1x16xf32>
      %add3A_370 = arith.addf %broadcast_in_dim3A_1, %add3A_369 : vector<1x16xf32>
      %swap3A_371 = arith.constant 17 : index
      %swap3A_372 = arith.constant 0 : index
      %swap3A_373 = tpu.vector_load %arg11[%swap3A_371, %swap3A_372] {strides = array<i32>} : memref<64x16xf32, #tpu.memory_space<vmem>>, vector<1x16xf32>,
      %swap3A_374 = vector.shape_cast %swap3A_373 : vector<1x16xf32> to vector<1x16xf32>
      %swap3A_375 = vector.shape_cast %add3A_370 : vector<1x16xf32> to vector<1x16xf32>
      tpu.vector_store %arg11[%swap3A_371, %swap3A_372], %swap3A_375 {strides = array<i32>} : memref<64x16xf32, #tpu.memory_space<vmem>>, vector<1x16xf32>,
      %slice3A_376 = vector.extract_strided_slice %get3A_357 {offsets = [2], sizes = [1], strides = [1]} : vector<16xf32> to vector<1xf32>
      %squeeze3A_377 = vector.extract %slice3A_376[0] : f32 from vector<1xf32>
      %add3A_378 = vector.broadcast %squeeze3A_377 : f32 to vector<1x16xf32>
      %add3A_379 = arith.addf %broadcast_in_dim3A_1, %add3A_378 : vector<1x16xf32>
      %swap3A_380 = arith.constant 18 : index
      %swap3A_381 = arith.constant 0 : index
      %swap3A_382 = tpu.vector_load %arg11[%swap3A_380, %swap3A_381] {strides = array<i32>} : memref<64x16xf32, #tpu.memory_space<vmem>>, vector<1x16xf32>,
      %swap3A_383 = vector.shape_cast %swap3A_382 : vector<1x16xf32> to vector<1x16xf32>
      %swap3A_384 = vector.shape_cast %add3A_379 : vector<1x16xf32> to vector<1x16xf32>
      tpu.vector_store %arg11[%swap3A_380, %swap3A_381], %swap3A_384 {strides = array<i32>} : memref<64x16xf32, #tpu.memory_space<vmem>>, vector<1x16xf32>,
      %slice3A_385 = vector.extract_strided_slice %get3A_357 {offsets = [3], sizes = [1], strides = [1]} : vector<16xf32> to vector<1xf32>
      %squeeze3A_386 = vector.extract %slice3A_385[0] : f32 from vector<1xf32>
      %add3A_387 = vector.broadcast %squeeze3A_386 : f32 to vector<1x16xf32>
      %add3A_388 = arith.addf %broadcast_in_dim3A_1, %add3A_387 : vector<1x16xf32>
      %swap3A_389 = arith.constant 19 : index
      %swap3A_390 = arith.constant 0 : index
      %swap3A_391 = tpu.vector_load %arg11[%swap3A_389, %swap3A_390] {strides = array<i32>} : memref<64x16xf32, #tpu.memory_space<vmem>>, vector<1x16xf32>,
      %swap3A_392 = vector.shape_cast %swap3A_391 : vector<1x16xf32> to vector<1x16xf32>
      %swap3A_393 = vector.shape_cast %add3A_388 : vector<1x16xf32> to vector<1x16xf32>
      tpu.vector_store %arg11[%swap3A_389, %swap3A_390], %swap3A_393 {strides = array<i32>} : memref<64x16xf32, #tpu.memory_space<vmem>>, vector<1x16xf32>,
      %slice3A_394 = vector.extract_strided_slice %get3A_357 {offsets = [4], sizes = [1], strides = [1]} : vector<16xf32> to vector<1xf32>
      %squeeze3A_395 = vector.extract %slice3A_394[0] : f32 from vector<1xf32>
      %add3A_396 = vector.broadcast %squeeze3A_395 : f32 to vector<1x16xf32>
      %add3A_397 = arith.addf %broadcast_in_dim3A_1, %add3A_396 : vector<1x16xf32>
      %swap3A_398 = arith.constant 20 : index
      %swap3A_399 = arith.constant 0 : index
      %swap3A_400 = tpu.vector_load %arg11[%swap3A_398, %swap3A_399] {strides = array<i32>} : memref<64x16xf32, #tpu.memory_space<vmem>>, vector<1x16xf32>,
      %swap3A_401 = vector.shape_cast %swap3A_400 : vector<1x16xf32> to vector<1x16xf32>
      %swap3A_402 = vector.shape_cast %add3A_397 : vector<1x16xf32> to vector<1x16xf32>
      tpu.vector_store %arg11[%swap3A_398, %swap3A_399], %swap3A_402 {strides = array<i32>} : memref<64x16xf32, #tpu.memory_space<vmem>>, vector<1x16xf32>,
      %slice3A_403 = vector.extract_strided_slice %get3A_357 {offsets = [5], sizes = [1], strides = [1]} : vector<16xf32> to vector<1xf32>
      %squeeze3A_404 = vector.extract %slice3A_403[0] : f32 from vector<1xf32>
      %add3A_405 = vector.broadcast %squeeze3A_404 : f32 to vector<1x16xf32>
      %add3A_406 = arith.addf %broadcast_in_dim3A_1, %add3A_405 : vector<1x16xf32>
      %swap3A_407 = arith.constant 21 : index
      %swap3A_408 = arith.constant 0 : index
      %swap3A_409 = tpu.vector_load %arg11[%swap3A_407, %swap3A_408] {strides = array<i32>} : memref<64x16xf32, #tpu.memory_space<vmem>>, vector<1x16xf32>,
      %swap3A_410 = vector.shape_cast %swap3A_409 : vector<1x16xf32> to vector<1x16xf32>
      %swap3A_411 = vector.shape_cast %add3A_406 : vector<1x16xf32> to vector<1x16xf32>
      tpu.vector_store %arg11[%swap3A_407, %swap3A_408], %swap3A_411 {strides = array<i32>} : memref<64x16xf32, #tpu.memory_space<vmem>>, vector<1x16xf32>,
      %slice3A_412 = vector.extract_strided_slice %get3A_357 {offsets = [6], sizes = [1], strides = [1]} : vector<16xf32> to vector<1xf32>
      %squeeze3A_413 = vector.extract %slice3A_412[0] : f32 from vector<1xf32>
      %add3A_414 = vector.broadcast %squeeze3A_413 : f32 to vector<1x16xf32>
      %add3A_415 = arith.addf %broadcast_in_dim3A_1, %add3A_414 : vector<1x16xf32>
      %swap3A_416 = arith.constant 22 : index
      %swap3A_417 = arith.constant 0 : index
      %swap3A_418 = tpu.vector_load %arg11[%swap3A_416, %swap3A_417] {strides = array<i32>} : memref<64x16xf32, #tpu.memory_space<vmem>>, vector<1x16xf32>,
      %swap3A_419 = vector.shape_cast %swap3A_418 : vector<1x16xf32> to vector<1x16xf32>
      %swap3A_420 = vector.shape_cast %add3A_415 : vector<1x16xf32> to vector<1x16xf32>
      tpu.vector_store %arg11[%swap3A_416, %swap3A_417], %swap3A_420 {strides = array<i32>} : memref<64x16xf32, #tpu.memory_space<vmem>>, vector<1x16xf32>,
      %slice3A_421 = vector.extract_strided_slice %get3A_357 {offsets = [7], sizes = [1], strides = [1]} : vector<16xf32> to vector<1xf32>
      %squeeze3A_422 = vector.extract %slice3A_421[0] : f32 from vector<1xf32>
      %add3A_423 = vector.broadcast %squeeze3A_422 : f32 to vector<1x16xf32>
      %add3A_424 = arith.addf %broadcast_in_dim3A_1, %add3A_423 : vector<1x16xf32>
      %swap3A_425 = arith.constant 23 : index
      %swap3A_426 = arith.constant 0 : index
      %swap3A_427 = tpu.vector_load %arg11[%swap3A_425, %swap3A_426] {strides = array<i32>} : memref<64x16xf32, #tpu.memory_space<vmem>>, vector<1x16xf32>,
      %swap3A_428 = vector.shape_cast %swap3A_427 : vector<1x16xf32> to vector<1x16xf32>
      %swap3A_429 = vector.shape_cast %add3A_424 : vector<1x16xf32> to vector<1x16xf32>
      tpu.vector_store %arg11[%swap3A_425, %swap3A_426], %swap3A_429 {strides = array<i32>} : memref<64x16xf32, #tpu.memory_space<vmem>>, vector<1x16xf32>,
      %slice3A_430 = vector.extract_strided_slice %get3A_357 {offsets = [8], sizes = [1], strides = [1]} : vector<16xf32> to vector<1xf32>
      %squeeze3A_431 = vector.extract %slice3A_430[0] : f32 from vector<1xf32>
      %add3A_432 = vector.broadcast %squeeze3A_431 : f32 to vector<1x16xf32>
      %add3A_433 = arith.addf %broadcast_in_dim3A_1, %add3A_432 : vector<1x16xf32>
      %swap3A_434 = arith.constant 24 : index
      %swap3A_435 = arith.constant 0 : index
      %swap3A_436 = tpu.vector_load %arg11[%swap3A_434, %swap3A_435] {strides = array<i32>} : memref<64x16xf32, #tpu.memory_space<vmem>>, vector<1x16xf32>,
      %swap3A_437 = vector.shape_cast %swap3A_436 : vector<1x16xf32> to vector<1x16xf32>
      %swap3A_438 = vector.shape_cast %add3A_433 : vector<1x16xf32> to vector<1x16xf32>
      tpu.vector_store %arg11[%swap3A_434, %swap3A_435], %swap3A_438 {strides = array<i32>} : memref<64x16xf32, #tpu.memory_space<vmem>>, vector<1x16xf32>,
      %slice3A_439 = vector.extract_strided_slice %get3A_357 {offsets = [9], sizes = [1], strides = [1]} : vector<16xf32> to vector<1xf32>
      %squeeze3A_440 = vector.extract %slice3A_439[0] : f32 from vector<1xf32>
      %add3A_441 = vector.broadcast %squeeze3A_440 : f32 to vector<1x16xf32>
      %add3A_442 = arith.addf %broadcast_in_dim3A_1, %add3A_441 : vector<1x16xf32>
      %swap3A_443 = arith.constant 25 : index
      %swap3A_444 = arith.constant 0 : index
      %swap3A_445 = tpu.vector_load %arg11[%swap3A_443, %swap3A_444] {strides = array<i32>} : memref<64x16xf32, #tpu.memory_space<vmem>>, vector<1x16xf32>,
      %swap3A_446 = vector.shape_cast %swap3A_445 : vector<1x16xf32> to vector<1x16xf32>
      %swap3A_447 = vector.shape_cast %add3A_442 : vector<1x16xf32> to vector<1x16xf32>
      tpu.vector_store %arg11[%swap3A_443, %swap3A_444], %swap3A_447 {strides = array<i32>} : memref<64x16xf32, #tpu.memory_space<vmem>>, vector<1x16xf32>,
      %slice3A_448 = vector.extract_strided_slice %get3A_357 {offsets = [10], sizes = [1], strides = [1]} : vector<16xf32> to vector<1xf32>
      %squeeze3A_449 = vector.extract %slice3A_448[0] : f32 from vector<1xf32>
      %add3A_450 = vector.broadcast %squeeze3A_449 : f32 to vector<1x16xf32>
      %add3A_451 = arith.addf %broadcast_in_dim3A_1, %add3A_450 : vector<1x16xf32>
      %swap3A_452 = arith.constant 26 : index
      %swap3A_453 = arith.constant 0 : index
      %swap3A_454 = tpu.vector_load %arg11[%swap3A_452, %swap3A_453] {strides = array<i32>} : memref<64x16xf32, #tpu.memory_space<vmem>>, vector<1x16xf32>,
      %swap3A_455 = vector.shape_cast %swap3A_454 : vector<1x16xf32> to vector<1x16xf32>
      %swap3A_456 = vector.shape_cast %add3A_451 : vector<1x16xf32> to vector<1x16xf32>
      tpu.vector_store %arg11[%swap3A_452, %swap3A_453], %swap3A_456 {strides = array<i32>} : memref<64x16xf32, #tpu.memory_space<vmem>>, vector<1x16xf32>,
      %slice3A_457 = vector.extract_strided_slice %get3A_357 {offsets = [11], sizes = [1], strides = [1]} : vector<16xf32> to vector<1xf32>
      %squeeze3A_458 = vector.extract %slice3A_457[0] : f32 from vector<1xf32>
      %add3A_459 = vector.broadcast %squeeze3A_458 : f32 to vector<1x16xf32>
      %add3A_460 = arith.addf %broadcast_in_dim3A_1, %add3A_459 : vector<1x16xf32>
      %swap3A_461 = arith.constant 27 : index
      %swap3A_462 = arith.constant 0 : index
      %swap3A_463 = tpu.vector_load %arg11[%swap3A_461, %swap3A_462] {strides = array<i32>} : memref<64x16xf32, #tpu.memory_space<vmem>>, vector<1x16xf32>,
      %swap3A_464 = vector.shape_cast %swap3A_463 : vector<1x16xf32> to vector<1x16xf32>
      %swap3A_465 = vector.shape_cast %add3A_460 : vector<1x16xf32> to vector<1x16xf32>
      tpu.vector_store %arg11[%swap3A_461, %swap3A_462], %swap3A_465 {strides = array<i32>} : memref<64x16xf32, #tpu.memory_space<vmem>>, vector<1x16xf32>,
      %slice3A_466 = vector.extract_strided_slice %get3A_357 {offsets = [12], sizes = [1], strides = [1]} : vector<16xf32> to vector<1xf32>
      %squeeze3A_467 = vector.extract %slice3A_466[0] : f32 from vector<1xf32>
      %add3A_468 = vector.broadcast %squeeze3A_467 : f32 to vector<1x16xf32>
      %add3A_469 = arith.addf %broadcast_in_dim3A_1, %add3A_468 : vector<1x16xf32>
      %swap3A_470 = arith.constant 28 : index
      %swap3A_471 = arith.constant 0 : index
      %swap3A_472 = tpu.vector_load %arg11[%swap3A_470, %swap3A_471] {strides = array<i32>} : memref<64x16xf32, #tpu.memory_space<vmem>>, vector<1x16xf32>,
      %swap3A_473 = vector.shape_cast %swap3A_472 : vector<1x16xf32> to vector<1x16xf32>
      %swap3A_474 = vector.shape_cast %add3A_469 : vector<1x16xf32> to vector<1x16xf32>
      tpu.vector_store %arg11[%swap3A_470, %swap3A_471], %swap3A_474 {strides = array<i32>} : memref<64x16xf32, #tpu.memory_space<vmem>>, vector<1x16xf32>,
      %slice3A_475 = vector.extract_strided_slice %get3A_357 {offsets = [13], sizes = [1], strides = [1]} : vector<16xf32> to vector<1xf32>
      %squeeze3A_476 = vector.extract %slice3A_475[0] : f32 from vector<1xf32>
      %add3A_477 = vector.broadcast %squeeze3A_476 : f32 to vector<1x16xf32>
      %add3A_478 = arith.addf %broadcast_in_dim3A_1, %add3A_477 : vector<1x16xf32>
      %swap3A_479 = arith.constant 29 : index
      %swap3A_480 = arith.constant 0 : index
      %swap3A_481 = tpu.vector_load %arg11[%swap3A_479, %swap3A_480] {strides = array<i32>} : memref<64x16xf32, #tpu.memory_space<vmem>>, vector<1x16xf32>,
      %swap3A_482 = vector.shape_cast %swap3A_481 : vector<1x16xf32> to vector<1x16xf32>
      %swap3A_483 = vector.shape_cast %add3A_478 : vector<1x16xf32> to vector<1x16xf32>
      tpu.vector_store %arg11[%swap3A_479, %swap3A_480], %swap3A_483 {strides = array<i32>} : memref<64x16xf32, #tpu.memory_space<vmem>>, vector<1x16xf32>,
      %slice3A_484 = vector.extract_strided_slice %get3A_357 {offsets = [14], sizes = [1], strides = [1]} : vector<16xf32> to vector<1xf32>
      %squeeze3A_485 = vector.extract %slice3A_484[0] : f32 from vector<1xf32>
      %add3A_486 = vector.broadcast %squeeze3A_485 : f32 to vector<1x16xf32>
      %add3A_487 = arith.addf %broadcast_in_dim3A_1, %add3A_486 : vector<1x16xf32>
      %swap3A_488 = arith.constant 30 : index
      %swap3A_489 = arith.constant 0 : index
      %swap3A_490 = tpu.vector_load %arg11[%swap3A_488, %swap3A_489] {strides = array<i32>} : memref<64x16xf32, #tpu.memory_space<vmem>>, vector<1x16xf32>,
      %swap3A_491 = vector.shape_cast %swap3A_490 : vector<1x16xf32> to vector<1x16xf32>
      %swap3A_492 = vector.shape_cast %add3A_487 : vector<1x16xf32> to vector<1x16xf32>
      tpu.vector_store %arg11[%swap3A_488, %swap3A_489], %swap3A_492 {strides = array<i32>} : memref<64x16xf32, #tpu.memory_space<vmem>>, vector<1x16xf32>,
      %slice3A_493 = vector.extract_strided_slice %get3A_357 {offsets = [15], sizes = [1], strides = [1]} : vector<16xf32> to vector<1xf32>
      %squeeze3A_494 = vector.extract %slice3A_493[0] : f32 from vector<1xf32>
      %add3A_495 = vector.broadcast %squeeze3A_494 : f32 to vector<1x16xf32>
      %add3A_496 = arith.addf %broadcast_in_dim3A_1, %add3A_495 : vector<1x16xf32>
      %swap3A_497 = arith.constant 31 : index
      %swap3A_498 = arith.constant 0 : index
      %swap3A_499 = tpu.vector_load %arg11[%swap3A_497, %swap3A_498] {strides = array<i32>} : memref<64x16xf32, #tpu.memory_space<vmem>>, vector<1x16xf32>,
      %swap3A_500 = vector.shape_cast %swap3A_499 : vector<1x16xf32> to vector<1x16xf32>
      %swap3A_501 = vector.shape_cast %add3A_496 : vector<1x16xf32> to vector<1x16xf32>
      tpu.vector_store %arg11[%swap3A_497, %swap3A_498], %swap3A_501 {strides = array<i32>} : memref<64x16xf32, #tpu.memory_space<vmem>>, vector<1x16xf32>,
      %add3A_502 = arith.constant 32 : i32
      %add3A_503 = arith.addi %mul3A_203, %add3A_502 : i32
      %get3A_504 = arith.index_cast %add3A_503 : i32 to index
      %get3A_505 = tpu.vector_load %arg7[%get3A_504] {strides = array<i32>} : memref<5016xf32, #tpu.memory_space<vmem>>, vector<16xf32>,
      %get3A_506 = vector.shape_cast %get3A_505 : vector<16xf32> to vector<16xf32>
      %slice3A_507 = vector.extract_strided_slice %get3A_506 {offsets = [0], sizes = [1], strides = [1]} : vector<16xf32> to vector<1xf32>
      %squeeze3A_508 = vector.extract %slice3A_507[0] : f32 from vector<1xf32>
      %add3A_509 = vector.broadcast %squeeze3A_508 : f32 to vector<1x16xf32>
      %add3A_510 = arith.addf %broadcast_in_dim3A_1, %add3A_509 : vector<1x16xf32>
      %swap3A_511 = arith.constant 32 : index
      %swap3A_512 = arith.constant 0 : index
      %swap3A_513 = tpu.vector_load %arg11[%swap3A_511, %swap3A_512] {strides = array<i32>} : memref<64x16xf32, #tpu.memory_space<vmem>>, vector<1x16xf32>,
      %swap3A_514 = vector.shape_cast %swap3A_513 : vector<1x16xf32> to vector<1x16xf32>
      %swap3A_515 = vector.shape_cast %add3A_510 : vector<1x16xf32> to vector<1x16xf32>
      tpu.vector_store %arg11[%swap3A_511, %swap3A_512], %swap3A_515 {strides = array<i32>} : memref<64x16xf32, #tpu.memory_space<vmem>>, vector<1x16xf32>,
      %slice3A_516 = vector.extract_strided_slice %get3A_506 {offsets = [1], sizes = [1], strides = [1]} : vector<16xf32> to vector<1xf32>
      %squeeze3A_517 = vector.extract %slice3A_516[0] : f32 from vector<1xf32>
      %add3A_518 = vector.broadcast %squeeze3A_517 : f32 to vector<1x16xf32>
      %add3A_519 = arith.addf %broadcast_in_dim3A_1, %add3A_518 : vector<1x16xf32>
      %swap3A_520 = arith.constant 33 : index
      %swap3A_521 = arith.constant 0 : index
      %swap3A_522 = tpu.vector_load %arg11[%swap3A_520, %swap3A_521] {strides = array<i32>} : memref<64x16xf32, #tpu.memory_space<vmem>>, vector<1x16xf32>,
      %swap3A_523 = vector.shape_cast %swap3A_522 : vector<1x16xf32> to vector<1x16xf32>
      %swap3A_524 = vector.shape_cast %add3A_519 : vector<1x16xf32> to vector<1x16xf32>
      tpu.vector_store %arg11[%swap3A_520, %swap3A_521], %swap3A_524 {strides = array<i32>} : memref<64x16xf32, #tpu.memory_space<vmem>>, vector<1x16xf32>,
      %slice3A_525 = vector.extract_strided_slice %get3A_506 {offsets = [2], sizes = [1], strides = [1]} : vector<16xf32> to vector<1xf32>
      %squeeze3A_526 = vector.extract %slice3A_525[0] : f32 from vector<1xf32>
      %add3A_527 = vector.broadcast %squeeze3A_526 : f32 to vector<1x16xf32>
      %add3A_528 = arith.addf %broadcast_in_dim3A_1, %add3A_527 : vector<1x16xf32>
      %swap3A_529 = arith.constant 34 : index
      %swap3A_530 = arith.constant 0 : index
      %swap3A_531 = tpu.vector_load %arg11[%swap3A_529, %swap3A_530] {strides = array<i32>} : memref<64x16xf32, #tpu.memory_space<vmem>>, vector<1x16xf32>,
      %swap3A_532 = vector.shape_cast %swap3A_531 : vector<1x16xf32> to vector<1x16xf32>
      %swap3A_533 = vector.shape_cast %add3A_528 : vector<1x16xf32> to vector<1x16xf32>
      tpu.vector_store %arg11[%swap3A_529, %swap3A_530], %swap3A_533 {strides = array<i32>} : memref<64x16xf32, #tpu.memory_space<vmem>>, vector<1x16xf32>,
      %slice3A_534 = vector.extract_strided_slice %get3A_506 {offsets = [3], sizes = [1], strides = [1]} : vector<16xf32> to vector<1xf32>
      %squeeze3A_535 = vector.extract %slice3A_534[0] : f32 from vector<1xf32>
      %add3A_536 = vector.broadcast %squeeze3A_535 : f32 to vector<1x16xf32>
      %add3A_537 = arith.addf %broadcast_in_dim3A_1, %add3A_536 : vector<1x16xf32>
      %swap3A_538 = arith.constant 35 : index
      %swap3A_539 = arith.constant 0 : index
      %swap3A_540 = tpu.vector_load %arg11[%swap3A_538, %swap3A_539] {strides = array<i32>} : memref<64x16xf32, #tpu.memory_space<vmem>>, vector<1x16xf32>,
      %swap3A_541 = vector.shape_cast %swap3A_540 : vector<1x16xf32> to vector<1x16xf32>
      %swap3A_542 = vector.shape_cast %add3A_537 : vector<1x16xf32> to vector<1x16xf32>
      tpu.vector_store %arg11[%swap3A_538, %swap3A_539], %swap3A_542 {strides = array<i32>} : memref<64x16xf32, #tpu.memory_space<vmem>>, vector<1x16xf32>,
      %slice3A_543 = vector.extract_strided_slice %get3A_506 {offsets = [4], sizes = [1], strides = [1]} : vector<16xf32> to vector<1xf32>
      %squeeze3A_544 = vector.extract %slice3A_543[0] : f32 from vector<1xf32>
      %add3A_545 = vector.broadcast %squeeze3A_544 : f32 to vector<1x16xf32>
      %add3A_546 = arith.addf %broadcast_in_dim3A_1, %add3A_545 : vector<1x16xf32>
      %swap3A_547 = arith.constant 36 : index
      %swap3A_548 = arith.constant 0 : index
      %swap3A_549 = tpu.vector_load %arg11[%swap3A_547, %swap3A_548] {strides = array<i32>} : memref<64x16xf32, #tpu.memory_space<vmem>>, vector<1x16xf32>,
      %swap3A_550 = vector.shape_cast %swap3A_549 : vector<1x16xf32> to vector<1x16xf32>
      %swap3A_551 = vector.shape_cast %add3A_546 : vector<1x16xf32> to vector<1x16xf32>
      tpu.vector_store %arg11[%swap3A_547, %swap3A_548], %swap3A_551 {strides = array<i32>} : memref<64x16xf32, #tpu.memory_space<vmem>>, vector<1x16xf32>,
      %slice3A_552 = vector.extract_strided_slice %get3A_506 {offsets = [5], sizes = [1], strides = [1]} : vector<16xf32> to vector<1xf32>
      %squeeze3A_553 = vector.extract %slice3A_552[0] : f32 from vector<1xf32>
      %add3A_554 = vector.broadcast %squeeze3A_553 : f32 to vector<1x16xf32>
      %add3A_555 = arith.addf %broadcast_in_dim3A_1, %add3A_554 : vector<1x16xf32>
      %swap3A_556 = arith.constant 37 : index
      %swap3A_557 = arith.constant 0 : index
      %swap3A_558 = tpu.vector_load %arg11[%swap3A_556, %swap3A_557] {strides = array<i32>} : memref<64x16xf32, #tpu.memory_space<vmem>>, vector<1x16xf32>,
      %swap3A_559 = vector.shape_cast %swap3A_558 : vector<1x16xf32> to vector<1x16xf32>
      %swap3A_560 = vector.shape_cast %add3A_555 : vector<1x16xf32> to vector<1x16xf32>
      tpu.vector_store %arg11[%swap3A_556, %swap3A_557], %swap3A_560 {strides = array<i32>} : memref<64x16xf32, #tpu.memory_space<vmem>>, vector<1x16xf32>,
      %slice3A_561 = vector.extract_strided_slice %get3A_506 {offsets = [6], sizes = [1], strides = [1]} : vector<16xf32> to vector<1xf32>
      %squeeze3A_562 = vector.extract %slice3A_561[0] : f32 from vector<1xf32>
      %add3A_563 = vector.broadcast %squeeze3A_562 : f32 to vector<1x16xf32>
      %add3A_564 = arith.addf %broadcast_in_dim3A_1, %add3A_563 : vector<1x16xf32>
      %swap3A_565 = arith.constant 38 : index
      %swap3A_566 = arith.constant 0 : index
      %swap3A_567 = tpu.vector_load %arg11[%swap3A_565, %swap3A_566] {strides = array<i32>} : memref<64x16xf32, #tpu.memory_space<vmem>>, vector<1x16xf32>,
      %swap3A_568 = vector.shape_cast %swap3A_567 : vector<1x16xf32> to vector<1x16xf32>
      %swap3A_569 = vector.shape_cast %add3A_564 : vector<1x16xf32> to vector<1x16xf32>
      tpu.vector_store %arg11[%swap3A_565, %swap3A_566], %swap3A_569 {strides = array<i32>} : memref<64x16xf32, #tpu.memory_space<vmem>>, vector<1x16xf32>,
      %slice3A_570 = vector.extract_strided_slice %get3A_506 {offsets = [7], sizes = [1], strides = [1]} : vector<16xf32> to vector<1xf32>
      %squeeze3A_571 = vector.extract %slice3A_570[0] : f32 from vector<1xf32>
      %add3A_572 = vector.broadcast %squeeze3A_571 : f32 to vector<1x16xf32>
      %add3A_573 = arith.addf %broadcast_in_dim3A_1, %add3A_572 : vector<1x16xf32>
      %swap3A_574 = arith.constant 39 : index
      %swap3A_575 = arith.constant 0 : index
      %swap3A_576 = tpu.vector_load %arg11[%swap3A_574, %swap3A_575] {strides = array<i32>} : memref<64x16xf32, #tpu.memory_space<vmem>>, vector<1x16xf32>,
      %swap3A_577 = vector.shape_cast %swap3A_576 : vector<1x16xf32> to vector<1x16xf32>
      %swap3A_578 = vector.shape_cast %add3A_573 : vector<1x16xf32> to vector<1x16xf32>
      tpu.vector_store %arg11[%swap3A_574, %swap3A_575], %swap3A_578 {strides = array<i32>} : memref<64x16xf32, #tpu.memory_space<vmem>>, vector<1x16xf32>,
      %slice3A_579 = vector.extract_strided_slice %get3A_506 {offsets = [8], sizes = [1], strides = [1]} : vector<16xf32> to vector<1xf32>
      %squeeze3A_580 = vector.extract %slice3A_579[0] : f32 from vector<1xf32>
      %add3A_581 = vector.broadcast %squeeze3A_580 : f32 to vector<1x16xf32>
      %add3A_582 = arith.addf %broadcast_in_dim3A_1, %add3A_581 : vector<1x16xf32>
      %swap3A_583 = arith.constant 40 : index
      %swap3A_584 = arith.constant 0 : index
      %swap3A_585 = tpu.vector_load %arg11[%swap3A_583, %swap3A_584] {strides = array<i32>} : memref<64x16xf32, #tpu.memory_space<vmem>>, vector<1x16xf32>,
      %swap3A_586 = vector.shape_cast %swap3A_585 : vector<1x16xf32> to vector<1x16xf32>
      %swap3A_587 = vector.shape_cast %add3A_582 : vector<1x16xf32> to vector<1x16xf32>
      tpu.vector_store %arg11[%swap3A_583, %swap3A_584], %swap3A_587 {strides = array<i32>} : memref<64x16xf32, #tpu.memory_space<vmem>>, vector<1x16xf32>,
      %slice3A_588 = vector.extract_strided_slice %get3A_506 {offsets = [9], sizes = [1], strides = [1]} : vector<16xf32> to vector<1xf32>
      %squeeze3A_589 = vector.extract %slice3A_588[0] : f32 from vector<1xf32>
      %add3A_590 = vector.broadcast %squeeze3A_589 : f32 to vector<1x16xf32>
      %add3A_591 = arith.addf %broadcast_in_dim3A_1, %add3A_590 : vector<1x16xf32>
      %swap3A_592 = arith.constant 41 : index
      %swap3A_593 = arith.constant 0 : index
      %swap3A_594 = tpu.vector_load %arg11[%swap3A_592, %swap3A_593] {strides = array<i32>} : memref<64x16xf32, #tpu.memory_space<vmem>>, vector<1x16xf32>,
      %swap3A_595 = vector.shape_cast %swap3A_594 : vector<1x16xf32> to vector<1x16xf32>
      %swap3A_596 = vector.shape_cast %add3A_591 : vector<1x16xf32> to vector<1x16xf32>
      tpu.vector_store %arg11[%swap3A_592, %swap3A_593], %swap3A_596 {strides = array<i32>} : memref<64x16xf32, #tpu.memory_space<vmem>>, vector<1x16xf32>,
      %slice3A_597 = vector.extract_strided_slice %get3A_506 {offsets = [10], sizes = [1], strides = [1]} : vector<16xf32> to vector<1xf32>
      %squeeze3A_598 = vector.extract %slice3A_597[0] : f32 from vector<1xf32>
      %add3A_599 = vector.broadcast %squeeze3A_598 : f32 to vector<1x16xf32>
      %add3A_600 = arith.addf %broadcast_in_dim3A_1, %add3A_599 : vector<1x16xf32>
      %swap3A_601 = arith.constant 42 : index
      %swap3A_602 = arith.constant 0 : index
      %swap3A_603 = tpu.vector_load %arg11[%swap3A_601, %swap3A_602] {strides = array<i32>} : memref<64x16xf32, #tpu.memory_space<vmem>>, vector<1x16xf32>,
      %swap3A_604 = vector.shape_cast %swap3A_603 : vector<1x16xf32> to vector<1x16xf32>
      %swap3A_605 = vector.shape_cast %add3A_600 : vector<1x16xf32> to vector<1x16xf32>
      tpu.vector_store %arg11[%swap3A_601, %swap3A_602], %swap3A_605 {strides = array<i32>} : memref<64x16xf32, #tpu.memory_space<vmem>>, vector<1x16xf32>,
      %slice3A_606 = vector.extract_strided_slice %get3A_506 {offsets = [11], sizes = [1], strides = [1]} : vector<16xf32> to vector<1xf32>
      %squeeze3A_607 = vector.extract %slice3A_606[0] : f32 from vector<1xf32>
      %add3A_608 = vector.broadcast %squeeze3A_607 : f32 to vector<1x16xf32>
      %add3A_609 = arith.addf %broadcast_in_dim3A_1, %add3A_608 : vector<1x16xf32>
      %swap3A_610 = arith.constant 43 : index
      %swap3A_611 = arith.constant 0 : index
      %swap3A_612 = tpu.vector_load %arg11[%swap3A_610, %swap3A_611] {strides = array<i32>} : memref<64x16xf32, #tpu.memory_space<vmem>>, vector<1x16xf32>,
      %swap3A_613 = vector.shape_cast %swap3A_612 : vector<1x16xf32> to vector<1x16xf32>
      %swap3A_614 = vector.shape_cast %add3A_609 : vector<1x16xf32> to vector<1x16xf32>
      tpu.vector_store %arg11[%swap3A_610, %swap3A_611], %swap3A_614 {strides = array<i32>} : memref<64x16xf32, #tpu.memory_space<vmem>>, vector<1x16xf32>,
      %slice3A_615 = vector.extract_strided_slice %get3A_506 {offsets = [12], sizes = [1], strides = [1]} : vector<16xf32> to vector<1xf32>
      %squeeze3A_616 = vector.extract %slice3A_615[0] : f32 from vector<1xf32>
      %add3A_617 = vector.broadcast %squeeze3A_616 : f32 to vector<1x16xf32>
      %add3A_618 = arith.addf %broadcast_in_dim3A_1, %add3A_617 : vector<1x16xf32>
      %swap3A_619 = arith.constant 44 : index
      %swap3A_620 = arith.constant 0 : index
      %swap3A_621 = tpu.vector_load %arg11[%swap3A_619, %swap3A_620] {strides = array<i32>} : memref<64x16xf32, #tpu.memory_space<vmem>>, vector<1x16xf32>,
      %swap3A_622 = vector.shape_cast %swap3A_621 : vector<1x16xf32> to vector<1x16xf32>
      %swap3A_623 = vector.shape_cast %add3A_618 : vector<1x16xf32> to vector<1x16xf32>
      tpu.vector_store %arg11[%swap3A_619, %swap3A_620], %swap3A_623 {strides = array<i32>} : memref<64x16xf32, #tpu.memory_space<vmem>>, vector<1x16xf32>,
      %slice3A_624 = vector.extract_strided_slice %get3A_506 {offsets = [13], sizes = [1], strides = [1]} : vector<16xf32> to vector<1xf32>
      %squeeze3A_625 = vector.extract %slice3A_624[0] : f32 from vector<1xf32>
      %add3A_626 = vector.broadcast %squeeze3A_625 : f32 to vector<1x16xf32>
      %add3A_627 = arith.addf %broadcast_in_dim3A_1, %add3A_626 : vector<1x16xf32>
      %swap3A_628 = arith.constant 45 : index
      %swap3A_629 = arith.constant 0 : index
      %swap3A_630 = tpu.vector_load %arg11[%swap3A_628, %swap3A_629] {strides = array<i32>} : memref<64x16xf32, #tpu.memory_space<vmem>>, vector<1x16xf32>,
      %swap3A_631 = vector.shape_cast %swap3A_630 : vector<1x16xf32> to vector<1x16xf32>
      %swap3A_632 = vector.shape_cast %add3A_627 : vector<1x16xf32> to vector<1x16xf32>
      tpu.vector_store %arg11[%swap3A_628, %swap3A_629], %swap3A_632 {strides = array<i32>} : memref<64x16xf32, #tpu.memory_space<vmem>>, vector<1x16xf32>,
      %slice3A_633 = vector.extract_strided_slice %get3A_506 {offsets = [14], sizes = [1], strides = [1]} : vector<16xf32> to vector<1xf32>
      %squeeze3A_634 = vector.extract %slice3A_633[0] : f32 from vector<1xf32>
      %add3A_635 = vector.broadcast %squeeze3A_634 : f32 to vector<1x16xf32>
      %add3A_636 = arith.addf %broadcast_in_dim3A_1, %add3A_635 : vector<1x16xf32>
      %swap3A_637 = arith.constant 46 : index
      %swap3A_638 = arith.constant 0 : index
      %swap3A_639 = tpu.vector_load %arg11[%swap3A_637, %swap3A_638] {strides = array<i32>} : memref<64x16xf32, #tpu.memory_space<vmem>>, vector<1x16xf32>,
      %swap3A_640 = vector.shape_cast %swap3A_639 : vector<1x16xf32> to vector<1x16xf32>
      %swap3A_641 = vector.shape_cast %add3A_636 : vector<1x16xf32> to vector<1x16xf32>
      tpu.vector_store %arg11[%swap3A_637, %swap3A_638], %swap3A_641 {strides = array<i32>} : memref<64x16xf32, #tpu.memory_space<vmem>>, vector<1x16xf32>,
      %slice3A_642 = vector.extract_strided_slice %get3A_506 {offsets = [15], sizes = [1], strides = [1]} : vector<16xf32> to vector<1xf32>
      %squeeze3A_643 = vector.extract %slice3A_642[0] : f32 from vector<1xf32>
      %add3A_644 = vector.broadcast %squeeze3A_643 : f32 to vector<1x16xf32>
      %add3A_645 = arith.addf %broadcast_in_dim3A_1, %add3A_644 : vector<1x16xf32>
      %swap3A_646 = arith.constant 47 : index
      %swap3A_647 = arith.constant 0 : index
      %swap3A_648 = tpu.vector_load %arg11[%swap3A_646, %swap3A_647] {strides = array<i32>} : memref<64x16xf32, #tpu.memory_space<vmem>>, vector<1x16xf32>,
      %swap3A_649 = vector.shape_cast %swap3A_648 : vector<1x16xf32> to vector<1x16xf32>
      %swap3A_650 = vector.shape_cast %add3A_645 : vector<1x16xf32> to vector<1x16xf32>
      tpu.vector_store %arg11[%swap3A_646, %swap3A_647], %swap3A_650 {strides = array<i32>} : memref<64x16xf32, #tpu.memory_space<vmem>>, vector<1x16xf32>,
      %add3A_651 = arith.constant 48 : i32
      %add3A_652 = arith.addi %mul3A_203, %add3A_651 : i32
      %get3A_653 = arith.index_cast %add3A_652 : i32 to index
      %get3A_654 = tpu.vector_load %arg7[%get3A_653] {strides = array<i32>} : memref<5016xf32, #tpu.memory_space<vmem>>, vector<16xf32>,
      %get3A_655 = vector.shape_cast %get3A_654 : vector<16xf32> to vector<16xf32>
      %slice3A_656 = vector.extract_strided_slice %get3A_655 {offsets = [0], sizes = [1], strides = [1]} : vector<16xf32> to vector<1xf32>
      %squeeze3A_657 = vector.extract %slice3A_656[0] : f32 from vector<1xf32>
      %add3A_658 = vector.broadcast %squeeze3A_657 : f32 to vector<1x16xf32>
      %add3A_659 = arith.addf %broadcast_in_dim3A_1, %add3A_658 : vector<1x16xf32>
      %swap3A_660 = arith.constant 48 : index
      %swap3A_661 = arith.constant 0 : index
      %swap3A_662 = tpu.vector_load %arg11[%swap3A_660, %swap3A_661] {strides = array<i32>} : memref<64x16xf32, #tpu.memory_space<vmem>>, vector<1x16xf32>,
      %swap3A_663 = vector.shape_cast %swap3A_662 : vector<1x16xf32> to vector<1x16xf32>
      %swap3A_664 = vector.shape_cast %add3A_659 : vector<1x16xf32> to vector<1x16xf32>
      tpu.vector_store %arg11[%swap3A_660, %swap3A_661], %swap3A_664 {strides = array<i32>} : memref<64x16xf32, #tpu.memory_space<vmem>>, vector<1x16xf32>,
      %slice3A_665 = vector.extract_strided_slice %get3A_655 {offsets = [1], sizes = [1], strides = [1]} : vector<16xf32> to vector<1xf32>
      %squeeze3A_666 = vector.extract %slice3A_665[0] : f32 from vector<1xf32>
      %add3A_667 = vector.broadcast %squeeze3A_666 : f32 to vector<1x16xf32>
      %add3A_668 = arith.addf %broadcast_in_dim3A_1, %add3A_667 : vector<1x16xf32>
      %swap3A_669 = arith.constant 49 : index
      %swap3A_670 = arith.constant 0 : index
      %swap3A_671 = tpu.vector_load %arg11[%swap3A_669, %swap3A_670] {strides = array<i32>} : memref<64x16xf32, #tpu.memory_space<vmem>>, vector<1x16xf32>,
      %swap3A_672 = vector.shape_cast %swap3A_671 : vector<1x16xf32> to vector<1x16xf32>
      %swap3A_673 = vector.shape_cast %add3A_668 : vector<1x16xf32> to vector<1x16xf32>
      tpu.vector_store %arg11[%swap3A_669, %swap3A_670], %swap3A_673 {strides = array<i32>} : memref<64x16xf32, #tpu.memory_space<vmem>>, vector<1x16xf32>,
      %slice3A_674 = vector.extract_strided_slice %get3A_655 {offsets = [2], sizes = [1], strides = [1]} : vector<16xf32> to vector<1xf32>
      %squeeze3A_675 = vector.extract %slice3A_674[0] : f32 from vector<1xf32>
      %add3A_676 = vector.broadcast %squeeze3A_675 : f32 to vector<1x16xf32>
      %add3A_677 = arith.addf %broadcast_in_dim3A_1, %add3A_676 : vector<1x16xf32>
      %swap3A_678 = arith.constant 50 : index
      %swap3A_679 = arith.constant 0 : index
      %swap3A_680 = tpu.vector_load %arg11[%swap3A_678, %swap3A_679] {strides = array<i32>} : memref<64x16xf32, #tpu.memory_space<vmem>>, vector<1x16xf32>,
      %swap3A_681 = vector.shape_cast %swap3A_680 : vector<1x16xf32> to vector<1x16xf32>
      %swap3A_682 = vector.shape_cast %add3A_677 : vector<1x16xf32> to vector<1x16xf32>
      tpu.vector_store %arg11[%swap3A_678, %swap3A_679], %swap3A_682 {strides = array<i32>} : memref<64x16xf32, #tpu.memory_space<vmem>>, vector<1x16xf32>,
      %slice3A_683 = vector.extract_strided_slice %get3A_655 {offsets = [3], sizes = [1], strides = [1]} : vector<16xf32> to vector<1xf32>
      %squeeze3A_684 = vector.extract %slice3A_683[0] : f32 from vector<1xf32>
      %add3A_685 = vector.broadcast %squeeze3A_684 : f32 to vector<1x16xf32>
      %add3A_686 = arith.addf %broadcast_in_dim3A_1, %add3A_685 : vector<1x16xf32>
      %swap3A_687 = arith.constant 51 : index
      %swap3A_688 = arith.constant 0 : index
      %swap3A_689 = tpu.vector_load %arg11[%swap3A_687, %swap3A_688] {strides = array<i32>} : memref<64x16xf32, #tpu.memory_space<vmem>>, vector<1x16xf32>,
      %swap3A_690 = vector.shape_cast %swap3A_689 : vector<1x16xf32> to vector<1x16xf32>
      %swap3A_691 = vector.shape_cast %add3A_686 : vector<1x16xf32> to vector<1x16xf32>
      tpu.vector_store %arg11[%swap3A_687, %swap3A_688], %swap3A_691 {strides = array<i32>} : memref<64x16xf32, #tpu.memory_space<vmem>>, vector<1x16xf32>,
      %slice3A_692 = vector.extract_strided_slice %get3A_655 {offsets = [4], sizes = [1], strides = [1]} : vector<16xf32> to vector<1xf32>
      %squeeze3A_693 = vector.extract %slice3A_692[0] : f32 from vector<1xf32>
      %add3A_694 = vector.broadcast %squeeze3A_693 : f32 to vector<1x16xf32>
      %add3A_695 = arith.addf %broadcast_in_dim3A_1, %add3A_694 : vector<1x16xf32>
      %swap3A_696 = arith.constant 52 : index
      %swap3A_697 = arith.constant 0 : index
      %swap3A_698 = tpu.vector_load %arg11[%swap3A_696, %swap3A_697] {strides = array<i32>} : memref<64x16xf32, #tpu.memory_space<vmem>>, vector<1x16xf32>,
      %swap3A_699 = vector.shape_cast %swap3A_698 : vector<1x16xf32> to vector<1x16xf32>
      %swap3A_700 = vector.shape_cast %add3A_695 : vector<1x16xf32> to vector<1x16xf32>
      tpu.vector_store %arg11[%swap3A_696, %swap3A_697], %swap3A_700 {strides = array<i32>} : memref<64x16xf32, #tpu.memory_space<vmem>>, vector<1x16xf32>,
      %slice3A_701 = vector.extract_strided_slice %get3A_655 {offsets = [5], sizes = [1], strides = [1]} : vector<16xf32> to vector<1xf32>
      %squeeze3A_702 = vector.extract %slice3A_701[0] : f32 from vector<1xf32>
      %add3A_703 = vector.broadcast %squeeze3A_702 : f32 to vector<1x16xf32>
      %add3A_704 = arith.addf %broadcast_in_dim3A_1, %add3A_703 : vector<1x16xf32>
      %swap3A_705 = arith.constant 53 : index
      %swap3A_706 = arith.constant 0 : index
      %swap3A_707 = tpu.vector_load %arg11[%swap3A_705, %swap3A_706] {strides = array<i32>} : memref<64x16xf32, #tpu.memory_space<vmem>>, vector<1x16xf32>,
      %swap3A_708 = vector.shape_cast %swap3A_707 : vector<1x16xf32> to vector<1x16xf32>
      %swap3A_709 = vector.shape_cast %add3A_704 : vector<1x16xf32> to vector<1x16xf32>
      tpu.vector_store %arg11[%swap3A_705, %swap3A_706], %swap3A_709 {strides = array<i32>} : memref<64x16xf32, #tpu.memory_space<vmem>>, vector<1x16xf32>,
      %slice3A_710 = vector.extract_strided_slice %get3A_655 {offsets = [6], sizes = [1], strides = [1]} : vector<16xf32> to vector<1xf32>
      %squeeze3A_711 = vector.extract %slice3A_710[0] : f32 from vector<1xf32>
      %add3A_712 = vector.broadcast %squeeze3A_711 : f32 to vector<1x16xf32>
      %add3A_713 = arith.addf %broadcast_in_dim3A_1, %add3A_712 : vector<1x16xf32>
      %swap3A_714 = arith.constant 54 : index
      %swap3A_715 = arith.constant 0 : index
      %swap3A_716 = tpu.vector_load %arg11[%swap3A_714, %swap3A_715] {strides = array<i32>} : memref<64x16xf32, #tpu.memory_space<vmem>>, vector<1x16xf32>,
      %swap3A_717 = vector.shape_cast %swap3A_716 : vector<1x16xf32> to vector<1x16xf32>
      %swap3A_718 = vector.shape_cast %add3A_713 : vector<1x16xf32> to vector<1x16xf32>
      tpu.vector_store %arg11[%swap3A_714, %swap3A_715], %swap3A_718 {strides = array<i32>} : memref<64x16xf32, #tpu.memory_space<vmem>>, vector<1x16xf32>,
      %slice3A_719 = vector.extract_strided_slice %get3A_655 {offsets = [7], sizes = [1], strides = [1]} : vector<16xf32> to vector<1xf32>
      %squeeze3A_720 = vector.extract %slice3A_719[0] : f32 from vector<1xf32>
      %add3A_721 = vector.broadcast %squeeze3A_720 : f32 to vector<1x16xf32>
      %add3A_722 = arith.addf %broadcast_in_dim3A_1, %add3A_721 : vector<1x16xf32>
      %swap3A_723 = arith.constant 55 : index
      %swap3A_724 = arith.constant 0 : index
      %swap3A_725 = tpu.vector_load %arg11[%swap3A_723, %swap3A_724] {strides = array<i32>} : memref<64x16xf32, #tpu.memory_space<vmem>>, vector<1x16xf32>,
      %swap3A_726 = vector.shape_cast %swap3A_725 : vector<1x16xf32> to vector<1x16xf32>
      %swap3A_727 = vector.shape_cast %add3A_722 : vector<1x16xf32> to vector<1x16xf32>
      tpu.vector_store %arg11[%swap3A_723, %swap3A_724], %swap3A_727 {strides = array<i32>} : memref<64x16xf32, #tpu.memory_space<vmem>>, vector<1x16xf32>,
      %slice3A_728 = vector.extract_strided_slice %get3A_655 {offsets = [8], sizes = [1], strides = [1]} : vector<16xf32> to vector<1xf32>
      %squeeze3A_729 = vector.extract %slice3A_728[0] : f32 from vector<1xf32>
      %add3A_730 = vector.broadcast %squeeze3A_729 : f32 to vector<1x16xf32>
      %add3A_731 = arith.addf %broadcast_in_dim3A_1, %add3A_730 : vector<1x16xf32>
      %swap3A_732 = arith.constant 56 : index
      %swap3A_733 = arith.constant 0 : index
      %swap3A_734 = tpu.vector_load %arg11[%swap3A_732, %swap3A_733] {strides = array<i32>} : memref<64x16xf32, #tpu.memory_space<vmem>>, vector<1x16xf32>,
      %swap3A_735 = vector.shape_cast %swap3A_734 : vector<1x16xf32> to vector<1x16xf32>
      %swap3A_736 = vector.shape_cast %add3A_731 : vector<1x16xf32> to vector<1x16xf32>
      tpu.vector_store %arg11[%swap3A_732, %swap3A_733], %swap3A_736 {strides = array<i32>} : memref<64x16xf32, #tpu.memory_space<vmem>>, vector<1x16xf32>,
      %slice3A_737 = vector.extract_strided_slice %get3A_655 {offsets = [9], sizes = [1], strides = [1]} : vector<16xf32> to vector<1xf32>
      %squeeze3A_738 = vector.extract %slice3A_737[0] : f32 from vector<1xf32>
      %add3A_739 = vector.broadcast %squeeze3A_738 : f32 to vector<1x16xf32>
      %add3A_740 = arith.addf %broadcast_in_dim3A_1, %add3A_739 : vector<1x16xf32>
      %swap3A_741 = arith.constant 57 : index
      %swap3A_742 = arith.constant 0 : index
      %swap3A_743 = tpu.vector_load %arg11[%swap3A_741, %swap3A_742] {strides = array<i32>} : memref<64x16xf32, #tpu.memory_space<vmem>>, vector<1x16xf32>,
      %swap3A_744 = vector.shape_cast %swap3A_743 : vector<1x16xf32> to vector<1x16xf32>
      %swap3A_745 = vector.shape_cast %add3A_740 : vector<1x16xf32> to vector<1x16xf32>
      tpu.vector_store %arg11[%swap3A_741, %swap3A_742], %swap3A_745 {strides = array<i32>} : memref<64x16xf32, #tpu.memory_space<vmem>>, vector<1x16xf32>,
      %slice3A_746 = vector.extract_strided_slice %get3A_655 {offsets = [10], sizes = [1], strides = [1]} : vector<16xf32> to vector<1xf32>
      %squeeze3A_747 = vector.extract %slice3A_746[0] : f32 from vector<1xf32>
      %add3A_748 = vector.broadcast %squeeze3A_747 : f32 to vector<1x16xf32>
      %add3A_749 = arith.addf %broadcast_in_dim3A_1, %add3A_748 : vector<1x16xf32>
      %swap3A_750 = arith.constant 58 : index
      %swap3A_751 = arith.constant 0 : index
      %swap3A_752 = tpu.vector_load %arg11[%swap3A_750, %swap3A_751] {strides = array<i32>} : memref<64x16xf32, #tpu.memory_space<vmem>>, vector<1x16xf32>,
      %swap3A_753 = vector.shape_cast %swap3A_752 : vector<1x16xf32> to vector<1x16xf32>
      %swap3A_754 = vector.shape_cast %add3A_749 : vector<1x16xf32> to vector<1x16xf32>
      tpu.vector_store %arg11[%swap3A_750, %swap3A_751], %swap3A_754 {strides = array<i32>} : memref<64x16xf32, #tpu.memory_space<vmem>>, vector<1x16xf32>,
      %slice3A_755 = vector.extract_strided_slice %get3A_655 {offsets = [11], sizes = [1], strides = [1]} : vector<16xf32> to vector<1xf32>
      %squeeze3A_756 = vector.extract %slice3A_755[0] : f32 from vector<1xf32>
      %add3A_757 = vector.broadcast %squeeze3A_756 : f32 to vector<1x16xf32>
      %add3A_758 = arith.addf %broadcast_in_dim3A_1, %add3A_757 : vector<1x16xf32>
      %swap3A_759 = arith.constant 59 : index
      %swap3A_760 = arith.constant 0 : index
      %swap3A_761 = tpu.vector_load %arg11[%swap3A_759, %swap3A_760] {strides = array<i32>} : memref<64x16xf32, #tpu.memory_space<vmem>>, vector<1x16xf32>,
      %swap3A_762 = vector.shape_cast %swap3A_761 : vector<1x16xf32> to vector<1x16xf32>
      %swap3A_763 = vector.shape_cast %add3A_758 : vector<1x16xf32> to vector<1x16xf32>
      tpu.vector_store %arg11[%swap3A_759, %swap3A_760], %swap3A_763 {strides = array<i32>} : memref<64x16xf32, #tpu.memory_space<vmem>>, vector<1x16xf32>,
      %slice3A_764 = vector.extract_strided_slice %get3A_655 {offsets = [12], sizes = [1], strides = [1]} : vector<16xf32> to vector<1xf32>
      %squeeze3A_765 = vector.extract %slice3A_764[0] : f32 from vector<1xf32>
      %add3A_766 = vector.broadcast %squeeze3A_765 : f32 to vector<1x16xf32>
      %add3A_767 = arith.addf %broadcast_in_dim3A_1, %add3A_766 : vector<1x16xf32>
      %swap3A_768 = arith.constant 60 : index
      %swap3A_769 = arith.constant 0 : index
      %swap3A_770 = tpu.vector_load %arg11[%swap3A_768, %swap3A_769] {strides = array<i32>} : memref<64x16xf32, #tpu.memory_space<vmem>>, vector<1x16xf32>,
      %swap3A_771 = vector.shape_cast %swap3A_770 : vector<1x16xf32> to vector<1x16xf32>
      %swap3A_772 = vector.shape_cast %add3A_767 : vector<1x16xf32> to vector<1x16xf32>
      tpu.vector_store %arg11[%swap3A_768, %swap3A_769], %swap3A_772 {strides = array<i32>} : memref<64x16xf32, #tpu.memory_space<vmem>>, vector<1x16xf32>,
      %slice3A_773 = vector.extract_strided_slice %get3A_655 {offsets = [13], sizes = [1], strides = [1]} : vector<16xf32> to vector<1xf32>
      %squeeze3A_774 = vector.extract %slice3A_773[0] : f32 from vector<1xf32>
      %add3A_775 = vector.broadcast %squeeze3A_774 : f32 to vector<1x16xf32>
      %add3A_776 = arith.addf %broadcast_in_dim3A_1, %add3A_775 : vector<1x16xf32>
      %swap3A_777 = arith.constant 61 : index
      %swap3A_778 = arith.constant 0 : index
      %swap3A_779 = tpu.vector_load %arg11[%swap3A_777, %swap3A_778] {strides = array<i32>} : memref<64x16xf32, #tpu.memory_space<vmem>>, vector<1x16xf32>,
      %swap3A_780 = vector.shape_cast %swap3A_779 : vector<1x16xf32> to vector<1x16xf32>
      %swap3A_781 = vector.shape_cast %add3A_776 : vector<1x16xf32> to vector<1x16xf32>
      tpu.vector_store %arg11[%swap3A_777, %swap3A_778], %swap3A_781 {strides = array<i32>} : memref<64x16xf32, #tpu.memory_space<vmem>>, vector<1x16xf32>,
      %slice3A_782 = vector.extract_strided_slice %get3A_655 {offsets = [14], sizes = [1], strides = [1]} : vector<16xf32> to vector<1xf32>
      %squeeze3A_783 = vector.extract %slice3A_782[0] : f32 from vector<1xf32>
      %add3A_784 = vector.broadcast %squeeze3A_783 : f32 to vector<1x16xf32>
      %add3A_785 = arith.addf %broadcast_in_dim3A_1, %add3A_784 : vector<1x16xf32>
      %swap3A_786 = arith.constant 62 : index
      %swap3A_787 = arith.constant 0 : index
      %swap3A_788 = tpu.vector_load %arg11[%swap3A_786, %swap3A_787] {strides = array<i32>} : memref<64x16xf32, #tpu.memory_space<vmem>>, vector<1x16xf32>,
      %swap3A_789 = vector.shape_cast %swap3A_788 : vector<1x16xf32> to vector<1x16xf32>
      %swap3A_790 = vector.shape_cast %add3A_785 : vector<1x16xf32> to vector<1x16xf32>
      tpu.vector_store %arg11[%swap3A_786, %swap3A_787], %swap3A_790 {strides = array<i32>} : memref<64x16xf32, #tpu.memory_space<vmem>>, vector<1x16xf32>,
      %slice3A_791 = vector.extract_strided_slice %get3A_655 {offsets = [15], sizes = [1], strides = [1]} : vector<16xf32> to vector<1xf32>
      %squeeze3A_792 = vector.extract %slice3A_791[0] : f32 from vector<1xf32>
      %add3A_793 = vector.broadcast %squeeze3A_792 : f32 to vector<1x16xf32>
      %add3A_794 = arith.addf %broadcast_in_dim3A_1, %add3A_793 : vector<1x16xf32>
      %swap3A_795 = arith.constant 63 : index
      %swap3A_796 = arith.constant 0 : index
      %swap3A_797 = tpu.vector_load %arg11[%swap3A_795, %swap3A_796] {strides = array<i32>} : memref<64x16xf32, #tpu.memory_space<vmem>>, vector<1x16xf32>,
      %swap3A_798 = vector.shape_cast %swap3A_797 : vector<1x16xf32> to vector<1x16xf32>
      %swap3A_799 = vector.shape_cast %add3A_794 : vector<1x16xf32> to vector<1x16xf32>
      tpu.vector_store %arg11[%swap3A_795, %swap3A_796], %swap3A_799 {strides = array<i32>} : memref<64x16xf32, #tpu.memory_space<vmem>>, vector<1x16xf32>,
      %scan3A_800 = arith.constant 0 : i32
      %scan3A_801 = arith.constant 0 : i32
      %scan3A_802 = arith.constant 64 : i32
      %scan3A_803 = arith.addi %scan3A_801, %scan3A_802 : i32
      %scan3A_804 = arith.constant 1 : i32
      %scan3A_805 = scf.for %scan3A_1438 = %scan3A_801 to %scan3A_803 step %scan3A_804 iter_args(%scan3A_1439 = %scan3A_800) -> (i32)  : i32 {
        %get3A_1440 = arith.index_cast %scan3A_1438 : i32 to index
        %get3A_1441 = arith.constant 0 : index
        %get3A_1442 = tpu.vector_load %arg11[%get3A_1440, %get3A_1441] {strides = array<i32>} : memref<64x16xf32, #tpu.memory_space<vmem>>, vector<1x16xf32>,
        %get3A_1443 = vector.shape_cast %get3A_1442 : vector<1x16xf32> to vector<1x16xf32>
        %get3A_1444 = arith.index_cast %scan3A_1438 : i32 to index
        %get3A_1445 = arith.constant 0 : index
        %get3A_1446 = tpu.vector_load %arg8[%get3A_1444, %get3A_1445] {strides = array<i32>} : memref<64x256xf32, #tpu.memory_space<vmem>>, vector<1x16xf32>,
        %get3A_1447 = vector.shape_cast %get3A_1446 : vector<1x16xf32> to vector<1x16xf32>
        %mul3A_1448 = arith.mulf %get3A_1447, %get3A_1443 : vector<1x16xf32>
        %swap3A_1449 = arith.index_cast %scan3A_1438 : i32 to index
        %swap3A_1450 = arith.constant 0 : index
        %swap3A_1451 = tpu.vector_load %arg8[%swap3A_1449, %swap3A_1450] {strides = array<i32>} : memref<64x256xf32, #tpu.memory_space<vmem>>, vector<1x16xf32>,
        %swap3A_1452 = vector.shape_cast %swap3A_1451 : vector<1x16xf32> to vector<1x16xf32>
        %swap3A_1453 = vector.shape_cast %mul3A_1448 : vector<1x16xf32> to vector<1x16xf32>
        tpu.vector_store %arg8[%swap3A_1449, %swap3A_1450], %swap3A_1453 {strides = array<i32>} : memref<64x256xf32, #tpu.memory_space<vmem>>, vector<1x16xf32>,
        %get3A_1454 = arith.index_cast %scan3A_1438 : i32 to index
        %get3A_1455 = arith.constant 16 : index
        %get3A_1456 = tpu.vector_load %arg8[%get3A_1454, %get3A_1455] {strides = array<i32>} : memref<64x256xf32, #tpu.memory_space<vmem>>, vector<1x16xf32>,
        %get3A_1457 = vector.shape_cast %get3A_1456 : vector<1x16xf32> to vector<1x16xf32>
        %mul3A_1458 = arith.mulf %get3A_1457, %get3A_1443 : vector<1x16xf32>
        %swap3A_1459 = arith.index_cast %scan3A_1438 : i32 to index
        %swap3A_1460 = arith.constant 16 : index
        %swap3A_1461 = tpu.vector_load %arg8[%swap3A_1459, %swap3A_1460] {strides = array<i32>} : memref<64x256xf32, #tpu.memory_space<vmem>>, vector<1x16xf32>,
        %swap3A_1462 = vector.shape_cast %swap3A_1461 : vector<1x16xf32> to vector<1x16xf32>
        %swap3A_1463 = vector.shape_cast %mul3A_1458 : vector<1x16xf32> to vector<1x16xf32>
        tpu.vector_store %arg8[%swap3A_1459, %swap3A_1460], %swap3A_1463 {strides = array<i32>} : memref<64x256xf32, #tpu.memory_space<vmem>>, vector<1x16xf32>,
        %get3A_1464 = arith.index_cast %scan3A_1438 : i32 to index
        %get3A_1465 = arith.constant 32 : index
        %get3A_1466 = tpu.vector_load %arg8[%get3A_1464, %get3A_1465] {strides = array<i32>} : memref<64x256xf32, #tpu.memory_space<vmem>>, vector<1x16xf32>,
        %get3A_1467 = vector.shape_cast %get3A_1466 : vector<1x16xf32> to vector<1x16xf32>
        %mul3A_1468 = arith.mulf %get3A_1467, %get3A_1443 : vector<1x16xf32>
        %swap3A_1469 = arith.index_cast %scan3A_1438 : i32 to index
        %swap3A_1470 = arith.constant 32 : index
        %swap3A_1471 = tpu.vector_load %arg8[%swap3A_1469, %swap3A_1470] {strides = array<i32>} : memref<64x256xf32, #tpu.memory_space<vmem>>, vector<1x16xf32>,
        %swap3A_1472 = vector.shape_cast %swap3A_1471 : vector<1x16xf32> to vector<1x16xf32>
        %swap3A_1473 = vector.shape_cast %mul3A_1468 : vector<1x16xf32> to vector<1x16xf32>
        tpu.vector_store %arg8[%swap3A_1469, %swap3A_1470], %swap3A_1473 {strides = array<i32>} : memref<64x256xf32, #tpu.memory_space<vmem>>, vector<1x16xf32>,
        %get3A_1474 = arith.index_cast %scan3A_1438 : i32 to index
        %get3A_1475 = arith.constant 48 : index
        %get3A_1476 = tpu.vector_load %arg8[%get3A_1474, %get3A_1475] {strides = array<i32>} : memref<64x256xf32, #tpu.memory_space<vmem>>, vector<1x16xf32>,
        %get3A_1477 = vector.shape_cast %get3A_1476 : vector<1x16xf32> to vector<1x16xf32>
        %mul3A_1478 = arith.mulf %get3A_1477, %get3A_1443 : vector<1x16xf32>
        %swap3A_1479 = arith.index_cast %scan3A_1438 : i32 to index
        %swap3A_1480 = arith.constant 48 : index
        %swap3A_1481 = tpu.vector_load %arg8[%swap3A_1479, %swap3A_1480] {strides = array<i32>} : memref<64x256xf32, #tpu.memory_space<vmem>>, vector<1x16xf32>,
        %swap3A_1482 = vector.shape_cast %swap3A_1481 : vector<1x16xf32> to vector<1x16xf32>
        %swap3A_1483 = vector.shape_cast %mul3A_1478 : vector<1x16xf32> to vector<1x16xf32>
        tpu.vector_store %arg8[%swap3A_1479, %swap3A_1480], %swap3A_1483 {strides = array<i32>} : memref<64x256xf32, #tpu.memory_space<vmem>>, vector<1x16xf32>,
        %get3A_1484 = arith.index_cast %scan3A_1438 : i32 to index
        %get3A_1485 = arith.constant 64 : index
        %get3A_1486 = tpu.vector_load %arg8[%get3A_1484, %get3A_1485] {strides = array<i32>} : memref<64x256xf32, #tpu.memory_space<vmem>>, vector<1x16xf32>,
        %get3A_1487 = vector.shape_cast %get3A_1486 : vector<1x16xf32> to vector<1x16xf32>
        %mul3A_1488 = arith.mulf %get3A_1487, %get3A_1443 : vector<1x16xf32>
        %swap3A_1489 = arith.index_cast %scan3A_1438 : i32 to index
        %swap3A_1490 = arith.constant 64 : index
        %swap3A_1491 = tpu.vector_load %arg8[%swap3A_1489, %swap3A_1490] {strides = array<i32>} : memref<64x256xf32, #tpu.memory_space<vmem>>, vector<1x16xf32>,
        %swap3A_1492 = vector.shape_cast %swap3A_1491 : vector<1x16xf32> to vector<1x16xf32>
        %swap3A_1493 = vector.shape_cast %mul3A_1488 : vector<1x16xf32> to vector<1x16xf32>
        tpu.vector_store %arg8[%swap3A_1489, %swap3A_1490], %swap3A_1493 {strides = array<i32>} : memref<64x256xf32, #tpu.memory_space<vmem>>, vector<1x16xf32>,
        %get3A_1494 = arith.index_cast %scan3A_1438 : i32 to index
        %get3A_1495 = arith.constant 80 : index
        %get3A_1496 = tpu.vector_load %arg8[%get3A_1494, %get3A_1495] {strides = array<i32>} : memref<64x256xf32, #tpu.memory_space<vmem>>, vector<1x16xf32>,
        %get3A_1497 = vector.shape_cast %get3A_1496 : vector<1x16xf32> to vector<1x16xf32>
        %mul3A_1498 = arith.mulf %get3A_1497, %get3A_1443 : vector<1x16xf32>
        %swap3A_1499 = arith.index_cast %scan3A_1438 : i32 to index
        %swap3A_1500 = arith.constant 80 : index
        %swap3A_1501 = tpu.vector_load %arg8[%swap3A_1499, %swap3A_1500] {strides = array<i32>} : memref<64x256xf32, #tpu.memory_space<vmem>>, vector<1x16xf32>,
        %swap3A_1502 = vector.shape_cast %swap3A_1501 : vector<1x16xf32> to vector<1x16xf32>
        %swap3A_1503 = vector.shape_cast %mul3A_1498 : vector<1x16xf32> to vector<1x16xf32>
        tpu.vector_store %arg8[%swap3A_1499, %swap3A_1500], %swap3A_1503 {strides = array<i32>} : memref<64x256xf32, #tpu.memory_space<vmem>>, vector<1x16xf32>,
        %get3A_1504 = arith.index_cast %scan3A_1438 : i32 to index
        %get3A_1505 = arith.constant 96 : index
        %get3A_1506 = tpu.vector_load %arg8[%get3A_1504, %get3A_1505] {strides = array<i32>} : memref<64x256xf32, #tpu.memory_space<vmem>>, vector<1x16xf32>,
        %get3A_1507 = vector.shape_cast %get3A_1506 : vector<1x16xf32> to vector<1x16xf32>
        %mul3A_1508 = arith.mulf %get3A_1507, %get3A_1443 : vector<1x16xf32>
        %swap3A_1509 = arith.index_cast %scan3A_1438 : i32 to index
        %swap3A_1510 = arith.constant 96 : index
        %swap3A_1511 = tpu.vector_load %arg8[%swap3A_1509, %swap3A_1510] {strides = array<i32>} : memref<64x256xf32, #tpu.memory_space<vmem>>, vector<1x16xf32>,
        %swap3A_1512 = vector.shape_cast %swap3A_1511 : vector<1x16xf32> to vector<1x16xf32>
        %swap3A_1513 = vector.shape_cast %mul3A_1508 : vector<1x16xf32> to vector<1x16xf32>
        tpu.vector_store %arg8[%swap3A_1509, %swap3A_1510], %swap3A_1513 {strides = array<i32>} : memref<64x256xf32, #tpu.memory_space<vmem>>, vector<1x16xf32>,
        %get3A_1514 = arith.index_cast %scan3A_1438 : i32 to index
        %get3A_1515 = arith.constant 112 : index
        %get3A_1516 = tpu.vector_load %arg8[%get3A_1514, %get3A_1515] {strides = array<i32>} : memref<64x256xf32, #tpu.memory_space<vmem>>, vector<1x16xf32>,
        %get3A_1517 = vector.shape_cast %get3A_1516 : vector<1x16xf32> to vector<1x16xf32>
        %mul3A_1518 = arith.mulf %get3A_1517, %get3A_1443 : vector<1x16xf32>
        %swap3A_1519 = arith.index_cast %scan3A_1438 : i32 to index
        %swap3A_1520 = arith.constant 112 : index
        %swap3A_1521 = tpu.vector_load %arg8[%swap3A_1519, %swap3A_1520] {strides = array<i32>} : memref<64x256xf32, #tpu.memory_space<vmem>>, vector<1x16xf32>,
        %swap3A_1522 = vector.shape_cast %swap3A_1521 : vector<1x16xf32> to vector<1x16xf32>
        %swap3A_1523 = vector.shape_cast %mul3A_1518 : vector<1x16xf32> to vector<1x16xf32>
        tpu.vector_store %arg8[%swap3A_1519, %swap3A_1520], %swap3A_1523 {strides = array<i32>} : memref<64x256xf32, #tpu.memory_space<vmem>>, vector<1x16xf32>,
        %get3A_1524 = arith.index_cast %scan3A_1438 : i32 to index
        %get3A_1525 = arith.constant 128 : index
        %get3A_1526 = tpu.vector_load %arg8[%get3A_1524, %get3A_1525] {strides = array<i32>} : memref<64x256xf32, #tpu.memory_space<vmem>>, vector<1x16xf32>,
        %get3A_1527 = vector.shape_cast %get3A_1526 : vector<1x16xf32> to vector<1x16xf32>
        %mul3A_1528 = arith.mulf %get3A_1527, %get3A_1443 : vector<1x16xf32>
        %swap3A_1529 = arith.index_cast %scan3A_1438 : i32 to index
        %swap3A_1530 = arith.constant 128 : index
        %swap3A_1531 = tpu.vector_load %arg8[%swap3A_1529, %swap3A_1530] {strides = array<i32>} : memref<64x256xf32, #tpu.memory_space<vmem>>, vector<1x16xf32>,
        %swap3A_1532 = vector.shape_cast %swap3A_1531 : vector<1x16xf32> to vector<1x16xf32>
        %swap3A_1533 = vector.shape_cast %mul3A_1528 : vector<1x16xf32> to vector<1x16xf32>
        tpu.vector_store %arg8[%swap3A_1529, %swap3A_1530], %swap3A_1533 {strides = array<i32>} : memref<64x256xf32, #tpu.memory_space<vmem>>, vector<1x16xf32>,
        %get3A_1534 = arith.index_cast %scan3A_1438 : i32 to index
        %get3A_1535 = arith.constant 144 : index
        %get3A_1536 = tpu.vector_load %arg8[%get3A_1534, %get3A_1535] {strides = array<i32>} : memref<64x256xf32, #tpu.memory_space<vmem>>, vector<1x16xf32>,
        %get3A_1537 = vector.shape_cast %get3A_1536 : vector<1x16xf32> to vector<1x16xf32>
        %mul3A_1538 = arith.mulf %get3A_1537, %get3A_1443 : vector<1x16xf32>
        %swap3A_1539 = arith.index_cast %scan3A_1438 : i32 to index
        %swap3A_1540 = arith.constant 144 : index
        %swap3A_1541 = tpu.vector_load %arg8[%swap3A_1539, %swap3A_1540] {strides = array<i32>} : memref<64x256xf32, #tpu.memory_space<vmem>>, vector<1x16xf32>,
        %swap3A_1542 = vector.shape_cast %swap3A_1541 : vector<1x16xf32> to vector<1x16xf32>
        %swap3A_1543 = vector.shape_cast %mul3A_1538 : vector<1x16xf32> to vector<1x16xf32>
        tpu.vector_store %arg8[%swap3A_1539, %swap3A_1540], %swap3A_1543 {strides = array<i32>} : memref<64x256xf32, #tpu.memory_space<vmem>>, vector<1x16xf32>,
        %get3A_1544 = arith.index_cast %scan3A_1438 : i32 to index
        %get3A_1545 = arith.constant 160 : index
        %get3A_1546 = tpu.vector_load %arg8[%get3A_1544, %get3A_1545] {strides = array<i32>} : memref<64x256xf32, #tpu.memory_space<vmem>>, vector<1x16xf32>,
        %get3A_1547 = vector.shape_cast %get3A_1546 : vector<1x16xf32> to vector<1x16xf32>
        %mul3A_1548 = arith.mulf %get3A_1547, %get3A_1443 : vector<1x16xf32>
        %swap3A_1549 = arith.index_cast %scan3A_1438 : i32 to index
        %swap3A_1550 = arith.constant 160 : index
        %swap3A_1551 = tpu.vector_load %arg8[%swap3A_1549, %swap3A_1550] {strides = array<i32>} : memref<64x256xf32, #tpu.memory_space<vmem>>, vector<1x16xf32>,
        %swap3A_1552 = vector.shape_cast %swap3A_1551 : vector<1x16xf32> to vector<1x16xf32>
        %swap3A_1553 = vector.shape_cast %mul3A_1548 : vector<1x16xf32> to vector<1x16xf32>
        tpu.vector_store %arg8[%swap3A_1549, %swap3A_1550], %swap3A_1553 {strides = array<i32>} : memref<64x256xf32, #tpu.memory_space<vmem>>, vector<1x16xf32>,
        %get3A_1554 = arith.index_cast %scan3A_1438 : i32 to index
        %get3A_1555 = arith.constant 176 : index
        %get3A_1556 = tpu.vector_load %arg8[%get3A_1554, %get3A_1555] {strides = array<i32>} : memref<64x256xf32, #tpu.memory_space<vmem>>, vector<1x16xf32>,
        %get3A_1557 = vector.shape_cast %get3A_1556 : vector<1x16xf32> to vector<1x16xf32>
        %mul3A_1558 = arith.mulf %get3A_1557, %get3A_1443 : vector<1x16xf32>
        %swap3A_1559 = arith.index_cast %scan3A_1438 : i32 to index
        %swap3A_1560 = arith.constant 176 : index
        %swap3A_1561 = tpu.vector_load %arg8[%swap3A_1559, %swap3A_1560] {strides = array<i32>} : memref<64x256xf32, #tpu.memory_space<vmem>>, vector<1x16xf32>,
        %swap3A_1562 = vector.shape_cast %swap3A_1561 : vector<1x16xf32> to vector<1x16xf32>
        %swap3A_1563 = vector.shape_cast %mul3A_1558 : vector<1x16xf32> to vector<1x16xf32>
        tpu.vector_store %arg8[%swap3A_1559, %swap3A_1560], %swap3A_1563 {strides = array<i32>} : memref<64x256xf32, #tpu.memory_space<vmem>>, vector<1x16xf32>,
        %get3A_1564 = arith.index_cast %scan3A_1438 : i32 to index
        %get3A_1565 = arith.constant 192 : index
        %get3A_1566 = tpu.vector_load %arg8[%get3A_1564, %get3A_1565] {strides = array<i32>} : memref<64x256xf32, #tpu.memory_space<vmem>>, vector<1x16xf32>,
        %get3A_1567 = vector.shape_cast %get3A_1566 : vector<1x16xf32> to vector<1x16xf32>
        %mul3A_1568 = arith.mulf %get3A_1567, %get3A_1443 : vector<1x16xf32>
        %swap3A_1569 = arith.index_cast %scan3A_1438 : i32 to index
        %swap3A_1570 = arith.constant 192 : index
        %swap3A_1571 = tpu.vector_load %arg8[%swap3A_1569, %swap3A_1570] {strides = array<i32>} : memref<64x256xf32, #tpu.memory_space<vmem>>, vector<1x16xf32>,
        %swap3A_1572 = vector.shape_cast %swap3A_1571 : vector<1x16xf32> to vector<1x16xf32>
        %swap3A_1573 = vector.shape_cast %mul3A_1568 : vector<1x16xf32> to vector<1x16xf32>
        tpu.vector_store %arg8[%swap3A_1569, %swap3A_1570], %swap3A_1573 {strides = array<i32>} : memref<64x256xf32, #tpu.memory_space<vmem>>, vector<1x16xf32>,
        %get3A_1574 = arith.index_cast %scan3A_1438 : i32 to index
        %get3A_1575 = arith.constant 208 : index
        %get3A_1576 = tpu.vector_load %arg8[%get3A_1574, %get3A_1575] {strides = array<i32>} : memref<64x256xf32, #tpu.memory_space<vmem>>, vector<1x16xf32>,
        %get3A_1577 = vector.shape_cast %get3A_1576 : vector<1x16xf32> to vector<1x16xf32>
        %mul3A_1578 = arith.mulf %get3A_1577, %get3A_1443 : vector<1x16xf32>
        %swap3A_1579 = arith.index_cast %scan3A_1438 : i32 to index
        %swap3A_1580 = arith.constant 208 : index
        %swap3A_1581 = tpu.vector_load %arg8[%swap3A_1579, %swap3A_1580] {strides = array<i32>} : memref<64x256xf32, #tpu.memory_space<vmem>>, vector<1x16xf32>,
        %swap3A_1582 = vector.shape_cast %swap3A_1581 : vector<1x16xf32> to vector<1x16xf32>
        %swap3A_1583 = vector.shape_cast %mul3A_1578 : vector<1x16xf32> to vector<1x16xf32>
        tpu.vector_store %arg8[%swap3A_1579, %swap3A_1580], %swap3A_1583 {strides = array<i32>} : memref<64x256xf32, #tpu.memory_space<vmem>>, vector<1x16xf32>,
        %get3A_1584 = arith.index_cast %scan3A_1438 : i32 to index
        %get3A_1585 = arith.constant 224 : index
        %get3A_1586 = tpu.vector_load %arg8[%get3A_1584, %get3A_1585] {strides = array<i32>} : memref<64x256xf32, #tpu.memory_space<vmem>>, vector<1x16xf32>,
        %get3A_1587 = vector.shape_cast %get3A_1586 : vector<1x16xf32> to vector<1x16xf32>
        %mul3A_1588 = arith.mulf %get3A_1587, %get3A_1443 : vector<1x16xf32>
        %swap3A_1589 = arith.index_cast %scan3A_1438 : i32 to index
        %swap3A_1590 = arith.constant 224 : index
        %swap3A_1591 = tpu.vector_load %arg8[%swap3A_1589, %swap3A_1590] {strides = array<i32>} : memref<64x256xf32, #tpu.memory_space<vmem>>, vector<1x16xf32>,
        %swap3A_1592 = vector.shape_cast %swap3A_1591 : vector<1x16xf32> to vector<1x16xf32>
        %swap3A_1593 = vector.shape_cast %mul3A_1588 : vector<1x16xf32> to vector<1x16xf32>
        tpu.vector_store %arg8[%swap3A_1589, %swap3A_1590], %swap3A_1593 {strides = array<i32>} : memref<64x256xf32, #tpu.memory_space<vmem>>, vector<1x16xf32>,
        %get3A_1594 = arith.index_cast %scan3A_1438 : i32 to index
        %get3A_1595 = arith.constant 240 : index
        %get3A_1596 = tpu.vector_load %arg8[%get3A_1594, %get3A_1595] {strides = array<i32>} : memref<64x256xf32, #tpu.memory_space<vmem>>, vector<1x16xf32>,
        %get3A_1597 = vector.shape_cast %get3A_1596 : vector<1x16xf32> to vector<1x16xf32>
        %mul3A_1598 = arith.mulf %get3A_1597, %get3A_1443 : vector<1x16xf32>
        %swap3A_1599 = arith.index_cast %scan3A_1438 : i32 to index
        %swap3A_1600 = arith.constant 240 : index
        %swap3A_1601 = tpu.vector_load %arg8[%swap3A_1599, %swap3A_1600] {strides = array<i32>} : memref<64x256xf32, #tpu.memory_space<vmem>>, vector<1x16xf32>,
        %swap3A_1602 = vector.shape_cast %swap3A_1601 : vector<1x16xf32> to vector<1x16xf32>
        %swap3A_1603 = vector.shape_cast %mul3A_1598 : vector<1x16xf32> to vector<1x16xf32>
        tpu.vector_store %arg8[%swap3A_1599, %swap3A_1600], %swap3A_1603 {strides = array<i32>} : memref<64x256xf32, #tpu.memory_space<vmem>>, vector<1x16xf32>,
        %scan3A_1604 = arith.constant 0 : i32
        scf.yield %scan3A_1604 : i32
      }
      %scan3A_806 = arith.constant 64 : i32
      %mul3A_807 = arith.constant 64 : i32
      %mul3A_808 = arith.muli %mul3A_195, %mul3A_807 : i32
      %add3A_809 = arith.addi %mul3A_3, %mul3A_808 : i32
      "tpu.region"() ({
        %run_scoped3A = tpu.sem_alloc : memref<!tpu.dma_semaphore, #tpu.memory_space<semaphore_mem>>
        %dma_start3A_1438 = arith.constant 0 : i32
        %dma_start3A_1439 = tpu.memref_slice %arg5[%add3A_809, %dma_start3A_1438] : memref<160000x256xf32, #tpu.memory_space<hbm>> -> memref<64x256xf32, #tpu.memory_space<hbm>>
        %dma_start3A_1440 = arith.constant 0 : i32
        %dma_start3A_1441 = tpu.memref_slice %arg5[%add3A_809, %dma_start3A_1440] : memref<160000x256xf32, #tpu.memory_space<hbm>> -> memref<64x256xf32, #tpu.memory_space<hbm>>
        tpu.enqueue_dma source(%arg8 : memref<64x256xf32, #tpu.memory_space<vmem>>) target(%dma_start3A_1441 : memref<64x256xf32, #tpu.memory_space<hbm>>) target_semaphore(%run_scoped3A : memref<!tpu.dma_semaphore, #tpu.memory_space<semaphore_mem>>)
        %dma_wait3A_1442 = arith.constant 0 : i32
        %dma_wait3A_1443 = tpu.memref_slice %arg5[%add3A_809, %dma_wait3A_1442] : memref<160000x256xf32, #tpu.memory_space<hbm>> -> memref<64x256xf32, #tpu.memory_space<hbm>>
        %dma_wait3A_1444 = arith.constant 0 : i32
        %dma_wait3A_1445 = tpu.memref_slice %arg5[%add3A_809, %dma_wait3A_1444] : memref<160000x256xf32, #tpu.memory_space<hbm>> -> memref<64x256xf32, #tpu.memory_space<hbm>>
        tpu.wait_dma2 semaphore(%run_scoped3A : memref<!tpu.dma_semaphore, #tpu.memory_space<semaphore_mem>>) src(%arg8 : memref<64x256xf32, #tpu.memory_space<vmem>>) dst(%dma_wait3A_1445 : memref<64x256xf32, #tpu.memory_space<hbm>>)
        tpu.yield
      }) : () -> ()
      %add3A_810 = arith.constant 2 : i32
      %add3A_811 = arith.addi %mul3A_195, %add3A_810 : i32
      %lt3A = arith.constant 78 : i32
      %lt3A_812 = arith.cmpi slt, %add3A_811, %lt3A : i32
      %convert_element_type3A = arith.extui %lt3A_812 : i1 to i32
      %cond3A = arith.constant 0 : i32
      %cond3A_813 = arith.cmpi ne, %convert_element_type3A, %cond3A : i32
      scf.if %cond3A_813 {
        %add3A_1438 = arith.constant 2 : i32
        %add3A_1439 = arith.addi %mul3A_195, %add3A_1438 : i32
        %mul3A_1440 = arith.constant 64 : i32
        %mul3A_1441 = arith.muli %add3A_1439, %mul3A_1440 : i32
        %dma_start3A_1442 = tpu.memref_slice %arg6[%mul3A_1441] : memref<5016xi32, #tpu.memory_space<vmem>> -> memref<64xi32, #tpu.memory_space<vmem>>
        %dma_start3A_1443 = arith.constant 0 : i32
        %dma_start3A_1444 = arith.constant 0 : i32
        %dma_start3A_1445 = tpu.memref_slice %arg2[%dma_start3A_1443, %dma_start3A_1444] : memref<10000x256xf32, #tpu.memory_space<hbm>> -> memref<10000x256xf32, #tpu.memory_space<hbm>>
        tpu.enqueue_indirect_dma source(%dma_start3A_1445 : memref<10000x256xf32, #tpu.memory_space<hbm>>) target(%arg8 : memref<64x256xf32, #tpu.memory_space<vmem>>) offsets(%dma_start3A_1442 : memref<64xi32, #tpu.memory_space<vmem>>) semaphore(%arg12 : memref<!tpu.dma_semaphore, #tpu.memory_space<semaphore_mem>>)
      } else {
      }
      %add3A_814 = arith.constant 1 : i32
      %add3A_815 = arith.addi %mul3A_195, %add3A_814 : i32
      %mul3A_816 = arith.constant 64 : i32
      %mul3A_817 = arith.muli %add3A_815, %mul3A_816 : i32
      %dma_wait3A_818 = tpu.memref_slice %arg6[%mul3A_817] : memref<5016xi32, #tpu.memory_space<vmem>> -> memref<64xi32, #tpu.memory_space<vmem>>
      %dma_wait3A_819 = arith.constant 0 : i32
      %dma_wait3A_820 = arith.constant 0 : i32
      %dma_wait3A_821 = tpu.memref_slice %arg2[%dma_wait3A_819, %dma_wait3A_820] : memref<10000x256xf32, #tpu.memory_space<hbm>> -> memref<10000x256xf32, #tpu.memory_space<hbm>>
      tpu.wait_indirect_dma semaphore(%arg13 : memref<!tpu.dma_semaphore, #tpu.memory_space<semaphore_mem>>) src(%dma_wait3A_821 : memref<10000x256xf32, #tpu.memory_space<hbm>>) dst(%arg9 : memref<64x256xf32, #tpu.memory_space<vmem>>)
      %mul3A_822 = arith.constant 64 : i32
      %mul3A_823 = arith.muli %add3A_815, %mul3A_822 : i32
      %add3A_824 = arith.constant 0 : i32
      %add3A_825 = arith.addi %mul3A_823, %add3A_824 : i32
      %get3A_826 = arith.index_cast %add3A_825 : i32 to index
      %get3A_827 = tpu.vector_load %arg7[%get3A_826] {strides = array<i32>} : memref<5016xf32, #tpu.memory_space<vmem>>, vector<16xf32>,
      %get3A_828 = vector.shape_cast %get3A_827 : vector<16xf32> to vector<16xf32>
      %slice3A_829 = vector.extract_strided_slice %get3A_828 {offsets = [0], sizes = [1], strides = [1]} : vector<16xf32> to vector<1xf32>
      %squeeze3A_830 = vector.extract %slice3A_829[0] : f32 from vector<1xf32>
      %add3A_831 = vector.broadcast %squeeze3A_830 : f32 to vector<1x16xf32>
      %add3A_832 = arith.addf %broadcast_in_dim3A_1, %add3A_831 : vector<1x16xf32>
      %swap3A_833 = arith.constant 0 : index
      %swap3A_834 = arith.constant 0 : index
      %swap3A_835 = tpu.vector_load %arg11[%swap3A_833, %swap3A_834] {strides = array<i32>} : memref<64x16xf32, #tpu.memory_space<vmem>>, vector<1x16xf32>,
      %swap3A_836 = vector.shape_cast %swap3A_835 : vector<1x16xf32> to vector<1x16xf32>
      %swap3A_837 = vector.shape_cast %add3A_832 : vector<1x16xf32> to vector<1x16xf32>
      tpu.vector_store %arg11[%swap3A_833, %swap3A_834], %swap3A_837 {strides = array<i32>} : memref<64x16xf32, #tpu.memory_space<vmem>>, vector<1x16xf32>,
      %slice3A_838 = vector.extract_strided_slice %get3A_828 {offsets = [1], sizes = [1], strides = [1]} : vector<16xf32> to vector<1xf32>
      %squeeze3A_839 = vector.extract %slice3A_838[0] : f32 from vector<1xf32>
      %add3A_840 = vector.broadcast %squeeze3A_839 : f32 to vector<1x16xf32>
      %add3A_841 = arith.addf %broadcast_in_dim3A_1, %add3A_840 : vector<1x16xf32>
      %swap3A_842 = arith.constant 1 : index
      %swap3A_843 = arith.constant 0 : index
      %swap3A_844 = tpu.vector_load %arg11[%swap3A_842, %swap3A_843] {strides = array<i32>} : memref<64x16xf32, #tpu.memory_space<vmem>>, vector<1x16xf32>,
      %swap3A_845 = vector.shape_cast %swap3A_844 : vector<1x16xf32> to vector<1x16xf32>
      %swap3A_846 = vector.shape_cast %add3A_841 : vector<1x16xf32> to vector<1x16xf32>
      tpu.vector_store %arg11[%swap3A_842, %swap3A_843], %swap3A_846 {strides = array<i32>} : memref<64x16xf32, #tpu.memory_space<vmem>>, vector<1x16xf32>,
      %slice3A_847 = vector.extract_strided_slice %get3A_828 {offsets = [2], sizes = [1], strides = [1]} : vector<16xf32> to vector<1xf32>
      %squeeze3A_848 = vector.extract %slice3A_847[0] : f32 from vector<1xf32>
      %add3A_849 = vector.broadcast %squeeze3A_848 : f32 to vector<1x16xf32>
      %add3A_850 = arith.addf %broadcast_in_dim3A_1, %add3A_849 : vector<1x16xf32>
      %swap3A_851 = arith.constant 2 : index
      %swap3A_852 = arith.constant 0 : index
      %swap3A_853 = tpu.vector_load %arg11[%swap3A_851, %swap3A_852] {strides = array<i32>} : memref<64x16xf32, #tpu.memory_space<vmem>>, vector<1x16xf32>,
      %swap3A_854 = vector.shape_cast %swap3A_853 : vector<1x16xf32> to vector<1x16xf32>
      %swap3A_855 = vector.shape_cast %add3A_850 : vector<1x16xf32> to vector<1x16xf32>
      tpu.vector_store %arg11[%swap3A_851, %swap3A_852], %swap3A_855 {strides = array<i32>} : memref<64x16xf32, #tpu.memory_space<vmem>>, vector<1x16xf32>,
      %slice3A_856 = vector.extract_strided_slice %get3A_828 {offsets = [3], sizes = [1], strides = [1]} : vector<16xf32> to vector<1xf32>
      %squeeze3A_857 = vector.extract %slice3A_856[0] : f32 from vector<1xf32>
      %add3A_858 = vector.broadcast %squeeze3A_857 : f32 to vector<1x16xf32>
      %add3A_859 = arith.addf %broadcast_in_dim3A_1, %add3A_858 : vector<1x16xf32>
      %swap3A_860 = arith.constant 3 : index
      %swap3A_861 = arith.constant 0 : index
      %swap3A_862 = tpu.vector_load %arg11[%swap3A_860, %swap3A_861] {strides = array<i32>} : memref<64x16xf32, #tpu.memory_space<vmem>>, vector<1x16xf32>,
      %swap3A_863 = vector.shape_cast %swap3A_862 : vector<1x16xf32> to vector<1x16xf32>
      %swap3A_864 = vector.shape_cast %add3A_859 : vector<1x16xf32> to vector<1x16xf32>
      tpu.vector_store %arg11[%swap3A_860, %swap3A_861], %swap3A_864 {strides = array<i32>} : memref<64x16xf32, #tpu.memory_space<vmem>>, vector<1x16xf32>,
      %slice3A_865 = vector.extract_strided_slice %get3A_828 {offsets = [4], sizes = [1], strides = [1]} : vector<16xf32> to vector<1xf32>
      %squeeze3A_866 = vector.extract %slice3A_865[0] : f32 from vector<1xf32>
      %add3A_867 = vector.broadcast %squeeze3A_866 : f32 to vector<1x16xf32>
      %add3A_868 = arith.addf %broadcast_in_dim3A_1, %add3A_867 : vector<1x16xf32>
      %swap3A_869 = arith.constant 4 : index
      %swap3A_870 = arith.constant 0 : index
      %swap3A_871 = tpu.vector_load %arg11[%swap3A_869, %swap3A_870] {strides = array<i32>} : memref<64x16xf32, #tpu.memory_space<vmem>>, vector<1x16xf32>,
      %swap3A_872 = vector.shape_cast %swap3A_871 : vector<1x16xf32> to vector<1x16xf32>
      %swap3A_873 = vector.shape_cast %add3A_868 : vector<1x16xf32> to vector<1x16xf32>
      tpu.vector_store %arg11[%swap3A_869, %swap3A_870], %swap3A_873 {strides = array<i32>} : memref<64x16xf32, #tpu.memory_space<vmem>>, vector<1x16xf32>,
      %slice3A_874 = vector.extract_strided_slice %get3A_828 {offsets = [5], sizes = [1], strides = [1]} : vector<16xf32> to vector<1xf32>
      %squeeze3A_875 = vector.extract %slice3A_874[0] : f32 from vector<1xf32>
      %add3A_876 = vector.broadcast %squeeze3A_875 : f32 to vector<1x16xf32>
      %add3A_877 = arith.addf %broadcast_in_dim3A_1, %add3A_876 : vector<1x16xf32>
      %swap3A_878 = arith.constant 5 : index
      %swap3A_879 = arith.constant 0 : index
      %swap3A_880 = tpu.vector_load %arg11[%swap3A_878, %swap3A_879] {strides = array<i32>} : memref<64x16xf32, #tpu.memory_space<vmem>>, vector<1x16xf32>,
      %swap3A_881 = vector.shape_cast %swap3A_880 : vector<1x16xf32> to vector<1x16xf32>
      %swap3A_882 = vector.shape_cast %add3A_877 : vector<1x16xf32> to vector<1x16xf32>
      tpu.vector_store %arg11[%swap3A_878, %swap3A_879], %swap3A_882 {strides = array<i32>} : memref<64x16xf32, #tpu.memory_space<vmem>>, vector<1x16xf32>,
      %slice3A_883 = vector.extract_strided_slice %get3A_828 {offsets = [6], sizes = [1], strides = [1]} : vector<16xf32> to vector<1xf32>
      %squeeze3A_884 = vector.extract %slice3A_883[0] : f32 from vector<1xf32>
      %add3A_885 = vector.broadcast %squeeze3A_884 : f32 to vector<1x16xf32>
      %add3A_886 = arith.addf %broadcast_in_dim3A_1, %add3A_885 : vector<1x16xf32>
      %swap3A_887 = arith.constant 6 : index
      %swap3A_888 = arith.constant 0 : index
      %swap3A_889 = tpu.vector_load %arg11[%swap3A_887, %swap3A_888] {strides = array<i32>} : memref<64x16xf32, #tpu.memory_space<vmem>>, vector<1x16xf32>,
      %swap3A_890 = vector.shape_cast %swap3A_889 : vector<1x16xf32> to vector<1x16xf32>
      %swap3A_891 = vector.shape_cast %add3A_886 : vector<1x16xf32> to vector<1x16xf32>
      tpu.vector_store %arg11[%swap3A_887, %swap3A_888], %swap3A_891 {strides = array<i32>} : memref<64x16xf32, #tpu.memory_space<vmem>>, vector<1x16xf32>,
      %slice3A_892 = vector.extract_strided_slice %get3A_828 {offsets = [7], sizes = [1], strides = [1]} : vector<16xf32> to vector<1xf32>
      %squeeze3A_893 = vector.extract %slice3A_892[0] : f32 from vector<1xf32>
      %add3A_894 = vector.broadcast %squeeze3A_893 : f32 to vector<1x16xf32>
      %add3A_895 = arith.addf %broadcast_in_dim3A_1, %add3A_894 : vector<1x16xf32>
      %swap3A_896 = arith.constant 7 : index
      %swap3A_897 = arith.constant 0 : index
      %swap3A_898 = tpu.vector_load %arg11[%swap3A_896, %swap3A_897] {strides = array<i32>} : memref<64x16xf32, #tpu.memory_space<vmem>>, vector<1x16xf32>,
      %swap3A_899 = vector.shape_cast %swap3A_898 : vector<1x16xf32> to vector<1x16xf32>
      %swap3A_900 = vector.shape_cast %add3A_895 : vector<1x16xf32> to vector<1x16xf32>
      tpu.vector_store %arg11[%swap3A_896, %swap3A_897], %swap3A_900 {strides = array<i32>} : memref<64x16xf32, #tpu.memory_space<vmem>>, vector<1x16xf32>,
      %slice3A_901 = vector.extract_strided_slice %get3A_828 {offsets = [8], sizes = [1], strides = [1]} : vector<16xf32> to vector<1xf32>
      %squeeze3A_902 = vector.extract %slice3A_901[0] : f32 from vector<1xf32>
      %add3A_903 = vector.broadcast %squeeze3A_902 : f32 to vector<1x16xf32>
      %add3A_904 = arith.addf %broadcast_in_dim3A_1, %add3A_903 : vector<1x16xf32>
      %swap3A_905 = arith.constant 8 : index
      %swap3A_906 = arith.constant 0 : index
      %swap3A_907 = tpu.vector_load %arg11[%swap3A_905, %swap3A_906] {strides = array<i32>} : memref<64x16xf32, #tpu.memory_space<vmem>>, vector<1x16xf32>,
      %swap3A_908 = vector.shape_cast %swap3A_907 : vector<1x16xf32> to vector<1x16xf32>
      %swap3A_909 = vector.shape_cast %add3A_904 : vector<1x16xf32> to vector<1x16xf32>
      tpu.vector_store %arg11[%swap3A_905, %swap3A_906], %swap3A_909 {strides = array<i32>} : memref<64x16xf32, #tpu.memory_space<vmem>>, vector<1x16xf32>,
      %slice3A_910 = vector.extract_strided_slice %get3A_828 {offsets = [9], sizes = [1], strides = [1]} : vector<16xf32> to vector<1xf32>
      %squeeze3A_911 = vector.extract %slice3A_910[0] : f32 from vector<1xf32>
      %add3A_912 = vector.broadcast %squeeze3A_911 : f32 to vector<1x16xf32>
      %add3A_913 = arith.addf %broadcast_in_dim3A_1, %add3A_912 : vector<1x16xf32>
      %swap3A_914 = arith.constant 9 : index
      %swap3A_915 = arith.constant 0 : index
      %swap3A_916 = tpu.vector_load %arg11[%swap3A_914, %swap3A_915] {strides = array<i32>} : memref<64x16xf32, #tpu.memory_space<vmem>>, vector<1x16xf32>,
      %swap3A_917 = vector.shape_cast %swap3A_916 : vector<1x16xf32> to vector<1x16xf32>
      %swap3A_918 = vector.shape_cast %add3A_913 : vector<1x16xf32> to vector<1x16xf32>
      tpu.vector_store %arg11[%swap3A_914, %swap3A_915], %swap3A_918 {strides = array<i32>} : memref<64x16xf32, #tpu.memory_space<vmem>>, vector<1x16xf32>,
      %slice3A_919 = vector.extract_strided_slice %get3A_828 {offsets = [10], sizes = [1], strides = [1]} : vector<16xf32> to vector<1xf32>
      %squeeze3A_920 = vector.extract %slice3A_919[0] : f32 from vector<1xf32>
      %add3A_921 = vector.broadcast %squeeze3A_920 : f32 to vector<1x16xf32>
      %add3A_922 = arith.addf %broadcast_in_dim3A_1, %add3A_921 : vector<1x16xf32>
      %swap3A_923 = arith.constant 10 : index
      %swap3A_924 = arith.constant 0 : index
      %swap3A_925 = tpu.vector_load %arg11[%swap3A_923, %swap3A_924] {strides = array<i32>} : memref<64x16xf32, #tpu.memory_space<vmem>>, vector<1x16xf32>,
      %swap3A_926 = vector.shape_cast %swap3A_925 : vector<1x16xf32> to vector<1x16xf32>
      %swap3A_927 = vector.shape_cast %add3A_922 : vector<1x16xf32> to vector<1x16xf32>
      tpu.vector_store %arg11[%swap3A_923, %swap3A_924], %swap3A_927 {strides = array<i32>} : memref<64x16xf32, #tpu.memory_space<vmem>>, vector<1x16xf32>,
      %slice3A_928 = vector.extract_strided_slice %get3A_828 {offsets = [11], sizes = [1], strides = [1]} : vector<16xf32> to vector<1xf32>
      %squeeze3A_929 = vector.extract %slice3A_928[0] : f32 from vector<1xf32>
      %add3A_930 = vector.broadcast %squeeze3A_929 : f32 to vector<1x16xf32>
      %add3A_931 = arith.addf %broadcast_in_dim3A_1, %add3A_930 : vector<1x16xf32>
      %swap3A_932 = arith.constant 11 : index
      %swap3A_933 = arith.constant 0 : index
      %swap3A_934 = tpu.vector_load %arg11[%swap3A_932, %swap3A_933] {strides = array<i32>} : memref<64x16xf32, #tpu.memory_space<vmem>>, vector<1x16xf32>,
      %swap3A_935 = vector.shape_cast %swap3A_934 : vector<1x16xf32> to vector<1x16xf32>
      %swap3A_936 = vector.shape_cast %add3A_931 : vector<1x16xf32> to vector<1x16xf32>
      tpu.vector_store %arg11[%swap3A_932, %swap3A_933], %swap3A_936 {strides = array<i32>} : memref<64x16xf32, #tpu.memory_space<vmem>>, vector<1x16xf32>,
      %slice3A_937 = vector.extract_strided_slice %get3A_828 {offsets = [12], sizes = [1], strides = [1]} : vector<16xf32> to vector<1xf32>
      %squeeze3A_938 = vector.extract %slice3A_937[0] : f32 from vector<1xf32>
      %add3A_939 = vector.broadcast %squeeze3A_938 : f32 to vector<1x16xf32>
      %add3A_940 = arith.addf %broadcast_in_dim3A_1, %add3A_939 : vector<1x16xf32>
      %swap3A_941 = arith.constant 12 : index
      %swap3A_942 = arith.constant 0 : index
      %swap3A_943 = tpu.vector_load %arg11[%swap3A_941, %swap3A_942] {strides = array<i32>} : memref<64x16xf32, #tpu.memory_space<vmem>>, vector<1x16xf32>,
      %swap3A_944 = vector.shape_cast %swap3A_943 : vector<1x16xf32> to vector<1x16xf32>
      %swap3A_945 = vector.shape_cast %add3A_940 : vector<1x16xf32> to vector<1x16xf32>
      tpu.vector_store %arg11[%swap3A_941, %swap3A_942], %swap3A_945 {strides = array<i32>} : memref<64x16xf32, #tpu.memory_space<vmem>>, vector<1x16xf32>,
      %slice3A_946 = vector.extract_strided_slice %get3A_828 {offsets = [13], sizes = [1], strides = [1]} : vector<16xf32> to vector<1xf32>
      %squeeze3A_947 = vector.extract %slice3A_946[0] : f32 from vector<1xf32>
      %add3A_948 = vector.broadcast %squeeze3A_947 : f32 to vector<1x16xf32>
      %add3A_949 = arith.addf %broadcast_in_dim3A_1, %add3A_948 : vector<1x16xf32>
      %swap3A_950 = arith.constant 13 : index
      %swap3A_951 = arith.constant 0 : index
      %swap3A_952 = tpu.vector_load %arg11[%swap3A_950, %swap3A_951] {strides = array<i32>} : memref<64x16xf32, #tpu.memory_space<vmem>>, vector<1x16xf32>,
      %swap3A_953 = vector.shape_cast %swap3A_952 : vector<1x16xf32> to vector<1x16xf32>
      %swap3A_954 = vector.shape_cast %add3A_949 : vector<1x16xf32> to vector<1x16xf32>
      tpu.vector_store %arg11[%swap3A_950, %swap3A_951], %swap3A_954 {strides = array<i32>} : memref<64x16xf32, #tpu.memory_space<vmem>>, vector<1x16xf32>,
      %slice3A_955 = vector.extract_strided_slice %get3A_828 {offsets = [14], sizes = [1], strides = [1]} : vector<16xf32> to vector<1xf32>
      %squeeze3A_956 = vector.extract %slice3A_955[0] : f32 from vector<1xf32>
      %add3A_957 = vector.broadcast %squeeze3A_956 : f32 to vector<1x16xf32>
      %add3A_958 = arith.addf %broadcast_in_dim3A_1, %add3A_957 : vector<1x16xf32>
      %swap3A_959 = arith.constant 14 : index
      %swap3A_960 = arith.constant 0 : index
      %swap3A_961 = tpu.vector_load %arg11[%swap3A_959, %swap3A_960] {strides = array<i32>} : memref<64x16xf32, #tpu.memory_space<vmem>>, vector<1x16xf32>,
      %swap3A_962 = vector.shape_cast %swap3A_961 : vector<1x16xf32> to vector<1x16xf32>
      %swap3A_963 = vector.shape_cast %add3A_958 : vector<1x16xf32> to vector<1x16xf32>
      tpu.vector_store %arg11[%swap3A_959, %swap3A_960], %swap3A_963 {strides = array<i32>} : memref<64x16xf32, #tpu.memory_space<vmem>>, vector<1x16xf32>,
      %slice3A_964 = vector.extract_strided_slice %get3A_828 {offsets = [15], sizes = [1], strides = [1]} : vector<16xf32> to vector<1xf32>
      %squeeze3A_965 = vector.extract %slice3A_964[0] : f32 from vector<1xf32>
      %add3A_966 = vector.broadcast %squeeze3A_965 : f32 to vector<1x16xf32>
      %add3A_967 = arith.addf %broadcast_in_dim3A_1, %add3A_966 : vector<1x16xf32>
      %swap3A_968 = arith.constant 15 : index
      %swap3A_969 = arith.constant 0 : index
      %swap3A_970 = tpu.vector_load %arg11[%swap3A_968, %swap3A_969] {strides = array<i32>} : memref<64x16xf32, #tpu.memory_space<vmem>>, vector<1x16xf32>,
      %swap3A_971 = vector.shape_cast %swap3A_970 : vector<1x16xf32> to vector<1x16xf32>
      %swap3A_972 = vector.shape_cast %add3A_967 : vector<1x16xf32> to vector<1x16xf32>
      tpu.vector_store %arg11[%swap3A_968, %swap3A_969], %swap3A_972 {strides = array<i32>} : memref<64x16xf32, #tpu.memory_space<vmem>>, vector<1x16xf32>,
      %add3A_973 = arith.constant 16 : i32
      %add3A_974 = arith.addi %mul3A_823, %add3A_973 : i32
      %get3A_975 = arith.index_cast %add3A_974 : i32 to index
      %get3A_976 = tpu.vector_load %arg7[%get3A_975] {strides = array<i32>} : memref<5016xf32, #tpu.memory_space<vmem>>, vector<16xf32>,
      %get3A_977 = vector.shape_cast %get3A_976 : vector<16xf32> to vector<16xf32>
      %slice3A_978 = vector.extract_strided_slice %get3A_977 {offsets = [0], sizes = [1], strides = [1]} : vector<16xf32> to vector<1xf32>
      %squeeze3A_979 = vector.extract %slice3A_978[0] : f32 from vector<1xf32>
      %add3A_980 = vector.broadcast %squeeze3A_979 : f32 to vector<1x16xf32>
      %add3A_981 = arith.addf %broadcast_in_dim3A_1, %add3A_980 : vector<1x16xf32>
      %swap3A_982 = arith.constant 16 : index
      %swap3A_983 = arith.constant 0 : index
      %swap3A_984 = tpu.vector_load %arg11[%swap3A_982, %swap3A_983] {strides = array<i32>} : memref<64x16xf32, #tpu.memory_space<vmem>>, vector<1x16xf32>,
      %swap3A_985 = vector.shape_cast %swap3A_984 : vector<1x16xf32> to vector<1x16xf32>
      %swap3A_986 = vector.shape_cast %add3A_981 : vector<1x16xf32> to vector<1x16xf32>
      tpu.vector_store %arg11[%swap3A_982, %swap3A_983], %swap3A_986 {strides = array<i32>} : memref<64x16xf32, #tpu.memory_space<vmem>>, vector<1x16xf32>,
      %slice3A_987 = vector.extract_strided_slice %get3A_977 {offsets = [1], sizes = [1], strides = [1]} : vector<16xf32> to vector<1xf32>
      %squeeze3A_988 = vector.extract %slice3A_987[0] : f32 from vector<1xf32>
      %add3A_989 = vector.broadcast %squeeze3A_988 : f32 to vector<1x16xf32>
      %add3A_990 = arith.addf %broadcast_in_dim3A_1, %add3A_989 : vector<1x16xf32>
      %swap3A_991 = arith.constant 17 : index
      %swap3A_992 = arith.constant 0 : index
      %swap3A_993 = tpu.vector_load %arg11[%swap3A_991, %swap3A_992] {strides = array<i32>} : memref<64x16xf32, #tpu.memory_space<vmem>>, vector<1x16xf32>,
      %swap3A_994 = vector.shape_cast %swap3A_993 : vector<1x16xf32> to vector<1x16xf32>
      %swap3A_995 = vector.shape_cast %add3A_990 : vector<1x16xf32> to vector<1x16xf32>
      tpu.vector_store %arg11[%swap3A_991, %swap3A_992], %swap3A_995 {strides = array<i32>} : memref<64x16xf32, #tpu.memory_space<vmem>>, vector<1x16xf32>,
      %slice3A_996 = vector.extract_strided_slice %get3A_977 {offsets = [2], sizes = [1], strides = [1]} : vector<16xf32> to vector<1xf32>
      %squeeze3A_997 = vector.extract %slice3A_996[0] : f32 from vector<1xf32>
      %add3A_998 = vector.broadcast %squeeze3A_997 : f32 to vector<1x16xf32>
      %add3A_999 = arith.addf %broadcast_in_dim3A_1, %add3A_998 : vector<1x16xf32>
      %swap3A_1000 = arith.constant 18 : index
      %swap3A_1001 = arith.constant 0 : index
      %swap3A_1002 = tpu.vector_load %arg11[%swap3A_1000, %swap3A_1001] {strides = array<i32>} : memref<64x16xf32, #tpu.memory_space<vmem>>, vector<1x16xf32>,
      %swap3A_1003 = vector.shape_cast %swap3A_1002 : vector<1x16xf32> to vector<1x16xf32>
      %swap3A_1004 = vector.shape_cast %add3A_999 : vector<1x16xf32> to vector<1x16xf32>
      tpu.vector_store %arg11[%swap3A_1000, %swap3A_1001], %swap3A_1004 {strides = array<i32>} : memref<64x16xf32, #tpu.memory_space<vmem>>, vector<1x16xf32>,
      %slice3A_1005 = vector.extract_strided_slice %get3A_977 {offsets = [3], sizes = [1], strides = [1]} : vector<16xf32> to vector<1xf32>
      %squeeze3A_1006 = vector.extract %slice3A_1005[0] : f32 from vector<1xf32>
      %add3A_1007 = vector.broadcast %squeeze3A_1006 : f32 to vector<1x16xf32>
      %add3A_1008 = arith.addf %broadcast_in_dim3A_1, %add3A_1007 : vector<1x16xf32>
      %swap3A_1009 = arith.constant 19 : index
      %swap3A_1010 = arith.constant 0 : index
      %swap3A_1011 = tpu.vector_load %arg11[%swap3A_1009, %swap3A_1010] {strides = array<i32>} : memref<64x16xf32, #tpu.memory_space<vmem>>, vector<1x16xf32>,
      %swap3A_1012 = vector.shape_cast %swap3A_1011 : vector<1x16xf32> to vector<1x16xf32>
      %swap3A_1013 = vector.shape_cast %add3A_1008 : vector<1x16xf32> to vector<1x16xf32>
      tpu.vector_store %arg11[%swap3A_1009, %swap3A_1010], %swap3A_1013 {strides = array<i32>} : memref<64x16xf32, #tpu.memory_space<vmem>>, vector<1x16xf32>,
      %slice3A_1014 = vector.extract_strided_slice %get3A_977 {offsets = [4], sizes = [1], strides = [1]} : vector<16xf32> to vector<1xf32>
      %squeeze3A_1015 = vector.extract %slice3A_1014[0] : f32 from vector<1xf32>
      %add3A_1016 = vector.broadcast %squeeze3A_1015 : f32 to vector<1x16xf32>
      %add3A_1017 = arith.addf %broadcast_in_dim3A_1, %add3A_1016 : vector<1x16xf32>
      %swap3A_1018 = arith.constant 20 : index
      %swap3A_1019 = arith.constant 0 : index
      %swap3A_1020 = tpu.vector_load %arg11[%swap3A_1018, %swap3A_1019] {strides = array<i32>} : memref<64x16xf32, #tpu.memory_space<vmem>>, vector<1x16xf32>,
      %swap3A_1021 = vector.shape_cast %swap3A_1020 : vector<1x16xf32> to vector<1x16xf32>
      %swap3A_1022 = vector.shape_cast %add3A_1017 : vector<1x16xf32> to vector<1x16xf32>
      tpu.vector_store %arg11[%swap3A_1018, %swap3A_1019], %swap3A_1022 {strides = array<i32>} : memref<64x16xf32, #tpu.memory_space<vmem>>, vector<1x16xf32>,
      %slice3A_1023 = vector.extract_strided_slice %get3A_977 {offsets = [5], sizes = [1], strides = [1]} : vector<16xf32> to vector<1xf32>
      %squeeze3A_1024 = vector.extract %slice3A_1023[0] : f32 from vector<1xf32>
      %add3A_1025 = vector.broadcast %squeeze3A_1024 : f32 to vector<1x16xf32>
      %add3A_1026 = arith.addf %broadcast_in_dim3A_1, %add3A_1025 : vector<1x16xf32>
      %swap3A_1027 = arith.constant 21 : index
      %swap3A_1028 = arith.constant 0 : index
      %swap3A_1029 = tpu.vector_load %arg11[%swap3A_1027, %swap3A_1028] {strides = array<i32>} : memref<64x16xf32, #tpu.memory_space<vmem>>, vector<1x16xf32>,
      %swap3A_1030 = vector.shape_cast %swap3A_1029 : vector<1x16xf32> to vector<1x16xf32>
      %swap3A_1031 = vector.shape_cast %add3A_1026 : vector<1x16xf32> to vector<1x16xf32>
      tpu.vector_store %arg11[%swap3A_1027, %swap3A_1028], %swap3A_1031 {strides = array<i32>} : memref<64x16xf32, #tpu.memory_space<vmem>>, vector<1x16xf32>,
      %slice3A_1032 = vector.extract_strided_slice %get3A_977 {offsets = [6], sizes = [1], strides = [1]} : vector<16xf32> to vector<1xf32>
      %squeeze3A_1033 = vector.extract %slice3A_1032[0] : f32 from vector<1xf32>
      %add3A_1034 = vector.broadcast %squeeze3A_1033 : f32 to vector<1x16xf32>
      %add3A_1035 = arith.addf %broadcast_in_dim3A_1, %add3A_1034 : vector<1x16xf32>
      %swap3A_1036 = arith.constant 22 : index
      %swap3A_1037 = arith.constant 0 : index
      %swap3A_1038 = tpu.vector_load %arg11[%swap3A_1036, %swap3A_1037] {strides = array<i32>} : memref<64x16xf32, #tpu.memory_space<vmem>>, vector<1x16xf32>,
      %swap3A_1039 = vector.shape_cast %swap3A_1038 : vector<1x16xf32> to vector<1x16xf32>
      %swap3A_1040 = vector.shape_cast %add3A_1035 : vector<1x16xf32> to vector<1x16xf32>
      tpu.vector_store %arg11[%swap3A_1036, %swap3A_1037], %swap3A_1040 {strides = array<i32>} : memref<64x16xf32, #tpu.memory_space<vmem>>, vector<1x16xf32>,
      %slice3A_1041 = vector.extract_strided_slice %get3A_977 {offsets = [7], sizes = [1], strides = [1]} : vector<16xf32> to vector<1xf32>
      %squeeze3A_1042 = vector.extract %slice3A_1041[0] : f32 from vector<1xf32>
      %add3A_1043 = vector.broadcast %squeeze3A_1042 : f32 to vector<1x16xf32>
      %add3A_1044 = arith.addf %broadcast_in_dim3A_1, %add3A_1043 : vector<1x16xf32>
      %swap3A_1045 = arith.constant 23 : index
      %swap3A_1046 = arith.constant 0 : index
      %swap3A_1047 = tpu.vector_load %arg11[%swap3A_1045, %swap3A_1046] {strides = array<i32>} : memref<64x16xf32, #tpu.memory_space<vmem>>, vector<1x16xf32>,
      %swap3A_1048 = vector.shape_cast %swap3A_1047 : vector<1x16xf32> to vector<1x16xf32>
      %swap3A_1049 = vector.shape_cast %add3A_1044 : vector<1x16xf32> to vector<1x16xf32>
      tpu.vector_store %arg11[%swap3A_1045, %swap3A_1046], %swap3A_1049 {strides = array<i32>} : memref<64x16xf32, #tpu.memory_space<vmem>>, vector<1x16xf32>,
      %slice3A_1050 = vector.extract_strided_slice %get3A_977 {offsets = [8], sizes = [1], strides = [1]} : vector<16xf32> to vector<1xf32>
      %squeeze3A_1051 = vector.extract %slice3A_1050[0] : f32 from vector<1xf32>
      %add3A_1052 = vector.broadcast %squeeze3A_1051 : f32 to vector<1x16xf32>
      %add3A_1053 = arith.addf %broadcast_in_dim3A_1, %add3A_1052 : vector<1x16xf32>
      %swap3A_1054 = arith.constant 24 : index
      %swap3A_1055 = arith.constant 0 : index
      %swap3A_1056 = tpu.vector_load %arg11[%swap3A_1054, %swap3A_1055] {strides = array<i32>} : memref<64x16xf32, #tpu.memory_space<vmem>>, vector<1x16xf32>,
      %swap3A_1057 = vector.shape_cast %swap3A_1056 : vector<1x16xf32> to vector<1x16xf32>
      %swap3A_1058 = vector.shape_cast %add3A_1053 : vector<1x16xf32> to vector<1x16xf32>
      tpu.vector_store %arg11[%swap3A_1054, %swap3A_1055], %swap3A_1058 {strides = array<i32>} : memref<64x16xf32, #tpu.memory_space<vmem>>, vector<1x16xf32>,
      %slice3A_1059 = vector.extract_strided_slice %get3A_977 {offsets = [9], sizes = [1], strides = [1]} : vector<16xf32> to vector<1xf32>
      %squeeze3A_1060 = vector.extract %slice3A_1059[0] : f32 from vector<1xf32>
      %add3A_1061 = vector.broadcast %squeeze3A_1060 : f32 to vector<1x16xf32>
      %add3A_1062 = arith.addf %broadcast_in_dim3A_1, %add3A_1061 : vector<1x16xf32>
      %swap3A_1063 = arith.constant 25 : index
      %swap3A_1064 = arith.constant 0 : index
      %swap3A_1065 = tpu.vector_load %arg11[%swap3A_1063, %swap3A_1064] {strides = array<i32>} : memref<64x16xf32, #tpu.memory_space<vmem>>, vector<1x16xf32>,
      %swap3A_1066 = vector.shape_cast %swap3A_1065 : vector<1x16xf32> to vector<1x16xf32>
      %swap3A_1067 = vector.shape_cast %add3A_1062 : vector<1x16xf32> to vector<1x16xf32>
      tpu.vector_store %arg11[%swap3A_1063, %swap3A_1064], %swap3A_1067 {strides = array<i32>} : memref<64x16xf32, #tpu.memory_space<vmem>>, vector<1x16xf32>,
      %slice3A_1068 = vector.extract_strided_slice %get3A_977 {offsets = [10], sizes = [1], strides = [1]} : vector<16xf32> to vector<1xf32>
      %squeeze3A_1069 = vector.extract %slice3A_1068[0] : f32 from vector<1xf32>
      %add3A_1070 = vector.broadcast %squeeze3A_1069 : f32 to vector<1x16xf32>
      %add3A_1071 = arith.addf %broadcast_in_dim3A_1, %add3A_1070 : vector<1x16xf32>
      %swap3A_1072 = arith.constant 26 : index
      %swap3A_1073 = arith.constant 0 : index
      %swap3A_1074 = tpu.vector_load %arg11[%swap3A_1072, %swap3A_1073] {strides = array<i32>} : memref<64x16xf32, #tpu.memory_space<vmem>>, vector<1x16xf32>,
      %swap3A_1075 = vector.shape_cast %swap3A_1074 : vector<1x16xf32> to vector<1x16xf32>
      %swap3A_1076 = vector.shape_cast %add3A_1071 : vector<1x16xf32> to vector<1x16xf32>
      tpu.vector_store %arg11[%swap3A_1072, %swap3A_1073], %swap3A_1076 {strides = array<i32>} : memref<64x16xf32, #tpu.memory_space<vmem>>, vector<1x16xf32>,
      %slice3A_1077 = vector.extract_strided_slice %get3A_977 {offsets = [11], sizes = [1], strides = [1]} : vector<16xf32> to vector<1xf32>
      %squeeze3A_1078 = vector.extract %slice3A_1077[0] : f32 from vector<1xf32>
      %add3A_1079 = vector.broadcast %squeeze3A_1078 : f32 to vector<1x16xf32>
      %add3A_1080 = arith.addf %broadcast_in_dim3A_1, %add3A_1079 : vector<1x16xf32>
      %swap3A_1081 = arith.constant 27 : index
      %swap3A_1082 = arith.constant 0 : index
      %swap3A_1083 = tpu.vector_load %arg11[%swap3A_1081, %swap3A_1082] {strides = array<i32>} : memref<64x16xf32, #tpu.memory_space<vmem>>, vector<1x16xf32>,
      %swap3A_1084 = vector.shape_cast %swap3A_1083 : vector<1x16xf32> to vector<1x16xf32>
      %swap3A_1085 = vector.shape_cast %add3A_1080 : vector<1x16xf32> to vector<1x16xf32>
      tpu.vector_store %arg11[%swap3A_1081, %swap3A_1082], %swap3A_1085 {strides = array<i32>} : memref<64x16xf32, #tpu.memory_space<vmem>>, vector<1x16xf32>,
      %slice3A_1086 = vector.extract_strided_slice %get3A_977 {offsets = [12], sizes = [1], strides = [1]} : vector<16xf32> to vector<1xf32>
      %squeeze3A_1087 = vector.extract %slice3A_1086[0] : f32 from vector<1xf32>
      %add3A_1088 = vector.broadcast %squeeze3A_1087 : f32 to vector<1x16xf32>
      %add3A_1089 = arith.addf %broadcast_in_dim3A_1, %add3A_1088 : vector<1x16xf32>
      %swap3A_1090 = arith.constant 28 : index
      %swap3A_1091 = arith.constant 0 : index
      %swap3A_1092 = tpu.vector_load %arg11[%swap3A_1090, %swap3A_1091] {strides = array<i32>} : memref<64x16xf32, #tpu.memory_space<vmem>>, vector<1x16xf32>,
      %swap3A_1093 = vector.shape_cast %swap3A_1092 : vector<1x16xf32> to vector<1x16xf32>
      %swap3A_1094 = vector.shape_cast %add3A_1089 : vector<1x16xf32> to vector<1x16xf32>
      tpu.vector_store %arg11[%swap3A_1090, %swap3A_1091], %swap3A_1094 {strides = array<i32>} : memref<64x16xf32, #tpu.memory_space<vmem>>, vector<1x16xf32>,
      %slice3A_1095 = vector.extract_strided_slice %get3A_977 {offsets = [13], sizes = [1], strides = [1]} : vector<16xf32> to vector<1xf32>
      %squeeze3A_1096 = vector.extract %slice3A_1095[0] : f32 from vector<1xf32>
      %add3A_1097 = vector.broadcast %squeeze3A_1096 : f32 to vector<1x16xf32>
      %add3A_1098 = arith.addf %broadcast_in_dim3A_1, %add3A_1097 : vector<1x16xf32>
      %swap3A_1099 = arith.constant 29 : index
      %swap3A_1100 = arith.constant 0 : index
      %swap3A_1101 = tpu.vector_load %arg11[%swap3A_1099, %swap3A_1100] {strides = array<i32>} : memref<64x16xf32, #tpu.memory_space<vmem>>, vector<1x16xf32>,
      %swap3A_1102 = vector.shape_cast %swap3A_1101 : vector<1x16xf32> to vector<1x16xf32>
      %swap3A_1103 = vector.shape_cast %add3A_1098 : vector<1x16xf32> to vector<1x16xf32>
      tpu.vector_store %arg11[%swap3A_1099, %swap3A_1100], %swap3A_1103 {strides = array<i32>} : memref<64x16xf32, #tpu.memory_space<vmem>>, vector<1x16xf32>,
      %slice3A_1104 = vector.extract_strided_slice %get3A_977 {offsets = [14], sizes = [1], strides = [1]} : vector<16xf32> to vector<1xf32>
      %squeeze3A_1105 = vector.extract %slice3A_1104[0] : f32 from vector<1xf32>
      %add3A_1106 = vector.broadcast %squeeze3A_1105 : f32 to vector<1x16xf32>
      %add3A_1107 = arith.addf %broadcast_in_dim3A_1, %add3A_1106 : vector<1x16xf32>
      %swap3A_1108 = arith.constant 30 : index
      %swap3A_1109 = arith.constant 0 : index
      %swap3A_1110 = tpu.vector_load %arg11[%swap3A_1108, %swap3A_1109] {strides = array<i32>} : memref<64x16xf32, #tpu.memory_space<vmem>>, vector<1x16xf32>,
      %swap3A_1111 = vector.shape_cast %swap3A_1110 : vector<1x16xf32> to vector<1x16xf32>
      %swap3A_1112 = vector.shape_cast %add3A_1107 : vector<1x16xf32> to vector<1x16xf32>
      tpu.vector_store %arg11[%swap3A_1108, %swap3A_1109], %swap3A_1112 {strides = array<i32>} : memref<64x16xf32, #tpu.memory_space<vmem>>, vector<1x16xf32>,
      %slice3A_1113 = vector.extract_strided_slice %get3A_977 {offsets = [15], sizes = [1], strides = [1]} : vector<16xf32> to vector<1xf32>
      %squeeze3A_1114 = vector.extract %slice3A_1113[0] : f32 from vector<1xf32>
      %add3A_1115 = vector.broadcast %squeeze3A_1114 : f32 to vector<1x16xf32>
      %add3A_1116 = arith.addf %broadcast_in_dim3A_1, %add3A_1115 : vector<1x16xf32>
      %swap3A_1117 = arith.constant 31 : index
      %swap3A_1118 = arith.constant 0 : index
      %swap3A_1119 = tpu.vector_load %arg11[%swap3A_1117, %swap3A_1118] {strides = array<i32>} : memref<64x16xf32, #tpu.memory_space<vmem>>, vector<1x16xf32>,
      %swap3A_1120 = vector.shape_cast %swap3A_1119 : vector<1x16xf32> to vector<1x16xf32>
      %swap3A_1121 = vector.shape_cast %add3A_1116 : vector<1x16xf32> to vector<1x16xf32>
      tpu.vector_store %arg11[%swap3A_1117, %swap3A_1118], %swap3A_1121 {strides = array<i32>} : memref<64x16xf32, #tpu.memory_space<vmem>>, vector<1x16xf32>,
      %add3A_1122 = arith.constant 32 : i32
      %add3A_1123 = arith.addi %mul3A_823, %add3A_1122 : i32
      %get3A_1124 = arith.index_cast %add3A_1123 : i32 to index
      %get3A_1125 = tpu.vector_load %arg7[%get3A_1124] {strides = array<i32>} : memref<5016xf32, #tpu.memory_space<vmem>>, vector<16xf32>,
      %get3A_1126 = vector.shape_cast %get3A_1125 : vector<16xf32> to vector<16xf32>
      %slice3A_1127 = vector.extract_strided_slice %get3A_1126 {offsets = [0], sizes = [1], strides = [1]} : vector<16xf32> to vector<1xf32>
      %squeeze3A_1128 = vector.extract %slice3A_1127[0] : f32 from vector<1xf32>
      %add3A_1129 = vector.broadcast %squeeze3A_1128 : f32 to vector<1x16xf32>
      %add3A_1130 = arith.addf %broadcast_in_dim3A_1, %add3A_1129 : vector<1x16xf32>
      %swap3A_1131 = arith.constant 32 : index
      %swap3A_1132 = arith.constant 0 : index
      %swap3A_1133 = tpu.vector_load %arg11[%swap3A_1131, %swap3A_1132] {strides = array<i32>} : memref<64x16xf32, #tpu.memory_space<vmem>>, vector<1x16xf32>,
      %swap3A_1134 = vector.shape_cast %swap3A_1133 : vector<1x16xf32> to vector<1x16xf32>
      %swap3A_1135 = vector.shape_cast %add3A_1130 : vector<1x16xf32> to vector<1x16xf32>
      tpu.vector_store %arg11[%swap3A_1131, %swap3A_1132], %swap3A_1135 {strides = array<i32>} : memref<64x16xf32, #tpu.memory_space<vmem>>, vector<1x16xf32>,
      %slice3A_1136 = vector.extract_strided_slice %get3A_1126 {offsets = [1], sizes = [1], strides = [1]} : vector<16xf32> to vector<1xf32>
      %squeeze3A_1137 = vector.extract %slice3A_1136[0] : f32 from vector<1xf32>
      %add3A_1138 = vector.broadcast %squeeze3A_1137 : f32 to vector<1x16xf32>
      %add3A_1139 = arith.addf %broadcast_in_dim3A_1, %add3A_1138 : vector<1x16xf32>
      %swap3A_1140 = arith.constant 33 : index
      %swap3A_1141 = arith.constant 0 : index
      %swap3A_1142 = tpu.vector_load %arg11[%swap3A_1140, %swap3A_1141] {strides = array<i32>} : memref<64x16xf32, #tpu.memory_space<vmem>>, vector<1x16xf32>,
      %swap3A_1143 = vector.shape_cast %swap3A_1142 : vector<1x16xf32> to vector<1x16xf32>
      %swap3A_1144 = vector.shape_cast %add3A_1139 : vector<1x16xf32> to vector<1x16xf32>
      tpu.vector_store %arg11[%swap3A_1140, %swap3A_1141], %swap3A_1144 {strides = array<i32>} : memref<64x16xf32, #tpu.memory_space<vmem>>, vector<1x16xf32>,
      %slice3A_1145 = vector.extract_strided_slice %get3A_1126 {offsets = [2], sizes = [1], strides = [1]} : vector<16xf32> to vector<1xf32>
      %squeeze3A_1146 = vector.extract %slice3A_1145[0] : f32 from vector<1xf32>
      %add3A_1147 = vector.broadcast %squeeze3A_1146 : f32 to vector<1x16xf32>
      %add3A_1148 = arith.addf %broadcast_in_dim3A_1, %add3A_1147 : vector<1x16xf32>
      %swap3A_1149 = arith.constant 34 : index
      %swap3A_1150 = arith.constant 0 : index
      %swap3A_1151 = tpu.vector_load %arg11[%swap3A_1149, %swap3A_1150] {strides = array<i32>} : memref<64x16xf32, #tpu.memory_space<vmem>>, vector<1x16xf32>,
      %swap3A_1152 = vector.shape_cast %swap3A_1151 : vector<1x16xf32> to vector<1x16xf32>
      %swap3A_1153 = vector.shape_cast %add3A_1148 : vector<1x16xf32> to vector<1x16xf32>
      tpu.vector_store %arg11[%swap3A_1149, %swap3A_1150], %swap3A_1153 {strides = array<i32>} : memref<64x16xf32, #tpu.memory_space<vmem>>, vector<1x16xf32>,
      %slice3A_1154 = vector.extract_strided_slice %get3A_1126 {offsets = [3], sizes = [1], strides = [1]} : vector<16xf32> to vector<1xf32>
      %squeeze3A_1155 = vector.extract %slice3A_1154[0] : f32 from vector<1xf32>
      %add3A_1156 = vector.broadcast %squeeze3A_1155 : f32 to vector<1x16xf32>
      %add3A_1157 = arith.addf %broadcast_in_dim3A_1, %add3A_1156 : vector<1x16xf32>
      %swap3A_1158 = arith.constant 35 : index
      %swap3A_1159 = arith.constant 0 : index
      %swap3A_1160 = tpu.vector_load %arg11[%swap3A_1158, %swap3A_1159] {strides = array<i32>} : memref<64x16xf32, #tpu.memory_space<vmem>>, vector<1x16xf32>,
      %swap3A_1161 = vector.shape_cast %swap3A_1160 : vector<1x16xf32> to vector<1x16xf32>
      %swap3A_1162 = vector.shape_cast %add3A_1157 : vector<1x16xf32> to vector<1x16xf32>
      tpu.vector_store %arg11[%swap3A_1158, %swap3A_1159], %swap3A_1162 {strides = array<i32>} : memref<64x16xf32, #tpu.memory_space<vmem>>, vector<1x16xf32>,
      %slice3A_1163 = vector.extract_strided_slice %get3A_1126 {offsets = [4], sizes = [1], strides = [1]} : vector<16xf32> to vector<1xf32>
      %squeeze3A_1164 = vector.extract %slice3A_1163[0] : f32 from vector<1xf32>
      %add3A_1165 = vector.broadcast %squeeze3A_1164 : f32 to vector<1x16xf32>
      %add3A_1166 = arith.addf %broadcast_in_dim3A_1, %add3A_1165 : vector<1x16xf32>
      %swap3A_1167 = arith.constant 36 : index
      %swap3A_1168 = arith.constant 0 : index
      %swap3A_1169 = tpu.vector_load %arg11[%swap3A_1167, %swap3A_1168] {strides = array<i32>} : memref<64x16xf32, #tpu.memory_space<vmem>>, vector<1x16xf32>,
      %swap3A_1170 = vector.shape_cast %swap3A_1169 : vector<1x16xf32> to vector<1x16xf32>
      %swap3A_1171 = vector.shape_cast %add3A_1166 : vector<1x16xf32> to vector<1x16xf32>
      tpu.vector_store %arg11[%swap3A_1167, %swap3A_1168], %swap3A_1171 {strides = array<i32>} : memref<64x16xf32, #tpu.memory_space<vmem>>, vector<1x16xf32>,
      %slice3A_1172 = vector.extract_strided_slice %get3A_1126 {offsets = [5], sizes = [1], strides = [1]} : vector<16xf32> to vector<1xf32>
      %squeeze3A_1173 = vector.extract %slice3A_1172[0] : f32 from vector<1xf32>
      %add3A_1174 = vector.broadcast %squeeze3A_1173 : f32 to vector<1x16xf32>
      %add3A_1175 = arith.addf %broadcast_in_dim3A_1, %add3A_1174 : vector<1x16xf32>
      %swap3A_1176 = arith.constant 37 : index
      %swap3A_1177 = arith.constant 0 : index
      %swap3A_1178 = tpu.vector_load %arg11[%swap3A_1176, %swap3A_1177] {strides = array<i32>} : memref<64x16xf32, #tpu.memory_space<vmem>>, vector<1x16xf32>,
      %swap3A_1179 = vector.shape_cast %swap3A_1178 : vector<1x16xf32> to vector<1x16xf32>
      %swap3A_1180 = vector.shape_cast %add3A_1175 : vector<1x16xf32> to vector<1x16xf32>
      tpu.vector_store %arg11[%swap3A_1176, %swap3A_1177], %swap3A_1180 {strides = array<i32>} : memref<64x16xf32, #tpu.memory_space<vmem>>, vector<1x16xf32>,
      %slice3A_1181 = vector.extract_strided_slice %get3A_1126 {offsets = [6], sizes = [1], strides = [1]} : vector<16xf32> to vector<1xf32>
      %squeeze3A_1182 = vector.extract %slice3A_1181[0] : f32 from vector<1xf32>
      %add3A_1183 = vector.broadcast %squeeze3A_1182 : f32 to vector<1x16xf32>
      %add3A_1184 = arith.addf %broadcast_in_dim3A_1, %add3A_1183 : vector<1x16xf32>
      %swap3A_1185 = arith.constant 38 : index
      %swap3A_1186 = arith.constant 0 : index
      %swap3A_1187 = tpu.vector_load %arg11[%swap3A_1185, %swap3A_1186] {strides = array<i32>} : memref<64x16xf32, #tpu.memory_space<vmem>>, vector<1x16xf32>,
      %swap3A_1188 = vector.shape_cast %swap3A_1187 : vector<1x16xf32> to vector<1x16xf32>
      %swap3A_1189 = vector.shape_cast %add3A_1184 : vector<1x16xf32> to vector<1x16xf32>
      tpu.vector_store %arg11[%swap3A_1185, %swap3A_1186], %swap3A_1189 {strides = array<i32>} : memref<64x16xf32, #tpu.memory_space<vmem>>, vector<1x16xf32>,
      %slice3A_1190 = vector.extract_strided_slice %get3A_1126 {offsets = [7], sizes = [1], strides = [1]} : vector<16xf32> to vector<1xf32>
      %squeeze3A_1191 = vector.extract %slice3A_1190[0] : f32 from vector<1xf32>
      %add3A_1192 = vector.broadcast %squeeze3A_1191 : f32 to vector<1x16xf32>
      %add3A_1193 = arith.addf %broadcast_in_dim3A_1, %add3A_1192 : vector<1x16xf32>
      %swap3A_1194 = arith.constant 39 : index
      %swap3A_1195 = arith.constant 0 : index
      %swap3A_1196 = tpu.vector_load %arg11[%swap3A_1194, %swap3A_1195] {strides = array<i32>} : memref<64x16xf32, #tpu.memory_space<vmem>>, vector<1x16xf32>,
      %swap3A_1197 = vector.shape_cast %swap3A_1196 : vector<1x16xf32> to vector<1x16xf32>
      %swap3A_1198 = vector.shape_cast %add3A_1193 : vector<1x16xf32> to vector<1x16xf32>
      tpu.vector_store %arg11[%swap3A_1194, %swap3A_1195], %swap3A_1198 {strides = array<i32>} : memref<64x16xf32, #tpu.memory_space<vmem>>, vector<1x16xf32>,
      %slice3A_1199 = vector.extract_strided_slice %get3A_1126 {offsets = [8], sizes = [1], strides = [1]} : vector<16xf32> to vector<1xf32>
      %squeeze3A_1200 = vector.extract %slice3A_1199[0] : f32 from vector<1xf32>
      %add3A_1201 = vector.broadcast %squeeze3A_1200 : f32 to vector<1x16xf32>
      %add3A_1202 = arith.addf %broadcast_in_dim3A_1, %add3A_1201 : vector<1x16xf32>
      %swap3A_1203 = arith.constant 40 : index
      %swap3A_1204 = arith.constant 0 : index
      %swap3A_1205 = tpu.vector_load %arg11[%swap3A_1203, %swap3A_1204] {strides = array<i32>} : memref<64x16xf32, #tpu.memory_space<vmem>>, vector<1x16xf32>,
      %swap3A_1206 = vector.shape_cast %swap3A_1205 : vector<1x16xf32> to vector<1x16xf32>
      %swap3A_1207 = vector.shape_cast %add3A_1202 : vector<1x16xf32> to vector<1x16xf32>
      tpu.vector_store %arg11[%swap3A_1203, %swap3A_1204], %swap3A_1207 {strides = array<i32>} : memref<64x16xf32, #tpu.memory_space<vmem>>, vector<1x16xf32>,
      %slice3A_1208 = vector.extract_strided_slice %get3A_1126 {offsets = [9], sizes = [1], strides = [1]} : vector<16xf32> to vector<1xf32>
      %squeeze3A_1209 = vector.extract %slice3A_1208[0] : f32 from vector<1xf32>
      %add3A_1210 = vector.broadcast %squeeze3A_1209 : f32 to vector<1x16xf32>
      %add3A_1211 = arith.addf %broadcast_in_dim3A_1, %add3A_1210 : vector<1x16xf32>
      %swap3A_1212 = arith.constant 41 : index
      %swap3A_1213 = arith.constant 0 : index
      %swap3A_1214 = tpu.vector_load %arg11[%swap3A_1212, %swap3A_1213] {strides = array<i32>} : memref<64x16xf32, #tpu.memory_space<vmem>>, vector<1x16xf32>,
      %swap3A_1215 = vector.shape_cast %swap3A_1214 : vector<1x16xf32> to vector<1x16xf32>
      %swap3A_1216 = vector.shape_cast %add3A_1211 : vector<1x16xf32> to vector<1x16xf32>
      tpu.vector_store %arg11[%swap3A_1212, %swap3A_1213], %swap3A_1216 {strides = array<i32>} : memref<64x16xf32, #tpu.memory_space<vmem>>, vector<1x16xf32>,
      %slice3A_1217 = vector.extract_strided_slice %get3A_1126 {offsets = [10], sizes = [1], strides = [1]} : vector<16xf32> to vector<1xf32>
      %squeeze3A_1218 = vector.extract %slice3A_1217[0] : f32 from vector<1xf32>
      %add3A_1219 = vector.broadcast %squeeze3A_1218 : f32 to vector<1x16xf32>
      %add3A_1220 = arith.addf %broadcast_in_dim3A_1, %add3A_1219 : vector<1x16xf32>
      %swap3A_1221 = arith.constant 42 : index
      %swap3A_1222 = arith.constant 0 : index
      %swap3A_1223 = tpu.vector_load %arg11[%swap3A_1221, %swap3A_1222] {strides = array<i32>} : memref<64x16xf32, #tpu.memory_space<vmem>>, vector<1x16xf32>,
      %swap3A_1224 = vector.shape_cast %swap3A_1223 : vector<1x16xf32> to vector<1x16xf32>
      %swap3A_1225 = vector.shape_cast %add3A_1220 : vector<1x16xf32> to vector<1x16xf32>
      tpu.vector_store %arg11[%swap3A_1221, %swap3A_1222], %swap3A_1225 {strides = array<i32>} : memref<64x16xf32, #tpu.memory_space<vmem>>, vector<1x16xf32>,
      %slice3A_1226 = vector.extract_strided_slice %get3A_1126 {offsets = [11], sizes = [1], strides = [1]} : vector<16xf32> to vector<1xf32>
      %squeeze3A_1227 = vector.extract %slice3A_1226[0] : f32 from vector<1xf32>
      %add3A_1228 = vector.broadcast %squeeze3A_1227 : f32 to vector<1x16xf32>
      %add3A_1229 = arith.addf %broadcast_in_dim3A_1, %add3A_1228 : vector<1x16xf32>
      %swap3A_1230 = arith.constant 43 : index
      %swap3A_1231 = arith.constant 0 : index
      %swap3A_1232 = tpu.vector_load %arg11[%swap3A_1230, %swap3A_1231] {strides = array<i32>} : memref<64x16xf32, #tpu.memory_space<vmem>>, vector<1x16xf32>,
      %swap3A_1233 = vector.shape_cast %swap3A_1232 : vector<1x16xf32> to vector<1x16xf32>
      %swap3A_1234 = vector.shape_cast %add3A_1229 : vector<1x16xf32> to vector<1x16xf32>
      tpu.vector_store %arg11[%swap3A_1230, %swap3A_1231], %swap3A_1234 {strides = array<i32>} : memref<64x16xf32, #tpu.memory_space<vmem>>, vector<1x16xf32>,
      %slice3A_1235 = vector.extract_strided_slice %get3A_1126 {offsets = [12], sizes = [1], strides = [1]} : vector<16xf32> to vector<1xf32>
      %squeeze3A_1236 = vector.extract %slice3A_1235[0] : f32 from vector<1xf32>
      %add3A_1237 = vector.broadcast %squeeze3A_1236 : f32 to vector<1x16xf32>
      %add3A_1238 = arith.addf %broadcast_in_dim3A_1, %add3A_1237 : vector<1x16xf32>
      %swap3A_1239 = arith.constant 44 : index
      %swap3A_1240 = arith.constant 0 : index
      %swap3A_1241 = tpu.vector_load %arg11[%swap3A_1239, %swap3A_1240] {strides = array<i32>} : memref<64x16xf32, #tpu.memory_space<vmem>>, vector<1x16xf32>,
      %swap3A_1242 = vector.shape_cast %swap3A_1241 : vector<1x16xf32> to vector<1x16xf32>
      %swap3A_1243 = vector.shape_cast %add3A_1238 : vector<1x16xf32> to vector<1x16xf32>
      tpu.vector_store %arg11[%swap3A_1239, %swap3A_1240], %swap3A_1243 {strides = array<i32>} : memref<64x16xf32, #tpu.memory_space<vmem>>, vector<1x16xf32>,
      %slice3A_1244 = vector.extract_strided_slice %get3A_1126 {offsets = [13], sizes = [1], strides = [1]} : vector<16xf32> to vector<1xf32>
      %squeeze3A_1245 = vector.extract %slice3A_1244[0] : f32 from vector<1xf32>
      %add3A_1246 = vector.broadcast %squeeze3A_1245 : f32 to vector<1x16xf32>
      %add3A_1247 = arith.addf %broadcast_in_dim3A_1, %add3A_1246 : vector<1x16xf32>
      %swap3A_1248 = arith.constant 45 : index
      %swap3A_1249 = arith.constant 0 : index
      %swap3A_1250 = tpu.vector_load %arg11[%swap3A_1248, %swap3A_1249] {strides = array<i32>} : memref<64x16xf32, #tpu.memory_space<vmem>>, vector<1x16xf32>,
      %swap3A_1251 = vector.shape_cast %swap3A_1250 : vector<1x16xf32> to vector<1x16xf32>
      %swap3A_1252 = vector.shape_cast %add3A_1247 : vector<1x16xf32> to vector<1x16xf32>
      tpu.vector_store %arg11[%swap3A_1248, %swap3A_1249], %swap3A_1252 {strides = array<i32>} : memref<64x16xf32, #tpu.memory_space<vmem>>, vector<1x16xf32>,
      %slice3A_1253 = vector.extract_strided_slice %get3A_1126 {offsets = [14], sizes = [1], strides = [1]} : vector<16xf32> to vector<1xf32>
      %squeeze3A_1254 = vector.extract %slice3A_1253[0] : f32 from vector<1xf32>
      %add3A_1255 = vector.broadcast %squeeze3A_1254 : f32 to vector<1x16xf32>
      %add3A_1256 = arith.addf %broadcast_in_dim3A_1, %add3A_1255 : vector<1x16xf32>
      %swap3A_1257 = arith.constant 46 : index
      %swap3A_1258 = arith.constant 0 : index
      %swap3A_1259 = tpu.vector_load %arg11[%swap3A_1257, %swap3A_1258] {strides = array<i32>} : memref<64x16xf32, #tpu.memory_space<vmem>>, vector<1x16xf32>,
      %swap3A_1260 = vector.shape_cast %swap3A_1259 : vector<1x16xf32> to vector<1x16xf32>
      %swap3A_1261 = vector.shape_cast %add3A_1256 : vector<1x16xf32> to vector<1x16xf32>
      tpu.vector_store %arg11[%swap3A_1257, %swap3A_1258], %swap3A_1261 {strides = array<i32>} : memref<64x16xf32, #tpu.memory_space<vmem>>, vector<1x16xf32>,
      %slice3A_1262 = vector.extract_strided_slice %get3A_1126 {offsets = [15], sizes = [1], strides = [1]} : vector<16xf32> to vector<1xf32>
      %squeeze3A_1263 = vector.extract %slice3A_1262[0] : f32 from vector<1xf32>
      %add3A_1264 = vector.broadcast %squeeze3A_1263 : f32 to vector<1x16xf32>
      %add3A_1265 = arith.addf %broadcast_in_dim3A_1, %add3A_1264 : vector<1x16xf32>
      %swap3A_1266 = arith.constant 47 : index
      %swap3A_1267 = arith.constant 0 : index
      %swap3A_1268 = tpu.vector_load %arg11[%swap3A_1266, %swap3A_1267] {strides = array<i32>} : memref<64x16xf32, #tpu.memory_space<vmem>>, vector<1x16xf32>,
      %swap3A_1269 = vector.shape_cast %swap3A_1268 : vector<1x16xf32> to vector<1x16xf32>
      %swap3A_1270 = vector.shape_cast %add3A_1265 : vector<1x16xf32> to vector<1x16xf32>
      tpu.vector_store %arg11[%swap3A_1266, %swap3A_1267], %swap3A_1270 {strides = array<i32>} : memref<64x16xf32, #tpu.memory_space<vmem>>, vector<1x16xf32>,
      %add3A_1271 = arith.constant 48 : i32
      %add3A_1272 = arith.addi %mul3A_823, %add3A_1271 : i32
      %get3A_1273 = arith.index_cast %add3A_1272 : i32 to index
      %get3A_1274 = tpu.vector_load %arg7[%get3A_1273] {strides = array<i32>} : memref<5016xf32, #tpu.memory_space<vmem>>, vector<16xf32>,
      %get3A_1275 = vector.shape_cast %get3A_1274 : vector<16xf32> to vector<16xf32>
      %slice3A_1276 = vector.extract_strided_slice %get3A_1275 {offsets = [0], sizes = [1], strides = [1]} : vector<16xf32> to vector<1xf32>
      %squeeze3A_1277 = vector.extract %slice3A_1276[0] : f32 from vector<1xf32>
      %add3A_1278 = vector.broadcast %squeeze3A_1277 : f32 to vector<1x16xf32>
      %add3A_1279 = arith.addf %broadcast_in_dim3A_1, %add3A_1278 : vector<1x16xf32>
      %swap3A_1280 = arith.constant 48 : index
      %swap3A_1281 = arith.constant 0 : index
      %swap3A_1282 = tpu.vector_load %arg11[%swap3A_1280, %swap3A_1281] {strides = array<i32>} : memref<64x16xf32, #tpu.memory_space<vmem>>, vector<1x16xf32>,
      %swap3A_1283 = vector.shape_cast %swap3A_1282 : vector<1x16xf32> to vector<1x16xf32>
      %swap3A_1284 = vector.shape_cast %add3A_1279 : vector<1x16xf32> to vector<1x16xf32>
      tpu.vector_store %arg11[%swap3A_1280, %swap3A_1281], %swap3A_1284 {strides = array<i32>} : memref<64x16xf32, #tpu.memory_space<vmem>>, vector<1x16xf32>,
      %slice3A_1285 = vector.extract_strided_slice %get3A_1275 {offsets = [1], sizes = [1], strides = [1]} : vector<16xf32> to vector<1xf32>
      %squeeze3A_1286 = vector.extract %slice3A_1285[0] : f32 from vector<1xf32>
      %add3A_1287 = vector.broadcast %squeeze3A_1286 : f32 to vector<1x16xf32>
      %add3A_1288 = arith.addf %broadcast_in_dim3A_1, %add3A_1287 : vector<1x16xf32>
      %swap3A_1289 = arith.constant 49 : index
      %swap3A_1290 = arith.constant 0 : index
      %swap3A_1291 = tpu.vector_load %arg11[%swap3A_1289, %swap3A_1290] {strides = array<i32>} : memref<64x16xf32, #tpu.memory_space<vmem>>, vector<1x16xf32>,
      %swap3A_1292 = vector.shape_cast %swap3A_1291 : vector<1x16xf32> to vector<1x16xf32>
      %swap3A_1293 = vector.shape_cast %add3A_1288 : vector<1x16xf32> to vector<1x16xf32>
      tpu.vector_store %arg11[%swap3A_1289, %swap3A_1290], %swap3A_1293 {strides = array<i32>} : memref<64x16xf32, #tpu.memory_space<vmem>>, vector<1x16xf32>,
      %slice3A_1294 = vector.extract_strided_slice %get3A_1275 {offsets = [2], sizes = [1], strides = [1]} : vector<16xf32> to vector<1xf32>
      %squeeze3A_1295 = vector.extract %slice3A_1294[0] : f32 from vector<1xf32>
      %add3A_1296 = vector.broadcast %squeeze3A_1295 : f32 to vector<1x16xf32>
      %add3A_1297 = arith.addf %broadcast_in_dim3A_1, %add3A_1296 : vector<1x16xf32>
      %swap3A_1298 = arith.constant 50 : index
      %swap3A_1299 = arith.constant 0 : index
      %swap3A_1300 = tpu.vector_load %arg11[%swap3A_1298, %swap3A_1299] {strides = array<i32>} : memref<64x16xf32, #tpu.memory_space<vmem>>, vector<1x16xf32>,
      %swap3A_1301 = vector.shape_cast %swap3A_1300 : vector<1x16xf32> to vector<1x16xf32>
      %swap3A_1302 = vector.shape_cast %add3A_1297 : vector<1x16xf32> to vector<1x16xf32>
      tpu.vector_store %arg11[%swap3A_1298, %swap3A_1299], %swap3A_1302 {strides = array<i32>} : memref<64x16xf32, #tpu.memory_space<vmem>>, vector<1x16xf32>,
      %slice3A_1303 = vector.extract_strided_slice %get3A_1275 {offsets = [3], sizes = [1], strides = [1]} : vector<16xf32> to vector<1xf32>
      %squeeze3A_1304 = vector.extract %slice3A_1303[0] : f32 from vector<1xf32>
      %add3A_1305 = vector.broadcast %squeeze3A_1304 : f32 to vector<1x16xf32>
      %add3A_1306 = arith.addf %broadcast_in_dim3A_1, %add3A_1305 : vector<1x16xf32>
      %swap3A_1307 = arith.constant 51 : index
      %swap3A_1308 = arith.constant 0 : index
      %swap3A_1309 = tpu.vector_load %arg11[%swap3A_1307, %swap3A_1308] {strides = array<i32>} : memref<64x16xf32, #tpu.memory_space<vmem>>, vector<1x16xf32>,
      %swap3A_1310 = vector.shape_cast %swap3A_1309 : vector<1x16xf32> to vector<1x16xf32>
      %swap3A_1311 = vector.shape_cast %add3A_1306 : vector<1x16xf32> to vector<1x16xf32>
      tpu.vector_store %arg11[%swap3A_1307, %swap3A_1308], %swap3A_1311 {strides = array<i32>} : memref<64x16xf32, #tpu.memory_space<vmem>>, vector<1x16xf32>,
      %slice3A_1312 = vector.extract_strided_slice %get3A_1275 {offsets = [4], sizes = [1], strides = [1]} : vector<16xf32> to vector<1xf32>
      %squeeze3A_1313 = vector.extract %slice3A_1312[0] : f32 from vector<1xf32>
      %add3A_1314 = vector.broadcast %squeeze3A_1313 : f32 to vector<1x16xf32>
      %add3A_1315 = arith.addf %broadcast_in_dim3A_1, %add3A_1314 : vector<1x16xf32>
      %swap3A_1316 = arith.constant 52 : index
      %swap3A_1317 = arith.constant 0 : index
      %swap3A_1318 = tpu.vector_load %arg11[%swap3A_1316, %swap3A_1317] {strides = array<i32>} : memref<64x16xf32, #tpu.memory_space<vmem>>, vector<1x16xf32>,
      %swap3A_1319 = vector.shape_cast %swap3A_1318 : vector<1x16xf32> to vector<1x16xf32>
      %swap3A_1320 = vector.shape_cast %add3A_1315 : vector<1x16xf32> to vector<1x16xf32>
      tpu.vector_store %arg11[%swap3A_1316, %swap3A_1317], %swap3A_1320 {strides = array<i32>} : memref<64x16xf32, #tpu.memory_space<vmem>>, vector<1x16xf32>,
      %slice3A_1321 = vector.extract_strided_slice %get3A_1275 {offsets = [5], sizes = [1], strides = [1]} : vector<16xf32> to vector<1xf32>
      %squeeze3A_1322 = vector.extract %slice3A_1321[0] : f32 from vector<1xf32>
      %add3A_1323 = vector.broadcast %squeeze3A_1322 : f32 to vector<1x16xf32>
      %add3A_1324 = arith.addf %broadcast_in_dim3A_1, %add3A_1323 : vector<1x16xf32>
      %swap3A_1325 = arith.constant 53 : index
      %swap3A_1326 = arith.constant 0 : index
      %swap3A_1327 = tpu.vector_load %arg11[%swap3A_1325, %swap3A_1326] {strides = array<i32>} : memref<64x16xf32, #tpu.memory_space<vmem>>, vector<1x16xf32>,
      %swap3A_1328 = vector.shape_cast %swap3A_1327 : vector<1x16xf32> to vector<1x16xf32>
      %swap3A_1329 = vector.shape_cast %add3A_1324 : vector<1x16xf32> to vector<1x16xf32>
      tpu.vector_store %arg11[%swap3A_1325, %swap3A_1326], %swap3A_1329 {strides = array<i32>} : memref<64x16xf32, #tpu.memory_space<vmem>>, vector<1x16xf32>,
      %slice3A_1330 = vector.extract_strided_slice %get3A_1275 {offsets = [6], sizes = [1], strides = [1]} : vector<16xf32> to vector<1xf32>
      %squeeze3A_1331 = vector.extract %slice3A_1330[0] : f32 from vector<1xf32>
      %add3A_1332 = vector.broadcast %squeeze3A_1331 : f32 to vector<1x16xf32>
      %add3A_1333 = arith.addf %broadcast_in_dim3A_1, %add3A_1332 : vector<1x16xf32>
      %swap3A_1334 = arith.constant 54 : index
      %swap3A_1335 = arith.constant 0 : index
      %swap3A_1336 = tpu.vector_load %arg11[%swap3A_1334, %swap3A_1335] {strides = array<i32>} : memref<64x16xf32, #tpu.memory_space<vmem>>, vector<1x16xf32>,
      %swap3A_1337 = vector.shape_cast %swap3A_1336 : vector<1x16xf32> to vector<1x16xf32>
      %swap3A_1338 = vector.shape_cast %add3A_1333 : vector<1x16xf32> to vector<1x16xf32>
      tpu.vector_store %arg11[%swap3A_1334, %swap3A_1335], %swap3A_1338 {strides = array<i32>} : memref<64x16xf32, #tpu.memory_space<vmem>>, vector<1x16xf32>,
      %slice3A_1339 = vector.extract_strided_slice %get3A_1275 {offsets = [7], sizes = [1], strides = [1]} : vector<16xf32> to vector<1xf32>
      %squeeze3A_1340 = vector.extract %slice3A_1339[0] : f32 from vector<1xf32>
      %add3A_1341 = vector.broadcast %squeeze3A_1340 : f32 to vector<1x16xf32>
      %add3A_1342 = arith.addf %broadcast_in_dim3A_1, %add3A_1341 : vector<1x16xf32>
      %swap3A_1343 = arith.constant 55 : index
      %swap3A_1344 = arith.constant 0 : index
      %swap3A_1345 = tpu.vector_load %arg11[%swap3A_1343, %swap3A_1344] {strides = array<i32>} : memref<64x16xf32, #tpu.memory_space<vmem>>, vector<1x16xf32>,
      %swap3A_1346 = vector.shape_cast %swap3A_1345 : vector<1x16xf32> to vector<1x16xf32>
      %swap3A_1347 = vector.shape_cast %add3A_1342 : vector<1x16xf32> to vector<1x16xf32>
      tpu.vector_store %arg11[%swap3A_1343, %swap3A_1344], %swap3A_1347 {strides = array<i32>} : memref<64x16xf32, #tpu.memory_space<vmem>>, vector<1x16xf32>,
      %slice3A_1348 = vector.extract_strided_slice %get3A_1275 {offsets = [8], sizes = [1], strides = [1]} : vector<16xf32> to vector<1xf32>
      %squeeze3A_1349 = vector.extract %slice3A_1348[0] : f32 from vector<1xf32>
      %add3A_1350 = vector.broadcast %squeeze3A_1349 : f32 to vector<1x16xf32>
      %add3A_1351 = arith.addf %broadcast_in_dim3A_1, %add3A_1350 : vector<1x16xf32>
      %swap3A_1352 = arith.constant 56 : index
      %swap3A_1353 = arith.constant 0 : index
      %swap3A_1354 = tpu.vector_load %arg11[%swap3A_1352, %swap3A_1353] {strides = array<i32>} : memref<64x16xf32, #tpu.memory_space<vmem>>, vector<1x16xf32>,
      %swap3A_1355 = vector.shape_cast %swap3A_1354 : vector<1x16xf32> to vector<1x16xf32>
      %swap3A_1356 = vector.shape_cast %add3A_1351 : vector<1x16xf32> to vector<1x16xf32>
      tpu.vector_store %arg11[%swap3A_1352, %swap3A_1353], %swap3A_1356 {strides = array<i32>} : memref<64x16xf32, #tpu.memory_space<vmem>>, vector<1x16xf32>,
      %slice3A_1357 = vector.extract_strided_slice %get3A_1275 {offsets = [9], sizes = [1], strides = [1]} : vector<16xf32> to vector<1xf32>
      %squeeze3A_1358 = vector.extract %slice3A_1357[0] : f32 from vector<1xf32>
      %add3A_1359 = vector.broadcast %squeeze3A_1358 : f32 to vector<1x16xf32>
      %add3A_1360 = arith.addf %broadcast_in_dim3A_1, %add3A_1359 : vector<1x16xf32>
      %swap3A_1361 = arith.constant 57 : index
      %swap3A_1362 = arith.constant 0 : index
      %swap3A_1363 = tpu.vector_load %arg11[%swap3A_1361, %swap3A_1362] {strides = array<i32>} : memref<64x16xf32, #tpu.memory_space<vmem>>, vector<1x16xf32>,
      %swap3A_1364 = vector.shape_cast %swap3A_1363 : vector<1x16xf32> to vector<1x16xf32>
      %swap3A_1365 = vector.shape_cast %add3A_1360 : vector<1x16xf32> to vector<1x16xf32>
      tpu.vector_store %arg11[%swap3A_1361, %swap3A_1362], %swap3A_1365 {strides = array<i32>} : memref<64x16xf32, #tpu.memory_space<vmem>>, vector<1x16xf32>,
      %slice3A_1366 = vector.extract_strided_slice %get3A_1275 {offsets = [10], sizes = [1], strides = [1]} : vector<16xf32> to vector<1xf32>
      %squeeze3A_1367 = vector.extract %slice3A_1366[0] : f32 from vector<1xf32>
      %add3A_1368 = vector.broadcast %squeeze3A_1367 : f32 to vector<1x16xf32>
      %add3A_1369 = arith.addf %broadcast_in_dim3A_1, %add3A_1368 : vector<1x16xf32>
      %swap3A_1370 = arith.constant 58 : index
      %swap3A_1371 = arith.constant 0 : index
      %swap3A_1372 = tpu.vector_load %arg11[%swap3A_1370, %swap3A_1371] {strides = array<i32>} : memref<64x16xf32, #tpu.memory_space<vmem>>, vector<1x16xf32>,
      %swap3A_1373 = vector.shape_cast %swap3A_1372 : vector<1x16xf32> to vector<1x16xf32>
      %swap3A_1374 = vector.shape_cast %add3A_1369 : vector<1x16xf32> to vector<1x16xf32>
      tpu.vector_store %arg11[%swap3A_1370, %swap3A_1371], %swap3A_1374 {strides = array<i32>} : memref<64x16xf32, #tpu.memory_space<vmem>>, vector<1x16xf32>,
      %slice3A_1375 = vector.extract_strided_slice %get3A_1275 {offsets = [11], sizes = [1], strides = [1]} : vector<16xf32> to vector<1xf32>
      %squeeze3A_1376 = vector.extract %slice3A_1375[0] : f32 from vector<1xf32>
      %add3A_1377 = vector.broadcast %squeeze3A_1376 : f32 to vector<1x16xf32>
      %add3A_1378 = arith.addf %broadcast_in_dim3A_1, %add3A_1377 : vector<1x16xf32>
      %swap3A_1379 = arith.constant 59 : index
      %swap3A_1380 = arith.constant 0 : index
      %swap3A_1381 = tpu.vector_load %arg11[%swap3A_1379, %swap3A_1380] {strides = array<i32>} : memref<64x16xf32, #tpu.memory_space<vmem>>, vector<1x16xf32>,
      %swap3A_1382 = vector.shape_cast %swap3A_1381 : vector<1x16xf32> to vector<1x16xf32>
      %swap3A_1383 = vector.shape_cast %add3A_1378 : vector<1x16xf32> to vector<1x16xf32>
      tpu.vector_store %arg11[%swap3A_1379, %swap3A_1380], %swap3A_1383 {strides = array<i32>} : memref<64x16xf32, #tpu.memory_space<vmem>>, vector<1x16xf32>,
      %slice3A_1384 = vector.extract_strided_slice %get3A_1275 {offsets = [12], sizes = [1], strides = [1]} : vector<16xf32> to vector<1xf32>
      %squeeze3A_1385 = vector.extract %slice3A_1384[0] : f32 from vector<1xf32>
      %add3A_1386 = vector.broadcast %squeeze3A_1385 : f32 to vector<1x16xf32>
      %add3A_1387 = arith.addf %broadcast_in_dim3A_1, %add3A_1386 : vector<1x16xf32>
      %swap3A_1388 = arith.constant 60 : index
      %swap3A_1389 = arith.constant 0 : index
      %swap3A_1390 = tpu.vector_load %arg11[%swap3A_1388, %swap3A_1389] {strides = array<i32>} : memref<64x16xf32, #tpu.memory_space<vmem>>, vector<1x16xf32>,
      %swap3A_1391 = vector.shape_cast %swap3A_1390 : vector<1x16xf32> to vector<1x16xf32>
      %swap3A_1392 = vector.shape_cast %add3A_1387 : vector<1x16xf32> to vector<1x16xf32>
      tpu.vector_store %arg11[%swap3A_1388, %swap3A_1389], %swap3A_1392 {strides = array<i32>} : memref<64x16xf32, #tpu.memory_space<vmem>>, vector<1x16xf32>,
      %slice3A_1393 = vector.extract_strided_slice %get3A_1275 {offsets = [13], sizes = [1], strides = [1]} : vector<16xf32> to vector<1xf32>
      %squeeze3A_1394 = vector.extract %slice3A_1393[0] : f32 from vector<1xf32>
      %add3A_1395 = vector.broadcast %squeeze3A_1394 : f32 to vector<1x16xf32>
      %add3A_1396 = arith.addf %broadcast_in_dim3A_1, %add3A_1395 : vector<1x16xf32>
      %swap3A_1397 = arith.constant 61 : index
      %swap3A_1398 = arith.constant 0 : index
      %swap3A_1399 = tpu.vector_load %arg11[%swap3A_1397, %swap3A_1398] {strides = array<i32>} : memref<64x16xf32, #tpu.memory_space<vmem>>, vector<1x16xf32>,
      %swap3A_1400 = vector.shape_cast %swap3A_1399 : vector<1x16xf32> to vector<1x16xf32>
      %swap3A_1401 = vector.shape_cast %add3A_1396 : vector<1x16xf32> to vector<1x16xf32>
      tpu.vector_store %arg11[%swap3A_1397, %swap3A_1398], %swap3A_1401 {strides = array<i32>} : memref<64x16xf32, #tpu.memory_space<vmem>>, vector<1x16xf32>,
      %slice3A_1402 = vector.extract_strided_slice %get3A_1275 {offsets = [14], sizes = [1], strides = [1]} : vector<16xf32> to vector<1xf32>
      %squeeze3A_1403 = vector.extract %slice3A_1402[0] : f32 from vector<1xf32>
      %add3A_1404 = vector.broadcast %squeeze3A_1403 : f32 to vector<1x16xf32>
      %add3A_1405 = arith.addf %broadcast_in_dim3A_1, %add3A_1404 : vector<1x16xf32>
      %swap3A_1406 = arith.constant 62 : index
      %swap3A_1407 = arith.constant 0 : index
      %swap3A_1408 = tpu.vector_load %arg11[%swap3A_1406, %swap3A_1407] {strides = array<i32>} : memref<64x16xf32, #tpu.memory_space<vmem>>, vector<1x16xf32>,
      %swap3A_1409 = vector.shape_cast %swap3A_1408 : vector<1x16xf32> to vector<1x16xf32>
      %swap3A_1410 = vector.shape_cast %add3A_1405 : vector<1x16xf32> to vector<1x16xf32>
      tpu.vector_store %arg11[%swap3A_1406, %swap3A_1407], %swap3A_1410 {strides = array<i32>} : memref<64x16xf32, #tpu.memory_space<vmem>>, vector<1x16xf32>,
      %slice3A_1411 = vector.extract_strided_slice %get3A_1275 {offsets = [15], sizes = [1], strides = [1]} : vector<16xf32> to vector<1xf32>
      %squeeze3A_1412 = vector.extract %slice3A_1411[0] : f32 from vector<1xf32>
      %add3A_1413 = vector.broadcast %squeeze3A_1412 : f32 to vector<1x16xf32>
      %add3A_1414 = arith.addf %broadcast_in_dim3A_1, %add3A_1413 : vector<1x16xf32>
      %swap3A_1415 = arith.constant 63 : index
      %swap3A_1416 = arith.constant 0 : index
      %swap3A_1417 = tpu.vector_load %arg11[%swap3A_1415, %swap3A_1416] {strides = array<i32>} : memref<64x16xf32, #tpu.memory_space<vmem>>, vector<1x16xf32>,
      %swap3A_1418 = vector.shape_cast %swap3A_1417 : vector<1x16xf32> to vector<1x16xf32>
      %swap3A_1419 = vector.shape_cast %add3A_1414 : vector<1x16xf32> to vector<1x16xf32>
      tpu.vector_store %arg11[%swap3A_1415, %swap3A_1416], %swap3A_1419 {strides = array<i32>} : memref<64x16xf32, #tpu.memory_space<vmem>>, vector<1x16xf32>,
      %scan3A_1420 = arith.constant 0 : i32
      %scan3A_1421 = arith.constant 0 : i32
      %scan3A_1422 = arith.constant 64 : i32
      %scan3A_1423 = arith.addi %scan3A_1421, %scan3A_1422 : i32
      %scan3A_1424 = arith.constant 1 : i32
      %scan3A_1425 = scf.for %scan3A_1438 = %scan3A_1421 to %scan3A_1423 step %scan3A_1424 iter_args(%scan3A_1439 = %scan3A_1420) -> (i32)  : i32 {
        %get3A_1440 = arith.index_cast %scan3A_1438 : i32 to index
        %get3A_1441 = arith.constant 0 : index
        %get3A_1442 = tpu.vector_load %arg11[%get3A_1440, %get3A_1441] {strides = array<i32>} : memref<64x16xf32, #tpu.memory_space<vmem>>, vector<1x16xf32>,
        %get3A_1443 = vector.shape_cast %get3A_1442 : vector<1x16xf32> to vector<1x16xf32>
        %get3A_1444 = arith.index_cast %scan3A_1438 : i32 to index
        %get3A_1445 = arith.constant 0 : index
        %get3A_1446 = tpu.vector_load %arg9[%get3A_1444, %get3A_1445] {strides = array<i32>} : memref<64x256xf32, #tpu.memory_space<vmem>>, vector<1x16xf32>,
        %get3A_1447 = vector.shape_cast %get3A_1446 : vector<1x16xf32> to vector<1x16xf32>
        %mul3A_1448 = arith.mulf %get3A_1447, %get3A_1443 : vector<1x16xf32>
        %swap3A_1449 = arith.index_cast %scan3A_1438 : i32 to index
        %swap3A_1450 = arith.constant 0 : index
        %swap3A_1451 = tpu.vector_load %arg9[%swap3A_1449, %swap3A_1450] {strides = array<i32>} : memref<64x256xf32, #tpu.memory_space<vmem>>, vector<1x16xf32>,
        %swap3A_1452 = vector.shape_cast %swap3A_1451 : vector<1x16xf32> to vector<1x16xf32>
        %swap3A_1453 = vector.shape_cast %mul3A_1448 : vector<1x16xf32> to vector<1x16xf32>
        tpu.vector_store %arg9[%swap3A_1449, %swap3A_1450], %swap3A_1453 {strides = array<i32>} : memref<64x256xf32, #tpu.memory_space<vmem>>, vector<1x16xf32>,
        %get3A_1454 = arith.index_cast %scan3A_1438 : i32 to index
        %get3A_1455 = arith.constant 16 : index
        %get3A_1456 = tpu.vector_load %arg9[%get3A_1454, %get3A_1455] {strides = array<i32>} : memref<64x256xf32, #tpu.memory_space<vmem>>, vector<1x16xf32>,
        %get3A_1457 = vector.shape_cast %get3A_1456 : vector<1x16xf32> to vector<1x16xf32>
        %mul3A_1458 = arith.mulf %get3A_1457, %get3A_1443 : vector<1x16xf32>
        %swap3A_1459 = arith.index_cast %scan3A_1438 : i32 to index
        %swap3A_1460 = arith.constant 16 : index
        %swap3A_1461 = tpu.vector_load %arg9[%swap3A_1459, %swap3A_1460] {strides = array<i32>} : memref<64x256xf32, #tpu.memory_space<vmem>>, vector<1x16xf32>,
        %swap3A_1462 = vector.shape_cast %swap3A_1461 : vector<1x16xf32> to vector<1x16xf32>
        %swap3A_1463 = vector.shape_cast %mul3A_1458 : vector<1x16xf32> to vector<1x16xf32>
        tpu.vector_store %arg9[%swap3A_1459, %swap3A_1460], %swap3A_1463 {strides = array<i32>} : memref<64x256xf32, #tpu.memory_space<vmem>>, vector<1x16xf32>,
        %get3A_1464 = arith.index_cast %scan3A_1438 : i32 to index
        %get3A_1465 = arith.constant 32 : index
        %get3A_1466 = tpu.vector_load %arg9[%get3A_1464, %get3A_1465] {strides = array<i32>} : memref<64x256xf32, #tpu.memory_space<vmem>>, vector<1x16xf32>,
        %get3A_1467 = vector.shape_cast %get3A_1466 : vector<1x16xf32> to vector<1x16xf32>
        %mul3A_1468 = arith.mulf %get3A_1467, %get3A_1443 : vector<1x16xf32>
        %swap3A_1469 = arith.index_cast %scan3A_1438 : i32 to index
        %swap3A_1470 = arith.constant 32 : index
        %swap3A_1471 = tpu.vector_load %arg9[%swap3A_1469, %swap3A_1470] {strides = array<i32>} : memref<64x256xf32, #tpu.memory_space<vmem>>, vector<1x16xf32>,
        %swap3A_1472 = vector.shape_cast %swap3A_1471 : vector<1x16xf32> to vector<1x16xf32>
        %swap3A_1473 = vector.shape_cast %mul3A_1468 : vector<1x16xf32> to vector<1x16xf32>
        tpu.vector_store %arg9[%swap3A_1469, %swap3A_1470], %swap3A_1473 {strides = array<i32>} : memref<64x256xf32, #tpu.memory_space<vmem>>, vector<1x16xf32>,
        %get3A_1474 = arith.index_cast %scan3A_1438 : i32 to index
        %get3A_1475 = arith.constant 48 : index
        %get3A_1476 = tpu.vector_load %arg9[%get3A_1474, %get3A_1475] {strides = array<i32>} : memref<64x256xf32, #tpu.memory_space<vmem>>, vector<1x16xf32>,
        %get3A_1477 = vector.shape_cast %get3A_1476 : vector<1x16xf32> to vector<1x16xf32>
        %mul3A_1478 = arith.mulf %get3A_1477, %get3A_1443 : vector<1x16xf32>
        %swap3A_1479 = arith.index_cast %scan3A_1438 : i32 to index
        %swap3A_1480 = arith.constant 48 : index
        %swap3A_1481 = tpu.vector_load %arg9[%swap3A_1479, %swap3A_1480] {strides = array<i32>} : memref<64x256xf32, #tpu.memory_space<vmem>>, vector<1x16xf32>,
        %swap3A_1482 = vector.shape_cast %swap3A_1481 : vector<1x16xf32> to vector<1x16xf32>
        %swap3A_1483 = vector.shape_cast %mul3A_1478 : vector<1x16xf32> to vector<1x16xf32>
        tpu.vector_store %arg9[%swap3A_1479, %swap3A_1480], %swap3A_1483 {strides = array<i32>} : memref<64x256xf32, #tpu.memory_space<vmem>>, vector<1x16xf32>,
        %get3A_1484 = arith.index_cast %scan3A_1438 : i32 to index
        %get3A_1485 = arith.constant 64 : index
        %get3A_1486 = tpu.vector_load %arg9[%get3A_1484, %get3A_1485] {strides = array<i32>} : memref<64x256xf32, #tpu.memory_space<vmem>>, vector<1x16xf32>,
        %get3A_1487 = vector.shape_cast %get3A_1486 : vector<1x16xf32> to vector<1x16xf32>
        %mul3A_1488 = arith.mulf %get3A_1487, %get3A_1443 : vector<1x16xf32>
        %swap3A_1489 = arith.index_cast %scan3A_1438 : i32 to index
        %swap3A_1490 = arith.constant 64 : index
        %swap3A_1491 = tpu.vector_load %arg9[%swap3A_1489, %swap3A_1490] {strides = array<i32>} : memref<64x256xf32, #tpu.memory_space<vmem>>, vector<1x16xf32>,
        %swap3A_1492 = vector.shape_cast %swap3A_1491 : vector<1x16xf32> to vector<1x16xf32>
        %swap3A_1493 = vector.shape_cast %mul3A_1488 : vector<1x16xf32> to vector<1x16xf32>
        tpu.vector_store %arg9[%swap3A_1489, %swap3A_1490], %swap3A_1493 {strides = array<i32>} : memref<64x256xf32, #tpu.memory_space<vmem>>, vector<1x16xf32>,
        %get3A_1494 = arith.index_cast %scan3A_1438 : i32 to index
        %get3A_1495 = arith.constant 80 : index
        %get3A_1496 = tpu.vector_load %arg9[%get3A_1494, %get3A_1495] {strides = array<i32>} : memref<64x256xf32, #tpu.memory_space<vmem>>, vector<1x16xf32>,
        %get3A_1497 = vector.shape_cast %get3A_1496 : vector<1x16xf32> to vector<1x16xf32>
        %mul3A_1498 = arith.mulf %get3A_1497, %get3A_1443 : vector<1x16xf32>
        %swap3A_1499 = arith.index_cast %scan3A_1438 : i32 to index
        %swap3A_1500 = arith.constant 80 : index
        %swap3A_1501 = tpu.vector_load %arg9[%swap3A_1499, %swap3A_1500] {strides = array<i32>} : memref<64x256xf32, #tpu.memory_space<vmem>>, vector<1x16xf32>,
        %swap3A_1502 = vector.shape_cast %swap3A_1501 : vector<1x16xf32> to vector<1x16xf32>
        %swap3A_1503 = vector.shape_cast %mul3A_1498 : vector<1x16xf32> to vector<1x16xf32>
        tpu.vector_store %arg9[%swap3A_1499, %swap3A_1500], %swap3A_1503 {strides = array<i32>} : memref<64x256xf32, #tpu.memory_space<vmem>>, vector<1x16xf32>,
        %get3A_1504 = arith.index_cast %scan3A_1438 : i32 to index
        %get3A_1505 = arith.constant 96 : index
        %get3A_1506 = tpu.vector_load %arg9[%get3A_1504, %get3A_1505] {strides = array<i32>} : memref<64x256xf32, #tpu.memory_space<vmem>>, vector<1x16xf32>,
        %get3A_1507 = vector.shape_cast %get3A_1506 : vector<1x16xf32> to vector<1x16xf32>
        %mul3A_1508 = arith.mulf %get3A_1507, %get3A_1443 : vector<1x16xf32>
        %swap3A_1509 = arith.index_cast %scan3A_1438 : i32 to index
        %swap3A_1510 = arith.constant 96 : index
        %swap3A_1511 = tpu.vector_load %arg9[%swap3A_1509, %swap3A_1510] {strides = array<i32>} : memref<64x256xf32, #tpu.memory_space<vmem>>, vector<1x16xf32>,
        %swap3A_1512 = vector.shape_cast %swap3A_1511 : vector<1x16xf32> to vector<1x16xf32>
        %swap3A_1513 = vector.shape_cast %mul3A_1508 : vector<1x16xf32> to vector<1x16xf32>
        tpu.vector_store %arg9[%swap3A_1509, %swap3A_1510], %swap3A_1513 {strides = array<i32>} : memref<64x256xf32, #tpu.memory_space<vmem>>, vector<1x16xf32>,
        %get3A_1514 = arith.index_cast %scan3A_1438 : i32 to index
        %get3A_1515 = arith.constant 112 : index
        %get3A_1516 = tpu.vector_load %arg9[%get3A_1514, %get3A_1515] {strides = array<i32>} : memref<64x256xf32, #tpu.memory_space<vmem>>, vector<1x16xf32>,
        %get3A_1517 = vector.shape_cast %get3A_1516 : vector<1x16xf32> to vector<1x16xf32>
        %mul3A_1518 = arith.mulf %get3A_1517, %get3A_1443 : vector<1x16xf32>
        %swap3A_1519 = arith.index_cast %scan3A_1438 : i32 to index
        %swap3A_1520 = arith.constant 112 : index
        %swap3A_1521 = tpu.vector_load %arg9[%swap3A_1519, %swap3A_1520] {strides = array<i32>} : memref<64x256xf32, #tpu.memory_space<vmem>>, vector<1x16xf32>,
        %swap3A_1522 = vector.shape_cast %swap3A_1521 : vector<1x16xf32> to vector<1x16xf32>
        %swap3A_1523 = vector.shape_cast %mul3A_1518 : vector<1x16xf32> to vector<1x16xf32>
        tpu.vector_store %arg9[%swap3A_1519, %swap3A_1520], %swap3A_1523 {strides = array<i32>} : memref<64x256xf32, #tpu.memory_space<vmem>>, vector<1x16xf32>,
        %get3A_1524 = arith.index_cast %scan3A_1438 : i32 to index
        %get3A_1525 = arith.constant 128 : index
        %get3A_1526 = tpu.vector_load %arg9[%get3A_1524, %get3A_1525] {strides = array<i32>} : memref<64x256xf32, #tpu.memory_space<vmem>>, vector<1x16xf32>,
        %get3A_1527 = vector.shape_cast %get3A_1526 : vector<1x16xf32> to vector<1x16xf32>
        %mul3A_1528 = arith.mulf %get3A_1527, %get3A_1443 : vector<1x16xf32>
        %swap3A_1529 = arith.index_cast %scan3A_1438 : i32 to index
        %swap3A_1530 = arith.constant 128 : index
        %swap3A_1531 = tpu.vector_load %arg9[%swap3A_1529, %swap3A_1530] {strides = array<i32>} : memref<64x256xf32, #tpu.memory_space<vmem>>, vector<1x16xf32>,
        %swap3A_1532 = vector.shape_cast %swap3A_1531 : vector<1x16xf32> to vector<1x16xf32>
        %swap3A_1533 = vector.shape_cast %mul3A_1528 : vector<1x16xf32> to vector<1x16xf32>
        tpu.vector_store %arg9[%swap3A_1529, %swap3A_1530], %swap3A_1533 {strides = array<i32>} : memref<64x256xf32, #tpu.memory_space<vmem>>, vector<1x16xf32>,
        %get3A_1534 = arith.index_cast %scan3A_1438 : i32 to index
        %get3A_1535 = arith.constant 144 : index
        %get3A_1536 = tpu.vector_load %arg9[%get3A_1534, %get3A_1535] {strides = array<i32>} : memref<64x256xf32, #tpu.memory_space<vmem>>, vector<1x16xf32>,
        %get3A_1537 = vector.shape_cast %get3A_1536 : vector<1x16xf32> to vector<1x16xf32>
        %mul3A_1538 = arith.mulf %get3A_1537, %get3A_1443 : vector<1x16xf32>
        %swap3A_1539 = arith.index_cast %scan3A_1438 : i32 to index
        %swap3A_1540 = arith.constant 144 : index
        %swap3A_1541 = tpu.vector_load %arg9[%swap3A_1539, %swap3A_1540] {strides = array<i32>} : memref<64x256xf32, #tpu.memory_space<vmem>>, vector<1x16xf32>,
        %swap3A_1542 = vector.shape_cast %swap3A_1541 : vector<1x16xf32> to vector<1x16xf32>
        %swap3A_1543 = vector.shape_cast %mul3A_1538 : vector<1x16xf32> to vector<1x16xf32>
        tpu.vector_store %arg9[%swap3A_1539, %swap3A_1540], %swap3A_1543 {strides = array<i32>} : memref<64x256xf32, #tpu.memory_space<vmem>>, vector<1x16xf32>,
        %get3A_1544 = arith.index_cast %scan3A_1438 : i32 to index
        %get3A_1545 = arith.constant 160 : index
        %get3A_1546 = tpu.vector_load %arg9[%get3A_1544, %get3A_1545] {strides = array<i32>} : memref<64x256xf32, #tpu.memory_space<vmem>>, vector<1x16xf32>,
        %get3A_1547 = vector.shape_cast %get3A_1546 : vector<1x16xf32> to vector<1x16xf32>
        %mul3A_1548 = arith.mulf %get3A_1547, %get3A_1443 : vector<1x16xf32>
        %swap3A_1549 = arith.index_cast %scan3A_1438 : i32 to index
        %swap3A_1550 = arith.constant 160 : index
        %swap3A_1551 = tpu.vector_load %arg9[%swap3A_1549, %swap3A_1550] {strides = array<i32>} : memref<64x256xf32, #tpu.memory_space<vmem>>, vector<1x16xf32>,
        %swap3A_1552 = vector.shape_cast %swap3A_1551 : vector<1x16xf32> to vector<1x16xf32>
        %swap3A_1553 = vector.shape_cast %mul3A_1548 : vector<1x16xf32> to vector<1x16xf32>
        tpu.vector_store %arg9[%swap3A_1549, %swap3A_1550], %swap3A_1553 {strides = array<i32>} : memref<64x256xf32, #tpu.memory_space<vmem>>, vector<1x16xf32>,
        %get3A_1554 = arith.index_cast %scan3A_1438 : i32 to index
        %get3A_1555 = arith.constant 176 : index
        %get3A_1556 = tpu.vector_load %arg9[%get3A_1554, %get3A_1555] {strides = array<i32>} : memref<64x256xf32, #tpu.memory_space<vmem>>, vector<1x16xf32>,
        %get3A_1557 = vector.shape_cast %get3A_1556 : vector<1x16xf32> to vector<1x16xf32>
        %mul3A_1558 = arith.mulf %get3A_1557, %get3A_1443 : vector<1x16xf32>
        %swap3A_1559 = arith.index_cast %scan3A_1438 : i32 to index
        %swap3A_1560 = arith.constant 176 : index
        %swap3A_1561 = tpu.vector_load %arg9[%swap3A_1559, %swap3A_1560] {strides = array<i32>} : memref<64x256xf32, #tpu.memory_space<vmem>>, vector<1x16xf32>,
        %swap3A_1562 = vector.shape_cast %swap3A_1561 : vector<1x16xf32> to vector<1x16xf32>
        %swap3A_1563 = vector.shape_cast %mul3A_1558 : vector<1x16xf32> to vector<1x16xf32>
        tpu.vector_store %arg9[%swap3A_1559, %swap3A_1560], %swap3A_1563 {strides = array<i32>} : memref<64x256xf32, #tpu.memory_space<vmem>>, vector<1x16xf32>,
        %get3A_1564 = arith.index_cast %scan3A_1438 : i32 to index
        %get3A_1565 = arith.constant 192 : index
        %get3A_1566 = tpu.vector_load %arg9[%get3A_1564, %get3A_1565] {strides = array<i32>} : memref<64x256xf32, #tpu.memory_space<vmem>>, vector<1x16xf32>,
        %get3A_1567 = vector.shape_cast %get3A_1566 : vector<1x16xf32> to vector<1x16xf32>
        %mul3A_1568 = arith.mulf %get3A_1567, %get3A_1443 : vector<1x16xf32>
        %swap3A_1569 = arith.index_cast %scan3A_1438 : i32 to index
        %swap3A_1570 = arith.constant 192 : index
        %swap3A_1571 = tpu.vector_load %arg9[%swap3A_1569, %swap3A_1570] {strides = array<i32>} : memref<64x256xf32, #tpu.memory_space<vmem>>, vector<1x16xf32>,
        %swap3A_1572 = vector.shape_cast %swap3A_1571 : vector<1x16xf32> to vector<1x16xf32>
        %swap3A_1573 = vector.shape_cast %mul3A_1568 : vector<1x16xf32> to vector<1x16xf32>
        tpu.vector_store %arg9[%swap3A_1569, %swap3A_1570], %swap3A_1573 {strides = array<i32>} : memref<64x256xf32, #tpu.memory_space<vmem>>, vector<1x16xf32>,
        %get3A_1574 = arith.index_cast %scan3A_1438 : i32 to index
        %get3A_1575 = arith.constant 208 : index
        %get3A_1576 = tpu.vector_load %arg9[%get3A_1574, %get3A_1575] {strides = array<i32>} : memref<64x256xf32, #tpu.memory_space<vmem>>, vector<1x16xf32>,
        %get3A_1577 = vector.shape_cast %get3A_1576 : vector<1x16xf32> to vector<1x16xf32>
        %mul3A_1578 = arith.mulf %get3A_1577, %get3A_1443 : vector<1x16xf32>
        %swap3A_1579 = arith.index_cast %scan3A_1438 : i32 to index
        %swap3A_1580 = arith.constant 208 : index
        %swap3A_1581 = tpu.vector_load %arg9[%swap3A_1579, %swap3A_1580] {strides = array<i32>} : memref<64x256xf32, #tpu.memory_space<vmem>>, vector<1x16xf32>,
        %swap3A_1582 = vector.shape_cast %swap3A_1581 : vector<1x16xf32> to vector<1x16xf32>
        %swap3A_1583 = vector.shape_cast %mul3A_1578 : vector<1x16xf32> to vector<1x16xf32>
        tpu.vector_store %arg9[%swap3A_1579, %swap3A_1580], %swap3A_1583 {strides = array<i32>} : memref<64x256xf32, #tpu.memory_space<vmem>>, vector<1x16xf32>,
        %get3A_1584 = arith.index_cast %scan3A_1438 : i32 to index
        %get3A_1585 = arith.constant 224 : index
        %get3A_1586 = tpu.vector_load %arg9[%get3A_1584, %get3A_1585] {strides = array<i32>} : memref<64x256xf32, #tpu.memory_space<vmem>>, vector<1x16xf32>,
        %get3A_1587 = vector.shape_cast %get3A_1586 : vector<1x16xf32> to vector<1x16xf32>
        %mul3A_1588 = arith.mulf %get3A_1587, %get3A_1443 : vector<1x16xf32>
        %swap3A_1589 = arith.index_cast %scan3A_1438 : i32 to index
        %swap3A_1590 = arith.constant 224 : index
        %swap3A_1591 = tpu.vector_load %arg9[%swap3A_1589, %swap3A_1590] {strides = array<i32>} : memref<64x256xf32, #tpu.memory_space<vmem>>, vector<1x16xf32>,
        %swap3A_1592 = vector.shape_cast %swap3A_1591 : vector<1x16xf32> to vector<1x16xf32>
        %swap3A_1593 = vector.shape_cast %mul3A_1588 : vector<1x16xf32> to vector<1x16xf32>
        tpu.vector_store %arg9[%swap3A_1589, %swap3A_1590], %swap3A_1593 {strides = array<i32>} : memref<64x256xf32, #tpu.memory_space<vmem>>, vector<1x16xf32>,
        %get3A_1594 = arith.index_cast %scan3A_1438 : i32 to index
        %get3A_1595 = arith.constant 240 : index
        %get3A_1596 = tpu.vector_load %arg9[%get3A_1594, %get3A_1595] {strides = array<i32>} : memref<64x256xf32, #tpu.memory_space<vmem>>, vector<1x16xf32>,
        %get3A_1597 = vector.shape_cast %get3A_1596 : vector<1x16xf32> to vector<1x16xf32>
        %mul3A_1598 = arith.mulf %get3A_1597, %get3A_1443 : vector<1x16xf32>
        %swap3A_1599 = arith.index_cast %scan3A_1438 : i32 to index
        %swap3A_1600 = arith.constant 240 : index
        %swap3A_1601 = tpu.vector_load %arg9[%swap3A_1599, %swap3A_1600] {strides = array<i32>} : memref<64x256xf32, #tpu.memory_space<vmem>>, vector<1x16xf32>,
        %swap3A_1602 = vector.shape_cast %swap3A_1601 : vector<1x16xf32> to vector<1x16xf32>
        %swap3A_1603 = vector.shape_cast %mul3A_1598 : vector<1x16xf32> to vector<1x16xf32>
        tpu.vector_store %arg9[%swap3A_1599, %swap3A_1600], %swap3A_1603 {strides = array<i32>} : memref<64x256xf32, #tpu.memory_space<vmem>>, vector<1x16xf32>,
        %scan3A_1604 = arith.constant 0 : i32
        scf.yield %scan3A_1604 : i32
      }
      %scan3A_1426 = arith.constant 64 : i32
      %mul3A_1427 = arith.constant 64 : i32
      %mul3A_1428 = arith.muli %add3A_815, %mul3A_1427 : i32
      %add3A_1429 = arith.addi %mul3A_3, %mul3A_1428 : i32
      "tpu.region"() ({
        %run_scoped3A = tpu.sem_alloc : memref<!tpu.dma_semaphore, #tpu.memory_space<semaphore_mem>>
        %dma_start3A_1438 = arith.constant 0 : i32
        %dma_start3A_1439 = tpu.memref_slice %arg5[%add3A_1429, %dma_start3A_1438] : memref<160000x256xf32, #tpu.memory_space<hbm>> -> memref<64x256xf32, #tpu.memory_space<hbm>>
        %dma_start3A_1440 = arith.constant 0 : i32
        %dma_start3A_1441 = tpu.memref_slice %arg5[%add3A_1429, %dma_start3A_1440] : memref<160000x256xf32, #tpu.memory_space<hbm>> -> memref<64x256xf32, #tpu.memory_space<hbm>>
        tpu.enqueue_dma source(%arg9 : memref<64x256xf32, #tpu.memory_space<vmem>>) target(%dma_start3A_1441 : memref<64x256xf32, #tpu.memory_space<hbm>>) target_semaphore(%run_scoped3A : memref<!tpu.dma_semaphore, #tpu.memory_space<semaphore_mem>>)
        %dma_wait3A_1442 = arith.constant 0 : i32
        %dma_wait3A_1443 = tpu.memref_slice %arg5[%add3A_1429, %dma_wait3A_1442] : memref<160000x256xf32, #tpu.memory_space<hbm>> -> memref<64x256xf32, #tpu.memory_space<hbm>>
        %dma_wait3A_1444 = arith.constant 0 : i32
        %dma_wait3A_1445 = tpu.memref_slice %arg5[%add3A_1429, %dma_wait3A_1444] : memref<160000x256xf32, #tpu.memory_space<hbm>> -> memref<64x256xf32, #tpu.memory_space<hbm>>
        tpu.wait_dma2 semaphore(%run_scoped3A : memref<!tpu.dma_semaphore, #tpu.memory_space<semaphore_mem>>) src(%arg9 : memref<64x256xf32, #tpu.memory_space<vmem>>) dst(%dma_wait3A_1445 : memref<64x256xf32, #tpu.memory_space<hbm>>)
        tpu.yield
      }) : () -> ()
      %add3A_1430 = arith.constant 3 : i32
      %add3A_1431 = arith.addi %mul3A_195, %add3A_1430 : i32
      %lt3A_1432 = arith.constant 78 : i32
      %lt3A_1433 = arith.cmpi slt, %add3A_1431, %lt3A_1432 : i32
      %convert_element_type3A_1434 = arith.extui %lt3A_1433 : i1 to i32
      %cond3A_1435 = arith.constant 0 : i32
      %cond3A_1436 = arith.cmpi ne, %convert_element_type3A_1434, %cond3A_1435 : i32
      scf.if %cond3A_1436 {
        %add3A_1438 = arith.constant 3 : i32
        %add3A_1439 = arith.addi %mul3A_195, %add3A_1438 : i32
        %mul3A_1440 = arith.constant 64 : i32
        %mul3A_1441 = arith.muli %add3A_1439, %mul3A_1440 : i32
        %dma_start3A_1442 = tpu.memref_slice %arg6[%mul3A_1441] : memref<5016xi32, #tpu.memory_space<vmem>> -> memref<64xi32, #tpu.memory_space<vmem>>
        %dma_start3A_1443 = arith.constant 0 : i32
        %dma_start3A_1444 = arith.constant 0 : i32
        %dma_start3A_1445 = tpu.memref_slice %arg2[%dma_start3A_1443, %dma_start3A_1444] : memref<10000x256xf32, #tpu.memory_space<hbm>> -> memref<10000x256xf32, #tpu.memory_space<hbm>>
        tpu.enqueue_indirect_dma source(%dma_start3A_1445 : memref<10000x256xf32, #tpu.memory_space<hbm>>) target(%arg9 : memref<64x256xf32, #tpu.memory_space<vmem>>) offsets(%dma_start3A_1442 : memref<64xi32, #tpu.memory_space<vmem>>) semaphore(%arg13 : memref<!tpu.dma_semaphore, #tpu.memory_space<semaphore_mem>>)
      } else {
      }
      %scan3A_1437 = arith.constant 0 : i32
      scf.yield %scan3A_1437 : i32
    }
    %scan3A_29 = arith.constant 39 : i32
    %dma_start3A_30 = arith.constant 4992 : i32
    %dma_start3A_31 = tpu.memref_slice %arg6[%dma_start3A_30] : memref<5016xi32, #tpu.memory_space<vmem>> -> memref<16xi32, #tpu.memory_space<vmem>>
    %dma_start3A_32 = arith.constant 0 : i32
    %dma_start3A_33 = arith.constant 0 : i32
    %dma_start3A_34 = tpu.memref_slice %arg2[%dma_start3A_32, %dma_start3A_33] : memref<10000x256xf32, #tpu.memory_space<hbm>> -> memref<10000x256xf32, #tpu.memory_space<hbm>>
    tpu.enqueue_indirect_dma source(%dma_start3A_34 : memref<10000x256xf32, #tpu.memory_space<hbm>>) target(%arg10 : memref<16x256xf32, #tpu.memory_space<vmem>>) offsets(%dma_start3A_31 : memref<16xi32, #tpu.memory_space<vmem>>) semaphore(%arg12 : memref<!tpu.dma_semaphore, #tpu.memory_space<semaphore_mem>>)
    %dma_wait3A = arith.constant 4992 : i32
    %dma_wait3A_35 = tpu.memref_slice %arg6[%dma_wait3A] : memref<5016xi32, #tpu.memory_space<vmem>> -> memref<16xi32, #tpu.memory_space<vmem>>
    %dma_wait3A_36 = arith.constant 0 : i32
    %dma_wait3A_37 = arith.constant 0 : i32
    %dma_wait3A_38 = tpu.memref_slice %arg2[%dma_wait3A_36, %dma_wait3A_37] : memref<10000x256xf32, #tpu.memory_space<hbm>> -> memref<10000x256xf32, #tpu.memory_space<hbm>>
    tpu.wait_indirect_dma semaphore(%arg12 : memref<!tpu.dma_semaphore, #tpu.memory_space<semaphore_mem>>) src(%dma_wait3A_38 : memref<10000x256xf32, #tpu.memory_space<hbm>>) dst(%arg10 : memref<16x256xf32, #tpu.memory_space<vmem>>)
    %get3A = arith.constant 4992 : index
    %get3A_39 = tpu.vector_load %arg7[%get3A] {strides = array<i32>} : memref<5016xf32, #tpu.memory_space<vmem>>, vector<16xf32>,
    %get3A_40 = vector.shape_cast %get3A_39 : vector<16xf32> to vector<16xf32>
    %slice3A = vector.extract_strided_slice %get3A_40 {offsets = [0], sizes = [1], strides = [1]} : vector<16xf32> to vector<1xf32>
    %squeeze3A = vector.extract %slice3A[0] : f32 from vector<1xf32>
    %add3A_41 = vector.broadcast %squeeze3A : f32 to vector<1x16xf32>
    %add3A_42 = arith.addf %broadcast_in_dim3A_1, %add3A_41 : vector<1x16xf32>
    %swap3A_43 = arith.constant 0 : index
    %swap3A_44 = arith.constant 0 : index
    %swap3A_45 = tpu.vector_load %arg11[%swap3A_43, %swap3A_44] {strides = array<i32>} : memref<64x16xf32, #tpu.memory_space<vmem>>, vector<1x16xf32>,
    %swap3A_46 = vector.shape_cast %swap3A_45 : vector<1x16xf32> to vector<1x16xf32>
    %swap3A_47 = vector.shape_cast %add3A_42 : vector<1x16xf32> to vector<1x16xf32>
    tpu.vector_store %arg11[%swap3A_43, %swap3A_44], %swap3A_47 {strides = array<i32>} : memref<64x16xf32, #tpu.memory_space<vmem>>, vector<1x16xf32>,
    %slice3A_48 = vector.extract_strided_slice %get3A_40 {offsets = [1], sizes = [1], strides = [1]} : vector<16xf32> to vector<1xf32>
    %squeeze3A_49 = vector.extract %slice3A_48[0] : f32 from vector<1xf32>
    %add3A_50 = vector.broadcast %squeeze3A_49 : f32 to vector<1x16xf32>
    %add3A_51 = arith.addf %broadcast_in_dim3A_1, %add3A_50 : vector<1x16xf32>
    %swap3A_52 = arith.constant 1 : index
    %swap3A_53 = arith.constant 0 : index
    %swap3A_54 = tpu.vector_load %arg11[%swap3A_52, %swap3A_53] {strides = array<i32>} : memref<64x16xf32, #tpu.memory_space<vmem>>, vector<1x16xf32>,
    %swap3A_55 = vector.shape_cast %swap3A_54 : vector<1x16xf32> to vector<1x16xf32>
    %swap3A_56 = vector.shape_cast %add3A_51 : vector<1x16xf32> to vector<1x16xf32>
    tpu.vector_store %arg11[%swap3A_52, %swap3A_53], %swap3A_56 {strides = array<i32>} : memref<64x16xf32, #tpu.memory_space<vmem>>, vector<1x16xf32>,
    %slice3A_57 = vector.extract_strided_slice %get3A_40 {offsets = [2], sizes = [1], strides = [1]} : vector<16xf32> to vector<1xf32>
    %squeeze3A_58 = vector.extract %slice3A_57[0] : f32 from vector<1xf32>
    %add3A_59 = vector.broadcast %squeeze3A_58 : f32 to vector<1x16xf32>
    %add3A_60 = arith.addf %broadcast_in_dim3A_1, %add3A_59 : vector<1x16xf32>
    %swap3A_61 = arith.constant 2 : index
    %swap3A_62 = arith.constant 0 : index
    %swap3A_63 = tpu.vector_load %arg11[%swap3A_61, %swap3A_62] {strides = array<i32>} : memref<64x16xf32, #tpu.memory_space<vmem>>, vector<1x16xf32>,
    %swap3A_64 = vector.shape_cast %swap3A_63 : vector<1x16xf32> to vector<1x16xf32>
    %swap3A_65 = vector.shape_cast %add3A_60 : vector<1x16xf32> to vector<1x16xf32>
    tpu.vector_store %arg11[%swap3A_61, %swap3A_62], %swap3A_65 {strides = array<i32>} : memref<64x16xf32, #tpu.memory_space<vmem>>, vector<1x16xf32>,
    %slice3A_66 = vector.extract_strided_slice %get3A_40 {offsets = [3], sizes = [1], strides = [1]} : vector<16xf32> to vector<1xf32>
    %squeeze3A_67 = vector.extract %slice3A_66[0] : f32 from vector<1xf32>
    %add3A_68 = vector.broadcast %squeeze3A_67 : f32 to vector<1x16xf32>
    %add3A_69 = arith.addf %broadcast_in_dim3A_1, %add3A_68 : vector<1x16xf32>
    %swap3A_70 = arith.constant 3 : index
    %swap3A_71 = arith.constant 0 : index
    %swap3A_72 = tpu.vector_load %arg11[%swap3A_70, %swap3A_71] {strides = array<i32>} : memref<64x16xf32, #tpu.memory_space<vmem>>, vector<1x16xf32>,
    %swap3A_73 = vector.shape_cast %swap3A_72 : vector<1x16xf32> to vector<1x16xf32>
    %swap3A_74 = vector.shape_cast %add3A_69 : vector<1x16xf32> to vector<1x16xf32>
    tpu.vector_store %arg11[%swap3A_70, %swap3A_71], %swap3A_74 {strides = array<i32>} : memref<64x16xf32, #tpu.memory_space<vmem>>, vector<1x16xf32>,
    %slice3A_75 = vector.extract_strided_slice %get3A_40 {offsets = [4], sizes = [1], strides = [1]} : vector<16xf32> to vector<1xf32>
    %squeeze3A_76 = vector.extract %slice3A_75[0] : f32 from vector<1xf32>
    %add3A_77 = vector.broadcast %squeeze3A_76 : f32 to vector<1x16xf32>
    %add3A_78 = arith.addf %broadcast_in_dim3A_1, %add3A_77 : vector<1x16xf32>
    %swap3A_79 = arith.constant 4 : index
    %swap3A_80 = arith.constant 0 : index
    %swap3A_81 = tpu.vector_load %arg11[%swap3A_79, %swap3A_80] {strides = array<i32>} : memref<64x16xf32, #tpu.memory_space<vmem>>, vector<1x16xf32>,
    %swap3A_82 = vector.shape_cast %swap3A_81 : vector<1x16xf32> to vector<1x16xf32>
    %swap3A_83 = vector.shape_cast %add3A_78 : vector<1x16xf32> to vector<1x16xf32>
    tpu.vector_store %arg11[%swap3A_79, %swap3A_80], %swap3A_83 {strides = array<i32>} : memref<64x16xf32, #tpu.memory_space<vmem>>, vector<1x16xf32>,
    %slice3A_84 = vector.extract_strided_slice %get3A_40 {offsets = [5], sizes = [1], strides = [1]} : vector<16xf32> to vector<1xf32>
    %squeeze3A_85 = vector.extract %slice3A_84[0] : f32 from vector<1xf32>
    %add3A_86 = vector.broadcast %squeeze3A_85 : f32 to vector<1x16xf32>
    %add3A_87 = arith.addf %broadcast_in_dim3A_1, %add3A_86 : vector<1x16xf32>
    %swap3A_88 = arith.constant 5 : index
    %swap3A_89 = arith.constant 0 : index
    %swap3A_90 = tpu.vector_load %arg11[%swap3A_88, %swap3A_89] {strides = array<i32>} : memref<64x16xf32, #tpu.memory_space<vmem>>, vector<1x16xf32>,
    %swap3A_91 = vector.shape_cast %swap3A_90 : vector<1x16xf32> to vector<1x16xf32>
    %swap3A_92 = vector.shape_cast %add3A_87 : vector<1x16xf32> to vector<1x16xf32>
    tpu.vector_store %arg11[%swap3A_88, %swap3A_89], %swap3A_92 {strides = array<i32>} : memref<64x16xf32, #tpu.memory_space<vmem>>, vector<1x16xf32>,
    %slice3A_93 = vector.extract_strided_slice %get3A_40 {offsets = [6], sizes = [1], strides = [1]} : vector<16xf32> to vector<1xf32>
    %squeeze3A_94 = vector.extract %slice3A_93[0] : f32 from vector<1xf32>
    %add3A_95 = vector.broadcast %squeeze3A_94 : f32 to vector<1x16xf32>
    %add3A_96 = arith.addf %broadcast_in_dim3A_1, %add3A_95 : vector<1x16xf32>
    %swap3A_97 = arith.constant 6 : index
    %swap3A_98 = arith.constant 0 : index
    %swap3A_99 = tpu.vector_load %arg11[%swap3A_97, %swap3A_98] {strides = array<i32>} : memref<64x16xf32, #tpu.memory_space<vmem>>, vector<1x16xf32>,
    %swap3A_100 = vector.shape_cast %swap3A_99 : vector<1x16xf32> to vector<1x16xf32>
    %swap3A_101 = vector.shape_cast %add3A_96 : vector<1x16xf32> to vector<1x16xf32>
    tpu.vector_store %arg11[%swap3A_97, %swap3A_98], %swap3A_101 {strides = array<i32>} : memref<64x16xf32, #tpu.memory_space<vmem>>, vector<1x16xf32>,
    %slice3A_102 = vector.extract_strided_slice %get3A_40 {offsets = [7], sizes = [1], strides = [1]} : vector<16xf32> to vector<1xf32>
    %squeeze3A_103 = vector.extract %slice3A_102[0] : f32 from vector<1xf32>
    %add3A_104 = vector.broadcast %squeeze3A_103 : f32 to vector<1x16xf32>
    %add3A_105 = arith.addf %broadcast_in_dim3A_1, %add3A_104 : vector<1x16xf32>
    %swap3A_106 = arith.constant 7 : index
    %swap3A_107 = arith.constant 0 : index
    %swap3A_108 = tpu.vector_load %arg11[%swap3A_106, %swap3A_107] {strides = array<i32>} : memref<64x16xf32, #tpu.memory_space<vmem>>, vector<1x16xf32>,
    %swap3A_109 = vector.shape_cast %swap3A_108 : vector<1x16xf32> to vector<1x16xf32>
    %swap3A_110 = vector.shape_cast %add3A_105 : vector<1x16xf32> to vector<1x16xf32>
    tpu.vector_store %arg11[%swap3A_106, %swap3A_107], %swap3A_110 {strides = array<i32>} : memref<64x16xf32, #tpu.memory_space<vmem>>, vector<1x16xf32>,
    %slice3A_111 = vector.extract_strided_slice %get3A_40 {offsets = [8], sizes = [1], strides = [1]} : vector<16xf32> to vector<1xf32>
    %squeeze3A_112 = vector.extract %slice3A_111[0] : f32 from vector<1xf32>
    %add3A_113 = vector.broadcast %squeeze3A_112 : f32 to vector<1x16xf32>
    %add3A_114 = arith.addf %broadcast_in_dim3A_1, %add3A_113 : vector<1x16xf32>
    %swap3A_115 = arith.constant 8 : index
    %swap3A_116 = arith.constant 0 : index
    %swap3A_117 = tpu.vector_load %arg11[%swap3A_115, %swap3A_116] {strides = array<i32>} : memref<64x16xf32, #tpu.memory_space<vmem>>, vector<1x16xf32>,
    %swap3A_118 = vector.shape_cast %swap3A_117 : vector<1x16xf32> to vector<1x16xf32>
    %swap3A_119 = vector.shape_cast %add3A_114 : vector<1x16xf32> to vector<1x16xf32>
    tpu.vector_store %arg11[%swap3A_115, %swap3A_116], %swap3A_119 {strides = array<i32>} : memref<64x16xf32, #tpu.memory_space<vmem>>, vector<1x16xf32>,
    %slice3A_120 = vector.extract_strided_slice %get3A_40 {offsets = [9], sizes = [1], strides = [1]} : vector<16xf32> to vector<1xf32>
    %squeeze3A_121 = vector.extract %slice3A_120[0] : f32 from vector<1xf32>
    %add3A_122 = vector.broadcast %squeeze3A_121 : f32 to vector<1x16xf32>
    %add3A_123 = arith.addf %broadcast_in_dim3A_1, %add3A_122 : vector<1x16xf32>
    %swap3A_124 = arith.constant 9 : index
    %swap3A_125 = arith.constant 0 : index
    %swap3A_126 = tpu.vector_load %arg11[%swap3A_124, %swap3A_125] {strides = array<i32>} : memref<64x16xf32, #tpu.memory_space<vmem>>, vector<1x16xf32>,
    %swap3A_127 = vector.shape_cast %swap3A_126 : vector<1x16xf32> to vector<1x16xf32>
    %swap3A_128 = vector.shape_cast %add3A_123 : vector<1x16xf32> to vector<1x16xf32>
    tpu.vector_store %arg11[%swap3A_124, %swap3A_125], %swap3A_128 {strides = array<i32>} : memref<64x16xf32, #tpu.memory_space<vmem>>, vector<1x16xf32>,
    %slice3A_129 = vector.extract_strided_slice %get3A_40 {offsets = [10], sizes = [1], strides = [1]} : vector<16xf32> to vector<1xf32>
    %squeeze3A_130 = vector.extract %slice3A_129[0] : f32 from vector<1xf32>
    %add3A_131 = vector.broadcast %squeeze3A_130 : f32 to vector<1x16xf32>
    %add3A_132 = arith.addf %broadcast_in_dim3A_1, %add3A_131 : vector<1x16xf32>
    %swap3A_133 = arith.constant 10 : index
    %swap3A_134 = arith.constant 0 : index
    %swap3A_135 = tpu.vector_load %arg11[%swap3A_133, %swap3A_134] {strides = array<i32>} : memref<64x16xf32, #tpu.memory_space<vmem>>, vector<1x16xf32>,
    %swap3A_136 = vector.shape_cast %swap3A_135 : vector<1x16xf32> to vector<1x16xf32>
    %swap3A_137 = vector.shape_cast %add3A_132 : vector<1x16xf32> to vector<1x16xf32>
    tpu.vector_store %arg11[%swap3A_133, %swap3A_134], %swap3A_137 {strides = array<i32>} : memref<64x16xf32, #tpu.memory_space<vmem>>, vector<1x16xf32>,
    %slice3A_138 = vector.extract_strided_slice %get3A_40 {offsets = [11], sizes = [1], strides = [1]} : vector<16xf32> to vector<1xf32>
    %squeeze3A_139 = vector.extract %slice3A_138[0] : f32 from vector<1xf32>
    %add3A_140 = vector.broadcast %squeeze3A_139 : f32 to vector<1x16xf32>
    %add3A_141 = arith.addf %broadcast_in_dim3A_1, %add3A_140 : vector<1x16xf32>
    %swap3A_142 = arith.constant 11 : index
    %swap3A_143 = arith.constant 0 : index
    %swap3A_144 = tpu.vector_load %arg11[%swap3A_142, %swap3A_143] {strides = array<i32>} : memref<64x16xf32, #tpu.memory_space<vmem>>, vector<1x16xf32>,
    %swap3A_145 = vector.shape_cast %swap3A_144 : vector<1x16xf32> to vector<1x16xf32>
    %swap3A_146 = vector.shape_cast %add3A_141 : vector<1x16xf32> to vector<1x16xf32>
    tpu.vector_store %arg11[%swap3A_142, %swap3A_143], %swap3A_146 {strides = array<i32>} : memref<64x16xf32, #tpu.memory_space<vmem>>, vector<1x16xf32>,
    %slice3A_147 = vector.extract_strided_slice %get3A_40 {offsets = [12], sizes = [1], strides = [1]} : vector<16xf32> to vector<1xf32>
    %squeeze3A_148 = vector.extract %slice3A_147[0] : f32 from vector<1xf32>
    %add3A_149 = vector.broadcast %squeeze3A_148 : f32 to vector<1x16xf32>
    %add3A_150 = arith.addf %broadcast_in_dim3A_1, %add3A_149 : vector<1x16xf32>
    %swap3A_151 = arith.constant 12 : index
    %swap3A_152 = arith.constant 0 : index
    %swap3A_153 = tpu.vector_load %arg11[%swap3A_151, %swap3A_152] {strides = array<i32>} : memref<64x16xf32, #tpu.memory_space<vmem>>, vector<1x16xf32>,
    %swap3A_154 = vector.shape_cast %swap3A_153 : vector<1x16xf32> to vector<1x16xf32>
    %swap3A_155 = vector.shape_cast %add3A_150 : vector<1x16xf32> to vector<1x16xf32>
    tpu.vector_store %arg11[%swap3A_151, %swap3A_152], %swap3A_155 {strides = array<i32>} : memref<64x16xf32, #tpu.memory_space<vmem>>, vector<1x16xf32>,
    %slice3A_156 = vector.extract_strided_slice %get3A_40 {offsets = [13], sizes = [1], strides = [1]} : vector<16xf32> to vector<1xf32>
    %squeeze3A_157 = vector.extract %slice3A_156[0] : f32 from vector<1xf32>
    %add3A_158 = vector.broadcast %squeeze3A_157 : f32 to vector<1x16xf32>
    %add3A_159 = arith.addf %broadcast_in_dim3A_1, %add3A_158 : vector<1x16xf32>
    %swap3A_160 = arith.constant 13 : index
    %swap3A_161 = arith.constant 0 : index
    %swap3A_162 = tpu.vector_load %arg11[%swap3A_160, %swap3A_161] {strides = array<i32>} : memref<64x16xf32, #tpu.memory_space<vmem>>, vector<1x16xf32>,
    %swap3A_163 = vector.shape_cast %swap3A_162 : vector<1x16xf32> to vector<1x16xf32>
    %swap3A_164 = vector.shape_cast %add3A_159 : vector<1x16xf32> to vector<1x16xf32>
    tpu.vector_store %arg11[%swap3A_160, %swap3A_161], %swap3A_164 {strides = array<i32>} : memref<64x16xf32, #tpu.memory_space<vmem>>, vector<1x16xf32>,
    %slice3A_165 = vector.extract_strided_slice %get3A_40 {offsets = [14], sizes = [1], strides = [1]} : vector<16xf32> to vector<1xf32>
    %squeeze3A_166 = vector.extract %slice3A_165[0] : f32 from vector<1xf32>
    %add3A_167 = vector.broadcast %squeeze3A_166 : f32 to vector<1x16xf32>
    %add3A_168 = arith.addf %broadcast_in_dim3A_1, %add3A_167 : vector<1x16xf32>
    %swap3A_169 = arith.constant 14 : index
    %swap3A_170 = arith.constant 0 : index
    %swap3A_171 = tpu.vector_load %arg11[%swap3A_169, %swap3A_170] {strides = array<i32>} : memref<64x16xf32, #tpu.memory_space<vmem>>, vector<1x16xf32>,
    %swap3A_172 = vector.shape_cast %swap3A_171 : vector<1x16xf32> to vector<1x16xf32>
    %swap3A_173 = vector.shape_cast %add3A_168 : vector<1x16xf32> to vector<1x16xf32>
    tpu.vector_store %arg11[%swap3A_169, %swap3A_170], %swap3A_173 {strides = array<i32>} : memref<64x16xf32, #tpu.memory_space<vmem>>, vector<1x16xf32>,
    %slice3A_174 = vector.extract_strided_slice %get3A_40 {offsets = [15], sizes = [1], strides = [1]} : vector<16xf32> to vector<1xf32>
    %squeeze3A_175 = vector.extract %slice3A_174[0] : f32 from vector<1xf32>
    %add3A_176 = vector.broadcast %squeeze3A_175 : f32 to vector<1x16xf32>
    %add3A_177 = arith.addf %broadcast_in_dim3A_1, %add3A_176 : vector<1x16xf32>
    %swap3A_178 = arith.constant 15 : index
    %swap3A_179 = arith.constant 0 : index
    %swap3A_180 = tpu.vector_load %arg11[%swap3A_178, %swap3A_179] {strides = array<i32>} : memref<64x16xf32, #tpu.memory_space<vmem>>, vector<1x16xf32>,
    %swap3A_181 = vector.shape_cast %swap3A_180 : vector<1x16xf32> to vector<1x16xf32>
    %swap3A_182 = vector.shape_cast %add3A_177 : vector<1x16xf32> to vector<1x16xf32>
    tpu.vector_store %arg11[%swap3A_178, %swap3A_179], %swap3A_182 {strides = array<i32>} : memref<64x16xf32, #tpu.memory_space<vmem>>, vector<1x16xf32>,
    %scan3A_183 = arith.constant 0 : i32
    %scan3A_184 = arith.constant 0 : i32
    %scan3A_185 = arith.constant 16 : i32
    %scan3A_186 = arith.addi %scan3A_184, %scan3A_185 : i32
    %scan3A_187 = arith.constant 1 : i32
    %scan3A_188 = scf.for %scan3A_192 = %scan3A_184 to %scan3A_186 step %scan3A_187 iter_args(%scan3A_193 = %scan3A_183) -> (i32)  : i32 {
      %get3A_194 = arith.index_cast %scan3A_192 : i32 to index
      %get3A_195 = arith.constant 0 : index
      %get3A_196 = tpu.vector_load %arg11[%get3A_194, %get3A_195] {strides = array<i32>} : memref<64x16xf32, #tpu.memory_space<vmem>>, vector<1x16xf32>,
      %get3A_197 = vector.shape_cast %get3A_196 : vector<1x16xf32> to vector<1x16xf32>
      %get3A_198 = arith.index_cast %scan3A_192 : i32 to index
      %get3A_199 = arith.constant 0 : index
      %get3A_200 = tpu.vector_load %arg10[%get3A_198, %get3A_199] {strides = array<i32>} : memref<16x256xf32, #tpu.memory_space<vmem>>, vector<1x16xf32>,
      %get3A_201 = vector.shape_cast %get3A_200 : vector<1x16xf32> to vector<1x16xf32>
      %mul3A_202 = arith.mulf %get3A_201, %get3A_197 : vector<1x16xf32>
      %swap3A_203 = arith.index_cast %scan3A_192 : i32 to index
      %swap3A_204 = arith.constant 0 : index
      %swap3A_205 = tpu.vector_load %arg10[%swap3A_203, %swap3A_204] {strides = array<i32>} : memref<16x256xf32, #tpu.memory_space<vmem>>, vector<1x16xf32>,
      %swap3A_206 = vector.shape_cast %swap3A_205 : vector<1x16xf32> to vector<1x16xf32>
      %swap3A_207 = vector.shape_cast %mul3A_202 : vector<1x16xf32> to vector<1x16xf32>
      tpu.vector_store %arg10[%swap3A_203, %swap3A_204], %swap3A_207 {strides = array<i32>} : memref<16x256xf32, #tpu.memory_space<vmem>>, vector<1x16xf32>,
      %get3A_208 = arith.index_cast %scan3A_192 : i32 to index
      %get3A_209 = arith.constant 16 : index
      %get3A_210 = tpu.vector_load %arg10[%get3A_208, %get3A_209] {strides = array<i32>} : memref<16x256xf32, #tpu.memory_space<vmem>>, vector<1x16xf32>,
      %get3A_211 = vector.shape_cast %get3A_210 : vector<1x16xf32> to vector<1x16xf32>
      %mul3A_212 = arith.mulf %get3A_211, %get3A_197 : vector<1x16xf32>
      %swap3A_213 = arith.index_cast %scan3A_192 : i32 to index
      %swap3A_214 = arith.constant 16 : index
      %swap3A_215 = tpu.vector_load %arg10[%swap3A_213, %swap3A_214] {strides = array<i32>} : memref<16x256xf32, #tpu.memory_space<vmem>>, vector<1x16xf32>,
      %swap3A_216 = vector.shape_cast %swap3A_215 : vector<1x16xf32> to vector<1x16xf32>
      %swap3A_217 = vector.shape_cast %mul3A_212 : vector<1x16xf32> to vector<1x16xf32>
      tpu.vector_store %arg10[%swap3A_213, %swap3A_214], %swap3A_217 {strides = array<i32>} : memref<16x256xf32, #tpu.memory_space<vmem>>, vector<1x16xf32>,
      %get3A_218 = arith.index_cast %scan3A_192 : i32 to index
      %get3A_219 = arith.constant 32 : index
      %get3A_220 = tpu.vector_load %arg10[%get3A_218, %get3A_219] {strides = array<i32>} : memref<16x256xf32, #tpu.memory_space<vmem>>, vector<1x16xf32>,
      %get3A_221 = vector.shape_cast %get3A_220 : vector<1x16xf32> to vector<1x16xf32>
      %mul3A_222 = arith.mulf %get3A_221, %get3A_197 : vector<1x16xf32>
      %swap3A_223 = arith.index_cast %scan3A_192 : i32 to index
      %swap3A_224 = arith.constant 32 : index
      %swap3A_225 = tpu.vector_load %arg10[%swap3A_223, %swap3A_224] {strides = array<i32>} : memref<16x256xf32, #tpu.memory_space<vmem>>, vector<1x16xf32>,
      %swap3A_226 = vector.shape_cast %swap3A_225 : vector<1x16xf32> to vector<1x16xf32>
      %swap3A_227 = vector.shape_cast %mul3A_222 : vector<1x16xf32> to vector<1x16xf32>
      tpu.vector_store %arg10[%swap3A_223, %swap3A_224], %swap3A_227 {strides = array<i32>} : memref<16x256xf32, #tpu.memory_space<vmem>>, vector<1x16xf32>,
      %get3A_228 = arith.index_cast %scan3A_192 : i32 to index
      %get3A_229 = arith.constant 48 : index
      %get3A_230 = tpu.vector_load %arg10[%get3A_228, %get3A_229] {strides = array<i32>} : memref<16x256xf32, #tpu.memory_space<vmem>>, vector<1x16xf32>,
      %get3A_231 = vector.shape_cast %get3A_230 : vector<1x16xf32> to vector<1x16xf32>
      %mul3A_232 = arith.mulf %get3A_231, %get3A_197 : vector<1x16xf32>
      %swap3A_233 = arith.index_cast %scan3A_192 : i32 to index
      %swap3A_234 = arith.constant 48 : index
      %swap3A_235 = tpu.vector_load %arg10[%swap3A_233, %swap3A_234] {strides = array<i32>} : memref<16x256xf32, #tpu.memory_space<vmem>>, vector<1x16xf32>,
      %swap3A_236 = vector.shape_cast %swap3A_235 : vector<1x16xf32> to vector<1x16xf32>
      %swap3A_237 = vector.shape_cast %mul3A_232 : vector<1x16xf32> to vector<1x16xf32>
      tpu.vector_store %arg10[%swap3A_233, %swap3A_234], %swap3A_237 {strides = array<i32>} : memref<16x256xf32, #tpu.memory_space<vmem>>, vector<1x16xf32>,
      %get3A_238 = arith.index_cast %scan3A_192 : i32 to index
      %get3A_239 = arith.constant 64 : index
      %get3A_240 = tpu.vector_load %arg10[%get3A_238, %get3A_239] {strides = array<i32>} : memref<16x256xf32, #tpu.memory_space<vmem>>, vector<1x16xf32>,
      %get3A_241 = vector.shape_cast %get3A_240 : vector<1x16xf32> to vector<1x16xf32>
      %mul3A_242 = arith.mulf %get3A_241, %get3A_197 : vector<1x16xf32>
      %swap3A_243 = arith.index_cast %scan3A_192 : i32 to index
      %swap3A_244 = arith.constant 64 : index
      %swap3A_245 = tpu.vector_load %arg10[%swap3A_243, %swap3A_244] {strides = array<i32>} : memref<16x256xf32, #tpu.memory_space<vmem>>, vector<1x16xf32>,
      %swap3A_246 = vector.shape_cast %swap3A_245 : vector<1x16xf32> to vector<1x16xf32>
      %swap3A_247 = vector.shape_cast %mul3A_242 : vector<1x16xf32> to vector<1x16xf32>
      tpu.vector_store %arg10[%swap3A_243, %swap3A_244], %swap3A_247 {strides = array<i32>} : memref<16x256xf32, #tpu.memory_space<vmem>>, vector<1x16xf32>,
      %get3A_248 = arith.index_cast %scan3A_192 : i32 to index
      %get3A_249 = arith.constant 80 : index
      %get3A_250 = tpu.vector_load %arg10[%get3A_248, %get3A_249] {strides = array<i32>} : memref<16x256xf32, #tpu.memory_space<vmem>>, vector<1x16xf32>,
      %get3A_251 = vector.shape_cast %get3A_250 : vector<1x16xf32> to vector<1x16xf32>
      %mul3A_252 = arith.mulf %get3A_251, %get3A_197 : vector<1x16xf32>
      %swap3A_253 = arith.index_cast %scan3A_192 : i32 to index
      %swap3A_254 = arith.constant 80 : index
      %swap3A_255 = tpu.vector_load %arg10[%swap3A_253, %swap3A_254] {strides = array<i32>} : memref<16x256xf32, #tpu.memory_space<vmem>>, vector<1x16xf32>,
      %swap3A_256 = vector.shape_cast %swap3A_255 : vector<1x16xf32> to vector<1x16xf32>
      %swap3A_257 = vector.shape_cast %mul3A_252 : vector<1x16xf32> to vector<1x16xf32>
      tpu.vector_store %arg10[%swap3A_253, %swap3A_254], %swap3A_257 {strides = array<i32>} : memref<16x256xf32, #tpu.memory_space<vmem>>, vector<1x16xf32>,
      %get3A_258 = arith.index_cast %scan3A_192 : i32 to index
      %get3A_259 = arith.constant 96 : index
      %get3A_260 = tpu.vector_load %arg10[%get3A_258, %get3A_259] {strides = array<i32>} : memref<16x256xf32, #tpu.memory_space<vmem>>, vector<1x16xf32>,
      %get3A_261 = vector.shape_cast %get3A_260 : vector<1x16xf32> to vector<1x16xf32>
      %mul3A_262 = arith.mulf %get3A_261, %get3A_197 : vector<1x16xf32>
      %swap3A_263 = arith.index_cast %scan3A_192 : i32 to index
      %swap3A_264 = arith.constant 96 : index
      %swap3A_265 = tpu.vector_load %arg10[%swap3A_263, %swap3A_264] {strides = array<i32>} : memref<16x256xf32, #tpu.memory_space<vmem>>, vector<1x16xf32>,
      %swap3A_266 = vector.shape_cast %swap3A_265 : vector<1x16xf32> to vector<1x16xf32>
      %swap3A_267 = vector.shape_cast %mul3A_262 : vector<1x16xf32> to vector<1x16xf32>
      tpu.vector_store %arg10[%swap3A_263, %swap3A_264], %swap3A_267 {strides = array<i32>} : memref<16x256xf32, #tpu.memory_space<vmem>>, vector<1x16xf32>,
      %get3A_268 = arith.index_cast %scan3A_192 : i32 to index
      %get3A_269 = arith.constant 112 : index
      %get3A_270 = tpu.vector_load %arg10[%get3A_268, %get3A_269] {strides = array<i32>} : memref<16x256xf32, #tpu.memory_space<vmem>>, vector<1x16xf32>,
      %get3A_271 = vector.shape_cast %get3A_270 : vector<1x16xf32> to vector<1x16xf32>
      %mul3A_272 = arith.mulf %get3A_271, %get3A_197 : vector<1x16xf32>
      %swap3A_273 = arith.index_cast %scan3A_192 : i32 to index
      %swap3A_274 = arith.constant 112 : index
      %swap3A_275 = tpu.vector_load %arg10[%swap3A_273, %swap3A_274] {strides = array<i32>} : memref<16x256xf32, #tpu.memory_space<vmem>>, vector<1x16xf32>,
      %swap3A_276 = vector.shape_cast %swap3A_275 : vector<1x16xf32> to vector<1x16xf32>
      %swap3A_277 = vector.shape_cast %mul3A_272 : vector<1x16xf32> to vector<1x16xf32>
      tpu.vector_store %arg10[%swap3A_273, %swap3A_274], %swap3A_277 {strides = array<i32>} : memref<16x256xf32, #tpu.memory_space<vmem>>, vector<1x16xf32>,
      %get3A_278 = arith.index_cast %scan3A_192 : i32 to index
      %get3A_279 = arith.constant 128 : index
      %get3A_280 = tpu.vector_load %arg10[%get3A_278, %get3A_279] {strides = array<i32>} : memref<16x256xf32, #tpu.memory_space<vmem>>, vector<1x16xf32>,
      %get3A_281 = vector.shape_cast %get3A_280 : vector<1x16xf32> to vector<1x16xf32>
      %mul3A_282 = arith.mulf %get3A_281, %get3A_197 : vector<1x16xf32>
      %swap3A_283 = arith.index_cast %scan3A_192 : i32 to index
      %swap3A_284 = arith.constant 128 : index
      %swap3A_285 = tpu.vector_load %arg10[%swap3A_283, %swap3A_284] {strides = array<i32>} : memref<16x256xf32, #tpu.memory_space<vmem>>, vector<1x16xf32>,
      %swap3A_286 = vector.shape_cast %swap3A_285 : vector<1x16xf32> to vector<1x16xf32>
      %swap3A_287 = vector.shape_cast %mul3A_282 : vector<1x16xf32> to vector<1x16xf32>
      tpu.vector_store %arg10[%swap3A_283, %swap3A_284], %swap3A_287 {strides = array<i32>} : memref<16x256xf32, #tpu.memory_space<vmem>>, vector<1x16xf32>,
      %get3A_288 = arith.index_cast %scan3A_192 : i32 to index
      %get3A_289 = arith.constant 144 : index
      %get3A_290 = tpu.vector_load %arg10[%get3A_288, %get3A_289] {strides = array<i32>} : memref<16x256xf32, #tpu.memory_space<vmem>>, vector<1x16xf32>,
      %get3A_291 = vector.shape_cast %get3A_290 : vector<1x16xf32> to vector<1x16xf32>
      %mul3A_292 = arith.mulf %get3A_291, %get3A_197 : vector<1x16xf32>
      %swap3A_293 = arith.index_cast %scan3A_192 : i32 to index
      %swap3A_294 = arith.constant 144 : index
      %swap3A_295 = tpu.vector_load %arg10[%swap3A_293, %swap3A_294] {strides = array<i32>} : memref<16x256xf32, #tpu.memory_space<vmem>>, vector<1x16xf32>,
      %swap3A_296 = vector.shape_cast %swap3A_295 : vector<1x16xf32> to vector<1x16xf32>
      %swap3A_297 = vector.shape_cast %mul3A_292 : vector<1x16xf32> to vector<1x16xf32>
      tpu.vector_store %arg10[%swap3A_293, %swap3A_294], %swap3A_297 {strides = array<i32>} : memref<16x256xf32, #tpu.memory_space<vmem>>, vector<1x16xf32>,
      %get3A_298 = arith.index_cast %scan3A_192 : i32 to index
      %get3A_299 = arith.constant 160 : index
      %get3A_300 = tpu.vector_load %arg10[%get3A_298, %get3A_299] {strides = array<i32>} : memref<16x256xf32, #tpu.memory_space<vmem>>, vector<1x16xf32>,
      %get3A_301 = vector.shape_cast %get3A_300 : vector<1x16xf32> to vector<1x16xf32>
      %mul3A_302 = arith.mulf %get3A_301, %get3A_197 : vector<1x16xf32>
      %swap3A_303 = arith.index_cast %scan3A_192 : i32 to index
      %swap3A_304 = arith.constant 160 : index
      %swap3A_305 = tpu.vector_load %arg10[%swap3A_303, %swap3A_304] {strides = array<i32>} : memref<16x256xf32, #tpu.memory_space<vmem>>, vector<1x16xf32>,
      %swap3A_306 = vector.shape_cast %swap3A_305 : vector<1x16xf32> to vector<1x16xf32>
      %swap3A_307 = vector.shape_cast %mul3A_302 : vector<1x16xf32> to vector<1x16xf32>
      tpu.vector_store %arg10[%swap3A_303, %swap3A_304], %swap3A_307 {strides = array<i32>} : memref<16x256xf32, #tpu.memory_space<vmem>>, vector<1x16xf32>,
      %get3A_308 = arith.index_cast %scan3A_192 : i32 to index
      %get3A_309 = arith.constant 176 : index
      %get3A_310 = tpu.vector_load %arg10[%get3A_308, %get3A_309] {strides = array<i32>} : memref<16x256xf32, #tpu.memory_space<vmem>>, vector<1x16xf32>,
      %get3A_311 = vector.shape_cast %get3A_310 : vector<1x16xf32> to vector<1x16xf32>
      %mul3A_312 = arith.mulf %get3A_311, %get3A_197 : vector<1x16xf32>
      %swap3A_313 = arith.index_cast %scan3A_192 : i32 to index
      %swap3A_314 = arith.constant 176 : index
      %swap3A_315 = tpu.vector_load %arg10[%swap3A_313, %swap3A_314] {strides = array<i32>} : memref<16x256xf32, #tpu.memory_space<vmem>>, vector<1x16xf32>,
      %swap3A_316 = vector.shape_cast %swap3A_315 : vector<1x16xf32> to vector<1x16xf32>
      %swap3A_317 = vector.shape_cast %mul3A_312 : vector<1x16xf32> to vector<1x16xf32>
      tpu.vector_store %arg10[%swap3A_313, %swap3A_314], %swap3A_317 {strides = array<i32>} : memref<16x256xf32, #tpu.memory_space<vmem>>, vector<1x16xf32>,
      %get3A_318 = arith.index_cast %scan3A_192 : i32 to index
      %get3A_319 = arith.constant 192 : index
      %get3A_320 = tpu.vector_load %arg10[%get3A_318, %get3A_319] {strides = array<i32>} : memref<16x256xf32, #tpu.memory_space<vmem>>, vector<1x16xf32>,
      %get3A_321 = vector.shape_cast %get3A_320 : vector<1x16xf32> to vector<1x16xf32>
      %mul3A_322 = arith.mulf %get3A_321, %get3A_197 : vector<1x16xf32>
      %swap3A_323 = arith.index_cast %scan3A_192 : i32 to index
      %swap3A_324 = arith.constant 192 : index
      %swap3A_325 = tpu.vector_load %arg10[%swap3A_323, %swap3A_324] {strides = array<i32>} : memref<16x256xf32, #tpu.memory_space<vmem>>, vector<1x16xf32>,
      %swap3A_326 = vector.shape_cast %swap3A_325 : vector<1x16xf32> to vector<1x16xf32>
      %swap3A_327 = vector.shape_cast %mul3A_322 : vector<1x16xf32> to vector<1x16xf32>
      tpu.vector_store %arg10[%swap3A_323, %swap3A_324], %swap3A_327 {strides = array<i32>} : memref<16x256xf32, #tpu.memory_space<vmem>>, vector<1x16xf32>,
      %get3A_328 = arith.index_cast %scan3A_192 : i32 to index
      %get3A_329 = arith.constant 208 : index
      %get3A_330 = tpu.vector_load %arg10[%get3A_328, %get3A_329] {strides = array<i32>} : memref<16x256xf32, #tpu.memory_space<vmem>>, vector<1x16xf32>,
      %get3A_331 = vector.shape_cast %get3A_330 : vector<1x16xf32> to vector<1x16xf32>
      %mul3A_332 = arith.mulf %get3A_331, %get3A_197 : vector<1x16xf32>
      %swap3A_333 = arith.index_cast %scan3A_192 : i32 to index
      %swap3A_334 = arith.constant 208 : index
      %swap3A_335 = tpu.vector_load %arg10[%swap3A_333, %swap3A_334] {strides = array<i32>} : memref<16x256xf32, #tpu.memory_space<vmem>>, vector<1x16xf32>,
      %swap3A_336 = vector.shape_cast %swap3A_335 : vector<1x16xf32> to vector<1x16xf32>
      %swap3A_337 = vector.shape_cast %mul3A_332 : vector<1x16xf32> to vector<1x16xf32>
      tpu.vector_store %arg10[%swap3A_333, %swap3A_334], %swap3A_337 {strides = array<i32>} : memref<16x256xf32, #tpu.memory_space<vmem>>, vector<1x16xf32>,
      %get3A_338 = arith.index_cast %scan3A_192 : i32 to index
      %get3A_339 = arith.constant 224 : index
      %get3A_340 = tpu.vector_load %arg10[%get3A_338, %get3A_339] {strides = array<i32>} : memref<16x256xf32, #tpu.memory_space<vmem>>, vector<1x16xf32>,
      %get3A_341 = vector.shape_cast %get3A_340 : vector<1x16xf32> to vector<1x16xf32>
      %mul3A_342 = arith.mulf %get3A_341, %get3A_197 : vector<1x16xf32>
      %swap3A_343 = arith.index_cast %scan3A_192 : i32 to index
      %swap3A_344 = arith.constant 224 : index
      %swap3A_345 = tpu.vector_load %arg10[%swap3A_343, %swap3A_344] {strides = array<i32>} : memref<16x256xf32, #tpu.memory_space<vmem>>, vector<1x16xf32>,
      %swap3A_346 = vector.shape_cast %swap3A_345 : vector<1x16xf32> to vector<1x16xf32>
      %swap3A_347 = vector.shape_cast %mul3A_342 : vector<1x16xf32> to vector<1x16xf32>
      tpu.vector_store %arg10[%swap3A_343, %swap3A_344], %swap3A_347 {strides = array<i32>} : memref<16x256xf32, #tpu.memory_space<vmem>>, vector<1x16xf32>,
      %get3A_348 = arith.index_cast %scan3A_192 : i32 to index
      %get3A_349 = arith.constant 240 : index
      %get3A_350 = tpu.vector_load %arg10[%get3A_348, %get3A_349] {strides = array<i32>} : memref<16x256xf32, #tpu.memory_space<vmem>>, vector<1x16xf32>,
      %get3A_351 = vector.shape_cast %get3A_350 : vector<1x16xf32> to vector<1x16xf32>
      %mul3A_352 = arith.mulf %get3A_351, %get3A_197 : vector<1x16xf32>
      %swap3A_353 = arith.index_cast %scan3A_192 : i32 to index
      %swap3A_354 = arith.constant 240 : index
      %swap3A_355 = tpu.vector_load %arg10[%swap3A_353, %swap3A_354] {strides = array<i32>} : memref<16x256xf32, #tpu.memory_space<vmem>>, vector<1x16xf32>,
      %swap3A_356 = vector.shape_cast %swap3A_355 : vector<1x16xf32> to vector<1x16xf32>
      %swap3A_357 = vector.shape_cast %mul3A_352 : vector<1x16xf32> to vector<1x16xf32>
      tpu.vector_store %arg10[%swap3A_353, %swap3A_354], %swap3A_357 {strides = array<i32>} : memref<16x256xf32, #tpu.memory_space<vmem>>, vector<1x16xf32>,
      %scan3A_358 = arith.constant 0 : i32
      scf.yield %scan3A_358 : i32
    }
    %scan3A_189 = arith.constant 16 : i32
    %add3A_190 = arith.constant 4992 : i32
    %add3A_191 = arith.addi %mul3A_3, %add3A_190 : i32
    "tpu.region"() ({
      %run_scoped3A = tpu.sem_alloc : memref<!tpu.dma_semaphore, #tpu.memory_space<semaphore_mem>>
      %dma_start3A_192 = arith.constant 0 : i32
      %dma_start3A_193 = arith.constant 0 : i32
      %dma_start3A_194 = tpu.memref_slice %arg10[%dma_start3A_192, %dma_start3A_193] : memref<16x256xf32, #tpu.memory_space<vmem>> -> memref<8x256xf32, #tpu.memory_space<vmem>>
      %dma_start3A_195 = arith.constant 0 : i32
      %dma_start3A_196 = tpu.memref_slice %arg5[%add3A_191, %dma_start3A_195] : memref<160000x256xf32, #tpu.memory_space<hbm>> -> memref<8x256xf32, #tpu.memory_space<hbm>>
      %dma_start3A_197 = arith.constant 0 : i32
      %dma_start3A_198 = tpu.memref_slice %arg5[%add3A_191, %dma_start3A_197] : memref<160000x256xf32, #tpu.memory_space<hbm>> -> memref<8x256xf32, #tpu.memory_space<hbm>>
      %dma_start3A_199 = arith.constant 0 : i32
      %dma_start3A_200 = arith.constant 0 : i32
      %dma_start3A_201 = tpu.memref_slice %arg10[%dma_start3A_199, %dma_start3A_200] : memref<16x256xf32, #tpu.memory_space<vmem>> -> memref<8x256xf32, #tpu.memory_space<vmem>>
      tpu.enqueue_dma source(%dma_start3A_201 : memref<8x256xf32, #tpu.memory_space<vmem>>) target(%dma_start3A_198 : memref<8x256xf32, #tpu.memory_space<hbm>>) target_semaphore(%run_scoped3A : memref<!tpu.dma_semaphore, #tpu.memory_space<semaphore_mem>>)
      %dma_wait3A_202 = arith.constant 0 : i32
      %dma_wait3A_203 = arith.constant 0 : i32
      %dma_wait3A_204 = tpu.memref_slice %arg10[%dma_wait3A_202, %dma_wait3A_203] : memref<16x256xf32, #tpu.memory_space<vmem>> -> memref<8x256xf32, #tpu.memory_space<vmem>>
      %dma_wait3A_205 = arith.constant 0 : i32
      %dma_wait3A_206 = tpu.memref_slice %arg5[%add3A_191, %dma_wait3A_205] : memref<160000x256xf32, #tpu.memory_space<hbm>> -> memref<8x256xf32, #tpu.memory_space<hbm>>
      %dma_wait3A_207 = arith.constant 0 : i32
      %dma_wait3A_208 = tpu.memref_slice %arg5[%add3A_191, %dma_wait3A_207] : memref<160000x256xf32, #tpu.memory_space<hbm>> -> memref<8x256xf32, #tpu.memory_space<hbm>>
      %dma_wait3A_209 = arith.constant 0 : i32
      %dma_wait3A_210 = arith.constant 0 : i32
      %dma_wait3A_211 = tpu.memref_slice %arg10[%dma_wait3A_209, %dma_wait3A_210] : memref<16x256xf32, #tpu.memory_space<vmem>> -> memref<8x256xf32, #tpu.memory_space<vmem>>
      tpu.wait_dma2 semaphore(%run_scoped3A : memref<!tpu.dma_semaphore, #tpu.memory_space<semaphore_mem>>) src(%dma_wait3A_211 : memref<8x256xf32, #tpu.memory_space<vmem>>) dst(%dma_wait3A_208 : memref<8x256xf32, #tpu.memory_space<hbm>>)
      tpu.yield
    }) : () -> ()
    return
  }
}

module attributes {stable_mosaic.version = 14 : i64} {
  func.func @_mm1_body(%arg0: i32, %arg1: memref<512x256xf32, #tpu.memory_space<vmem>>, %arg2: memref<256x256xf32, #tpu.memory_space<vmem>>, %arg3: memref<512x256xf32, #tpu.memory_space<vmem>>) attributes {dimension_semantics = [#tpu.dimension_semantics<arbitrary>], iteration_bounds = array<i64: 20>, scalar_prefetch = 0 : i64, scratch_operands = 0 : i64, tpu.core_type = #tpu.core_type<tc>, window_params = [{transform_indices = @transform_0, window_bounds = array<i64: 512, 256>}, {pipeline_mode = #tpu.pipeline_mode<synchronous>, transform_indices = @transform_1, window_bounds = array<i64: 256, 256>}, {transform_indices = @transform_2, window_bounds = array<i64: 512, 256>}]} {
    %get3A = arith.constant 0 : index
    %get3A_0 = arith.constant 0 : index
    %get3A_1 = vector.load %arg1[%get3A, %get3A_0] : memref<512x256xf32, #tpu.memory_space<vmem>>, vector<512x256xf32>
    %get3A_2 = arith.constant 0 : index
    %get3A_3 = arith.constant 0 : index
    %get3A_4 = vector.load %arg2[%get3A_2, %get3A_3] : memref<256x256xf32, #tpu.memory_space<vmem>>, vector<256x256xf32>
    %dot_general3A = arith.constant dense<0.000000e+00> : vector<512x256xf32>
    %dot_general3A_5 = tpu.matmul %get3A_1, %get3A_4, %dot_general3A {dimension_numbers = #tpu.dot_dimension_numbers<[1], [0], [0], [1], [0, 0, 1, 1], [], []>, transpose_lhs_hint = false} : vector<512x256xf32>, vector<256x256xf32>, vector<512x256xf32> -> vector<512x256xf32>
    %gt3A = arith.constant 0.000000e+00 : f32
    %gt3A_6 = vector.broadcast %gt3A : f32 to vector<512x256xf32>
    %gt3A_7 = arith.cmpf ogt, %dot_general3A_5, %gt3A_6 : vector<512x256xf32>
    %mul3A = arith.constant 3.000000e-01 : f32
    %mul3A_8 = vector.broadcast %mul3A : f32 to vector<512x256xf32>
    %mul3A_9 = arith.mulf %mul3A_8, %dot_general3A_5 : vector<512x256xf32>
    %select_n3A = arith.select %gt3A_7, %dot_general3A_5, %mul3A_9 : vector<512x256xi1>, vector<512x256xf32>
    %swap3A = arith.constant 0 : index
    %swap3A_10 = arith.constant 0 : index
    %swap3A_11 = vector.load %arg3[%swap3A, %swap3A_10] : memref<512x256xf32, #tpu.memory_space<vmem>>, vector<512x256xf32>
    tpu.vector_store %arg3[%swap3A, %swap3A_10], %select_n3A {strides = array<i32>} : memref<512x256xf32, #tpu.memory_space<vmem>>, vector<512x256xf32>,
    return
  }
  func.func @transform_0(%arg0: i32) -> (i32, i32) {
    %c0_i32 = arith.constant 0 : i32
    %c0_i32_0 = arith.constant 0 : i32
    return %arg0, %c0_i32 : i32, i32
  }
  func.func @transform_1(%arg0: i32) -> (i32, i32) {
    %c0_i32 = arith.constant 0 : i32
    %c0_i32_0 = arith.constant 0 : i32
    %c0_i32_1 = arith.constant 0 : i32
    return %c0_i32, %c0_i32_0 : i32, i32
  }
  func.func @transform_2(%arg0: i32) -> (i32, i32) {
    %c0_i32 = arith.constant 0 : i32
    %c0_i32_0 = arith.constant 0 : i32
    return %arg0, %c0_i32 : i32, i32
  }
}

module attributes {stable_mosaic.version = 14 : i64} {
  func.func @_scatter_body(%arg0: i32, %arg1: memref<4096xi32, #tpu.memory_space<smem>>, %arg2: memref<4096xf32, #tpu.memory_space<smem>>, %arg3: memref<4096x256xf32, #tpu.memory_space<vmem>>, %arg4: memref<10000x256xf32, #tpu.memory_space<vmem>>, %arg5: memref<10000x128xf32, #tpu.memory_space<vmem>>) attributes {dimension_semantics = [#tpu.dimension_semantics<arbitrary>], iteration_bounds = array<i64: 40>, scalar_prefetch = 0 : i64, scratch_operands = 0 : i64, tpu.core_type = #tpu.core_type<tc>, window_params = [{transform_indices = @transform_0, window_bounds = array<i64: 4096>}, {transform_indices = @transform_1, window_bounds = array<i64: 4096>}, {transform_indices = @transform_2, window_bounds = array<i64: 4096, 256>}, {pipeline_mode = #tpu.pipeline_mode<synchronous>, transform_indices = @transform_3, window_bounds = array<i64: 10000, 256>}, {pipeline_mode = #tpu.pipeline_mode<synchronous>, transform_indices = @transform_4, window_bounds = array<i64: 10000, 128>}]} {
    %eq3A = arith.constant 0 : i32
    %eq3A_0 = arith.cmpi eq, %arg0, %eq3A : i32
    %convert_element_type3A = arith.extui %eq3A_0 : i1 to i32
    %cond3A = arith.constant 0 : i32
    %cond3A_1 = arith.cmpi ne, %convert_element_type3A, %cond3A : i32
    scf.if %cond3A_1 {
      %broadcast_in_dim3A = arith.constant 0.000000e+00 : f32
      %broadcast_in_dim3A_11 = vector.broadcast %broadcast_in_dim3A : f32 to vector<10000x256xf32>
      %swap3A = arith.constant 0 : index
      %swap3A_12 = arith.constant 0 : index
      %swap3A_13 = vector.load %arg4[%swap3A, %swap3A_12] : memref<10000x256xf32, #tpu.memory_space<vmem>>, vector<10000x256xf32>
      tpu.vector_store %arg4[%swap3A, %swap3A_12], %broadcast_in_dim3A_11 {strides = array<i32>} : memref<10000x256xf32, #tpu.memory_space<vmem>>, vector<10000x256xf32>,
      %broadcast_in_dim3A_14 = arith.constant 0.000000e+00 : f32
      %broadcast_in_dim3A_15 = vector.broadcast %broadcast_in_dim3A_14 : f32 to vector<10000x128xf32>
      %swap3A_16 = arith.constant 0 : index
      %swap3A_17 = arith.constant 0 : index
      %swap3A_18 = vector.load %arg5[%swap3A_16, %swap3A_17] : memref<10000x128xf32, #tpu.memory_space<vmem>>, vector<10000x128xf32>
      tpu.vector_store %arg5[%swap3A_16, %swap3A_17], %broadcast_in_dim3A_15 {strides = array<i32>} : memref<10000x128xf32, #tpu.memory_space<vmem>>, vector<10000x128xf32>,
    } else {
    }
    %lt3A = arith.constant 39 : i32
    %lt3A_2 = arith.cmpi slt, %arg0, %lt3A : i32
    %convert_element_type3A_3 = arith.extui %lt3A_2 : i1 to i32
    %cond3A_4 = arith.constant 0 : i32
    %cond3A_5 = arith.cmpi ne, %convert_element_type3A_3, %cond3A_4 : i32
    scf.if %cond3A_5 {
      %scan3A = arith.constant 0 : i32
      %scan3A_11 = arith.constant 4096 : i32
      %scan3A_12 = arith.addi %scan3A, %scan3A_11 : i32
      %scan3A_13 = arith.constant 8 : i32
      scf.for %scan3A_15 = %scan3A to %scan3A_12 step %scan3A_13  : i32 {
        %get3A = arith.index_cast %scan3A_15 : i32 to index
        %get3A_16 = memref.load %arg1[%get3A] : memref<4096xi32, #tpu.memory_space<smem>>
        %get3A_17 = arith.index_cast %scan3A_15 : i32 to index
        %get3A_18 = memref.load %arg2[%get3A_17] : memref<4096xf32, #tpu.memory_space<smem>>
        %get3A_19 = arith.index_cast %get3A_16 : i32 to index
        %get3A_20 = arith.constant 0 : index
        %get3A_21 = vector.load %arg4[%get3A_19, %get3A_20] : memref<10000x256xf32, #tpu.memory_space<vmem>>, vector<1x256xf32>
        %get3A_22 = arith.index_cast %scan3A_15 : i32 to index
        %get3A_23 = arith.constant 0 : index
        %get3A_24 = vector.load %arg3[%get3A_22, %get3A_23] : memref<4096x256xf32, #tpu.memory_space<vmem>>, vector<1x256xf32>
        %add3A = arith.addf %get3A_21, %get3A_24 : vector<1x256xf32>
        %swap3A = arith.index_cast %get3A_16 : i32 to index
        %swap3A_25 = arith.constant 0 : index
        %swap3A_26 = vector.load %arg4[%swap3A, %swap3A_25] : memref<10000x256xf32, #tpu.memory_space<vmem>>, vector<1x256xf32>
        tpu.vector_store %arg4[%swap3A, %swap3A_25], %add3A {strides = array<i32>} : memref<10000x256xf32, #tpu.memory_space<vmem>>, vector<1x256xf32>,
        %get3A_27 = arith.index_cast %get3A_16 : i32 to index
        %get3A_28 = arith.constant 0 : index
        %get3A_29 = vector.load %arg5[%get3A_27, %get3A_28] : memref<10000x128xf32, #tpu.memory_space<vmem>>, vector<1x128xf32>
        %add3A_30 = vector.broadcast %get3A_18 : f32 to vector<1x128xf32>
        %add3A_31 = arith.addf %get3A_29, %add3A_30 : vector<1x128xf32>
        %swap3A_32 = arith.index_cast %get3A_16 : i32 to index
        %swap3A_33 = arith.constant 0 : index
        %swap3A_34 = vector.load %arg5[%swap3A_32, %swap3A_33] : memref<10000x128xf32, #tpu.memory_space<vmem>>, vector<1x128xf32>
        tpu.vector_store %arg5[%swap3A_32, %swap3A_33], %add3A_31 {strides = array<i32>} : memref<10000x128xf32, #tpu.memory_space<vmem>>, vector<1x128xf32>,
        %scan3A_35 = arith.constant 1 : i32
        %scan3A_36 = arith.addi %scan3A_15, %scan3A_35 : i32
        %get3A_37 = arith.index_cast %scan3A_36 : i32 to index
        %get3A_38 = memref.load %arg1[%get3A_37] : memref<4096xi32, #tpu.memory_space<smem>>
        %get3A_39 = arith.index_cast %scan3A_36 : i32 to index
        %get3A_40 = memref.load %arg2[%get3A_39] : memref<4096xf32, #tpu.memory_space<smem>>
        %get3A_41 = arith.index_cast %get3A_38 : i32 to index
        %get3A_42 = arith.constant 0 : index
        %get3A_43 = vector.load %arg4[%get3A_41, %get3A_42] : memref<10000x256xf32, #tpu.memory_space<vmem>>, vector<1x256xf32>
        %get3A_44 = arith.index_cast %scan3A_36 : i32 to index
        %get3A_45 = arith.constant 0 : index
        %get3A_46 = vector.load %arg3[%get3A_44, %get3A_45] : memref<4096x256xf32, #tpu.memory_space<vmem>>, vector<1x256xf32>
        %add3A_47 = arith.addf %get3A_43, %get3A_46 : vector<1x256xf32>
        %swap3A_48 = arith.index_cast %get3A_38 : i32 to index
        %swap3A_49 = arith.constant 0 : index
        %swap3A_50 = vector.load %arg4[%swap3A_48, %swap3A_49] : memref<10000x256xf32, #tpu.memory_space<vmem>>, vector<1x256xf32>
        tpu.vector_store %arg4[%swap3A_48, %swap3A_49], %add3A_47 {strides = array<i32>} : memref<10000x256xf32, #tpu.memory_space<vmem>>, vector<1x256xf32>,
        %get3A_51 = arith.index_cast %get3A_38 : i32 to index
        %get3A_52 = arith.constant 0 : index
        %get3A_53 = vector.load %arg5[%get3A_51, %get3A_52] : memref<10000x128xf32, #tpu.memory_space<vmem>>, vector<1x128xf32>
        %add3A_54 = vector.broadcast %get3A_40 : f32 to vector<1x128xf32>
        %add3A_55 = arith.addf %get3A_53, %add3A_54 : vector<1x128xf32>
        %swap3A_56 = arith.index_cast %get3A_38 : i32 to index
        %swap3A_57 = arith.constant 0 : index
        %swap3A_58 = vector.load %arg5[%swap3A_56, %swap3A_57] : memref<10000x128xf32, #tpu.memory_space<vmem>>, vector<1x128xf32>
        tpu.vector_store %arg5[%swap3A_56, %swap3A_57], %add3A_55 {strides = array<i32>} : memref<10000x128xf32, #tpu.memory_space<vmem>>, vector<1x128xf32>,
        %scan3A_59 = arith.constant 2 : i32
        %scan3A_60 = arith.addi %scan3A_15, %scan3A_59 : i32
        %get3A_61 = arith.index_cast %scan3A_60 : i32 to index
        %get3A_62 = memref.load %arg1[%get3A_61] : memref<4096xi32, #tpu.memory_space<smem>>
        %get3A_63 = arith.index_cast %scan3A_60 : i32 to index
        %get3A_64 = memref.load %arg2[%get3A_63] : memref<4096xf32, #tpu.memory_space<smem>>
        %get3A_65 = arith.index_cast %get3A_62 : i32 to index
        %get3A_66 = arith.constant 0 : index
        %get3A_67 = vector.load %arg4[%get3A_65, %get3A_66] : memref<10000x256xf32, #tpu.memory_space<vmem>>, vector<1x256xf32>
        %get3A_68 = arith.index_cast %scan3A_60 : i32 to index
        %get3A_69 = arith.constant 0 : index
        %get3A_70 = vector.load %arg3[%get3A_68, %get3A_69] : memref<4096x256xf32, #tpu.memory_space<vmem>>, vector<1x256xf32>
        %add3A_71 = arith.addf %get3A_67, %get3A_70 : vector<1x256xf32>
        %swap3A_72 = arith.index_cast %get3A_62 : i32 to index
        %swap3A_73 = arith.constant 0 : index
        %swap3A_74 = vector.load %arg4[%swap3A_72, %swap3A_73] : memref<10000x256xf32, #tpu.memory_space<vmem>>, vector<1x256xf32>
        tpu.vector_store %arg4[%swap3A_72, %swap3A_73], %add3A_71 {strides = array<i32>} : memref<10000x256xf32, #tpu.memory_space<vmem>>, vector<1x256xf32>,
        %get3A_75 = arith.index_cast %get3A_62 : i32 to index
        %get3A_76 = arith.constant 0 : index
        %get3A_77 = vector.load %arg5[%get3A_75, %get3A_76] : memref<10000x128xf32, #tpu.memory_space<vmem>>, vector<1x128xf32>
        %add3A_78 = vector.broadcast %get3A_64 : f32 to vector<1x128xf32>
        %add3A_79 = arith.addf %get3A_77, %add3A_78 : vector<1x128xf32>
        %swap3A_80 = arith.index_cast %get3A_62 : i32 to index
        %swap3A_81 = arith.constant 0 : index
        %swap3A_82 = vector.load %arg5[%swap3A_80, %swap3A_81] : memref<10000x128xf32, #tpu.memory_space<vmem>>, vector<1x128xf32>
        tpu.vector_store %arg5[%swap3A_80, %swap3A_81], %add3A_79 {strides = array<i32>} : memref<10000x128xf32, #tpu.memory_space<vmem>>, vector<1x128xf32>,
        %scan3A_83 = arith.constant 3 : i32
        %scan3A_84 = arith.addi %scan3A_15, %scan3A_83 : i32
        %get3A_85 = arith.index_cast %scan3A_84 : i32 to index
        %get3A_86 = memref.load %arg1[%get3A_85] : memref<4096xi32, #tpu.memory_space<smem>>
        %get3A_87 = arith.index_cast %scan3A_84 : i32 to index
        %get3A_88 = memref.load %arg2[%get3A_87] : memref<4096xf32, #tpu.memory_space<smem>>
        %get3A_89 = arith.index_cast %get3A_86 : i32 to index
        %get3A_90 = arith.constant 0 : index
        %get3A_91 = vector.load %arg4[%get3A_89, %get3A_90] : memref<10000x256xf32, #tpu.memory_space<vmem>>, vector<1x256xf32>
        %get3A_92 = arith.index_cast %scan3A_84 : i32 to index
        %get3A_93 = arith.constant 0 : index
        %get3A_94 = vector.load %arg3[%get3A_92, %get3A_93] : memref<4096x256xf32, #tpu.memory_space<vmem>>, vector<1x256xf32>
        %add3A_95 = arith.addf %get3A_91, %get3A_94 : vector<1x256xf32>
        %swap3A_96 = arith.index_cast %get3A_86 : i32 to index
        %swap3A_97 = arith.constant 0 : index
        %swap3A_98 = vector.load %arg4[%swap3A_96, %swap3A_97] : memref<10000x256xf32, #tpu.memory_space<vmem>>, vector<1x256xf32>
        tpu.vector_store %arg4[%swap3A_96, %swap3A_97], %add3A_95 {strides = array<i32>} : memref<10000x256xf32, #tpu.memory_space<vmem>>, vector<1x256xf32>,
        %get3A_99 = arith.index_cast %get3A_86 : i32 to index
        %get3A_100 = arith.constant 0 : index
        %get3A_101 = vector.load %arg5[%get3A_99, %get3A_100] : memref<10000x128xf32, #tpu.memory_space<vmem>>, vector<1x128xf32>
        %add3A_102 = vector.broadcast %get3A_88 : f32 to vector<1x128xf32>
        %add3A_103 = arith.addf %get3A_101, %add3A_102 : vector<1x128xf32>
        %swap3A_104 = arith.index_cast %get3A_86 : i32 to index
        %swap3A_105 = arith.constant 0 : index
        %swap3A_106 = vector.load %arg5[%swap3A_104, %swap3A_105] : memref<10000x128xf32, #tpu.memory_space<vmem>>, vector<1x128xf32>
        tpu.vector_store %arg5[%swap3A_104, %swap3A_105], %add3A_103 {strides = array<i32>} : memref<10000x128xf32, #tpu.memory_space<vmem>>, vector<1x128xf32>,
        %scan3A_107 = arith.constant 4 : i32
        %scan3A_108 = arith.addi %scan3A_15, %scan3A_107 : i32
        %get3A_109 = arith.index_cast %scan3A_108 : i32 to index
        %get3A_110 = memref.load %arg1[%get3A_109] : memref<4096xi32, #tpu.memory_space<smem>>
        %get3A_111 = arith.index_cast %scan3A_108 : i32 to index
        %get3A_112 = memref.load %arg2[%get3A_111] : memref<4096xf32, #tpu.memory_space<smem>>
        %get3A_113 = arith.index_cast %get3A_110 : i32 to index
        %get3A_114 = arith.constant 0 : index
        %get3A_115 = vector.load %arg4[%get3A_113, %get3A_114] : memref<10000x256xf32, #tpu.memory_space<vmem>>, vector<1x256xf32>
        %get3A_116 = arith.index_cast %scan3A_108 : i32 to index
        %get3A_117 = arith.constant 0 : index
        %get3A_118 = vector.load %arg3[%get3A_116, %get3A_117] : memref<4096x256xf32, #tpu.memory_space<vmem>>, vector<1x256xf32>
        %add3A_119 = arith.addf %get3A_115, %get3A_118 : vector<1x256xf32>
        %swap3A_120 = arith.index_cast %get3A_110 : i32 to index
        %swap3A_121 = arith.constant 0 : index
        %swap3A_122 = vector.load %arg4[%swap3A_120, %swap3A_121] : memref<10000x256xf32, #tpu.memory_space<vmem>>, vector<1x256xf32>
        tpu.vector_store %arg4[%swap3A_120, %swap3A_121], %add3A_119 {strides = array<i32>} : memref<10000x256xf32, #tpu.memory_space<vmem>>, vector<1x256xf32>,
        %get3A_123 = arith.index_cast %get3A_110 : i32 to index
        %get3A_124 = arith.constant 0 : index
        %get3A_125 = vector.load %arg5[%get3A_123, %get3A_124] : memref<10000x128xf32, #tpu.memory_space<vmem>>, vector<1x128xf32>
        %add3A_126 = vector.broadcast %get3A_112 : f32 to vector<1x128xf32>
        %add3A_127 = arith.addf %get3A_125, %add3A_126 : vector<1x128xf32>
        %swap3A_128 = arith.index_cast %get3A_110 : i32 to index
        %swap3A_129 = arith.constant 0 : index
        %swap3A_130 = vector.load %arg5[%swap3A_128, %swap3A_129] : memref<10000x128xf32, #tpu.memory_space<vmem>>, vector<1x128xf32>
        tpu.vector_store %arg5[%swap3A_128, %swap3A_129], %add3A_127 {strides = array<i32>} : memref<10000x128xf32, #tpu.memory_space<vmem>>, vector<1x128xf32>,
        %scan3A_131 = arith.constant 5 : i32
        %scan3A_132 = arith.addi %scan3A_15, %scan3A_131 : i32
        %get3A_133 = arith.index_cast %scan3A_132 : i32 to index
        %get3A_134 = memref.load %arg1[%get3A_133] : memref<4096xi32, #tpu.memory_space<smem>>
        %get3A_135 = arith.index_cast %scan3A_132 : i32 to index
        %get3A_136 = memref.load %arg2[%get3A_135] : memref<4096xf32, #tpu.memory_space<smem>>
        %get3A_137 = arith.index_cast %get3A_134 : i32 to index
        %get3A_138 = arith.constant 0 : index
        %get3A_139 = vector.load %arg4[%get3A_137, %get3A_138] : memref<10000x256xf32, #tpu.memory_space<vmem>>, vector<1x256xf32>
        %get3A_140 = arith.index_cast %scan3A_132 : i32 to index
        %get3A_141 = arith.constant 0 : index
        %get3A_142 = vector.load %arg3[%get3A_140, %get3A_141] : memref<4096x256xf32, #tpu.memory_space<vmem>>, vector<1x256xf32>
        %add3A_143 = arith.addf %get3A_139, %get3A_142 : vector<1x256xf32>
        %swap3A_144 = arith.index_cast %get3A_134 : i32 to index
        %swap3A_145 = arith.constant 0 : index
        %swap3A_146 = vector.load %arg4[%swap3A_144, %swap3A_145] : memref<10000x256xf32, #tpu.memory_space<vmem>>, vector<1x256xf32>
        tpu.vector_store %arg4[%swap3A_144, %swap3A_145], %add3A_143 {strides = array<i32>} : memref<10000x256xf32, #tpu.memory_space<vmem>>, vector<1x256xf32>,
        %get3A_147 = arith.index_cast %get3A_134 : i32 to index
        %get3A_148 = arith.constant 0 : index
        %get3A_149 = vector.load %arg5[%get3A_147, %get3A_148] : memref<10000x128xf32, #tpu.memory_space<vmem>>, vector<1x128xf32>
        %add3A_150 = vector.broadcast %get3A_136 : f32 to vector<1x128xf32>
        %add3A_151 = arith.addf %get3A_149, %add3A_150 : vector<1x128xf32>
        %swap3A_152 = arith.index_cast %get3A_134 : i32 to index
        %swap3A_153 = arith.constant 0 : index
        %swap3A_154 = vector.load %arg5[%swap3A_152, %swap3A_153] : memref<10000x128xf32, #tpu.memory_space<vmem>>, vector<1x128xf32>
        tpu.vector_store %arg5[%swap3A_152, %swap3A_153], %add3A_151 {strides = array<i32>} : memref<10000x128xf32, #tpu.memory_space<vmem>>, vector<1x128xf32>,
        %scan3A_155 = arith.constant 6 : i32
        %scan3A_156 = arith.addi %scan3A_15, %scan3A_155 : i32
        %get3A_157 = arith.index_cast %scan3A_156 : i32 to index
        %get3A_158 = memref.load %arg1[%get3A_157] : memref<4096xi32, #tpu.memory_space<smem>>
        %get3A_159 = arith.index_cast %scan3A_156 : i32 to index
        %get3A_160 = memref.load %arg2[%get3A_159] : memref<4096xf32, #tpu.memory_space<smem>>
        %get3A_161 = arith.index_cast %get3A_158 : i32 to index
        %get3A_162 = arith.constant 0 : index
        %get3A_163 = vector.load %arg4[%get3A_161, %get3A_162] : memref<10000x256xf32, #tpu.memory_space<vmem>>, vector<1x256xf32>
        %get3A_164 = arith.index_cast %scan3A_156 : i32 to index
        %get3A_165 = arith.constant 0 : index
        %get3A_166 = vector.load %arg3[%get3A_164, %get3A_165] : memref<4096x256xf32, #tpu.memory_space<vmem>>, vector<1x256xf32>
        %add3A_167 = arith.addf %get3A_163, %get3A_166 : vector<1x256xf32>
        %swap3A_168 = arith.index_cast %get3A_158 : i32 to index
        %swap3A_169 = arith.constant 0 : index
        %swap3A_170 = vector.load %arg4[%swap3A_168, %swap3A_169] : memref<10000x256xf32, #tpu.memory_space<vmem>>, vector<1x256xf32>
        tpu.vector_store %arg4[%swap3A_168, %swap3A_169], %add3A_167 {strides = array<i32>} : memref<10000x256xf32, #tpu.memory_space<vmem>>, vector<1x256xf32>,
        %get3A_171 = arith.index_cast %get3A_158 : i32 to index
        %get3A_172 = arith.constant 0 : index
        %get3A_173 = vector.load %arg5[%get3A_171, %get3A_172] : memref<10000x128xf32, #tpu.memory_space<vmem>>, vector<1x128xf32>
        %add3A_174 = vector.broadcast %get3A_160 : f32 to vector<1x128xf32>
        %add3A_175 = arith.addf %get3A_173, %add3A_174 : vector<1x128xf32>
        %swap3A_176 = arith.index_cast %get3A_158 : i32 to index
        %swap3A_177 = arith.constant 0 : index
        %swap3A_178 = vector.load %arg5[%swap3A_176, %swap3A_177] : memref<10000x128xf32, #tpu.memory_space<vmem>>, vector<1x128xf32>
        tpu.vector_store %arg5[%swap3A_176, %swap3A_177], %add3A_175 {strides = array<i32>} : memref<10000x128xf32, #tpu.memory_space<vmem>>, vector<1x128xf32>,
        %scan3A_179 = arith.constant 7 : i32
        %scan3A_180 = arith.addi %scan3A_15, %scan3A_179 : i32
        %get3A_181 = arith.index_cast %scan3A_180 : i32 to index
        %get3A_182 = memref.load %arg1[%get3A_181] : memref<4096xi32, #tpu.memory_space<smem>>
        %get3A_183 = arith.index_cast %scan3A_180 : i32 to index
        %get3A_184 = memref.load %arg2[%get3A_183] : memref<4096xf32, #tpu.memory_space<smem>>
        %get3A_185 = arith.index_cast %get3A_182 : i32 to index
        %get3A_186 = arith.constant 0 : index
        %get3A_187 = vector.load %arg4[%get3A_185, %get3A_186] : memref<10000x256xf32, #tpu.memory_space<vmem>>, vector<1x256xf32>
        %get3A_188 = arith.index_cast %scan3A_180 : i32 to index
        %get3A_189 = arith.constant 0 : index
        %get3A_190 = vector.load %arg3[%get3A_188, %get3A_189] : memref<4096x256xf32, #tpu.memory_space<vmem>>, vector<1x256xf32>
        %add3A_191 = arith.addf %get3A_187, %get3A_190 : vector<1x256xf32>
        %swap3A_192 = arith.index_cast %get3A_182 : i32 to index
        %swap3A_193 = arith.constant 0 : index
        %swap3A_194 = vector.load %arg4[%swap3A_192, %swap3A_193] : memref<10000x256xf32, #tpu.memory_space<vmem>>, vector<1x256xf32>
        tpu.vector_store %arg4[%swap3A_192, %swap3A_193], %add3A_191 {strides = array<i32>} : memref<10000x256xf32, #tpu.memory_space<vmem>>, vector<1x256xf32>,
        %get3A_195 = arith.index_cast %get3A_182 : i32 to index
        %get3A_196 = arith.constant 0 : index
        %get3A_197 = vector.load %arg5[%get3A_195, %get3A_196] : memref<10000x128xf32, #tpu.memory_space<vmem>>, vector<1x128xf32>
        %add3A_198 = vector.broadcast %get3A_184 : f32 to vector<1x128xf32>
        %add3A_199 = arith.addf %get3A_197, %add3A_198 : vector<1x128xf32>
        %swap3A_200 = arith.index_cast %get3A_182 : i32 to index
        %swap3A_201 = arith.constant 0 : index
        %swap3A_202 = vector.load %arg5[%swap3A_200, %swap3A_201] : memref<10000x128xf32, #tpu.memory_space<vmem>>, vector<1x128xf32>
        tpu.vector_store %arg5[%swap3A_200, %swap3A_201], %add3A_199 {strides = array<i32>} : memref<10000x128xf32, #tpu.memory_space<vmem>>, vector<1x128xf32>,
      }
      %scan3A_14 = arith.constant 4096 : i32
    } else {
    }
    %eq3A_6 = arith.constant 39 : i32
    %eq3A_7 = arith.cmpi eq, %arg0, %eq3A_6 : i32
    %convert_element_type3A_8 = arith.extui %eq3A_7 : i1 to i32
    %cond3A_9 = arith.constant 0 : i32
    %cond3A_10 = arith.cmpi ne, %convert_element_type3A_8, %cond3A_9 : i32
    scf.if %cond3A_10 {
      %scan3A = arith.constant 0 : i32
      %scan3A_11 = arith.constant 256 : i32
      %scan3A_12 = arith.addi %scan3A, %scan3A_11 : i32
      %scan3A_13 = arith.constant 8 : i32
      scf.for %scan3A_15 = %scan3A to %scan3A_12 step %scan3A_13  : i32 {
        %get3A = arith.index_cast %scan3A_15 : i32 to index
        %get3A_16 = memref.load %arg1[%get3A] : memref<4096xi32, #tpu.memory_space<smem>>
        %get3A_17 = arith.index_cast %scan3A_15 : i32 to index
        %get3A_18 = memref.load %arg2[%get3A_17] : memref<4096xf32, #tpu.memory_space<smem>>
        %get3A_19 = arith.index_cast %get3A_16 : i32 to index
        %get3A_20 = arith.constant 0 : index
        %get3A_21 = vector.load %arg4[%get3A_19, %get3A_20] : memref<10000x256xf32, #tpu.memory_space<vmem>>, vector<1x256xf32>
        %get3A_22 = arith.index_cast %scan3A_15 : i32 to index
        %get3A_23 = arith.constant 0 : index
        %get3A_24 = vector.load %arg3[%get3A_22, %get3A_23] : memref<4096x256xf32, #tpu.memory_space<vmem>>, vector<1x256xf32>
        %add3A = arith.addf %get3A_21, %get3A_24 : vector<1x256xf32>
        %swap3A = arith.index_cast %get3A_16 : i32 to index
        %swap3A_25 = arith.constant 0 : index
        %swap3A_26 = vector.load %arg4[%swap3A, %swap3A_25] : memref<10000x256xf32, #tpu.memory_space<vmem>>, vector<1x256xf32>
        tpu.vector_store %arg4[%swap3A, %swap3A_25], %add3A {strides = array<i32>} : memref<10000x256xf32, #tpu.memory_space<vmem>>, vector<1x256xf32>,
        %get3A_27 = arith.index_cast %get3A_16 : i32 to index
        %get3A_28 = arith.constant 0 : index
        %get3A_29 = vector.load %arg5[%get3A_27, %get3A_28] : memref<10000x128xf32, #tpu.memory_space<vmem>>, vector<1x128xf32>
        %add3A_30 = vector.broadcast %get3A_18 : f32 to vector<1x128xf32>
        %add3A_31 = arith.addf %get3A_29, %add3A_30 : vector<1x128xf32>
        %swap3A_32 = arith.index_cast %get3A_16 : i32 to index
        %swap3A_33 = arith.constant 0 : index
        %swap3A_34 = vector.load %arg5[%swap3A_32, %swap3A_33] : memref<10000x128xf32, #tpu.memory_space<vmem>>, vector<1x128xf32>
        tpu.vector_store %arg5[%swap3A_32, %swap3A_33], %add3A_31 {strides = array<i32>} : memref<10000x128xf32, #tpu.memory_space<vmem>>, vector<1x128xf32>,
        %scan3A_35 = arith.constant 1 : i32
        %scan3A_36 = arith.addi %scan3A_15, %scan3A_35 : i32
        %get3A_37 = arith.index_cast %scan3A_36 : i32 to index
        %get3A_38 = memref.load %arg1[%get3A_37] : memref<4096xi32, #tpu.memory_space<smem>>
        %get3A_39 = arith.index_cast %scan3A_36 : i32 to index
        %get3A_40 = memref.load %arg2[%get3A_39] : memref<4096xf32, #tpu.memory_space<smem>>
        %get3A_41 = arith.index_cast %get3A_38 : i32 to index
        %get3A_42 = arith.constant 0 : index
        %get3A_43 = vector.load %arg4[%get3A_41, %get3A_42] : memref<10000x256xf32, #tpu.memory_space<vmem>>, vector<1x256xf32>
        %get3A_44 = arith.index_cast %scan3A_36 : i32 to index
        %get3A_45 = arith.constant 0 : index
        %get3A_46 = vector.load %arg3[%get3A_44, %get3A_45] : memref<4096x256xf32, #tpu.memory_space<vmem>>, vector<1x256xf32>
        %add3A_47 = arith.addf %get3A_43, %get3A_46 : vector<1x256xf32>
        %swap3A_48 = arith.index_cast %get3A_38 : i32 to index
        %swap3A_49 = arith.constant 0 : index
        %swap3A_50 = vector.load %arg4[%swap3A_48, %swap3A_49] : memref<10000x256xf32, #tpu.memory_space<vmem>>, vector<1x256xf32>
        tpu.vector_store %arg4[%swap3A_48, %swap3A_49], %add3A_47 {strides = array<i32>} : memref<10000x256xf32, #tpu.memory_space<vmem>>, vector<1x256xf32>,
        %get3A_51 = arith.index_cast %get3A_38 : i32 to index
        %get3A_52 = arith.constant 0 : index
        %get3A_53 = vector.load %arg5[%get3A_51, %get3A_52] : memref<10000x128xf32, #tpu.memory_space<vmem>>, vector<1x128xf32>
        %add3A_54 = vector.broadcast %get3A_40 : f32 to vector<1x128xf32>
        %add3A_55 = arith.addf %get3A_53, %add3A_54 : vector<1x128xf32>
        %swap3A_56 = arith.index_cast %get3A_38 : i32 to index
        %swap3A_57 = arith.constant 0 : index
        %swap3A_58 = vector.load %arg5[%swap3A_56, %swap3A_57] : memref<10000x128xf32, #tpu.memory_space<vmem>>, vector<1x128xf32>
        tpu.vector_store %arg5[%swap3A_56, %swap3A_57], %add3A_55 {strides = array<i32>} : memref<10000x128xf32, #tpu.memory_space<vmem>>, vector<1x128xf32>,
        %scan3A_59 = arith.constant 2 : i32
        %scan3A_60 = arith.addi %scan3A_15, %scan3A_59 : i32
        %get3A_61 = arith.index_cast %scan3A_60 : i32 to index
        %get3A_62 = memref.load %arg1[%get3A_61] : memref<4096xi32, #tpu.memory_space<smem>>
        %get3A_63 = arith.index_cast %scan3A_60 : i32 to index
        %get3A_64 = memref.load %arg2[%get3A_63] : memref<4096xf32, #tpu.memory_space<smem>>
        %get3A_65 = arith.index_cast %get3A_62 : i32 to index
        %get3A_66 = arith.constant 0 : index
        %get3A_67 = vector.load %arg4[%get3A_65, %get3A_66] : memref<10000x256xf32, #tpu.memory_space<vmem>>, vector<1x256xf32>
        %get3A_68 = arith.index_cast %scan3A_60 : i32 to index
        %get3A_69 = arith.constant 0 : index
        %get3A_70 = vector.load %arg3[%get3A_68, %get3A_69] : memref<4096x256xf32, #tpu.memory_space<vmem>>, vector<1x256xf32>
        %add3A_71 = arith.addf %get3A_67, %get3A_70 : vector<1x256xf32>
        %swap3A_72 = arith.index_cast %get3A_62 : i32 to index
        %swap3A_73 = arith.constant 0 : index
        %swap3A_74 = vector.load %arg4[%swap3A_72, %swap3A_73] : memref<10000x256xf32, #tpu.memory_space<vmem>>, vector<1x256xf32>
        tpu.vector_store %arg4[%swap3A_72, %swap3A_73], %add3A_71 {strides = array<i32>} : memref<10000x256xf32, #tpu.memory_space<vmem>>, vector<1x256xf32>,
        %get3A_75 = arith.index_cast %get3A_62 : i32 to index
        %get3A_76 = arith.constant 0 : index
        %get3A_77 = vector.load %arg5[%get3A_75, %get3A_76] : memref<10000x128xf32, #tpu.memory_space<vmem>>, vector<1x128xf32>
        %add3A_78 = vector.broadcast %get3A_64 : f32 to vector<1x128xf32>
        %add3A_79 = arith.addf %get3A_77, %add3A_78 : vector<1x128xf32>
        %swap3A_80 = arith.index_cast %get3A_62 : i32 to index
        %swap3A_81 = arith.constant 0 : index
        %swap3A_82 = vector.load %arg5[%swap3A_80, %swap3A_81] : memref<10000x128xf32, #tpu.memory_space<vmem>>, vector<1x128xf32>
        tpu.vector_store %arg5[%swap3A_80, %swap3A_81], %add3A_79 {strides = array<i32>} : memref<10000x128xf32, #tpu.memory_space<vmem>>, vector<1x128xf32>,
        %scan3A_83 = arith.constant 3 : i32
        %scan3A_84 = arith.addi %scan3A_15, %scan3A_83 : i32
        %get3A_85 = arith.index_cast %scan3A_84 : i32 to index
        %get3A_86 = memref.load %arg1[%get3A_85] : memref<4096xi32, #tpu.memory_space<smem>>
        %get3A_87 = arith.index_cast %scan3A_84 : i32 to index
        %get3A_88 = memref.load %arg2[%get3A_87] : memref<4096xf32, #tpu.memory_space<smem>>
        %get3A_89 = arith.index_cast %get3A_86 : i32 to index
        %get3A_90 = arith.constant 0 : index
        %get3A_91 = vector.load %arg4[%get3A_89, %get3A_90] : memref<10000x256xf32, #tpu.memory_space<vmem>>, vector<1x256xf32>
        %get3A_92 = arith.index_cast %scan3A_84 : i32 to index
        %get3A_93 = arith.constant 0 : index
        %get3A_94 = vector.load %arg3[%get3A_92, %get3A_93] : memref<4096x256xf32, #tpu.memory_space<vmem>>, vector<1x256xf32>
        %add3A_95 = arith.addf %get3A_91, %get3A_94 : vector<1x256xf32>
        %swap3A_96 = arith.index_cast %get3A_86 : i32 to index
        %swap3A_97 = arith.constant 0 : index
        %swap3A_98 = vector.load %arg4[%swap3A_96, %swap3A_97] : memref<10000x256xf32, #tpu.memory_space<vmem>>, vector<1x256xf32>
        tpu.vector_store %arg4[%swap3A_96, %swap3A_97], %add3A_95 {strides = array<i32>} : memref<10000x256xf32, #tpu.memory_space<vmem>>, vector<1x256xf32>,
        %get3A_99 = arith.index_cast %get3A_86 : i32 to index
        %get3A_100 = arith.constant 0 : index
        %get3A_101 = vector.load %arg5[%get3A_99, %get3A_100] : memref<10000x128xf32, #tpu.memory_space<vmem>>, vector<1x128xf32>
        %add3A_102 = vector.broadcast %get3A_88 : f32 to vector<1x128xf32>
        %add3A_103 = arith.addf %get3A_101, %add3A_102 : vector<1x128xf32>
        %swap3A_104 = arith.index_cast %get3A_86 : i32 to index
        %swap3A_105 = arith.constant 0 : index
        %swap3A_106 = vector.load %arg5[%swap3A_104, %swap3A_105] : memref<10000x128xf32, #tpu.memory_space<vmem>>, vector<1x128xf32>
        tpu.vector_store %arg5[%swap3A_104, %swap3A_105], %add3A_103 {strides = array<i32>} : memref<10000x128xf32, #tpu.memory_space<vmem>>, vector<1x128xf32>,
        %scan3A_107 = arith.constant 4 : i32
        %scan3A_108 = arith.addi %scan3A_15, %scan3A_107 : i32
        %get3A_109 = arith.index_cast %scan3A_108 : i32 to index
        %get3A_110 = memref.load %arg1[%get3A_109] : memref<4096xi32, #tpu.memory_space<smem>>
        %get3A_111 = arith.index_cast %scan3A_108 : i32 to index
        %get3A_112 = memref.load %arg2[%get3A_111] : memref<4096xf32, #tpu.memory_space<smem>>
        %get3A_113 = arith.index_cast %get3A_110 : i32 to index
        %get3A_114 = arith.constant 0 : index
        %get3A_115 = vector.load %arg4[%get3A_113, %get3A_114] : memref<10000x256xf32, #tpu.memory_space<vmem>>, vector<1x256xf32>
        %get3A_116 = arith.index_cast %scan3A_108 : i32 to index
        %get3A_117 = arith.constant 0 : index
        %get3A_118 = vector.load %arg3[%get3A_116, %get3A_117] : memref<4096x256xf32, #tpu.memory_space<vmem>>, vector<1x256xf32>
        %add3A_119 = arith.addf %get3A_115, %get3A_118 : vector<1x256xf32>
        %swap3A_120 = arith.index_cast %get3A_110 : i32 to index
        %swap3A_121 = arith.constant 0 : index
        %swap3A_122 = vector.load %arg4[%swap3A_120, %swap3A_121] : memref<10000x256xf32, #tpu.memory_space<vmem>>, vector<1x256xf32>
        tpu.vector_store %arg4[%swap3A_120, %swap3A_121], %add3A_119 {strides = array<i32>} : memref<10000x256xf32, #tpu.memory_space<vmem>>, vector<1x256xf32>,
        %get3A_123 = arith.index_cast %get3A_110 : i32 to index
        %get3A_124 = arith.constant 0 : index
        %get3A_125 = vector.load %arg5[%get3A_123, %get3A_124] : memref<10000x128xf32, #tpu.memory_space<vmem>>, vector<1x128xf32>
        %add3A_126 = vector.broadcast %get3A_112 : f32 to vector<1x128xf32>
        %add3A_127 = arith.addf %get3A_125, %add3A_126 : vector<1x128xf32>
        %swap3A_128 = arith.index_cast %get3A_110 : i32 to index
        %swap3A_129 = arith.constant 0 : index
        %swap3A_130 = vector.load %arg5[%swap3A_128, %swap3A_129] : memref<10000x128xf32, #tpu.memory_space<vmem>>, vector<1x128xf32>
        tpu.vector_store %arg5[%swap3A_128, %swap3A_129], %add3A_127 {strides = array<i32>} : memref<10000x128xf32, #tpu.memory_space<vmem>>, vector<1x128xf32>,
        %scan3A_131 = arith.constant 5 : i32
        %scan3A_132 = arith.addi %scan3A_15, %scan3A_131 : i32
        %get3A_133 = arith.index_cast %scan3A_132 : i32 to index
        %get3A_134 = memref.load %arg1[%get3A_133] : memref<4096xi32, #tpu.memory_space<smem>>
        %get3A_135 = arith.index_cast %scan3A_132 : i32 to index
        %get3A_136 = memref.load %arg2[%get3A_135] : memref<4096xf32, #tpu.memory_space<smem>>
        %get3A_137 = arith.index_cast %get3A_134 : i32 to index
        %get3A_138 = arith.constant 0 : index
        %get3A_139 = vector.load %arg4[%get3A_137, %get3A_138] : memref<10000x256xf32, #tpu.memory_space<vmem>>, vector<1x256xf32>
        %get3A_140 = arith.index_cast %scan3A_132 : i32 to index
        %get3A_141 = arith.constant 0 : index
        %get3A_142 = vector.load %arg3[%get3A_140, %get3A_141] : memref<4096x256xf32, #tpu.memory_space<vmem>>, vector<1x256xf32>
        %add3A_143 = arith.addf %get3A_139, %get3A_142 : vector<1x256xf32>
        %swap3A_144 = arith.index_cast %get3A_134 : i32 to index
        %swap3A_145 = arith.constant 0 : index
        %swap3A_146 = vector.load %arg4[%swap3A_144, %swap3A_145] : memref<10000x256xf32, #tpu.memory_space<vmem>>, vector<1x256xf32>
        tpu.vector_store %arg4[%swap3A_144, %swap3A_145], %add3A_143 {strides = array<i32>} : memref<10000x256xf32, #tpu.memory_space<vmem>>, vector<1x256xf32>,
        %get3A_147 = arith.index_cast %get3A_134 : i32 to index
        %get3A_148 = arith.constant 0 : index
        %get3A_149 = vector.load %arg5[%get3A_147, %get3A_148] : memref<10000x128xf32, #tpu.memory_space<vmem>>, vector<1x128xf32>
        %add3A_150 = vector.broadcast %get3A_136 : f32 to vector<1x128xf32>
        %add3A_151 = arith.addf %get3A_149, %add3A_150 : vector<1x128xf32>
        %swap3A_152 = arith.index_cast %get3A_134 : i32 to index
        %swap3A_153 = arith.constant 0 : index
        %swap3A_154 = vector.load %arg5[%swap3A_152, %swap3A_153] : memref<10000x128xf32, #tpu.memory_space<vmem>>, vector<1x128xf32>
        tpu.vector_store %arg5[%swap3A_152, %swap3A_153], %add3A_151 {strides = array<i32>} : memref<10000x128xf32, #tpu.memory_space<vmem>>, vector<1x128xf32>,
        %scan3A_155 = arith.constant 6 : i32
        %scan3A_156 = arith.addi %scan3A_15, %scan3A_155 : i32
        %get3A_157 = arith.index_cast %scan3A_156 : i32 to index
        %get3A_158 = memref.load %arg1[%get3A_157] : memref<4096xi32, #tpu.memory_space<smem>>
        %get3A_159 = arith.index_cast %scan3A_156 : i32 to index
        %get3A_160 = memref.load %arg2[%get3A_159] : memref<4096xf32, #tpu.memory_space<smem>>
        %get3A_161 = arith.index_cast %get3A_158 : i32 to index
        %get3A_162 = arith.constant 0 : index
        %get3A_163 = vector.load %arg4[%get3A_161, %get3A_162] : memref<10000x256xf32, #tpu.memory_space<vmem>>, vector<1x256xf32>
        %get3A_164 = arith.index_cast %scan3A_156 : i32 to index
        %get3A_165 = arith.constant 0 : index
        %get3A_166 = vector.load %arg3[%get3A_164, %get3A_165] : memref<4096x256xf32, #tpu.memory_space<vmem>>, vector<1x256xf32>
        %add3A_167 = arith.addf %get3A_163, %get3A_166 : vector<1x256xf32>
        %swap3A_168 = arith.index_cast %get3A_158 : i32 to index
        %swap3A_169 = arith.constant 0 : index
        %swap3A_170 = vector.load %arg4[%swap3A_168, %swap3A_169] : memref<10000x256xf32, #tpu.memory_space<vmem>>, vector<1x256xf32>
        tpu.vector_store %arg4[%swap3A_168, %swap3A_169], %add3A_167 {strides = array<i32>} : memref<10000x256xf32, #tpu.memory_space<vmem>>, vector<1x256xf32>,
        %get3A_171 = arith.index_cast %get3A_158 : i32 to index
        %get3A_172 = arith.constant 0 : index
        %get3A_173 = vector.load %arg5[%get3A_171, %get3A_172] : memref<10000x128xf32, #tpu.memory_space<vmem>>, vector<1x128xf32>
        %add3A_174 = vector.broadcast %get3A_160 : f32 to vector<1x128xf32>
        %add3A_175 = arith.addf %get3A_173, %add3A_174 : vector<1x128xf32>
        %swap3A_176 = arith.index_cast %get3A_158 : i32 to index
        %swap3A_177 = arith.constant 0 : index
        %swap3A_178 = vector.load %arg5[%swap3A_176, %swap3A_177] : memref<10000x128xf32, #tpu.memory_space<vmem>>, vector<1x128xf32>
        tpu.vector_store %arg5[%swap3A_176, %swap3A_177], %add3A_175 {strides = array<i32>} : memref<10000x128xf32, #tpu.memory_space<vmem>>, vector<1x128xf32>,
        %scan3A_179 = arith.constant 7 : i32
        %scan3A_180 = arith.addi %scan3A_15, %scan3A_179 : i32
        %get3A_181 = arith.index_cast %scan3A_180 : i32 to index
        %get3A_182 = memref.load %arg1[%get3A_181] : memref<4096xi32, #tpu.memory_space<smem>>
        %get3A_183 = arith.index_cast %scan3A_180 : i32 to index
        %get3A_184 = memref.load %arg2[%get3A_183] : memref<4096xf32, #tpu.memory_space<smem>>
        %get3A_185 = arith.index_cast %get3A_182 : i32 to index
        %get3A_186 = arith.constant 0 : index
        %get3A_187 = vector.load %arg4[%get3A_185, %get3A_186] : memref<10000x256xf32, #tpu.memory_space<vmem>>, vector<1x256xf32>
        %get3A_188 = arith.index_cast %scan3A_180 : i32 to index
        %get3A_189 = arith.constant 0 : index
        %get3A_190 = vector.load %arg3[%get3A_188, %get3A_189] : memref<4096x256xf32, #tpu.memory_space<vmem>>, vector<1x256xf32>
        %add3A_191 = arith.addf %get3A_187, %get3A_190 : vector<1x256xf32>
        %swap3A_192 = arith.index_cast %get3A_182 : i32 to index
        %swap3A_193 = arith.constant 0 : index
        %swap3A_194 = vector.load %arg4[%swap3A_192, %swap3A_193] : memref<10000x256xf32, #tpu.memory_space<vmem>>, vector<1x256xf32>
        tpu.vector_store %arg4[%swap3A_192, %swap3A_193], %add3A_191 {strides = array<i32>} : memref<10000x256xf32, #tpu.memory_space<vmem>>, vector<1x256xf32>,
        %get3A_195 = arith.index_cast %get3A_182 : i32 to index
        %get3A_196 = arith.constant 0 : index
        %get3A_197 = vector.load %arg5[%get3A_195, %get3A_196] : memref<10000x128xf32, #tpu.memory_space<vmem>>, vector<1x128xf32>
        %add3A_198 = vector.broadcast %get3A_184 : f32 to vector<1x128xf32>
        %add3A_199 = arith.addf %get3A_197, %add3A_198 : vector<1x128xf32>
        %swap3A_200 = arith.index_cast %get3A_182 : i32 to index
        %swap3A_201 = arith.constant 0 : index
        %swap3A_202 = vector.load %arg5[%swap3A_200, %swap3A_201] : memref<10000x128xf32, #tpu.memory_space<vmem>>, vector<1x128xf32>
        tpu.vector_store %arg5[%swap3A_200, %swap3A_201], %add3A_199 {strides = array<i32>} : memref<10000x128xf32, #tpu.memory_space<vmem>>, vector<1x128xf32>,
      }
      %scan3A_14 = arith.constant 256 : i32
    } else {
    }
    return
  }
  func.func @transform_0(%arg0: i32) -> i32 {
    %c0_i32 = arith.constant 0 : i32
    return %arg0 : i32
  }
  func.func @transform_1(%arg0: i32) -> i32 {
    %c0_i32 = arith.constant 0 : i32
    return %arg0 : i32
  }
  func.func @transform_2(%arg0: i32) -> (i32, i32) {
    %c0_i32 = arith.constant 0 : i32
    %c0_i32_0 = arith.constant 0 : i32
    return %arg0, %c0_i32 : i32, i32
  }
  func.func @transform_3(%arg0: i32) -> (i32, i32) {
    %c0_i32 = arith.constant 0 : i32
    %c0_i32_0 = arith.constant 0 : i32
    %c0_i32_1 = arith.constant 0 : i32
    return %c0_i32, %c0_i32_0 : i32, i32
  }
  func.func @transform_4(%arg0: i32) -> (i32, i32) {
    %c0_i32 = arith.constant 0 : i32
    %c0_i32_0 = arith.constant 0 : i32
    %c0_i32_1 = arith.constant 0 : i32
    return %c0_i32, %c0_i32_0 : i32, i32
  }
}

module attributes {stable_mosaic.version = 14 : i64} {
  func.func @_mm2_body(%arg0: i32, %arg1: memref<512x256xf32, #tpu.memory_space<vmem>>, %arg2: memref<512x256xf32, #tpu.memory_space<vmem>>, %arg3: memref<512x256xf32, #tpu.memory_space<vmem>>, %arg4: memref<256x256xf32, #tpu.memory_space<vmem>>, %arg5: memref<256x256xf32, #tpu.memory_space<vmem>>, %arg6: memref<512x256xf32, #tpu.memory_space<vmem>>) attributes {dimension_semantics = [#tpu.dimension_semantics<arbitrary>], iteration_bounds = array<i64: 20>, scalar_prefetch = 0 : i64, scratch_operands = 0 : i64, tpu.core_type = #tpu.core_type<tc>, window_params = [{transform_indices = @transform_0, window_bounds = array<i64: 512, 256>}, {transform_indices = @transform_1, window_bounds = array<i64: 512, 256>}, {transform_indices = @transform_2, window_bounds = array<i64: 512, 256>}, {pipeline_mode = #tpu.pipeline_mode<synchronous>, transform_indices = @transform_3, window_bounds = array<i64: 256, 256>}, {pipeline_mode = #tpu.pipeline_mode<synchronous>, transform_indices = @transform_4, window_bounds = array<i64: 256, 256>}, {transform_indices = @transform_5, window_bounds = array<i64: 512, 256>}]} {
    %get3A = arith.constant 0 : index
    %get3A_0 = arith.constant 0 : index
    %get3A_1 = vector.load %arg1[%get3A, %get3A_0] : memref<512x256xf32, #tpu.memory_space<vmem>>, vector<512x256xf32>
    %get3A_2 = arith.constant 0 : index
    %get3A_3 = arith.constant 0 : index
    %get3A_4 = vector.load %arg2[%get3A_2, %get3A_3] : memref<512x256xf32, #tpu.memory_space<vmem>>, vector<512x256xf32>
    %max3A = arith.constant 1.000000e+00 : f32
    %max3A_5 = vector.broadcast %max3A : f32 to vector<512x256xf32>
    %max3A_6 = arith.maximumf %get3A_4, %max3A_5 : vector<512x256xf32>
    %div3A = arith.divf %get3A_1, %max3A_6 : vector<512x256xf32>
    %get3A_7 = arith.constant 0 : index
    %get3A_8 = arith.constant 0 : index
    %get3A_9 = vector.load %arg4[%get3A_7, %get3A_8] : memref<256x256xf32, #tpu.memory_space<vmem>>, vector<256x256xf32>
    %dot_general3A = arith.constant dense<0.000000e+00> : vector<512x256xf32>
    %dot_general3A_10 = tpu.matmul %div3A, %get3A_9, %dot_general3A {dimension_numbers = #tpu.dot_dimension_numbers<[1], [0], [0], [1], [0, 0, 1, 1], [], []>, transpose_lhs_hint = false} : vector<512x256xf32>, vector<256x256xf32>, vector<512x256xf32> -> vector<512x256xf32>
    %get3A_11 = arith.constant 0 : index
    %get3A_12 = arith.constant 0 : index
    %get3A_13 = vector.load %arg3[%get3A_11, %get3A_12] : memref<512x256xf32, #tpu.memory_space<vmem>>, vector<512x256xf32>
    %get3A_14 = arith.constant 0 : index
    %get3A_15 = arith.constant 0 : index
    %get3A_16 = vector.load %arg5[%get3A_14, %get3A_15] : memref<256x256xf32, #tpu.memory_space<vmem>>, vector<256x256xf32>
    %dot_general3A_17 = arith.constant dense<0.000000e+00> : vector<512x256xf32>
    %dot_general3A_18 = tpu.matmul %get3A_13, %get3A_16, %dot_general3A_17 {dimension_numbers = #tpu.dot_dimension_numbers<[1], [0], [0], [1], [0, 0, 1, 1], [], []>, transpose_lhs_hint = false} : vector<512x256xf32>, vector<256x256xf32>, vector<512x256xf32> -> vector<512x256xf32>
    %add3A = arith.addf %dot_general3A_10, %dot_general3A_18 : vector<512x256xf32>
    %gt3A = arith.constant 0.000000e+00 : f32
    %gt3A_19 = vector.broadcast %gt3A : f32 to vector<512x256xf32>
    %gt3A_20 = arith.cmpf ogt, %add3A, %gt3A_19 : vector<512x256xf32>
    %mul3A = arith.constant 3.000000e-01 : f32
    %mul3A_21 = vector.broadcast %mul3A : f32 to vector<512x256xf32>
    %mul3A_22 = arith.mulf %mul3A_21, %add3A : vector<512x256xf32>
    %select_n3A = arith.select %gt3A_20, %add3A, %mul3A_22 : vector<512x256xi1>, vector<512x256xf32>
    %swap3A = arith.constant 0 : index
    %swap3A_23 = arith.constant 0 : index
    %swap3A_24 = vector.load %arg6[%swap3A, %swap3A_23] : memref<512x256xf32, #tpu.memory_space<vmem>>, vector<512x256xf32>
    tpu.vector_store %arg6[%swap3A, %swap3A_23], %select_n3A {strides = array<i32>} : memref<512x256xf32, #tpu.memory_space<vmem>>, vector<512x256xf32>,
    return
  }
  func.func @transform_0(%arg0: i32) -> (i32, i32) {
    %c0_i32 = arith.constant 0 : i32
    %c0_i32_0 = arith.constant 0 : i32
    return %arg0, %c0_i32 : i32, i32
  }
  func.func @transform_1(%arg0: i32) -> (i32, i32) {
    %c0_i32 = arith.constant 0 : i32
    %c0_i32_0 = arith.constant 0 : i32
    return %arg0, %c0_i32 : i32, i32
  }
  func.func @transform_2(%arg0: i32) -> (i32, i32) {
    %c0_i32 = arith.constant 0 : i32
    %c0_i32_0 = arith.constant 0 : i32
    return %arg0, %c0_i32 : i32, i32
  }
  func.func @transform_3(%arg0: i32) -> (i32, i32) {
    %c0_i32 = arith.constant 0 : i32
    %c0_i32_0 = arith.constant 0 : i32
    %c0_i32_1 = arith.constant 0 : i32
    return %c0_i32, %c0_i32_0 : i32, i32
  }
  func.func @transform_4(%arg0: i32) -> (i32, i32) {
    %c0_i32 = arith.constant 0 : i32
    %c0_i32_0 = arith.constant 0 : i32
    %c0_i32_1 = arith.constant 0 : i32
    return %c0_i32, %c0_i32_0 : i32, i32
  }
  func.func @transform_5(%arg0: i32) -> (i32, i32) {
    %c0_i32 = arith.constant 0 : i32
    %c0_i32_0 = arith.constant 0 : i32
    return %arg0, %c0_i32 : i32, i32
  }
}

</mosaic_0001>

<sc_bundles>
// kernel: kernel.6.cloned.1.call-start
scs
__scs_entry_jumppad:
0x0: {  	(pc) =	sbr.rel $0x88, $3  }
0x1: {  	(tag) =	ssettag $0x0;
	lr =	simm.s32 $0x1  }
0x2: {  	[smem:$0x3F9B] =	sst lr;
	_ =	strace $0xD0000000  }
0x3: {  	_ = 	snop  }
0x4: {  	_ = 	snop  }
0x5: {  	_ = 	snop  }
0x6: {  	_ = 	snop  }
0x7: {  	_ = 	snop  }
__scs_overlays_trampoline_lowered:
0x8: {  	[smem:$0x3FAA] =	sst s0  }
0x9: {  	[smem:$0x3FAB] =	sst s1  }
0xa: {  	[smem:$0x3FAC] =	sst s2  }
0xb: {  	[smem:$0x3FAD] =	sst s3  }
0xc: {  	[smem:$0x3FAE] =	sst s4  }
0xd: {  	[smem:$0x3FAF] =	sst s5  }
0xe: {  	[smem:$0x3FB0] =	sst s6  }
0xf: {  	[smem:$0x3FB1] =	sst s7  }
0x10: {  	[smem:$0x3FB2] =	sst s8  }
0x11: {  	[smem:$0x3FB3] =	sst s9;
	s0 =	simm.s32 @!p0 $0x0  }
0x12: {  	s1 =	sld [smem:$0x3F99];
	s0 =	simm.s32 @p0 $0x1  }
0x13: {  	[smem:$0x3FB4] =	sst s0;
	s0 =	simm.s32 @!p1 $0x0  }
0x14: {  	s2 =	sld [smem:$0x3F98];
	s0 =	simm.s32 @p1 $0x1  }
0x15: {  	[smem:$0x3FB5] =	sst s0;
	s0 =	simm.s32 @!p2 $0x0  }
0x16: {  	s3 =	sld [smem:$0x3FDB];
	s0 =	simm.s32 @p2 $0x1  }
0x17: {  	s4 =	simm.s32 $0x1BF5;
	[smem:$0x3FB7] =	sst s0  }
0x18: {  	s0 =	sld [smem:$0x3F9A];
	_ =	swait.ge [sflag:s4], $0x0  }
0x19: {  	s7 =	sld [smem:$0x3F9B]  }
0x1a: {  	s8 =	sadd.s32 $0xFFFFE003, lr  }
0x1b: {  	s9 =	sadd.s32 $0xFFFFFEF7, lr;
	s5 =	simm.s32 $0xFFFFFFFF;
	p2 =	slt.u32 s8, $0xFFFFF086  }
0x1c: {  	p1 =	slt.u32 s9, $0xF7A;
	s5 =	simm.s32 @!p2 $0x0  }
0x1d: {  	s5 =	simm.s32 @p1 $0x1;
	p0 =	seq.s32 s7, s2  }
0x1e: {  	s7 =	smul.u32 @!p0 $0xF7A, s2;
	p2 =	seq.s32 @!p0 s5, $0x0  }
0x1f: {  	s9 =	smul.u32 $0xF7A, s1;
	s8 =	simm.s32 @!p0 $0x1BF5;
	p2 =	por !p2, p0  }
0x20: {  	[sflag:s8] =	ssyncset.s32 @!p0 $0xFFFFF086;
	s6 =	sadd.s32 @!p0 s3, s7;
	s7 =	simm.s32 @!p0 $0x108  }
0x21: {  	s3 =	sadd.s32 s3, s9;
	s6 =	sadd.s32 @!p0 $0x88, s6;
	s7 =	simm.s32 @p2 $0x1082  }
0x22: {  	[simem:s7], [sflag:s8] =	dma.local @!p0 [hbm:s6], $0xF7A  }
0x23: {  	s9 =	sor.u32 $0xD0000000, s2;
	s6 =	simm.s32 $0x108;
	_ =	swait.ge @!p0 [sflag:s8], $0x0  }
0x24: {  	s3 =	sadd.s32 $0x88, s3;
	s6 =	simm.s32 @!p1 $0x1082;
	[sflag:s4] =	ssyncset.s32 $0xFFFFF086  }
0x25: {  	[simem:s6], [sflag:s4] =	dma.local [hbm:s3], $0xF7A  }
0x26: {  	[smem:$0x3F9B] =	sst s1;
	(tag) =	ssettag s2;
	_ =	strace s9  }
0x27: {  	s1 =	sld [smem:$0x3FAB]  }
0x28: {  	s2 =	sld [smem:$0x3FAC]  }
0x29: {  	s4 =	sld [smem:$0x3FAE]  }
0x2a: {  	p0 =	seq.s32 s5, $0x0;
	s5 =	sld [smem:$0x3FAF]  }
0x2b: {  	s6 =	sld [smem:$0x3FB0]  }
0x2c: {  	s7 =	sld [smem:$0x3FB1]  }
0x2d: {  	s3 =	simm.s32 $0x108;
	s8 =	sld [smem:$0x3FB2]  }
0x2e: {  	s3 =	simm.s32 @!p0 $0x1082;
	s9 =	sld [smem:$0x3FB3]  }
0x2f: {  	lr =	sadd.s32 s0, s3;
	s0 =	sld [smem:$0x3FAA]  }
0x30: {  	s3 =	sld [smem:$0x3FAD]  }
0x31: {  	[smem:$0x3FB6] =	sst s10  }
0x32: {  	s10 =	sld [smem:$0x3FB4];
	_ =	sdelay $0x3  }
0x33: {  	p0 =	seq.s32 s10, $0x1;
	s10 =	sld [smem:$0x3FB6];
	_ =	sdelay $0x3  }
0x34: {  	[smem:$0x3FB6] =	sst s10  }
0x35: {  	s10 =	sld [smem:$0x3FB5];
	_ =	sdelay $0x3  }
0x36: {  	p1 =	seq.s32 s10, $0x1;
	s10 =	sld [smem:$0x3FB6];
	_ =	sdelay $0x3  }
0x37: {  	[smem:$0x3FB6] =	sst s10  }
0x38: {  	s10 =	sld [smem:$0x3FB7]  }
0x39: {  	_ = 	snop;
	(pc) =	sbr.ind lr, $3  }
0x3a: {  	_ = 	snop  }
0x3b: {  	_ = 	snop  }
0x3c: {  	p2 =	seq.s32 s10, $0x1;
	s10 =	sld [smem:$0x3FB6]  }
0x3d: {  	_ =	shalt  }
0x3e: {  	_ =	shalt  }
0x3f: {  	_ =	shalt  }
0x40: {  	_ =	shalt  }
0x41: {  	_ =	shalt  }
0x42: {  	_ =	shalt  }
0x43: {  	_ =	shalt  }
0x44: {  	_ =	shalt  }
0x45: {  	_ =	shalt  }
0x46: {  	_ =	shalt  }
0x47: {  	_ =	shalt  }
0x48: {  	_ =	shalt  }
0x49: {  	_ =	shalt  }
0x4a: {  	_ =	shalt  }
0x4b: {  	_ =	shalt  }
0x4c: {  	_ =	shalt  }
0x4d: {  	_ =	shalt  }
0x4e: {  	_ =	shalt  }
0x4f: {  	_ =	shalt  }
0x50: {  	_ =	shalt  }
0x51: {  	_ =	shalt  }
0x52: {  	_ =	shalt  }
0x53: {  	_ =	shalt  }
0x54: {  	_ =	shalt  }
0x55: {  	_ =	shalt  }
0x56: {  	_ =	shalt  }
0x57: {  	_ =	shalt  }
0x58: {  	_ =	shalt  }
0x59: {  	_ =	shalt  }
0x5a: {  	_ =	shalt  }
0x5b: {  	_ =	shalt  }
0x5c: {  	_ =	shalt  }
0x5d: {  	_ =	shalt  }
0x5e: {  	_ =	shalt  }
0x5f: {  	_ =	shalt  }
0x60: {  	_ =	shalt  }
0x61: {  	_ =	shalt  }
0x62: {  	_ =	shalt  }
0x63: {  	_ =	shalt  }
0x64: {  	_ =	shalt  }
0x65: {  	_ =	shalt  }
0x66: {  	_ =	shalt  }
0x67: {  	_ =	shalt  }
0x68: {  	_ =	shalt  }
0x69: {  	_ =	shalt  }
0x6a: {  	_ =	shalt  }
0x6b: {  	_ =	shalt  }
0x6c: {  	_ =	shalt  }
0x6d: {  	_ =	shalt  }
0x6e: {  	_ =	shalt  }
0x6f: {  	_ =	shalt  }
0x70: {  	_ =	shalt  }
0x71: {  	_ =	shalt  }
0x72: {  	_ =	shalt  }
0x73: {  	_ =	shalt  }
0x74: {  	_ =	shalt  }
0x75: {  	_ =	shalt  }
0x76: {  	_ =	shalt  }
0x77: {  	_ =	shalt  }
0x78: {  	_ =	shalt  }
0x79: {  	_ =	shalt  }
0x7a: {  	_ =	shalt  }
0x7b: {  	_ =	shalt  }
0x7c: {  	_ =	shalt  }
0x7d: {  	_ =	shalt  }
0x7e: {  	_ =	shalt  }
0x7f: {  	_ =	shalt  }
0x80: {  	_ =	shalt  }
0x81: {  	_ =	shalt  }
0x82: {  	_ =	shalt  }
0x83: {  	_ =	shalt  }
0x84: {  	_ =	shalt  }
0x85: {  	_ =	shalt  }
0x86: {  	_ =	shalt  }
0x87: {  	_ =	shalt  }
.Lfunc_end0:
.L_simem_size_0:
called_computation_lowered:
.L_overlay_start_0:
0x88: {  	s2 =	sld [smem:$0x3FD9]  }
0x89: {  	s3 =	sld [smem:$0x3FFE];
	_ =	sdelay $0x1  }
0x8a: {  	s1 =	srdreg.scid  }
0x8b: {  	s0 =	sand.u32 $0x1, s1  }
0x8c: {  	s17 =	sshll.u32 s0, $0xA;
	s2 =	sadd.s32 s3, s2  }
0x8d: {  	s2 =	sadd.s32 s2, s17  }
0x8e: {  	[smem:$0x3FC2] =	sst s2  }
0x8f: {  	_ = 	snop  }
0x90: {  	s2 =	sld [smem:$0x3FC6]  }
0x91: {  	s18 =	sld [smem:$0x3FD0];
	(tm) =	ssettm $0x1  }
0x92: {  	s4 =	sld [smem:$0x3FFB];
	_ =	sdelay $0x3  }
0x93: {  	_ =	strace s4  }
0x94: {  	s4 =	sld [smem:$0x3FFC];
	_ =	sdelay $0x3  }
0x95: {  	_ =	strace s4  }
0x96: {  	s4 =	sld [smem:$0x3FFD];
	_ =	sdelay $0x3  }
0x97: {  	_ =	strace s4  }
0x98: {  	_ =	strace $0x8FFFFFFF  }
0x99: {  	s19 =	sld [smem:$0x3FDB];
	_ =	sdelay $0x1  }
0x9a: {  	s5 =	simm.s32 $_scs_section_size  }
0x9b: {  	s6 =	simm.s32 $_size__tile_overlayer_lowered;
	s7 =	simm.s32 $_tile_overlayer_lowered  }
0x9c: {  	s22 =	simm.s32 $0x1BFF;
	s21 =	sshll.u32 s7, $0x1;
	s4 =	sadd.s32 s5, s19  }
0x9d: {  	s8 =	simm.s32 $0x0;
	s20 =	sshll.u32 s6, $0x1;
	s6 =	sadd.s32 s21, s4  }
0x9e: {  	[timem:s8], [sflag:s22] =	dma.local [hbm:s6], s20  }
0x9f: {  	_ =	swait.ge [sflag:s22], s20  }
0xa0: {  	s5 =	ssub.s32 $0x0, s20;
	[sflag:s22] =	ssyncset.done $0x0  }
0xa1: {  	[sflag:s22] =	ssyncadd.s32 s5;
	_ =	sdelay $0x1  }
0xa2: {  	s23 =	simm.s32 $0x1B8B  }
0xa3: {  	_ =	swait.ge [sflag:s23], $0x1  }
0xa4: {  	[sflag:s23] =	ssyncset.done $0x0  }
0xa5: {  	s25 =	simm.s32 $0x1B8E;
	s24 =	sld [smem:$0x3FFE];
	[sflag:s23] =	ssyncadd.s32 $0xFFFFFFFF  }
0xa6: {  	s26 =	simm.s32 $execute0_lowered;
	[smem:$0x3FD2] =	sst s25  }
0xa7: {  	s6 =	sshll.u32 s26, $0x1;
	_ =	strace $0x80000046;
	[dreg:$0x1] =	wrdreg $0xFFFFFFFF  }
0xa8: {  	s28 =	simm.s32 $_size_execute0_lowered;
	s4 =	sadd.s32 s4, s6;
	[dreg:$0x0] =	wrdreg $0x0  }
0xa9: {  	s6 =	sshll.u32 s28, $0x1;
	[dreg:$0x2] =	wrdreg s4  }
0xaa: {  	[dreg:$0x3] =	wrdreg s6  }
0xab: {  	[dreg:$0x4] =	wrdreg $0xC0  }
0xac: {  	_ =	task [dreg:s8], $0x5FFFF  }
0xad: {  	[dreg:$0x1] =	wrdreg $0xFFFFFFFF  }
0xae: {  	[dreg:$0x0] =	wrdreg $0x60  }
0xaf: {  	[dreg:$0x2] =	wrdreg s18  }
0xb0: {  	[dreg:$0x3] =	wrdreg s24  }
0xb1: {  	[dreg:$0x4] =	wrdreg s2  }
0xb2: {  	[dreg:$0x5] =	wrdreg $0x9  }
0xb3: {  	_ =	task.clear_ibuf [dreg:s8], $0x6FFFF;
	_ =	strace $0x90000046  }
0xb4: {  	s29 =	simm.s32 $0x9;
	_ =	strace $0x80000048  }
0xb5: {  	_ =	swait.ge [sflag:s29], $0x1  }
0xb6: {  	[sflag:s29] =	ssyncadd.s32 $0xFFFFFFFF  }
0xb7: {  	_ =	strace $0x90000048  }
0xb8: {  	_ =	sfence  }
0xb9: {  	s30 =	sld [smem:$0x0];
	_ =	sdelay $0x2  }
0xba: {  	s31 =	sshll.u32 s1, $0xD;
	s1 =	sshrl.u32 s1, $0x2  }
0xbb: {  	s3 =	sand.u32 $0x4000, s31;
	s1 =	sadd.s32 s1, s30  }
0xbc: {  	s0 =	sor.u32 s3, s0;
	s1 =	sshll.u32 s1, $0x11  }
0xbd: {  	s0 =	sor.u32 s1, s0  }
0xbe: {  	s0 =	sadd.s32 $0x8F2B, s0  }
0xbf: {  	[sflag:s0] =	ssyncadd.remote.s32 $0x1  }
0xc0: {  	_ =	sfence.sel $0xFFFF  }
0xc1: {  	[dreg:$0x0] =	wrdreg $0xFFFFFFFF;
	(pc) =	sbr.abs _section_cstart, $3  }
0xc2: {  	[dreg:$0x1] =	wrdreg $0xFFFFFFFF  }
0xc3: {  	_ =	task.clear_ibuf [dreg:s8], $0x2FFFF;
	_ =	strace $0x9FFFFFFF  }
0xc4: {  	(tm) =	ssettm $0x7FFFFFFF  }
0xc5: {  	_ =	shalt  }
tec
execute0_lowered:
.L_overlay_start_1:
0x0: {  	(tag) =	ssettag $0x1  }
0x1: {  	s1 =	rddreg [dreg:$0x0]  }
0x2: {  	s0 =	rddreg [dreg:$0x1]  }
0x3: {  	s2 =	srdreg.scid;
	s3 =	stileid.u32  }
0x4: {  	s6 =	rddreg [dreg:$0x2];
	s11 =	simm.s32 $0x3;
	s13 =	simm.s32 $0x2800  }
0x5: {  	s21 =	simm.s32 $0x6800;
	s22 =	simm.s32 $0x7000;
	s28 =	simm.s32 $0x9800  }
0x6: {  	s29 =	simm.s32 $0xA000;
	s2 =	sand.u32 $0x1, s2;
	s4 =	sshll.u32 s3, $0x1  }
0x7: {  	s30 =	simm.s32 $0x1;
	s31 =	simm.s32 $0x2;
	s7 =	sor.u32 s2, s4  }
0x8: {  	s12 =	simm.s32 $0x0;
	s3 =	simm.s32 $0x0;
	s8 =	smul.u32 $0x271, s7  }
0x9: {  	s5 =	sadd.s32 $0xA600, s0;
	s2 =	ssub.s32 $0x2, s2;
	s4 =	smul.u32 $0x138800, s7  }
0xa: {  	[smem:$0x7FF] =	sst s3;
	s23 =	sshrl.u32 s2, $0x1;
	s10 =	smul.u32 $0x27100, s7  }
0xb: {  	_ =	strace $0x80000047;
	s9 =	sadd.s32 s8, s0;
	s0 =	ssub.s32 s2, s23  }
0xc: {  	s24 =	sshrl.u32 s4, $0x3;
	s6 =	sadd.s32 s6, s8;
	s26 =	sadd.s32 s5, s10  }
0xd: {  	s23 =	simm.s32 $0x7800;
	s25 =	sadd.s32 $0x600, s9;
	[dreg:$0x5] =	wrdreg s6  }
0xe: {  	v0 =	vimm.s32 $0x0;
	v4 =	vlaneseq.u32;
	s2 =	sadd.s32 s5, s24;
	s9 =	smax.u32 s0, $0x1;
	s10 =	sadd.s32 $0x800, s26  }
0xf: {  	v1 =	vimm.f32 $0.0e+00;
	vm0 =	vmmov $0xffff;
	v3 =	vshrl.u32 v4, $0x3;
	s24 =	simm.s32 $0x8000;
	s26 =	simm.s32 $0x9000;
	[dreg:$0x4] =	wrdreg s25  }
0x10: {  	v2 =	vand.u32 $0x7, v4;
	v4 =	vor.u32 $0x8, v4;
	v3 =	vmul.u32 $0x8, v3;
	s8 =	sadd.s32 $0x27000, s2;
	s25 =	simm.s32 $0x8800;
	s2 =	simm.s32 $0xA800  }
.LBB2_1:
0x11: {  	[tilespmem:$0x1380] =	vst v0  }
0x12: {  	[tilespmem:$0x2780] =	vst v1;
	s0 =	rddreg [dreg:$0x4]  }
0x13: {  	[tilespmem:s3], [sflag:$0x3] =	stream.linear.gather [hbm4b:s0+s3], $0x1388, $0x38;
	[tilespmem:$0xD800] =	vst v63  }
0x14: {  	_ =	swait.ge [sflag:s11], $0x1388  }
0x15: {  	[sflag:s11] =	ssyncset.done $0x0  }
0x16: {  	s6 =	simm.s32 $0x1400;
	s7 =	rddreg [dreg:$0x5];
	[sflag:s11] =	ssyncadd.s32 $0xFFFFEC78  }
0x17: {  	[tilespmem:s6], [sflag:$0x3] =	stream.linear.gather [hbm4b:s7+s3], $0x1388, $0x38;
	[tilespmem:$0xD800] =	vst v63  }
0x18: {  	_ =	swait.ge [sflag:s11], $0x1388  }
0x19: {  	[sflag:s11] =	ssyncset.done $0x0  }
0x1a: {  	[sflag:s11] =	ssyncadd.s32 $0xFFFFEC78  }
0x1b: {  	v5 =	vld [tilespmem:$0x0];
	_ =	sdelay $0x4  }
0x1c: {  	v6 =	vshll.u32 v5, $0x1  }
0x1d: {  	v5 =	vand.u32 $0x7, v5;
	v6 =	vand.u32 $0xFFFFFFF0, v6  }
0x1e: {  	v5 =	vor.u32 v5, v6  }
0x1f: {  	v6 =	vperm.xlane v5, v2;
	_ =	sdelay $0x1  }
0x20: {  	v5 =	vperm.xlane v5, v4;
	v6 =	vadd.s32 v3, v6;
	_ =	sdelay $0x1  }
0x21: {  	v5 =	vadd.s32 v3, v5;
	_ =	sdelay $0x2  }
0x22: {  	[tilespmem:s13], [sflag:$0x1] =	stream.indirect_vreg.gather [hbm4b:s1+s3], $0x80, v6, vm0, $0xb8;
	[tilespmem:$0xD800] =	vst v63  }
0x23: {  	s14 =	simm.s32 $0x3000  }
0x24: {  	[tilespmem:s14], [sflag:$0x1] =	stream.indirect_vreg.gather [hbm4b:s1+s3], $0x80, v5, vm0, $0xb8;
	[tilespmem:$0xD800] =	vst v63  }
0x25: {  	v5 =	vld [tilespmem:$0x10];
	_ =	sdelay $0x4  }
0x26: {  	v6 =	vshll.u32 v5, $0x1  }
0x27: {  	v5 =	vand.u32 $0x7, v5;
	v6 =	vand.u32 $0xFFFFFFF0, v6  }
0x28: {  	v5 =	vor.u32 v5, v6  }
0x29: {  	v6 =	vperm.xlane v5, v2;
	_ =	sdelay $0x1  }
0x2a: {  	v5 =	vperm.xlane v5, v4;
	v6 =	vadd.s32 v3, v6;
	_ =	sdelay $0x1  }
0x2b: {  	v5 =	vadd.s32 v3, v5;
	_ =	sdelay $0x1  }
0x2c: {  	s15 =	simm.s32 $0x3800  }
0x2d: {  	[tilespmem:s15], [sflag:$0x1] =	stream.indirect_vreg.gather [hbm4b:s1+s3], $0x80, v6, vm0, $0xb8;
	[tilespmem:$0xD800] =	vst v63  }
0x2e: {  	s16 =	simm.s32 $0x4000  }
0x2f: {  	[tilespmem:s16], [sflag:$0x1] =	stream.indirect_vreg.gather [hbm4b:s1+s3], $0x80, v5, vm0, $0xb8;
	[tilespmem:$0xD800] =	vst v63  }
0x30: {  	v5 =	vld [tilespmem:$0x20];
	_ =	sdelay $0x4  }
0x31: {  	v6 =	vshll.u32 v5, $0x1  }
0x32: {  	v5 =	vand.u32 $0x7, v5;
	v6 =	vand.u32 $0xFFFFFFF0, v6  }
0x33: {  	v5 =	vor.u32 v5, v6  }
0x34: {  	v6 =	vperm.xlane v5, v2;
	_ =	sdelay $0x1  }
0x35: {  	v5 =	vperm.xlane v5, v4;
	v6 =	vadd.s32 v3, v6;
	_ =	sdelay $0x1  }
0x36: {  	v5 =	vadd.s32 v3, v5;
	_ =	sdelay $0x1  }
0x37: {  	s17 =	simm.s32 $0x4800  }
0x38: {  	[tilespmem:s17], [sflag:$0x1] =	stream.indirect_vreg.gather [hbm4b:s1+s3], $0x80, v6, vm0, $0xb8;
	[tilespmem:$0xD800] =	vst v63  }
0x39: {  	s18 =	simm.s32 $0x5000  }
0x3a: {  	[tilespmem:s18], [sflag:$0x1] =	stream.indirect_vreg.gather [hbm4b:s1+s3], $0x80, v5, vm0, $0xb8;
	[tilespmem:$0xD800] =	vst v63  }
0x3b: {  	v5 =	vld [tilespmem:$0x30];
	_ =	sdelay $0x4  }
0x3c: {  	v6 =	vshll.u32 v5, $0x1  }
0x3d: {  	v5 =	vand.u32 $0x7, v5;
	v6 =	vand.u32 $0xFFFFFFF0, v6  }
0x3e: {  	v5 =	vor.u32 v5, v6  }
0x3f: {  	v6 =	vperm.xlane v5, v2;
	_ =	sdelay $0x1  }
0x40: {  	v5 =	vperm.xlane v5, v4;
	v6 =	vadd.s32 v3, v6;
	_ =	sdelay $0x1  }
0x41: {  	v5 =	vadd.s32 v3, v5;
	_ =	sdelay $0x1  }
0x42: {  	s19 =	simm.s32 $0x5800  }
0x43: {  	[tilespmem:s19], [sflag:$0x1] =	stream.indirect_vreg.gather [hbm4b:s1+s3], $0x80, v6, vm0, $0xb8;
	[tilespmem:$0xD800] =	vst v63  }
0x44: {  	s20 =	simm.s32 $0x6000  }
0x45: {  	[tilespmem:s20], [sflag:$0x1] =	stream.indirect_vreg.gather [hbm4b:s1+s3], $0x80, v5, vm0, $0xb8;
	[tilespmem:$0xD800] =	vst v63  }
0x46: {  	v5 =	vld [tilespmem:$0x40];
	_ =	sdelay $0x4  }
0x47: {  	v6 =	vshll.u32 v5, $0x1  }
0x48: {  	v5 =	vand.u32 $0x7, v5;
	v6 =	vand.u32 $0xFFFFFFF0, v6  }
0x49: {  	v5 =	vor.u32 v5, v6  }
0x4a: {  	v6 =	vperm.xlane v5, v2;
	_ =	sdelay $0x1  }
0x4b: {  	v5 =	vperm.xlane v5, v4;
	v6 =	vadd.s32 v3, v6;
	_ =	sdelay $0x1  }
0x4c: {  	v5 =	vadd.s32 v3, v5;
	_ =	sdelay $0x2  }
0x4d: {  	[tilespmem:s21], [sflag:$0x2] =	stream.indirect_vreg.gather [hbm4b:s1+s3], $0x80, v6, vm0, $0xb8;
	[tilespmem:$0xD800] =	vst v63  }
0x4e: {  	_ = 	snop  }
0x4f: {  	[tilespmem:s22], [sflag:$0x2] =	stream.indirect_vreg.gather [hbm4b:s1+s3], $0x80, v5, vm0, $0xb8;
	[tilespmem:$0xD800] =	vst v63  }
0x50: {  	v5 =	vld [tilespmem:$0x50];
	_ =	sdelay $0x4  }
0x51: {  	v6 =	vshll.u32 v5, $0x1  }
0x52: {  	v5 =	vand.u32 $0x7, v5;
	v6 =	vand.u32 $0xFFFFFFF0, v6  }
0x53: {  	v5 =	vor.u32 v5, v6  }
0x54: {  	v6 =	vperm.xlane v5, v2;
	_ =	sdelay $0x1  }
0x55: {  	v5 =	vperm.xlane v5, v4;
	v6 =	vadd.s32 v3, v6;
	_ =	sdelay $0x1  }
0x56: {  	v5 =	vadd.s32 v3, v5;
	_ =	sdelay $0x2  }
0x57: {  	[tilespmem:s23], [sflag:$0x2] =	stream.indirect_vreg.gather [hbm4b:s1+s3], $0x80, v6, vm0, $0xb8;
	[tilespmem:$0xD800] =	vst v63  }
0x58: {  	_ = 	snop  }
0x59: {  	[tilespmem:s24], [sflag:$0x2] =	stream.indirect_vreg.gather [hbm4b:s1+s3], $0x80, v5, vm0, $0xb8;
	[tilespmem:$0xD800] =	vst v63  }
0x5a: {  	v5 =	vld [tilespmem:$0x60];
	_ =	sdelay $0x4  }
0x5b: {  	v6 =	vshll.u32 v5, $0x1  }
0x5c: {  	v5 =	vand.u32 $0x7, v5;
	v6 =	vand.u32 $0xFFFFFFF0, v6  }
0x5d: {  	v5 =	vor.u32 v5, v6  }
0x5e: {  	v6 =	vperm.xlane v5, v2;
	_ =	sdelay $0x1  }
0x5f: {  	v5 =	vperm.xlane v5, v4;
	v6 =	vadd.s32 v3, v6;
	_ =	sdelay $0x1  }
0x60: {  	v5 =	vadd.s32 v3, v5;
	_ =	sdelay $0x2  }
0x61: {  	[tilespmem:s25], [sflag:$0x2] =	stream.indirect_vreg.gather [hbm4b:s1+s3], $0x80, v6, vm0, $0xb8;
	[tilespmem:$0xD800] =	vst v63  }
0x62: {  	_ = 	snop  }
0x63: {  	[tilespmem:s26], [sflag:$0x2] =	stream.indirect_vreg.gather [hbm4b:s1+s3], $0x80, v5, vm0, $0xb8;
	[tilespmem:$0xD800] =	vst v63  }
0x64: {  	v5 =	vld [tilespmem:$0x70];
	_ =	sdelay $0x4  }
0x65: {  	v6 =	vshll.u32 v5, $0x1  }
0x66: {  	v5 =	vand.u32 $0x7, v5;
	v6 =	vand.u32 $0xFFFFFFF0, v6  }
0x67: {  	v5 =	vor.u32 v5, v6  }
0x68: {  	v6 =	vperm.xlane v5, v2;
	_ =	sdelay $0x1  }
0x69: {  	v5 =	vperm.xlane v5, v4;
	v6 =	vadd.s32 v3, v6;
	_ =	sdelay $0x1  }
0x6a: {  	v5 =	vadd.s32 v3, v5;
	_ =	sdelay $0x2  }
0x6b: {  	[tilespmem:s28], [sflag:$0x2] =	stream.indirect_vreg.gather [hbm4b:s1+s3], $0x80, v6, vm0, $0xb8;
	[tilespmem:$0xD800] =	vst v63  }
0x6c: {  	s14 =	simm.s32 $0x0  }
0x6d: {  	[tilespmem:s29], [sflag:$0x2] =	stream.indirect_vreg.gather [hbm4b:s1+s3], $0x80, v5, vm0, $0xb8;
	[tilespmem:$0xD800] =	vst v63  }
.LBB2_2:
0x6e: {  	_ =	swait.ge [sflag:s30], $0x4000  }
0x6f: {  	s16 =	sshll.u32 s14, $0x9;
	[sflag:s30] =	ssyncset.done $0x0  }
0x70: {  	s15 =	sshrl.u32 s16, $0x2;
	[sflag:s30] =	ssyncadd.s32 $0xFFFFC000  }
0x71: {  	v5 =	vld [tilespmem:s15+$0x1400];
	_ =	sdelay $0x4  }
0x72: {  	v5 =	vadd.f32 $0.0e+00, v5;
	_ =	sdelay $0x1  }
0x73: {  	v6 =	vbroadcast v5, $0x0  }
0x74: {  	v7 =	vbroadcast v5, $0x1  }
0x75: {  	[tilespmem:$0xB800] =	vst v6;
	v6 =	vbroadcast v5, $0x2  }
0x76: {  	[tilespmem:$0xB880] =	vst v7;
	v7 =	vbroadcast v5, $0x3  }
0x77: {  	[tilespmem:$0xB900] =	vst v6;
	v6 =	vbroadcast v5, $0x4  }
0x78: {  	[tilespmem:$0xB980] =	vst v7;
	v7 =	vbroadcast v5, $0x5  }
0x79: {  	[tilespmem:$0xBA00] =	vst v6;
	v6 =	vbroadcast v5, $0x6  }
0x7a: {  	[tilespmem:$0xBA80] =	vst v7;
	v7 =	vbroadcast v5, $0x7  }
0x7b: {  	[tilespmem:$0xBB00] =	vst v6;
	v6 =	vbroadcast v5, $0x8  }
0x7c: {  	[tilespmem:$0xBB80] =	vst v7;
	v7 =	vbroadcast v5, $0x9  }
0x7d: {  	[tilespmem:$0xBC00] =	vst v6;
	v6 =	vbroadcast v5, $0xA  }
0x7e: {  	[tilespmem:$0xBC80] =	vst v7;
	v7 =	vbroadcast v5, $0xB  }
0x7f: {  	[tilespmem:$0xBD00] =	vst v6;
	v6 =	vbroadcast v5, $0xC  }
0x80: {  	[tilespmem:$0xBD80] =	vst v7;
	v7 =	vbroadcast v5, $0xD  }
0x81: {  	[tilespmem:$0xBE00] =	vst v6;
	v6 =	vbroadcast v5, $0xE  }
0x82: {  	[tilespmem:$0xBE80] =	vst v7;
	v5 =	vbroadcast v5, $0xF  }
0x83: {  	[tilespmem:$0xBF00] =	vst v6  }
0x84: {  	[tilespmem:$0xBF80] =	vst v5  }
0x85: {  	v5 =	vld [tilespmem:s15+$0x1410];
	_ =	sdelay $0x4  }
0x86: {  	v5 =	vadd.f32 $0.0e+00, v5;
	_ =	sdelay $0x1  }
0x87: {  	v6 =	vbroadcast v5, $0x0  }
0x88: {  	v7 =	vbroadcast v5, $0x1  }
0x89: {  	[tilespmem:$0xC000] =	vst v6;
	v6 =	vbroadcast v5, $0x2  }
0x8a: {  	[tilespmem:$0xC080] =	vst v7;
	v7 =	vbroadcast v5, $0x3  }
0x8b: {  	[tilespmem:$0xC100] =	vst v6;
	v6 =	vbroadcast v5, $0x4  }
0x8c: {  	[tilespmem:$0xC180] =	vst v7;
	v7 =	vbroadcast v5, $0x5  }
0x8d: {  	[tilespmem:$0xC200] =	vst v6;
	v6 =	vbroadcast v5, $0x6  }
0x8e: {  	[tilespmem:$0xC280] =	vst v7;
	v7 =	vbroadcast v5, $0x7  }
0x8f: {  	[tilespmem:$0xC300] =	vst v6;
	v6 =	vbroadcast v5, $0x8  }
0x90: {  	[tilespmem:$0xC380] =	vst v7;
	v7 =	vbroadcast v5, $0x9  }
0x91: {  	[tilespmem:$0xC400] =	vst v6;
	v6 =	vbroadcast v5, $0xA  }
0x92: {  	[tilespmem:$0xC480] =	vst v7;
	v7 =	vbroadcast v5, $0xB  }
0x93: {  	[tilespmem:$0xC500] =	vst v6;
	v6 =	vbroadcast v5, $0xC  }
0x94: {  	[tilespmem:$0xC580] =	vst v7;
	v7 =	vbroadcast v5, $0xD  }
0x95: {  	[tilespmem:$0xC600] =	vst v6;
	v6 =	vbroadcast v5, $0xE  }
0x96: {  	[tilespmem:$0xC680] =	vst v7;
	v5 =	vbroadcast v5, $0xF  }
0x97: {  	[tilespmem:$0xC700] =	vst v6  }
0x98: {  	[tilespmem:$0xC780] =	vst v5  }
0x99: {  	v5 =	vld [tilespmem:s15+$0x1420];
	_ =	sdelay $0x4  }
0x9a: {  	v5 =	vadd.f32 $0.0e+00, v5;
	_ =	sdelay $0x1  }
0x9b: {  	v6 =	vbroadcast v5, $0x0  }
0x9c: {  	v7 =	vbroadcast v5, $0x1  }
0x9d: {  	[tilespmem:$0xC800] =	vst v6;
	v6 =	vbroadcast v5, $0x2  }
0x9e: {  	[tilespmem:$0xC880] =	vst v7;
	v7 =	vbroadcast v5, $0x3  }
0x9f: {  	[tilespmem:$0xC900] =	vst v6;
	v6 =	vbroadcast v5, $0x4  }
0xa0: {  	[tilespmem:$0xC980] =	vst v7;
	v7 =	vbroadcast v5, $0x5  }
0xa1: {  	[tilespmem:$0xCA00] =	vst v6;
	v6 =	vbroadcast v5, $0x6  }
0xa2: {  	[tilespmem:$0xCA80] =	vst v7;
	v7 =	vbroadcast v5, $0x7  }
0xa3: {  	[tilespmem:$0xCB00] =	vst v6;
	v6 =	vbroadcast v5, $0x8  }
0xa4: {  	[tilespmem:$0xCB80] =	vst v7;
	v7 =	vbroadcast v5, $0x9  }
0xa5: {  	[tilespmem:$0xCC00] =	vst v6;
	v6 =	vbroadcast v5, $0xA  }
0xa6: {  	[tilespmem:$0xCC80] =	vst v7;
	v7 =	vbroadcast v5, $0xB  }
0xa7: {  	[tilespmem:$0xCD00] =	vst v6;
	v6 =	vbroadcast v5, $0xC  }
0xa8: {  	[tilespmem:$0xCD80] =	vst v7;
	v7 =	vbroadcast v5, $0xD  }
0xa9: {  	[tilespmem:$0xCE00] =	vst v6;
	v6 =	vbroadcast v5, $0xE  }
0xaa: {  	[tilespmem:$0xCE80] =	vst v7;
	v5 =	vbroadcast v5, $0xF  }
0xab: {  	[tilespmem:$0xCF00] =	vst v6  }
0xac: {  	[tilespmem:$0xCF80] =	vst v5  }
0xad: {  	v5 =	vld [tilespmem:s15+$0x1430];
	_ =	sdelay $0x4  }
0xae: {  	v5 =	vadd.f32 $0.0e+00, v5;
	_ =	sdelay $0x1  }
0xaf: {  	v6 =	vbroadcast v5, $0x0  }
0xb0: {  	v7 =	vbroadcast v5, $0x1  }
0xb1: {  	[tilespmem:$0xD000] =	vst v6;
	v6 =	vbroadcast v5, $0x2  }
0xb2: {  	[tilespmem:$0xD080] =	vst v7;
	v7 =	vbroadcast v5, $0x3  }
0xb3: {  	[tilespmem:$0xD100] =	vst v6;
	v6 =	vbroadcast v5, $0x4  }
0xb4: {  	[tilespmem:$0xD180] =	vst v7;
	v7 =	vbroadcast v5, $0x5  }
0xb5: {  	[tilespmem:$0xD200] =	vst v6;
	v6 =	vbroadcast v5, $0x6  }
0xb6: {  	[tilespmem:$0xD280] =	vst v7;
	v7 =	vbroadcast v5, $0x7  }
0xb7: {  	[tilespmem:$0xD300] =	vst v6;
	v6 =	vbroadcast v5, $0x8  }
0xb8: {  	[tilespmem:$0xD380] =	vst v7;
	v7 =	vbroadcast v5, $0x9  }
0xb9: {  	[tilespmem:$0xD400] =	vst v6;
	v6 =	vbroadcast v5, $0xA  }
0xba: {  	[tilespmem:$0xD480] =	vst v7;
	v7 =	vbroadcast v5, $0xB  }
0xbb: {  	[tilespmem:$0xD500] =	vst v6;
	v6 =	vbroadcast v5, $0xC  }
0xbc: {  	[tilespmem:$0xD580] =	vst v7;
	v7 =	vbroadcast v5, $0xD  }
0xbd: {  	[tilespmem:$0xD600] =	vst v6;
	v6 =	vbroadcast v5, $0xE  }
0xbe: {  	s0 =	simm.s32 $0x0;
	[tilespmem:$0xD680] =	vst v7;
	v5 =	vbroadcast v5, $0xF  }
0xbf: {  	s6 =	sand.u32 $0x3800, s0;
	s0 =	sand.u32 $0x380, s0;
	[tilespmem:$0xD700] =	vst v6  }
0xc0: {  	s17 =	sor.u32 s0, s6;
	[tilespmem:$0xD780] =	vst v5  }
0xc1: {  	s18 =	simm.s32 $0xB800;
	v7 =	vld [tilespmem:s17+$0x2C30]  }
0xc2: {  	v12 =	vld [tilespmem:s18+$0x0]  }
0xc3: {  	v9 =	vld [tilespmem:s17+$0x2C50]  }
0xc4: {  	v5 =	vld [tilespmem:s17+$0x2C40]  }
0xc5: {  	v10 =	vld [tilespmem:s17+$0x2C00]  }
0xc6: {  	v11 =	vld [tilespmem:s17+$0x2850]  }
0xc7: {  	v6 =	vld [tilespmem:s17+$0x2C10];
	v7 =	vmul.f32 v7, v12  }
0xc8: {  	v8 =	vld [tilespmem:s17+$0x2840];
	v9 =	vmul.f32 v9, v12  }
0xc9: {  	v13 =	vld [tilespmem:s17+$0x2C70];
	v5 =	vmul.f32 v5, v12;
	[tilespmem:s17+$0x2C30] =	vst v7  }
0xca: {  	v15 =	vld [tilespmem:s17+$0x2830];
	v10 =	vmul.f32 v10, v12;
	[tilespmem:s17+$0x2C50] =	vst v9  }
0xcb: {  	v16 =	vld [tilespmem:s17+$0x2820];
	v11 =	vmul.f32 v11, v12;
	[tilespmem:s17+$0x2C40] =	vst v5  }
0xcc: {  	v14 =	vld [tilespmem:s17+$0x2C20];
	v6 =	vmul.f32 v6, v12;
	[tilespmem:s17+$0x2C00] =	vst v10  }
0xcd: {  	s19 =	simm.s32 $0x100;
	s18 =	simm.s32 $0x80;
	v8 =	vmul.f32 v8, v12;
	v9 =	vld [tilespmem:s17+$0x2860];
	[tilespmem:s17+$0x2850] =	vst v11  }
0xce: {  	s0 =	sand.u32 $0x3800, s19;
	s20 =	sand.u32 $0x380, s18;
	v13 =	vmul.f32 v13, v12;
	v7 =	vld [tilespmem:s17+$0x2C60];
	[tilespmem:s17+$0x2C10] =	vst v6  }
0xcf: {  	s19 =	sor.u32 s20, s0;
	v5 =	vld [tilespmem:s17+$0x2870];
	v11 =	vmul.f32 v15, v12;
	[tilespmem:s17+$0x2840] =	vst v8  }
0xd0: {  	v6 =	vmul.f32 v16, v12;
	v8 =	vld [tilespmem:s19+$0x2C40];
	[tilespmem:s17+$0x2C70] =	vst v13  }
0xd1: {  	v10 =	vld [tilespmem:s17+$0x2810];
	[tilespmem:s17+$0x2830] =	vst v11;
	v11 =	vmul.f32 v14, v12  }
0xd2: {  	v15 =	vld [tilespmem:s17+$0x2800];
	[tilespmem:s17+$0x2820] =	vst v6;
	v9 =	vmul.f32 v9, v12  }
0xd3: {  	v6 =	vld [tilespmem:s19+$0x2C10];
	[tilespmem:s17+$0x2C20] =	vst v11;
	v7 =	vmul.f32 v7, v12  }
0xd4: {  	v5 =	vmul.f32 v5, v12;
	v11 =	vld [tilespmem:s19+$0x2C00];
	[tilespmem:s17+$0x2860] =	vst v9  }
0xd5: {  	[tilespmem:s17+$0x2C60] =	vst v7;
	v9 =	vld [tilespmem:s19+$0x2840]  }
0xd6: {  	v14 =	vmul.f32 v10, v12;
	[tilespmem:s17+$0x2870] =	vst v5;
	v7 =	vld [tilespmem:s19+$0x2C70]  }
0xd7: {  	v12 =	vmul.f32 v15, v12;
	v5 =	vld [tilespmem:s19+$0x2870]  }
0xd8: {  	s6 =	simm.s32 $0xB880;
	s20 =	simm.s32 $0xB880;
	s0 =	simm.s32 $0x200;
	[tilespmem:s17+$0x2810] =	vst v14;
	v10 =	vld [tilespmem:s19+$0x2850]  }
.LBB2_3:
0xd9: {  	p0 =	sne.s32 s0, $0x3F00;
	v13 =	vld [tilespmem:s19+$0x2C30];
	s18 =	sadd.s32 $0x80, s18;
	s20 =	sadd.s32 $0x80, s20;
	[tilespmem:s17+$0x2800] =	vst v12  }
0xda: {  	s7 =	smov.u32 s0;
	s0 =	sadd.s32 $0x100, s0;
	v14 =	vld [tilespmem:s6+$0x0];
	s6 =	smov.u32 s20  }
0xdb: {  	s17 =	smov.u32 s19;
	v12 =	vld [tilespmem:s19+$0x2C50]  }
0xdc: {  	v15 =	vld [tilespmem:s17+$0x2820]  }
0xdd: {  	v16 =	vld [tilespmem:s17+$0x2C20]  }
0xde: {  	v17 =	vld [tilespmem:s17+$0x2830]  }
0xdf: {  	v18 =	vld [tilespmem:s17+$0x2800];
	v13 =	vmul.f32 v13, v14  }
0xe0: {  	v19 =	vld [tilespmem:s17+$0x2810];
	v12 =	vmul.f32 v12, v14  }
0xe1: {  	v9 =	vmul.f32 v9, v14;
	v8 =	vmul.f32 v8, v14;
	[tilespmem:s17+$0x2C30] =	vst v13;
	v13 =	vld [tilespmem:s17+$0x2C60]  }
0xe2: {  	v11 =	vmul.f32 v11, v14;
	v20 =	vld [tilespmem:s17+$0x2860];
	v16 =	vmul.f32 v16, v14;
	[tilespmem:s17+$0x2C50] =	vst v12  }
0xe3: {  	v10 =	vmul.f32 v10, v14;
	v17 =	vmul.f32 v17, v14;
	[tilespmem:s17+$0x2C40] =	vst v8  }
0xe4: {  	v6 =	vmul.f32 v6, v14;
	v12 =	vmul.f32 v18, v14;
	[tilespmem:s17+$0x2C00] =	vst v11  }
0xe5: {  	v5 =	vmul.f32 v5, v14;
	v18 =	vmul.f32 v19, v14;
	[tilespmem:s17+$0x2850] =	vst v10  }
0xe6: {  	v7 =	vmul.f32 v7, v14;
	[tilespmem:s17+$0x2C10] =	vst v6;
	v13 =	vmul.f32 v13, v14  }
0xe7: {  	s7 =	sand.u32 $0x3800, s7;
	s19 =	sand.u32 $0x380, s18;
	v6 =	vmul.f32 v15, v14;
	[tilespmem:s17+$0x2840] =	vst v9;
	v9 =	vmul.f32 v20, v14  }
0xe8: {  	s19 =	sor.u32 s19, s7;
	[tilespmem:s17+$0x2830] =	vst v17  }
0xe9: {  	v8 =	vld [tilespmem:s19+$0x2C40];
	[tilespmem:s17+$0x2820] =	vst v6  }
0xea: {  	v6 =	vld [tilespmem:s19+$0x2C10];
	[tilespmem:s17+$0x2860] =	vst v9  }
.Ltmp0:
0xeb: {  	v9 =	vld [tilespmem:s19+$0x2840];
	[tilespmem:s17+$0x2870] =	vst v5;
	(pc) =	sbr.rel @p0 .LBB2_3-.Ltmp0, $4  }
0xec: {  	v5 =	vld [tilespmem:s19+$0x2870];
	[tilespmem:s17+$0x2C20] =	vst v16  }
0xed: {  	v11 =	vld [tilespmem:s19+$0x2C00];
	[tilespmem:s17+$0x2C70] =	vst v7  }
0xee: {  	v10 =	vld [tilespmem:s19+$0x2850];
	[tilespmem:s17+$0x2C60] =	vst v13  }
0xef: {  	v7 =	vld [tilespmem:s19+$0x2C70];
	[tilespmem:s17+$0x2810] =	vst v18  }
0xf0: {  	v13 =	vld [tilespmem:s19+$0x2C30];
	[tilespmem:s17+$0x2800] =	vst v12  }
0xf1: {  	v12 =	vld [tilespmem:s6+$0x0]  }
0xf2: {  	v14 =	vld [tilespmem:s19+$0x2C50];
	_ =	sdelay $0x3  }
0xf3: {  	v13 =	vmul.f32 v13, v12  }
0xf4: {  	v14 =	vmul.f32 v14, v12  }
0xf5: {  	v8 =	vmul.f32 v8, v12;
	[tilespmem:s19+$0x2C30] =	vst v13  }
0xf6: {  	v11 =	vmul.f32 v11, v12;
	[tilespmem:s19+$0x2C50] =	vst v14  }
0xf7: {  	v16 =	vld [tilespmem:s19+$0x2830];
	v10 =	vmul.f32 v10, v12;
	[tilespmem:s19+$0x2C40] =	vst v8  }
0xf8: {  	v17 =	vld [tilespmem:s19+$0x2820];
	v6 =	vmul.f32 v6, v12;
	[tilespmem:s19+$0x2C00] =	vst v11  }
0xf9: {  	v15 =	vld [tilespmem:s19+$0x2C20];
	v5 =	vmul.f32 v5, v12;
	[tilespmem:s19+$0x2850] =	vst v10  }
0xfa: {  	v7 =	vmul.f32 v7, v12;
	v14 =	vld [tilespmem:s19+$0x2860];
	[tilespmem:s19+$0x2C10] =	vst v6  }
0xfb: {  	v13 =	vld [tilespmem:s19+$0x2C60];
	v8 =	vmul.f32 v9, v12;
	[tilespmem:s19+$0x2870] =	vst v5  }
0xfc: {  	v10 =	vmul.f32 v16, v12;
	v6 =	vld [tilespmem:s19+$0x2800];
	[tilespmem:s19+$0x2C70] =	vst v7  }
0xfd: {  	v9 =	vld [tilespmem:s19+$0x2810];
	v11 =	vmul.f32 v17, v12;
	[tilespmem:s19+$0x2840] =	vst v8  }
0xfe: {  	[tilespmem:s19+$0x2830] =	vst v10;
	v10 =	vmul.f32 v15, v12  }
0xff: {  	[tilespmem:s19+$0x2820] =	vst v11;
	v8 =	vmul.f32 v14, v12  }
0x100: {  	[tilespmem:s19+$0x2C20] =	vst v10;
	v5 =	vmul.f32 v13, v12  }
0x101: {  	s0 =	sshll.u32 s14, $0xF;
	v6 =	vmul.f32 v6, v12;
	[tilespmem:s19+$0x2860] =	vst v8  }
0x102: {  	s0 =	sadd.s32 s4, s0;
	v8 =	vmul.f32 v9, v12;
	[tilespmem:s19+$0x2C60] =	vst v5  }
0x103: {  	s0 =	sshrl.u32 s0, $0x3;
	[tilespmem:s19+$0x2800] =	vst v6  }
0x104: {  	s0 =	sadd.s32 s5, s0;
	[tilespmem:s19+$0x2810] =	vst v8  }
0x105: {  	[hbm4b:s0+s3] =	stream.linear.scatter [tilespmem:s13], [sflag:$0x3], $0x4000, $0x38;
	[tilespmem:$0xD800] =	vst v63  }
0x106: {  	_ =	swait.ge [sflag:s11], $0x4000  }
0x107: {  	p0 =	seq.s32 s14, $0x26;
	[sflag:s11] =	ssyncset.done $0x0  }
0x108: {  	s0 =	sshrl.u32 @!p0 s16, $0x2;
	[sflag:s11] =	ssyncadd.s32 $0xFFFFC000  }
0x109: {  	v5 =	vld @!p0 [tilespmem:s0+$0x80];
	_ =	sdelay $0x4  }
0x10a: {  	v6 =	vshll.u32 @!p0 v5, $0x1  }
0x10b: {  	v7 =	vlaneseq.u32 @!p0;
	v5 =	vand.u32 @!p0 $0x7, v5;
	v6 =	vand.u32 @!p0 $0xFFFFFFF0, v6  }
0x10c: {  	v8 =	vshrl.u32 @!p0 v7, $0x3;
	v5 =	vor.u32 @!p0 v5, v6;
	v6 =	vand.u32 @!p0 $0x7, v7  }
0x10d: {  	v8 =	vmul.u32 @!p0 $0x8, v8;
	v9 =	vperm.xlane @!p0 v5, v6  }
0x10e: {  	v7 =	vor.u32 @!p0 $0x8, v7  }
0x10f: {  	v5 =	vperm.xlane @!p0 v5, v7;
	v9 =	vadd.s32 @!p0 v8, v9;
	_ =	sdelay $0x1  }
0x110: {  	v5 =	vadd.s32 @!p0 v8, v5;
	_ =	sdelay $0x1  }
0x111: {  	vm1 =	vmmov @!p0 $0xffff;
	s6 =	simm.s32 @!p0 $0x0;
	s7 =	simm.s32 @!p0 $0x2800  }
0x112: {  	[tilespmem:s7], [sflag:$0x1] =	stream.indirect_vreg.gather @!p0 [hbm4b:s1+s6], $0x80, v9, vm1, $0xb8;
	[tilespmem:$0xD800] =	vst v63  }
0x113: {  	s7 =	simm.s32 @!p0 $0x3000  }
0x114: {  	[tilespmem:s7], [sflag:$0x1] =	stream.indirect_vreg.gather @!p0 [hbm4b:s1+s6], $0x80, v5, vm1, $0xb8;
	[tilespmem:$0xD800] =	vst v63  }
0x115: {  	v5 =	vld @!p0 [tilespmem:s0+$0x90];
	_ =	sdelay $0x4  }
0x116: {  	v9 =	vshll.u32 @!p0 v5, $0x1  }
0x117: {  	v5 =	vand.u32 @!p0 $0x7, v5;
	v9 =	vand.u32 @!p0 $0xFFFFFFF0, v9  }
0x118: {  	v5 =	vor.u32 @!p0 v5, v9  }
0x119: {  	v9 =	vperm.xlane @!p0 v5, v6;
	_ =	sdelay $0x1  }
0x11a: {  	v5 =	vperm.xlane @!p0 v5, v7;
	v9 =	vadd.s32 @!p0 v8, v9;
	_ =	sdelay $0x1  }
0x11b: {  	v5 =	vadd.s32 @!p0 v8, v5;
	_ =	sdelay $0x1  }
0x11c: {  	s7 =	simm.s32 @!p0 $0x3800  }
0x11d: {  	[tilespmem:s7], [sflag:$0x1] =	stream.indirect_vreg.gather @!p0 [hbm4b:s1+s6], $0x80, v9, vm1, $0xb8;
	[tilespmem:$0xD800] =	vst v63  }
0x11e: {  	s7 =	simm.s32 @!p0 $0x4000  }
0x11f: {  	[tilespmem:s7], [sflag:$0x1] =	stream.indirect_vreg.gather @!p0 [hbm4b:s1+s6], $0x80, v5, vm1, $0xb8;
	[tilespmem:$0xD800] =	vst v63  }
0x120: {  	v5 =	vld @!p0 [tilespmem:s0+$0xA0];
	_ =	sdelay $0x4  }
0x121: {  	v9 =	vshll.u32 @!p0 v5, $0x1  }
0x122: {  	v5 =	vand.u32 @!p0 $0x7, v5;
	v9 =	vand.u32 @!p0 $0xFFFFFFF0, v9  }
0x123: {  	v5 =	vor.u32 @!p0 v5, v9  }
0x124: {  	v9 =	vperm.xlane @!p0 v5, v6;
	_ =	sdelay $0x1  }
0x125: {  	v5 =	vperm.xlane @!p0 v5, v7;
	v9 =	vadd.s32 @!p0 v8, v9;
	_ =	sdelay $0x1  }
0x126: {  	v5 =	vadd.s32 @!p0 v8, v5;
	_ =	sdelay $0x1  }
0x127: {  	s7 =	simm.s32 @!p0 $0x4800  }
0x128: {  	[tilespmem:s7], [sflag:$0x1] =	stream.indirect_vreg.gather @!p0 [hbm4b:s1+s6], $0x80, v9, vm1, $0xb8;
	[tilespmem:$0xD800] =	vst v63  }
0x129: {  	s7 =	simm.s32 @!p0 $0x5000  }
0x12a: {  	[tilespmem:s7], [sflag:$0x1] =	stream.indirect_vreg.gather @!p0 [hbm4b:s1+s6], $0x80, v5, vm1, $0xb8;
	[tilespmem:$0xD800] =	vst v63  }
0x12b: {  	v5 =	vld @!p0 [tilespmem:s0+$0xB0];
	_ =	sdelay $0x4  }
0x12c: {  	v9 =	vshll.u32 @!p0 v5, $0x1  }
0x12d: {  	v5 =	vand.u32 @!p0 $0x7, v5;
	v9 =	vand.u32 @!p0 $0xFFFFFFF0, v9  }
0x12e: {  	v5 =	vor.u32 @!p0 v5, v9  }
0x12f: {  	v6 =	vperm.xlane @!p0 v5, v6;
	_ =	sdelay $0x1  }
0x130: {  	v5 =	vperm.xlane @!p0 v5, v7;
	v6 =	vadd.s32 @!p0 v8, v6;
	_ =	sdelay $0x1  }
0x131: {  	v5 =	vadd.s32 @!p0 v8, v5;
	_ =	sdelay $0x1  }
0x132: {  	s0 =	simm.s32 @!p0 $0x5800  }
0x133: {  	[tilespmem:s0], [sflag:$0x1] =	stream.indirect_vreg.gather @!p0 [hbm4b:s1+s6], $0x80, v6, vm1, $0xb8;
	[tilespmem:$0xD800] =	vst v63  }
0x134: {  	s0 =	simm.s32 @!p0 $0x6000  }
0x135: {  	[tilespmem:s0], [sflag:$0x1] =	stream.indirect_vreg.gather @!p0 [hbm4b:s1+s6], $0x80, v5, vm1, $0xb8;
	[tilespmem:$0xD800] =	vst v63  }
0x136: {  	_ =	swait.ge [sflag:s31], $0x4000  }
0x137: {  	[sflag:s31] =	ssyncset.done $0x0  }
0x138: {  	[sflag:s31] =	ssyncadd.s32 $0xFFFFC000  }
0x139: {  	v5 =	vld [tilespmem:s15+$0x1440];
	_ =	sdelay $0x4  }
0x13a: {  	v5 =	vadd.f32 $0.0e+00, v5;
	_ =	sdelay $0x1  }
0x13b: {  	v6 =	vbroadcast v5, $0x0  }
0x13c: {  	v7 =	vbroadcast v5, $0x1  }
0x13d: {  	[tilespmem:$0xB800] =	vst v6;
	v6 =	vbroadcast v5, $0x2  }
0x13e: {  	[tilespmem:$0xB880] =	vst v7;
	v7 =	vbroadcast v5, $0x3  }
0x13f: {  	[tilespmem:$0xB900] =	vst v6;
	v6 =	vbroadcast v5, $0x4  }
0x140: {  	[tilespmem:$0xB980] =	vst v7;
	v7 =	vbroadcast v5, $0x5  }
0x141: {  	[tilespmem:$0xBA00] =	vst v6;
	v6 =	vbroadcast v5, $0x6  }
0x142: {  	[tilespmem:$0xBA80] =	vst v7;
	v7 =	vbroadcast v5, $0x7  }
0x143: {  	[tilespmem:$0xBB00] =	vst v6;
	v6 =	vbroadcast v5, $0x8  }
0x144: {  	[tilespmem:$0xBB80] =	vst v7;
	v7 =	vbroadcast v5, $0x9  }
0x145: {  	[tilespmem:$0xBC00] =	vst v6;
	v6 =	vbroadcast v5, $0xA  }
0x146: {  	[tilespmem:$0xBC80] =	vst v7;
	v7 =	vbroadcast v5, $0xB  }
0x147: {  	[tilespmem:$0xBD00] =	vst v6;
	v6 =	vbroadcast v5, $0xC  }
0x148: {  	[tilespmem:$0xBD80] =	vst v7;
	v7 =	vbroadcast v5, $0xD  }
0x149: {  	[tilespmem:$0xBE00] =	vst v6;
	v6 =	vbroadcast v5, $0xE  }
0x14a: {  	[tilespmem:$0xBE80] =	vst v7;
	v5 =	vbroadcast v5, $0xF  }
0x14b: {  	[tilespmem:$0xBF00] =	vst v6  }
0x14c: {  	[tilespmem:$0xBF80] =	vst v5  }
0x14d: {  	v5 =	vld [tilespmem:s15+$0x1450];
	_ =	sdelay $0x4  }
0x14e: {  	v5 =	vadd.f32 $0.0e+00, v5;
	_ =	sdelay $0x1  }
0x14f: {  	v6 =	vbroadcast v5, $0x0  }
0x150: {  	v7 =	vbroadcast v5, $0x1  }
0x151: {  	[tilespmem:$0xC000] =	vst v6;
	v6 =	vbroadcast v5, $0x2  }
0x152: {  	[tilespmem:$0xC080] =	vst v7;
	v7 =	vbroadcast v5, $0x3  }
0x153: {  	[tilespmem:$0xC100] =	vst v6;
	v6 =	vbroadcast v5, $0x4  }
0x154: {  	[tilespmem:$0xC180] =	vst v7;
	v7 =	vbroadcast v5, $0x5  }
0x155: {  	[tilespmem:$0xC200] =	vst v6;
	v6 =	vbroadcast v5, $0x6  }
0x156: {  	[tilespmem:$0xC280] =	vst v7;
	v7 =	vbroadcast v5, $0x7  }
0x157: {  	[tilespmem:$0xC300] =	vst v6;
	v6 =	vbroadcast v5, $0x8  }
0x158: {  	[tilespmem:$0xC380] =	vst v7;
	v7 =	vbroadcast v5, $0x9  }
0x159: {  	[tilespmem:$0xC400] =	vst v6;
	v6 =	vbroadcast v5, $0xA  }
0x15a: {  	[tilespmem:$0xC480] =	vst v7;
	v7 =	vbroadcast v5, $0xB  }
0x15b: {  	[tilespmem:$0xC500] =	vst v6;
	v6 =	vbroadcast v5, $0xC  }
0x15c: {  	[tilespmem:$0xC580] =	vst v7;
	v7 =	vbroadcast v5, $0xD  }
0x15d: {  	[tilespmem:$0xC600] =	vst v6;
	v6 =	vbroadcast v5, $0xE  }
0x15e: {  	[tilespmem:$0xC680] =	vst v7;
	v5 =	vbroadcast v5, $0xF  }
0x15f: {  	[tilespmem:$0xC700] =	vst v6  }
0x160: {  	[tilespmem:$0xC780] =	vst v5  }
0x161: {  	v5 =	vld [tilespmem:s15+$0x1460];
	_ =	sdelay $0x4  }
0x162: {  	v5 =	vadd.f32 $0.0e+00, v5;
	_ =	sdelay $0x1  }
0x163: {  	v6 =	vbroadcast v5, $0x0  }
0x164: {  	v7 =	vbroadcast v5, $0x1  }
0x165: {  	[tilespmem:$0xC800] =	vst v6;
	v6 =	vbroadcast v5, $0x2  }
0x166: {  	[tilespmem:$0xC880] =	vst v7;
	v7 =	vbroadcast v5, $0x3  }
0x167: {  	[tilespmem:$0xC900] =	vst v6;
	v6 =	vbroadcast v5, $0x4  }
0x168: {  	[tilespmem:$0xC980] =	vst v7;
	v7 =	vbroadcast v5, $0x5  }
0x169: {  	[tilespmem:$0xCA00] =	vst v6;
	v6 =	vbroadcast v5, $0x6  }
0x16a: {  	[tilespmem:$0xCA80] =	vst v7;
	v7 =	vbroadcast v5, $0x7  }
0x16b: {  	[tilespmem:$0xCB00] =	vst v6;
	v6 =	vbroadcast v5, $0x8  }
0x16c: {  	[tilespmem:$0xCB80] =	vst v7;
	v7 =	vbroadcast v5, $0x9  }
0x16d: {  	[tilespmem:$0xCC00] =	vst v6;
	v6 =	vbroadcast v5, $0xA  }
0x16e: {  	[tilespmem:$0xCC80] =	vst v7;
	v7 =	vbroadcast v5, $0xB  }
0x16f: {  	[tilespmem:$0xCD00] =	vst v6;
	v6 =	vbroadcast v5, $0xC  }
0x170: {  	[tilespmem:$0xCD80] =	vst v7;
	v7 =	vbroadcast v5, $0xD  }
0x171: {  	[tilespmem:$0xCE00] =	vst v6;
	v6 =	vbroadcast v5, $0xE  }
0x172: {  	[tilespmem:$0xCE80] =	vst v7;
	v5 =	vbroadcast v5, $0xF  }
0x173: {  	[tilespmem:$0xCF00] =	vst v6  }
0x174: {  	[tilespmem:$0xCF80] =	vst v5  }
0x175: {  	v5 =	vld [tilespmem:s15+$0x1470];
	_ =	sdelay $0x4  }
0x176: {  	v5 =	vadd.f32 $0.0e+00, v5;
	_ =	sdelay $0x1  }
0x177: {  	v6 =	vbroadcast v5, $0x0  }
0x178: {  	v7 =	vbroadcast v5, $0x1  }
0x179: {  	[tilespmem:$0xD000] =	vst v6;
	v6 =	vbroadcast v5, $0x2  }
0x17a: {  	[tilespmem:$0xD080] =	vst v7;
	v7 =	vbroadcast v5, $0x3  }
0x17b: {  	[tilespmem:$0xD100] =	vst v6;
	v6 =	vbroadcast v5, $0x4  }
0x17c: {  	[tilespmem:$0xD180] =	vst v7;
	v7 =	vbroadcast v5, $0x5  }
0x17d: {  	[tilespmem:$0xD200] =	vst v6;
	v6 =	vbroadcast v5, $0x6  }
0x17e: {  	[tilespmem:$0xD280] =	vst v7;
	v7 =	vbroadcast v5, $0x7  }
0x17f: {  	[tilespmem:$0xD300] =	vst v6;
	v6 =	vbroadcast v5, $0x8  }
0x180: {  	[tilespmem:$0xD380] =	vst v7;
	v7 =	vbroadcast v5, $0x9  }
0x181: {  	[tilespmem:$0xD400] =	vst v6;
	v6 =	vbroadcast v5, $0xA  }
0x182: {  	[tilespmem:$0xD480] =	vst v7;
	v7 =	vbroadcast v5, $0xB  }
0x183: {  	[tilespmem:$0xD500] =	vst v6;
	v6 =	vbroadcast v5, $0xC  }
0x184: {  	[tilespmem:$0xD580] =	vst v7;
	v7 =	vbroadcast v5, $0xD  }
0x185: {  	[tilespmem:$0xD600] =	vst v6;
	v6 =	vbroadcast v5, $0xE  }
0x186: {  	s16 =	simm.s32 $0x0;
	[tilespmem:$0xD680] =	vst v7;
	v5 =	vbroadcast v5, $0xF  }
0x187: {  	s17 =	sand.u32 $0x3800, s16;
	s0 =	sand.u32 $0x380, s16;
	[tilespmem:$0xD700] =	vst v6  }
0x188: {  	s16 =	sor.u32 s0, s17;
	[tilespmem:$0xD780] =	vst v5  }
0x189: {  	s18 =	simm.s32 $0xB800;
	v7 =	vld [tilespmem:s16+$0x6C30]  }
0x18a: {  	v12 =	vld [tilespmem:s18+$0x0]  }
0x18b: {  	v9 =	vld [tilespmem:s16+$0x6C50]  }
0x18c: {  	v5 =	vld [tilespmem:s16+$0x6C40]  }
0x18d: {  	v10 =	vld [tilespmem:s16+$0x6C00]  }
0x18e: {  	v11 =	vld [tilespmem:s16+$0x6850]  }
0x18f: {  	v6 =	vld [tilespmem:s16+$0x6C10];
	v7 =	vmul.f32 v7, v12  }
0x190: {  	v8 =	vld [tilespmem:s16+$0x6840];
	v9 =	vmul.f32 v9, v12  }
0x191: {  	v13 =	vld [tilespmem:s16+$0x6C70];
	v5 =	vmul.f32 v5, v12;
	[tilespmem:s16+$0x6C30] =	vst v7  }
0x192: {  	v15 =	vld [tilespmem:s16+$0x6830];
	v10 =	vmul.f32 v10, v12;
	[tilespmem:s16+$0x6C50] =	vst v9  }
0x193: {  	v63 =	vld [tilespmem:s16+$0x6820];
	v11 =	vmul.f32 v11, v12;
	[tilespmem:s16+$0x6C40] =	vst v5  }
0x194: {  	v14 =	vld [tilespmem:s16+$0x6C20];
	v6 =	vmul.f32 v6, v12;
	[tilespmem:s16+$0x6C00] =	vst v10  }
0x195: {  	s19 =	simm.s32 $0x100;
	s17 =	simm.s32 $0x80;
	v8 =	vmul.f32 v8, v12;
	v9 =	vld [tilespmem:s16+$0x6860];
	[tilespmem:s16+$0x6850] =	vst v11  }
0x196: {  	s0 =	sand.u32 $0x3800, s19;
	s20 =	sand.u32 $0x380, s17;
	v13 =	vmul.f32 v13, v12;
	v7 =	vld [tilespmem:s16+$0x6C60];
	[tilespmem:s16+$0x6C10] =	vst v6  }
0x197: {  	s18 =	sor.u32 s20, s0;
	v5 =	vld [tilespmem:s16+$0x6870];
	v11 =	vmul.f32 v15, v12;
	[tilespmem:s16+$0x6840] =	vst v8  }
0x198: {  	v6 =	vmul.f32 v63, v12;
	v8 =	vld [tilespmem:s18+$0x6C40];
	[tilespmem:s16+$0x6C70] =	vst v13  }
0x199: {  	v10 =	vld [tilespmem:s16+$0x6810];
	[tilespmem:s16+$0x6830] =	vst v11;
	v11 =	vmul.f32 v14, v12  }
0x19a: {  	v15 =	vld [tilespmem:s16+$0x6800];
	[tilespmem:s16+$0x6820] =	vst v6;
	v9 =	vmul.f32 v9, v12  }
0x19b: {  	v6 =	vld [tilespmem:s18+$0x6C10];
	[tilespmem:s16+$0x6C20] =	vst v11;
	v7 =	vmul.f32 v7, v12  }
0x19c: {  	v5 =	vmul.f32 v5, v12;
	v11 =	vld [tilespmem:s18+$0x6C00];
	[tilespmem:s16+$0x6860] =	vst v9  }
0x19d: {  	[tilespmem:s16+$0x6C60] =	vst v7;
	v9 =	vld [tilespmem:s18+$0x6840]  }
0x19e: {  	v14 =	vmul.f32 v10, v12;
	[tilespmem:s16+$0x6870] =	vst v5;
	v7 =	vld [tilespmem:s18+$0x6C70]  }
0x19f: {  	v12 =	vmul.f32 v15, v12;
	v5 =	vld [tilespmem:s18+$0x6870]  }
0x1a0: {  	s6 =	simm.s32 $0xB880;
	s19 =	simm.s32 $0xB880;
	s0 =	simm.s32 $0x200;
	[tilespmem:s16+$0x6810] =	vst v14;
	v10 =	vld [tilespmem:s18+$0x6850]  }
.LBB2_5:
0x1a1: {  	p1 =	sne.s32 s0, $0x3F00;
	v13 =	vld [tilespmem:s18+$0x6C30];
	s17 =	sadd.s32 $0x80, s17;
	s19 =	sadd.s32 $0x80, s19;
	[tilespmem:s16+$0x6800] =	vst v12  }
0x1a2: {  	s7 =	smov.u32 s0;
	s0 =	sadd.s32 $0x100, s0;
	v14 =	vld [tilespmem:s6+$0x0];
	s6 =	smov.u32 s19  }
0x1a3: {  	s16 =	smov.u32 s18;
	v12 =	vld [tilespmem:s18+$0x6C50]  }
0x1a4: {  	v15 =	vld [tilespmem:s16+$0x6820]  }
0x1a5: {  	v16 =	vld [tilespmem:s16+$0x6C20]  }
0x1a6: {  	v17 =	vld [tilespmem:s16+$0x6830]  }
0x1a7: {  	v18 =	vld [tilespmem:s16+$0x6800];
	v13 =	vmul.f32 v13, v14  }
0x1a8: {  	v19 =	vld [tilespmem:s16+$0x6810];
	v12 =	vmul.f32 v12, v14  }
0x1a9: {  	v9 =	vmul.f32 v9, v14;
	v8 =	vmul.f32 v8, v14;
	[tilespmem:s16+$0x6C30] =	vst v13;
	v13 =	vld [tilespmem:s16+$0x6C60]  }
0x1aa: {  	v11 =	vmul.f32 v11, v14;
	v20 =	vld [tilespmem:s16+$0x6860];
	v16 =	vmul.f32 v16, v14;
	[tilespmem:s16+$0x6C50] =	vst v12  }
0x1ab: {  	v10 =	vmul.f32 v10, v14;
	v17 =	vmul.f32 v17, v14;
	[tilespmem:s16+$0x6C40] =	vst v8  }
0x1ac: {  	v6 =	vmul.f32 v6, v14;
	v12 =	vmul.f32 v18, v14;
	[tilespmem:s16+$0x6C00] =	vst v11  }
0x1ad: {  	v5 =	vmul.f32 v5, v14;
	v18 =	vmul.f32 v19, v14;
	[tilespmem:s16+$0x6850] =	vst v10  }
0x1ae: {  	v7 =	vmul.f32 v7, v14;
	[tilespmem:s16+$0x6C10] =	vst v6;
	v13 =	vmul.f32 v13, v14  }
0x1af: {  	s7 =	sand.u32 $0x3800, s7;
	s18 =	sand.u32 $0x380, s17;
	v6 =	vmul.f32 v15, v14;
	[tilespmem:s16+$0x6840] =	vst v9;
	v9 =	vmul.f32 v20, v14  }
0x1b0: {  	s18 =	sor.u32 s18, s7;
	[tilespmem:s16+$0x6830] =	vst v17  }
0x1b1: {  	v8 =	vld [tilespmem:s18+$0x6C40];
	[tilespmem:s16+$0x6820] =	vst v6  }
0x1b2: {  	v6 =	vld [tilespmem:s18+$0x6C10];
	[tilespmem:s16+$0x6860] =	vst v9  }
.Ltmp1:
0x1b3: {  	v9 =	vld [tilespmem:s18+$0x6840];
	[tilespmem:s16+$0x6870] =	vst v5;
	(pc) =	sbr.rel @p1 .LBB2_5-.Ltmp1, $4  }
0x1b4: {  	v5 =	vld [tilespmem:s18+$0x6870];
	[tilespmem:s16+$0x6C20] =	vst v16  }
0x1b5: {  	v11 =	vld [tilespmem:s18+$0x6C00];
	[tilespmem:s16+$0x6C70] =	vst v7  }
0x1b6: {  	v10 =	vld [tilespmem:s18+$0x6850];
	[tilespmem:s16+$0x6C60] =	vst v13  }
0x1b7: {  	v7 =	vld [tilespmem:s18+$0x6C70];
	[tilespmem:s16+$0x6810] =	vst v18  }
0x1b8: {  	v13 =	vld [tilespmem:s18+$0x6C30];
	[tilespmem:s16+$0x6800] =	vst v12  }
0x1b9: {  	v12 =	vld [tilespmem:s6+$0x0]  }
0x1ba: {  	v14 =	vld [tilespmem:s18+$0x6C50];
	_ =	sdelay $0x3  }
0x1bb: {  	v13 =	vmul.f32 v13, v12  }
0x1bc: {  	v14 =	vmul.f32 v14, v12  }
0x1bd: {  	v16 =	vld [tilespmem:s18+$0x6830];
	v8 =	vmul.f32 v8, v12;
	[tilespmem:s18+$0x6C30] =	vst v13  }
0x1be: {  	v17 =	vld [tilespmem:s18+$0x6820];
	v11 =	vmul.f32 v11, v12;
	[tilespmem:s18+$0x6C50] =	vst v14  }
0x1bf: {  	v56 =	vld [tilespmem:s18+$0x6860];
	v10 =	vmul.f32 v10, v12;
	[tilespmem:s18+$0x6C40] =	vst v8  }
0x1c0: {  	v6 =	vmul.f32 v6, v12;
	[tilespmem:s18+$0x6C00] =	vst v11  }
0x1c1: {  	v15 =	vld [tilespmem:s18+$0x6C20];
	v57 =	vmul.f32 v9, v12;
	[tilespmem:s18+$0x6850] =	vst v10  }
0x1c2: {  	v59 =	vmul.f32 v16, v12;
	[tilespmem:s18+$0x6C10] =	vst v6  }
0x1c3: {  	v58 =	vld [tilespmem:s18+$0x6810];
	v60 =	vmul.f32 v17, v12;
	[tilespmem:s18+$0x6840] =	vst v57  }
0x1c4: {  	v55 =	vld [tilespmem:s18+$0x6C60];
	v61 =	vmul.f32 v56, v12;
	[tilespmem:s18+$0x6830] =	vst v59  }
0x1c5: {  	v5 =	vmul.f32 v5, v12;
	v6 =	vld [tilespmem:s18+$0x6800];
	[tilespmem:s18+$0x6820] =	vst v60  }
0x1c6: {  	v62 =	vmul.f32 v15, v12;
	[tilespmem:s18+$0x6860] =	vst v61  }
0x1c7: {  	v7 =	vmul.f32 v7, v12;
	[tilespmem:s18+$0x6870] =	vst v5  }
0x1c8: {  	v63 =	vmul.f32 v58, v12;
	[tilespmem:s18+$0x6C20] =	vst v62  }
0x1c9: {  	v5 =	vmul.f32 v55, v12;
	[tilespmem:s18+$0x6C70] =	vst v7  }
0x1ca: {  	[tilespmem:s18+$0x6810] =	vst v63;
	v6 =	vmul.f32 v6, v12  }
0x1cb: {  	s0 =	sshll.u32 s14, $0xC;
	[tilespmem:s18+$0x6C60] =	vst v5  }
.Ltmp2:
0x1cc: {  	s0 =	sadd.s32 s10, s0;
	[tilespmem:s18+$0x6800] =	vst v6;
	(pc) =	sbr.rel @p0 .LBB2_8-.Ltmp2, $4  }
0x1cd: {  	[hbm4b:s0+s3] =	stream.linear.scatter [tilespmem:s21], [sflag:$0x3], $0x4000, $0x38;
	[tilespmem:$0xD800] =	vst v63  }
0x1ce: {  	_ =	swait.ge [sflag:s11], $0x4000  }
0x1cf: {  	[sflag:s11] =	ssyncset.done $0x0  }
0x1d0: {  	[sflag:s11] =	ssyncadd.s32 $0xFFFFC000  }
0x1d1: {  	v5 =	vld [tilespmem:s15+$0xC0];
	_ =	sdelay $0x4  }
0x1d2: {  	v6 =	vshll.u32 v5, $0x1  }
0x1d3: {  	v5 =	vand.u32 $0x7, v5;
	v6 =	vand.u32 $0xFFFFFFF0, v6  }
0x1d4: {  	v5 =	vor.u32 v5, v6  }
0x1d5: {  	v6 =	vperm.xlane v5, v2;
	_ =	sdelay $0x1  }
0x1d6: {  	v5 =	vperm.xlane v5, v4;
	v6 =	vadd.s32 v3, v6;
	_ =	sdelay $0x1  }
0x1d7: {  	v5 =	vadd.s32 v3, v5;
	_ =	sdelay $0x2  }
0x1d8: {  	[tilespmem:s21], [sflag:$0x2] =	stream.indirect_vreg.gather [hbm4b:s1+s3], $0x80, v6, vm0, $0xb8;
	[tilespmem:$0xD800] =	vst v63  }
0x1d9: {  	_ = 	snop  }
0x1da: {  	[tilespmem:s22], [sflag:$0x2] =	stream.indirect_vreg.gather [hbm4b:s1+s3], $0x80, v5, vm0, $0xb8;
	[tilespmem:$0xD800] =	vst v63  }
0x1db: {  	v5 =	vld [tilespmem:s15+$0xD0];
	_ =	sdelay $0x4  }
0x1dc: {  	v6 =	vshll.u32 v5, $0x1  }
0x1dd: {  	v5 =	vand.u32 $0x7, v5;
	v6 =	vand.u32 $0xFFFFFFF0, v6  }
0x1de: {  	v5 =	vor.u32 v5, v6  }
0x1df: {  	v6 =	vperm.xlane v5, v2;
	_ =	sdelay $0x1  }
0x1e0: {  	v5 =	vperm.xlane v5, v4;
	v6 =	vadd.s32 v3, v6;
	_ =	sdelay $0x1  }
0x1e1: {  	v5 =	vadd.s32 v3, v5;
	_ =	sdelay $0x2  }
0x1e2: {  	[tilespmem:s23], [sflag:$0x2] =	stream.indirect_vreg.gather [hbm4b:s1+s3], $0x80, v6, vm0, $0xb8;
	[tilespmem:$0xD800] =	vst v63  }
0x1e3: {  	_ = 	snop  }
0x1e4: {  	[tilespmem:s24], [sflag:$0x2] =	stream.indirect_vreg.gather [hbm4b:s1+s3], $0x80, v5, vm0, $0xb8;
	[tilespmem:$0xD800] =	vst v63  }
0x1e5: {  	v5 =	vld [tilespmem:s15+$0xE0];
	_ =	sdelay $0x4  }
0x1e6: {  	v6 =	vshll.u32 v5, $0x1  }
0x1e7: {  	v5 =	vand.u32 $0x7, v5;
	v6 =	vand.u32 $0xFFFFFFF0, v6  }
0x1e8: {  	v5 =	vor.u32 v5, v6  }
0x1e9: {  	v6 =	vperm.xlane v5, v2;
	_ =	sdelay $0x1  }
0x1ea: {  	v5 =	vperm.xlane v5, v4;
	v6 =	vadd.s32 v3, v6;
	_ =	sdelay $0x1  }
0x1eb: {  	v5 =	vadd.s32 v3, v5;
	_ =	sdelay $0x2  }
0x1ec: {  	[tilespmem:s25], [sflag:$0x2] =	stream.indirect_vreg.gather [hbm4b:s1+s3], $0x80, v6, vm0, $0xb8;
	[tilespmem:$0xD800] =	vst v63  }
0x1ed: {  	_ = 	snop  }
0x1ee: {  	[tilespmem:s26], [sflag:$0x2] =	stream.indirect_vreg.gather [hbm4b:s1+s3], $0x80, v5, vm0, $0xb8;
	[tilespmem:$0xD800] =	vst v63  }
0x1ef: {  	v5 =	vld [tilespmem:s15+$0xF0];
	_ =	sdelay $0x4  }
0x1f0: {  	v6 =	vshll.u32 v5, $0x1  }
0x1f1: {  	v5 =	vand.u32 $0x7, v5;
	v6 =	vand.u32 $0xFFFFFFF0, v6  }
0x1f2: {  	v5 =	vor.u32 v5, v6  }
0x1f3: {  	v6 =	vperm.xlane v5, v2;
	_ =	sdelay $0x1  }
0x1f4: {  	v5 =	vperm.xlane v5, v4;
	v6 =	vadd.s32 v3, v6;
	_ =	sdelay $0x1  }
0x1f5: {  	v5 =	vadd.s32 v3, v5  }
.Ltmp3:
0x1f6: {  	_ = 	snop;
	(pc) =	sbr.rel .LBB2_2-.Ltmp3, $4  }
0x1f7: {  	_ = 	snop  }
0x1f8: {  	[tilespmem:s28], [sflag:$0x2] =	stream.indirect_vreg.gather [hbm4b:s1+s3], $0x80, v6, vm0, $0xb8;
	[tilespmem:$0xD800] =	vst v63  }
0x1f9: {  	s14 =	sadd.s32 $0x1, s14  }
0x1fa: {  	[tilespmem:s29], [sflag:$0x2] =	stream.indirect_vreg.gather [hbm4b:s1+s3], $0x80, v5, vm0, $0xb8;
	[tilespmem:$0xD800] =	vst v63  }
.LBB2_8:
0x1fb: {  	v5 =	vld [tilespmem:$0x1380];
	_ =	sdelay $0x4  }
0x1fc: {  	v6 =	vshll.u32 v5, $0x1  }
0x1fd: {  	v5 =	vand.u32 $0x7, v5;
	v6 =	vand.u32 $0xFFFFFFF0, v6  }
0x1fe: {  	v5 =	vor.u32 v5, v6  }
0x1ff: {  	v6 =	vperm.xlane v5, v2;
	_ =	sdelay $0x1  }
0x200: {  	v5 =	vperm.xlane v5, v4;
	v6 =	vadd.s32 v3, v6;
	_ =	sdelay $0x1  }
0x201: {  	v5 =	vadd.s32 v3, v5;
	_ =	sdelay $0x1  }
0x202: {  	s0 =	simm.s32 $0x0  }
0x203: {  	[tilespmem:s2], [sflag:$0x1] =	stream.indirect_vreg.gather [hbm4b:s1+s0], $0x80, v6, vm0, $0xb8;
	[tilespmem:$0xD800] =	vst v63  }
0x204: {  	s6 =	simm.s32 $0xB000  }
0x205: {  	[tilespmem:s6], [sflag:$0x1] =	stream.indirect_vreg.gather [hbm4b:s1+s0], $0x80, v5, vm0, $0xb8;
	[tilespmem:$0xD800] =	vst v63  }
0x206: {  	_ =	swait.ge [sflag:s30], $0x1000  }
0x207: {  	[sflag:s30] =	ssyncset.done $0x0  }
0x208: {  	[sflag:s30] =	ssyncadd.s32 $0xFFFFF000  }
0x209: {  	v5 =	vld [tilespmem:$0x2780];
	_ =	sdelay $0x4  }
0x20a: {  	v5 =	vadd.f32 $0.0e+00, v5;
	_ =	sdelay $0x1  }
0x20b: {  	v6 =	vbroadcast v5, $0x0  }
0x20c: {  	v7 =	vbroadcast v5, $0x1  }
0x20d: {  	[tilespmem:$0xB800] =	vst v6;
	v6 =	vbroadcast v5, $0x2  }
0x20e: {  	[tilespmem:$0xB880] =	vst v7;
	v7 =	vbroadcast v5, $0x3  }
0x20f: {  	[tilespmem:$0xB900] =	vst v6;
	v6 =	vbroadcast v5, $0x4  }
0x210: {  	[tilespmem:$0xB980] =	vst v7;
	v7 =	vbroadcast v5, $0x5  }
0x211: {  	[tilespmem:$0xBA00] =	vst v6;
	v6 =	vbroadcast v5, $0x6  }
0x212: {  	[tilespmem:$0xBA80] =	vst v7;
	v7 =	vbroadcast v5, $0x7  }
0x213: {  	[tilespmem:$0xBB00] =	vst v6;
	v6 =	vbroadcast v5, $0x8  }
0x214: {  	[tilespmem:$0xBB80] =	vst v7;
	v7 =	vbroadcast v5, $0x9  }
0x215: {  	[tilespmem:$0xBC00] =	vst v6;
	v6 =	vbroadcast v5, $0xA  }
0x216: {  	[tilespmem:$0xBC80] =	vst v7;
	v7 =	vbroadcast v5, $0xB  }
0x217: {  	[tilespmem:$0xBD00] =	vst v6;
	v6 =	vbroadcast v5, $0xC  }
0x218: {  	[tilespmem:$0xBD80] =	vst v7;
	v7 =	vbroadcast v5, $0xD  }
0x219: {  	[tilespmem:$0xBE00] =	vst v6;
	v6 =	vbroadcast v5, $0xE  }
0x21a: {  	[tilespmem:$0xBE80] =	vst v7;
	v5 =	vbroadcast v5, $0xF  }
0x21b: {  	s17 =	sand.u32 $0x800, s0;
	s0 =	sand.u32 $0x380, s0;
	[tilespmem:$0xBF00] =	vst v6  }
0x21c: {  	s14 =	sor.u32 s0, s17;
	[tilespmem:$0xBF80] =	vst v5  }
0x21d: {  	s18 =	simm.s32 $0xB800;
	v7 =	vld [tilespmem:s14+$0xAC30]  }
0x21e: {  	v12 =	vld [tilespmem:s18+$0x0]  }
0x21f: {  	v9 =	vld [tilespmem:s14+$0xAC50]  }
0x220: {  	v5 =	vld [tilespmem:s14+$0xAC40]  }
0x221: {  	v10 =	vld [tilespmem:s14+$0xAC00]  }
0x222: {  	v11 =	vld [tilespmem:s14+$0xA850]  }
0x223: {  	v6 =	vld [tilespmem:s14+$0xAC10];
	v7 =	vmul.f32 v7, v12  }
0x224: {  	v8 =	vld [tilespmem:s14+$0xA840];
	v9 =	vmul.f32 v9, v12  }
0x225: {  	v13 =	vld [tilespmem:s14+$0xAC70];
	v5 =	vmul.f32 v5, v12;
	[tilespmem:s14+$0xAC30] =	vst v7  }
0x226: {  	v15 =	vld [tilespmem:s14+$0xA830];
	v10 =	vmul.f32 v10, v12;
	[tilespmem:s14+$0xAC50] =	vst v9  }
0x227: {  	v16 =	vld [tilespmem:s14+$0xA820];
	v11 =	vmul.f32 v11, v12;
	[tilespmem:s14+$0xAC40] =	vst v5  }
0x228: {  	v14 =	vld [tilespmem:s14+$0xAC20];
	v6 =	vmul.f32 v6, v12;
	[tilespmem:s14+$0xAC00] =	vst v10  }
0x229: {  	s19 =	simm.s32 $0x100;
	s15 =	simm.s32 $0x80;
	v8 =	vmul.f32 v8, v12;
	v9 =	vld [tilespmem:s14+$0xA860];
	[tilespmem:s14+$0xA850] =	vst v11  }
0x22a: {  	s20 =	sand.u32 $0x380, s15;
	s0 =	sand.u32 $0x800, s19;
	v13 =	vmul.f32 v13, v12;
	v7 =	vld [tilespmem:s14+$0xAC60];
	[tilespmem:s14+$0xAC10] =	vst v6  }
0x22b: {  	s16 =	sor.u32 s20, s0;
	v5 =	vld [tilespmem:s14+$0xA870];
	v11 =	vmul.f32 v15, v12;
	[tilespmem:s14+$0xA840] =	vst v8  }
0x22c: {  	v6 =	vmul.f32 v16, v12;
	v8 =	vld [tilespmem:s16+$0xAC40];
	[tilespmem:s14+$0xAC70] =	vst v13  }
0x22d: {  	v10 =	vld [tilespmem:s14+$0xA810];
	[tilespmem:s14+$0xA830] =	vst v11;
	v11 =	vmul.f32 v14, v12  }
0x22e: {  	v15 =	vld [tilespmem:s14+$0xA800];
	[tilespmem:s14+$0xA820] =	vst v6;
	v9 =	vmul.f32 v9, v12  }
0x22f: {  	v6 =	vld [tilespmem:s16+$0xAC10];
	[tilespmem:s14+$0xAC20] =	vst v11;
	v7 =	vmul.f32 v7, v12  }
0x230: {  	v5 =	vmul.f32 v5, v12;
	v11 =	vld [tilespmem:s16+$0xAC00];
	[tilespmem:s14+$0xA860] =	vst v9  }
0x231: {  	[tilespmem:s14+$0xAC60] =	vst v7;
	v9 =	vld [tilespmem:s16+$0xA840]  }
0x232: {  	v14 =	vmul.f32 v10, v12;
	[tilespmem:s14+$0xA870] =	vst v5;
	v7 =	vld [tilespmem:s16+$0xAC70]  }
0x233: {  	v12 =	vmul.f32 v15, v12;
	v5 =	vld [tilespmem:s16+$0xA870]  }
0x234: {  	s6 =	simm.s32 $0xB880;
	s17 =	simm.s32 $0xB880;
	s0 =	simm.s32 $0x200;
	[tilespmem:s14+$0xA810] =	vst v14;
	v10 =	vld [tilespmem:s16+$0xA850]  }
.LBB2_9:
0x235: {  	p0 =	sne.s32 s0, $0xF00;
	v13 =	vld [tilespmem:s16+$0xAC30];
	s15 =	sadd.s32 $0x80, s15;
	s17 =	sadd.s32 $0x80, s17;
	[tilespmem:s14+$0xA800] =	vst v12  }
0x236: {  	s7 =	smov.u32 s0;
	s0 =	sadd.s32 $0x100, s0;
	v14 =	vld [tilespmem:s6+$0x0];
	s6 =	smov.u32 s17  }
0x237: {  	s14 =	smov.u32 s16;
	v12 =	vld [tilespmem:s16+$0xAC50]  }
0x238: {  	v15 =	vld [tilespmem:s14+$0xA820]  }
0x239: {  	v16 =	vld [tilespmem:s14+$0xAC20]  }
0x23a: {  	v17 =	vld [tilespmem:s14+$0xA830]  }
0x23b: {  	v18 =	vld [tilespmem:s14+$0xA800];
	v13 =	vmul.f32 v13, v14  }
0x23c: {  	v19 =	vld [tilespmem:s14+$0xA810];
	v12 =	vmul.f32 v12, v14  }
0x23d: {  	v9 =	vmul.f32 v9, v14;
	v8 =	vmul.f32 v8, v14;
	[tilespmem:s14+$0xAC30] =	vst v13;
	v13 =	vld [tilespmem:s14+$0xAC60]  }
0x23e: {  	v11 =	vmul.f32 v11, v14;
	v20 =	vld [tilespmem:s14+$0xA860];
	v16 =	vmul.f32 v16, v14;
	[tilespmem:s14+$0xAC50] =	vst v12  }
0x23f: {  	v10 =	vmul.f32 v10, v14;
	v17 =	vmul.f32 v17, v14;
	[tilespmem:s14+$0xAC40] =	vst v8  }
0x240: {  	v6 =	vmul.f32 v6, v14;
	v12 =	vmul.f32 v18, v14;
	[tilespmem:s14+$0xAC00] =	vst v11  }
0x241: {  	v5 =	vmul.f32 v5, v14;
	v18 =	vmul.f32 v19, v14;
	[tilespmem:s14+$0xA850] =	vst v10  }
0x242: {  	v7 =	vmul.f32 v7, v14;
	[tilespmem:s14+$0xAC10] =	vst v6;
	v13 =	vmul.f32 v13, v14  }
0x243: {  	s7 =	sand.u32 $0x800, s7;
	s16 =	sand.u32 $0x380, s15;
	v6 =	vmul.f32 v15, v14;
	[tilespmem:s14+$0xA840] =	vst v9;
	v9 =	vmul.f32 v20, v14  }
0x244: {  	s16 =	sor.u32 s16, s7;
	[tilespmem:s14+$0xA830] =	vst v17  }
0x245: {  	v8 =	vld [tilespmem:s16+$0xAC40];
	[tilespmem:s14+$0xA820] =	vst v6  }
0x246: {  	v6 =	vld [tilespmem:s16+$0xAC10];
	[tilespmem:s14+$0xA860] =	vst v9  }
.Ltmp4:
0x247: {  	v9 =	vld [tilespmem:s16+$0xA840];
	[tilespmem:s14+$0xA870] =	vst v5;
	(pc) =	sbr.rel @p0 .LBB2_9-.Ltmp4, $4  }
0x248: {  	v5 =	vld [tilespmem:s16+$0xA870];
	[tilespmem:s14+$0xAC20] =	vst v16  }
0x249: {  	v11 =	vld [tilespmem:s16+$0xAC00];
	[tilespmem:s14+$0xAC70] =	vst v7  }
0x24a: {  	v10 =	vld [tilespmem:s16+$0xA850];
	[tilespmem:s14+$0xAC60] =	vst v13  }
0x24b: {  	v7 =	vld [tilespmem:s16+$0xAC70];
	[tilespmem:s14+$0xA810] =	vst v18  }
0x24c: {  	v13 =	vld [tilespmem:s16+$0xAC30];
	[tilespmem:s14+$0xA800] =	vst v12  }
0x24d: {  	v12 =	vld [tilespmem:s6+$0x0]  }
0x24e: {  	v14 =	vld [tilespmem:s16+$0xAC50];
	_ =	sdelay $0x3  }
0x24f: {  	v13 =	vmul.f32 v13, v12  }
0x250: {  	v14 =	vmul.f32 v14, v12  }
0x251: {  	v16 =	vld [tilespmem:s16+$0xA830];
	v8 =	vmul.f32 v8, v12;
	[tilespmem:s16+$0xAC30] =	vst v13  }
0x252: {  	v17 =	vld [tilespmem:s16+$0xA820];
	v11 =	vmul.f32 v11, v12;
	[tilespmem:s16+$0xAC50] =	vst v14  }
0x253: {  	v56 =	vld [tilespmem:s16+$0xA860];
	v10 =	vmul.f32 v10, v12;
	[tilespmem:s16+$0xAC40] =	vst v8  }
0x254: {  	v6 =	vmul.f32 v6, v12;
	[tilespmem:s16+$0xAC00] =	vst v11  }
0x255: {  	v15 =	vld [tilespmem:s16+$0xAC20];
	v57 =	vmul.f32 v9, v12;
	[tilespmem:s16+$0xA850] =	vst v10  }
0x256: {  	v59 =	vmul.f32 v16, v12;
	[tilespmem:s16+$0xAC10] =	vst v6  }
0x257: {  	v58 =	vld [tilespmem:s16+$0xA810];
	v60 =	vmul.f32 v17, v12;
	[tilespmem:s16+$0xA840] =	vst v57  }
0x258: {  	v55 =	vld [tilespmem:s16+$0xAC60];
	v61 =	vmul.f32 v56, v12;
	[tilespmem:s16+$0xA830] =	vst v59  }
0x259: {  	v5 =	vmul.f32 v5, v12;
	v6 =	vld [tilespmem:s16+$0xA800];
	[tilespmem:s16+$0xA820] =	vst v60  }
0x25a: {  	v62 =	vmul.f32 v15, v12;
	[tilespmem:s16+$0xA860] =	vst v61  }
0x25b: {  	v7 =	vmul.f32 v7, v12;
	[tilespmem:s16+$0xA870] =	vst v5  }
0x25c: {  	v63 =	vmul.f32 v58, v12;
	[tilespmem:s16+$0xAC20] =	vst v62  }
0x25d: {  	v5 =	vmul.f32 v55, v12;
	[tilespmem:s16+$0xAC70] =	vst v7  }
0x25e: {  	s12 =	sadd.s32 $0x1, s12;
	[tilespmem:s16+$0xA810] =	vst v63;
	v6 =	vmul.f32 v6, v12  }
0x25f: {  	p0 =	sne.s32 s12, s9;
	[tilespmem:s16+$0xAC60] =	vst v5  }
.Ltmp5:
0x260: {  	[tilespmem:s16+$0xA800] =	vst v6;
	(pc) =	sbr.rel @p0 .LBB2_1-.Ltmp5, $4  }
0x261: {  	[hbm4b:s8+s3] =	stream.linear.scatter [tilespmem:s2], [sflag:$0x3], $0x800, $0x38;
	[tilespmem:$0xD800] =	vst v63  }
0x262: {  	_ =	swait.ge [sflag:s11], $0x800  }
0x263: {  	[sflag:s11] =	ssyncset.done $0x0  }
0x264: {  	[sflag:s11] =	ssyncadd.s32 $0xFFFFF800  }
0x265: {  	_ =	sfence.sel $0x180000  }
0x266: {  	[bflag:$0x0] =	sbarrier.arrive $0xFFFF  }
0x267: {  	_ =	strace $0x90000047  }
0x268: {  	s0 =	stileid.u32;
	[bflag:$0x2] =	sbarrier.arrive $0xFFFF  }
0x269: {  	p0 =	sne.s32 s0, $0x0;
	s0 =	rddreg [dreg:$0x3]  }
0x26a: {  	s0 =	sadd.s32 @!p0 $0x100000, s0  }
0x26b: {  	[sflag:s0] =	ssyncadd.tile.s32 @!p0 $0x1;
	_ =	shalt  }
.Lfunc_end2:
_tile_overlayer_lowered:
.L_overlay_start_2:
0x26c: {  	(tag) =	ssettag $0x2  }
0x26d: {  	s0 =	rddreg [dreg:$0x0];
	s2 =	stileid.u32  }
0x26e: {  	s1 =	rddreg [dreg:$0x1];
	p0 =	sne.s32 s2, $0x0  }
0x26f: {  	s3 =	rddreg [dreg:$0x2];
	[bflag:$0x3] =	sbarrier.arrive $0xFFFF;
	s2 =	simm.s32 @!p0 $0x1C03  }
0x270: {  	[timem:s3], [sflag:s2] =	dma.local @!p0 [hbm:s0], s1  }
0x271: {  	s0 =	simm.s32 @!p0 $0x3  }
0x272: {  	_ =	swait.ge @!p0 [sflag:s0], s1  }
0x273: {  	s1 =	ssub.s32 @!p0 $0x0, s1;
	[sflag:s0] =	ssyncset.done @!p0 $0x0  }
0x274: {  	[sflag:s0] =	ssyncadd.s32 @!p0 s1  }
0x275: {  	[bflag:$0x3] =	sbarrier.arrive $0xFFFF  }
0x276: {  	_ =	shalt  }

</sc_bundles>
